<compile_context>
chip_gen: v7x
topology: tpu7x:2x2x1
jax: 0.10.2.dev20260603
libtpu: 0.0.44.dev20260713+nightly
codegen_flags: <defaults>
</compile_context>

<pallas_src>
import functools

import jax
import jax.numpy as jnp
from jax import lax
from jax.experimental import pallas as pl
from jax.experimental.pallas import tpu as pltpu
from jax.experimental.pallas import tpu_sc as plsc

N = 10000
E = 320000
DF = 128
DH = 64

NC = 2
NS = 16
NW = NC * NS
EPT = E // NW
CHUNK = 125
NCH = EPT // CHUNK
NPAD = 10240
RPS = NPAD // NS

_mesh = plsc.VectorSubcoreMesh(core_axis_name="c", subcore_axis_name="s")
_sc_params = pltpu.CompilerParams(use_tc_tiling_on_sc=False)


@functools.partial(
    pl.kernel,
    mesh=_mesh,
    out_type=jax.ShapeDtypeStruct((NC, NPAD, 8), jnp.float32),
    scratch_types=[
        pltpu.VMEM((NCH, CHUNK), jnp.int32),
        pltpu.VMEM((CHUNK, 8), jnp.float32),
        pltpu.VMEM_SHARED((NPAD, 8), jnp.float32),
    ],
    compiler_params=_sc_params,
)
def _deg_sc(dst_hbm, ones_hbm, zeros_hbm, out_hbm, idx_v, ones_v, acc_sh):
    c = lax.axis_index("c")
    s = lax.axis_index("s")
    wid = c * NS + s
    pltpu.sync_copy(dst_hbm.at[wid], idx_v)
    pltpu.sync_copy(ones_hbm, ones_v)
    base = pl.multiple_of(s * RPS, 8)
    pltpu.sync_copy(zeros_hbm.at[pl.ds(base, RPS)],
                    acc_sh.at[pl.ds(base, RPS)])
    plsc.subcore_barrier()

    def body(j, carry):
        pltpu.sync_copy(ones_v, acc_sh.at[idx_v.at[j]], add=True)
        return carry

    lax.fori_loop(0, NCH, body, 0)
    plsc.subcore_barrier()
    pltpu.sync_copy(acc_sh.at[pl.ds(base, RPS)],
                    out_hbm.at[c].at[pl.ds(base, RPS)])


def _make_agg(D):
    @functools.partial(
        pl.kernel,
        mesh=_mesh,
        out_type=jax.ShapeDtypeStruct((NC, NPAD, D), jnp.float32),
        scratch_types=[
            pltpu.VMEM((NCH, CHUNK), jnp.int32),
            pltpu.VMEM((NCH, CHUNK), jnp.int32),
            [pltpu.VMEM((CHUNK, D), jnp.float32) for _ in range(4)],
            pltpu.VMEM_SHARED((NPAD, D), jnp.float32),
            [pltpu.SemaphoreType.DMA for _ in range(4)],
        ],
        compiler_params=_sc_params,
    )
    def agg(src_hbm, dst_hbm, g_hbm, zeros_hbm, out_hbm,
            src_v, dst_v, rows, acc_sh, sems):
        c = lax.axis_index("c")
        s = lax.axis_index("s")
        wid = c * NS + s
        pltpu.sync_copy(src_hbm.at[wid], src_v)
        pltpu.sync_copy(dst_hbm.at[wid], dst_v)
        for k in range(3):
            pltpu.async_copy(g_hbm.at[src_v.at[k]], rows[k], sems[k])
        base = pl.multiple_of(s * RPS, 8)
        pltpu.sync_copy(zeros_hbm.at[pl.ds(base, RPS)],
                        acc_sh.at[pl.ds(base, RPS)])
        plsc.subcore_barrier()

        def body(h, carry):
            j = h * 4
            for k in range(4):
                nxt = j + k + 3

                @pl.when(nxt < NCH)
                def _(k=k, nxt=nxt):
                    pltpu.async_copy(g_hbm.at[src_v.at[nxt]],
                                     rows[(k + 3) % 4], sems[(k + 3) % 4])

                pltpu.make_async_copy(g_hbm.at[src_v.at[j + k]], rows[k],
                                      sems[k]).wait()
                pltpu.sync_copy(rows[k], acc_sh.at[dst_v.at[j + k]], add=True)
            return carry

        lax.fori_loop(0, NCH // 4, body, 0)
        plsc.subcore_barrier()
        pltpu.sync_copy(acc_sh.at[pl.ds(base, RPS)],
                        out_hbm.at[c].at[pl.ds(base, RPS)])

    return agg


_agg64 = _make_agg(DH)


_BLK = 2000
_MM = (((1,), (0,)), ((), ()))


def _dinv_of(dp_ref):
    deg = dp_ref[0, :, 0:1] + dp_ref[1, :, 0:1] + 1.0
    return lax.rsqrt(deg)


def _stage_a1(x, W1):
    def body(x_ref, w_ref, o_ref):
        o_ref[...] = lax.dot_general(x_ref[...], w_ref[...], _MM,
                                     preferred_element_type=jnp.float32)

    return pl.pallas_call(
        body,
        grid=(N // _BLK,),
        in_specs=[
            pl.BlockSpec((_BLK, DF), lambda i: (i, 0)),
            pl.BlockSpec((DF, DH), lambda i: (0, 0)),
        ],
        out_specs=pl.BlockSpec((_BLK, DH), lambda i: (i, 0)),
        out_shape=jax.ShapeDtypeStruct((N, DH), jnp.float32),
    )(x, W1)


def _stage_a2(t, degP):
    def body(t_ref, dp_ref, o_ref):
        o_ref[...] = _dinv_of(dp_ref) * t_ref[...]

    return pl.pallas_call(
        body,
        grid=(N // _BLK,),
        in_specs=[
            pl.BlockSpec((_BLK, DH), lambda i: (i, 0)),
            pl.BlockSpec((NC, _BLK, 8), lambda i: (0, i, 0)),
        ],
        out_specs=pl.BlockSpec((_BLK, DH), lambda i: (i, 0)),
        out_shape=jax.ShapeDtypeStruct((N, DH), jnp.float32),
    )(t, degP)


def _stage_b(P, g, degP, b, W):
    def body(p_ref, g_ref, dp_ref, b_ref, w_ref, o_ref):
        dinv = _dinv_of(dp_ref)
        h = jnp.maximum(dinv * (p_ref[0] + p_ref[1] + g_ref[...]) + b_ref[...],
                        0.0)
        o_ref[...] = dinv * lax.dot_general(
            h, w_ref[...], _MM, preferred_element_type=jnp.float32)

    return pl.pallas_call(
        body,
        grid=(N // _BLK,),
        in_specs=[
            pl.BlockSpec((NC, _BLK, DH), lambda i: (0, i, 0)),
            pl.BlockSpec((_BLK, DH), lambda i: (i, 0)),
            pl.BlockSpec((NC, _BLK, 8), lambda i: (0, i, 0)),
            pl.BlockSpec((1, DH), lambda i: (0, 0)),
            pl.BlockSpec((DH, DH), lambda i: (0, 0)),
        ],
        out_specs=pl.BlockSpec((_BLK, DH), lambda i: (i, 0)),
        out_shape=jax.ShapeDtypeStruct((N, DH), jnp.float32),
    )(P, g, degP, b, W)


def _stage_c(P, g, degP, b, W3, W5):
    def body(p_ref, g_ref, dp_ref, b_ref, w3_ref, w5_ref, o3_ref, o5_ref):
        dinv = _dinv_of(dp_ref)
        h = jnp.maximum(dinv * (p_ref[0] + p_ref[1] + g_ref[...]) + b_ref[...],
                        0.0)
        o3_ref[...] = dinv * lax.dot_general(
            h, w3_ref[...], _MM, preferred_element_type=jnp.float32)
        o5_ref[...] = dinv * lax.dot_general(
            h, w5_ref[...], _MM, preferred_element_type=jnp.float32)

    return pl.pallas_call(
        body,
        grid=(N // _BLK,),
        in_specs=[
            pl.BlockSpec((NC, _BLK, DH), lambda i: (0, i, 0)),
            pl.BlockSpec((_BLK, DH), lambda i: (i, 0)),
            pl.BlockSpec((NC, _BLK, 8), lambda i: (0, i, 0)),
            pl.BlockSpec((1, DH), lambda i: (0, 0)),
            pl.BlockSpec((DH, DH), lambda i: (0, 0)),
            pl.BlockSpec((DH, DH), lambda i: (0, 0)),
        ],
        out_specs=[
            pl.BlockSpec((_BLK, DH), lambda i: (i, 0)),
            pl.BlockSpec((_BLK, DH), lambda i: (i, 0)),
        ],
        out_shape=[
            jax.ShapeDtypeStruct((N, DH), jnp.float32),
            jax.ShapeDtypeStruct((N, DH), jnp.float32),
        ],
    )(P, g, degP, b, W3, W5)


def _stage_d(P, g3, degP, b):
    def body(p_ref, g3_ref, dp_ref, b_ref, o_ref):
        dinv = _dinv_of(dp_ref)
        xa = jnp.maximum(
            dinv * (p_ref[0] + p_ref[1] + g3_ref[...]) + b_ref[...], 0.0)
        o_ref[...] = dinv * xa

    return pl.pallas_call(
        body,
        grid=(N // _BLK,),
        in_specs=[
            pl.BlockSpec((NC, _BLK, DH), lambda i: (0, i, 0)),
            pl.BlockSpec((_BLK, DH), lambda i: (i, 0)),
            pl.BlockSpec((NC, _BLK, 8), lambda i: (0, i, 0)),
            pl.BlockSpec((1, DH), lambda i: (0, 0)),
        ],
        out_specs=pl.BlockSpec((_BLK, DH), lambda i: (i, 0)),
        out_shape=jax.ShapeDtypeStruct((N, DH), jnp.float32),
    )(P, g3, degP, b)


def _stage_e5(P5, g5, degP, b5):
    def body(p5_ref, g5_ref, dp_ref, b5_ref, s_ref):
        dinv = _dinv_of(dp_ref)
        s_ref[...] = jnp.maximum(
            dinv * (p5_ref[0] + p5_ref[1] + g5_ref[...]) + b5_ref[...], 0.0)

    return pl.pallas_call(
        body,
        grid=(N // _BLK,),
        in_specs=[
            pl.BlockSpec((NC, _BLK, DH), lambda i: (0, i, 0)),
            pl.BlockSpec((_BLK, DH), lambda i: (i, 0)),
            pl.BlockSpec((NC, _BLK, 8), lambda i: (0, i, 0)),
            pl.BlockSpec((1, DH), lambda i: (0, 0)),
        ],
        out_specs=pl.BlockSpec((_BLK, DH), lambda i: (i, 0)),
        out_shape=jax.ShapeDtypeStruct((N, DH), jnp.float32),
    )(P5, g5, degP, b5)


def _stage_e4(P4, g4, degP, W4, b4):
    def body(p4_ref, g4_ref, dp_ref, w4_ref, b4_ref, xh_ref):
        dinv = _dinv_of(dp_ref)
        a4 = dinv * (p4_ref[0] + p4_ref[1] + g4_ref[...])
        xh_ref[...] = jnp.maximum(
            lax.dot_general(a4, w4_ref[...], _MM,
                            preferred_element_type=jnp.float32) + b4_ref[...],
            0.0)

    return pl.pallas_call(
        body,
        grid=(N // _BLK,),
        in_specs=[
            pl.BlockSpec((NC, _BLK, DH), lambda i: (0, i, 0)),
            pl.BlockSpec((_BLK, DH), lambda i: (i, 0)),
            pl.BlockSpec((NC, _BLK, 8), lambda i: (0, i, 0)),
            pl.BlockSpec((DH, DF), lambda i: (0, 0)),
            pl.BlockSpec((1, DF), lambda i: (0, 0)),
        ],
        out_specs=pl.BlockSpec((_BLK, DF), lambda i: (i, 0)),
        out_shape=jax.ShapeDtypeStruct((N, DF), jnp.float32),
    )(P4, g4, degP, W4, b4)


def _stage_f(s):
    BM, BN = 2000, 2048
    _TT = (((1,), (1,)), ((), ()))

    def body(a_ref, b_ref, o_ref):
        o_ref[...] = lax.dot_general(a_ref[...], b_ref[...], _TT,
                                     preferred_element_type=jnp.float32)

    return pl.pallas_call(
        body,
        grid=(N // BM, pl.cdiv(N, BN)),
        in_specs=[
            pl.BlockSpec((BM, DH), lambda i, j: (i, 0)),
            pl.BlockSpec((BN, DH), lambda i, j: (j, 0)),
        ],
        out_specs=pl.BlockSpec((BM, BN), lambda i, j: (i, j)),
        out_shape=jax.ShapeDtypeStruct((N, N), jnp.float32),
        compiler_params=pltpu.CompilerParams(
            dimension_semantics=("parallel", "parallel")),
    )(s, s)


def kernel(x, edge_index, W1, b1, W2, b2, W3, b3, W4, b4, W5, b5):
    src = edge_index[0].astype(jnp.int32).reshape(NW, NCH, CHUNK)
    dst = edge_index[1].astype(jnp.int32).reshape(NW, NCH, CHUNK)
    ones8 = jnp.ones((CHUNK, 8), jnp.float32)
    z8 = jnp.zeros((NPAD, 8), jnp.float32)
    z64 = jnp.zeros((NPAD, DH), jnp.float32)

    degP = _deg_sc(dst, ones8, z8)
    t1 = _stage_a1(x, W1)
    g1 = _stage_a2(t1, degP)
    P1 = _agg64(src, dst, g1, z64)
    g2 = _stage_b(P1, g1, degP, b1.reshape(1, -1), W2)
    P2 = _agg64(src, dst, g2, z64)
    g3, g5 = _stage_c(P2, g2, degP, b2.reshape(1, -1), W3, W5)
    P3 = _agg64(src, dst, g3, z64)
    P5 = _agg64(src, dst, g5, z64)
    g4 = _stage_d(P3, g3, degP, b3.reshape(1, -1))
    s = _stage_e5(P5, g5, degP, b5.reshape(1, -1))
    P4 = _agg64(src, dst, g4, z64)
    A_hat = _stage_f(s)
    X_hat = _stage_e4(P4, g4, degP, W4, b4.reshape(1, -1))
    return (A_hat, X_hat)

# --- scband reference (transcript-rebuilt; emitter-appended) ---
"""Pipeline reference for scband-dominant-32590211842242 (READ-ONLY COPY).

The authoritative reference and input builder live on the scoring server;
editing this copy changes nothing except your own understanding.
"""

import jax, jax.numpy as jnp
import numpy as np

N_NODES = 10000
N_EDGES = 320000
D_FEAT = 128
D_HID = 64


def _glorot(key, shape):
    fan_in, fan_out = shape[0], shape[1]
    limit = jnp.sqrt(6.0 / (fan_in + fan_out))
    return jax.random.uniform(key, shape, dtype=jnp.float32, minval=-limit, maxval=limit)


def setup_inputs(seed: int = 0) -> dict:
    key = jax.random.key(seed)
    ks = jax.random.split(key, 12)
    x = jax.random.normal(ks[0], (N_NODES, D_FEAT), dtype=jnp.float32)
    edge_index = jax.random.randint(ks[1], (2, N_EDGES), 0, N_NODES, dtype=jnp.int64)
    # Encoder: gc1 (nfeat->nhid), gc2 (nhid->nhid)
    W1 = _glorot(ks[2], (D_FEAT, D_HID)); b1 = jnp.zeros((D_HID,), jnp.float32)
    W2 = _glorot(ks[3], (D_HID, D_HID)); b2 = jnp.zeros((D_HID,), jnp.float32)
    # Attribute_Decoder: gc1 (nhid->nhid), gc2 (nhid->nfeat)
    W3 = _glorot(ks[4], (D_HID, D_HID)); b3 = jnp.zeros((D_HID,), jnp.float32)
    W4 = _glorot(ks[5], (D_HID, D_FEAT)); b4 = jnp.zeros((D_FEAT,), jnp.float32)
    # Structure_Decoder: gc1 (nhid->nhid)
    W5 = _glorot(ks[6], (D_HID, D_HID)); b5 = jnp.zeros((D_HID,), jnp.float32)
    return {"x": x, "edge_index": edge_index,
            "W1": W1, "b1": b1, "W2": W2, "b2": b2,
            "W3": W3, "b3": b3, "W4": W4, "b4": b4,
            "W5": W5, "b5": b5}


def _gcn_conv(h, src, dst, W, b, n):
    # PyG GCNConv: linear transform, add self-loops, symmetric norm, sum-aggregate, bias
    h = h @ W
    loop = jnp.arange(n, dtype=src.dtype)
    src2 = jnp.concatenate([src, loop])
    dst2 = jnp.concatenate([dst, loop])
    deg = jnp.zeros((n,), jnp.float32).at[dst2].add(1.0)
    dinv = jnp.where(deg > 0, 1.0 / jnp.sqrt(jnp.clip(deg, 1.0)), 0.0)
    norm = dinv[src2] * dinv[dst2]
    msgs = h[src2] * norm[:, None]
    out = jax.ops.segment_sum(msgs, dst2, num_segments=n)
    return out + b


def reference(x, edge_index, W1, b1, W2, b2, W3, b3, W4, b4, W5, b5):
    n = x.shape[0]
    src = edge_index[0]
    dst = edge_index[1]
    # Encoder (dropout with p=0.0 / eval mode -> identity)
    h = jax.nn.relu(_gcn_conv(x, src, dst, W1, b1, n))
    h = jax.nn.relu(_gcn_conv(h, src, dst, W2, b2, n))
    # Attribute decoder
    xa = jax.nn.relu(_gcn_conv(h, src, dst, W3, b3, n))
    X_hat = jax.nn.relu(_gcn_conv(xa, src, dst, W4, b4, n))
    # Structure decoder
    s = jax.nn.relu(_gcn_conv(h, src, dst, W5, b5, n))
    A_hat = s @ s.T
    return (A_hat, X_hat)

if __name__ == "__main__":
    import jax
    _d = setup_inputs()
    print(jax.jit(kernel)(*tuple(_d.values())))

</pallas_src>

<mosaic_0001>
#map = affine_map<(d0, d1) -> (0, 0, 0)>
#map1 = affine_map<(d0, d1) -> (0, 0)>
module attributes {stable_mosaic.version = 14 : i64} {
  func.func @_deg_sc(%arg0: i32, %arg1: i32, %arg2: memref<32x80x125xi32, #tpu.memory_space<hbm>>, %arg3: memref<125x8xf32, #tpu.memory_space<hbm>>, %arg4: memref<10240x8xf32, #tpu.memory_space<hbm>>, %arg5: memref<2x10240x8xf32, #tpu.memory_space<hbm>>, %arg6: memref<80x125xi32, #tpu.memory_space<vmem>>, %arg7: memref<125x8xf32, #tpu.memory_space<vmem>>, %arg8: memref<10240x8xf32, #tpu.memory_space<vmem_shared>>) attributes {dimension_semantics = [#tpu.dimension_semantics<core_parallel>, #tpu.dimension_semantics<subcore_parallel>], iteration_bounds = array<i64: 2, 16>, scalar_prefetch = 0 : i64, scratch_operands = 3 : i64, tpu.core_type = #tpu.core_type<sc_vector_subcore>, window_params = [{transform_indices = #map}, {transform_indices = #map1}, {transform_indices = #map1}, {transform_indices = #map}]} {
    %mul3A = arith.constant 16 : i32
    %mul3A_0 = arith.muli %arg0, %mul3A : i32
    %add3A = arith.addi %mul3A_0, %arg1 : i32
    "tpu.region"() ({
      %run_scoped3A = tpu.sem_alloc : memref<!tpu.dma_semaphore, #tpu.memory_space<semaphore_mem>>
      %dma_start3A = arith.constant 0 : i32
      %dma_start3A_9 = arith.constant 0 : i32
      %dma_start3A_10 = tpu.memref_slice %arg2[%add3A, %dma_start3A, %dma_start3A_9] : memref<32x80x125xi32, #tpu.memory_space<hbm>> -> memref<1x80x125xi32, #tpu.memory_space<hbm>>
      %dma_start3A_11 = tpu.memref_squeeze %dma_start3A_10 : memref<1x80x125xi32, #tpu.memory_space<hbm>> -> memref<80x125xi32, #tpu.memory_space<hbm>>
      %dma_start3A_12 = arith.constant 0 : i32
      %dma_start3A_13 = arith.constant 0 : i32
      %dma_start3A_14 = tpu.memref_slice %arg2[%add3A, %dma_start3A_12, %dma_start3A_13] : memref<32x80x125xi32, #tpu.memory_space<hbm>> -> memref<1x80x125xi32, #tpu.memory_space<hbm>>
      %dma_start3A_15 = tpu.memref_squeeze %dma_start3A_14 : memref<1x80x125xi32, #tpu.memory_space<hbm>> -> memref<80x125xi32, #tpu.memory_space<hbm>>
      tpu.enqueue_dma source(%dma_start3A_15 : memref<80x125xi32, #tpu.memory_space<hbm>>) target(%arg6 : memref<80x125xi32, #tpu.memory_space<vmem>>) target_semaphore(%run_scoped3A : memref<!tpu.dma_semaphore, #tpu.memory_space<semaphore_mem>>)
      %dma_wait3A = arith.constant 0 : i32
      %dma_wait3A_16 = arith.constant 0 : i32
      %dma_wait3A_17 = tpu.memref_slice %arg2[%add3A, %dma_wait3A, %dma_wait3A_16] : memref<32x80x125xi32, #tpu.memory_space<hbm>> -> memref<1x80x125xi32, #tpu.memory_space<hbm>>
      %dma_wait3A_18 = tpu.memref_squeeze %dma_wait3A_17 : memref<1x80x125xi32, #tpu.memory_space<hbm>> -> memref<80x125xi32, #tpu.memory_space<hbm>>
      %dma_wait3A_19 = arith.constant 0 : i32
      %dma_wait3A_20 = arith.constant 0 : i32
      %dma_wait3A_21 = tpu.memref_slice %arg2[%add3A, %dma_wait3A_19, %dma_wait3A_20] : memref<32x80x125xi32, #tpu.memory_space<hbm>> -> memref<1x80x125xi32, #tpu.memory_space<hbm>>
      %dma_wait3A_22 = tpu.memref_squeeze %dma_wait3A_21 : memref<1x80x125xi32, #tpu.memory_space<hbm>> -> memref<80x125xi32, #tpu.memory_space<hbm>>
      tpu.wait_dma2 semaphore(%run_scoped3A : memref<!tpu.dma_semaphore, #tpu.memory_space<semaphore_mem>>) src(%dma_wait3A_22 : memref<80x125xi32, #tpu.memory_space<hbm>>) dst(%arg6 : memref<80x125xi32, #tpu.memory_space<vmem>>)
      tpu.yield
    }) : () -> ()
    "tpu.region"() ({
      %run_scoped3A = tpu.sem_alloc : memref<!tpu.dma_semaphore, #tpu.memory_space<semaphore_mem>>
      tpu.enqueue_dma source(%arg3 : memref<125x8xf32, #tpu.memory_space<hbm>>) target(%arg7 : memref<125x8xf32, #tpu.memory_space<vmem>>) target_semaphore(%run_scoped3A : memref<!tpu.dma_semaphore, #tpu.memory_space<semaphore_mem>>)
      tpu.wait_dma2 semaphore(%run_scoped3A : memref<!tpu.dma_semaphore, #tpu.memory_space<semaphore_mem>>) src(%arg3 : memref<125x8xf32, #tpu.memory_space<hbm>>) dst(%arg7 : memref<125x8xf32, #tpu.memory_space<vmem>>)
      tpu.yield
    }) : () -> ()
    %mul3A_1 = arith.constant 640 : i32
    %mul3A_2 = arith.muli %arg1, %mul3A_1 : i32
    %multiple_of3A = tpu.assume_multiple %mul3A_2, 8 : i32
    "tpu.region"() ({
      %run_scoped3A = tpu.sem_alloc : memref<!tpu.dma_semaphore, #tpu.memory_space<semaphore_mem>>
      %dma_start3A = arith.constant 0 : i32
      %dma_start3A_9 = tpu.memref_slice %arg8[%multiple_of3A, %dma_start3A] : memref<10240x8xf32, #tpu.memory_space<vmem_shared>> -> memref<640x8xf32, #tpu.memory_space<vmem_shared>>
      %dma_start3A_10 = arith.constant 0 : i32
      %dma_start3A_11 = tpu.memref_slice %arg4[%multiple_of3A, %dma_start3A_10] : memref<10240x8xf32, #tpu.memory_space<hbm>> -> memref<640x8xf32, #tpu.memory_space<hbm>>
      tpu.enqueue_dma source(%dma_start3A_11 : memref<640x8xf32, #tpu.memory_space<hbm>>) target(%dma_start3A_9 : memref<640x8xf32, #tpu.memory_space<vmem_shared>>) target_semaphore(%run_scoped3A : memref<!tpu.dma_semaphore, #tpu.memory_space<semaphore_mem>>)
      %dma_wait3A = arith.constant 0 : i32
      %dma_wait3A_12 = tpu.memref_slice %arg8[%multiple_of3A, %dma_wait3A] : memref<10240x8xf32, #tpu.memory_space<vmem_shared>> -> memref<640x8xf32, #tpu.memory_space<vmem_shared>>
      %dma_wait3A_13 = arith.constant 0 : i32
      %dma_wait3A_14 = tpu.memref_slice %arg4[%multiple_of3A, %dma_wait3A_13] : memref<10240x8xf32, #tpu.memory_space<hbm>> -> memref<640x8xf32, #tpu.memory_space<hbm>>
      tpu.wait_dma2 semaphore(%run_scoped3A : memref<!tpu.dma_semaphore, #tpu.memory_space<semaphore_mem>>) src(%dma_wait3A_14 : memref<640x8xf32, #tpu.memory_space<hbm>>) dst(%dma_wait3A_12 : memref<640x8xf32, #tpu.memory_space<vmem_shared>>)
      tpu.yield
    }) : () -> ()
    %barrier3A = arith.constant 0 : index
    tpu.barrier barrier_id(%barrier3A)
    %scan3A = arith.constant 0 : i32
    %scan3A_3 = arith.constant 0 : i32
    %scan3A_4 = arith.constant 80 : i32
    %scan3A_5 = arith.addi %scan3A_3, %scan3A_4 : i32
    %scan3A_6 = arith.constant 1 : i32
    scf.for %scan3A_9 = %scan3A_3 to %scan3A_5 step %scan3A_6  : i32 {
      "tpu.region"() ({
        %run_scoped3A = tpu.sem_alloc : memref<!tpu.dma_semaphore, #tpu.memory_space<semaphore_mem>>
        %dma_start3A = arith.constant 0 : i32
        %dma_start3A_10 = tpu.memref_slice %arg6[%scan3A_9, %dma_start3A] : memref<80x125xi32, #tpu.memory_space<vmem>> -> memref<1x125xi32, #tpu.memory_space<vmem>>
        %dma_start3A_11 = tpu.memref_squeeze %dma_start3A_10 : memref<1x125xi32, #tpu.memory_space<vmem>> -> memref<125xi32, #tpu.memory_space<vmem>>
        %dma_start3A_12 = arith.constant 0 : i32
        %dma_start3A_13 = arith.constant 0 : i32
        %dma_start3A_14 = tpu.memref_slice %arg8[%dma_start3A_12, %dma_start3A_13] : memref<10240x8xf32, #tpu.memory_space<vmem_shared>> -> memref<10240x8xf32, #tpu.memory_space<vmem_shared>>
        tpu.enqueue_indirect_dma source(%arg7 : memref<125x8xf32, #tpu.memory_space<vmem>>) target(%dma_start3A_14 : memref<10240x8xf32, #tpu.memory_space<vmem_shared>>) offsets(%dma_start3A_11 : memref<125xi32, #tpu.memory_space<vmem>>) semaphore(%run_scoped3A : memref<!tpu.dma_semaphore, #tpu.memory_space<semaphore_mem>>) {add = true}
        %dma_wait3A = arith.constant 0 : i32
        %dma_wait3A_15 = tpu.memref_slice %arg6[%scan3A_9, %dma_wait3A] : memref<80x125xi32, #tpu.memory_space<vmem>> -> memref<1x125xi32, #tpu.memory_space<vmem>>
        %dma_wait3A_16 = tpu.memref_squeeze %dma_wait3A_15 : memref<1x125xi32, #tpu.memory_space<vmem>> -> memref<125xi32, #tpu.memory_space<vmem>>
        %dma_wait3A_17 = arith.constant 0 : i32
        %dma_wait3A_18 = arith.constant 0 : i32
        %dma_wait3A_19 = tpu.memref_slice %arg8[%dma_wait3A_17, %dma_wait3A_18] : memref<10240x8xf32, #tpu.memory_space<vmem_shared>> -> memref<10240x8xf32, #tpu.memory_space<vmem_shared>>
        tpu.wait_indirect_dma semaphore(%run_scoped3A : memref<!tpu.dma_semaphore, #tpu.memory_space<semaphore_mem>>) src(%arg7 : memref<125x8xf32, #tpu.memory_space<vmem>>) dst(%dma_wait3A_19 : memref<10240x8xf32, #tpu.memory_space<vmem_shared>>)
        tpu.yield
      }) : () -> ()
    }
    %scan3A_7 = arith.constant 80 : i32
    %barrier3A_8 = arith.constant 0 : index
    tpu.barrier barrier_id(%barrier3A_8)
    "tpu.region"() ({
      %run_scoped3A = tpu.sem_alloc : memref<!tpu.dma_semaphore, #tpu.memory_space<semaphore_mem>>
      %dma_start3A = arith.constant 0 : i32
      %dma_start3A_9 = arith.constant 0 : i32
      %dma_start3A_10 = tpu.memref_slice %arg5[%arg0, %dma_start3A, %dma_start3A_9] : memref<2x10240x8xf32, #tpu.memory_space<hbm>> -> memref<1x10240x8xf32, #tpu.memory_space<hbm>>
      %dma_start3A_11 = tpu.memref_squeeze %dma_start3A_10 : memref<1x10240x8xf32, #tpu.memory_space<hbm>> -> memref<10240x8xf32, #tpu.memory_space<hbm>>
      %dma_start3A_12 = arith.constant 0 : i32
      %dma_start3A_13 = tpu.memref_slice %dma_start3A_11[%multiple_of3A, %dma_start3A_12] : memref<10240x8xf32, #tpu.memory_space<hbm>> -> memref<640x8xf32, #tpu.memory_space<hbm>>
      %dma_start3A_14 = arith.constant 0 : i32
      %dma_start3A_15 = tpu.memref_slice %arg8[%multiple_of3A, %dma_start3A_14] : memref<10240x8xf32, #tpu.memory_space<vmem_shared>> -> memref<640x8xf32, #tpu.memory_space<vmem_shared>>
      tpu.enqueue_dma source(%dma_start3A_15 : memref<640x8xf32, #tpu.memory_space<vmem_shared>>) target(%dma_start3A_13 : memref<640x8xf32, #tpu.memory_space<hbm>>) target_semaphore(%run_scoped3A : memref<!tpu.dma_semaphore, #tpu.memory_space<semaphore_mem>>)
      %dma_wait3A = arith.constant 0 : i32
      %dma_wait3A_16 = arith.constant 0 : i32
      %dma_wait3A_17 = tpu.memref_slice %arg5[%arg0, %dma_wait3A, %dma_wait3A_16] : memref<2x10240x8xf32, #tpu.memory_space<hbm>> -> memref<1x10240x8xf32, #tpu.memory_space<hbm>>
      %dma_wait3A_18 = tpu.memref_squeeze %dma_wait3A_17 : memref<1x10240x8xf32, #tpu.memory_space<hbm>> -> memref<10240x8xf32, #tpu.memory_space<hbm>>
      %dma_wait3A_19 = arith.constant 0 : i32
      %dma_wait3A_20 = tpu.memref_slice %dma_wait3A_18[%multiple_of3A, %dma_wait3A_19] : memref<10240x8xf32, #tpu.memory_space<hbm>> -> memref<640x8xf32, #tpu.memory_space<hbm>>
      %dma_wait3A_21 = arith.constant 0 : i32
      %dma_wait3A_22 = tpu.memref_slice %arg8[%multiple_of3A, %dma_wait3A_21] : memref<10240x8xf32, #tpu.memory_space<vmem_shared>> -> memref<640x8xf32, #tpu.memory_space<vmem_shared>>
      tpu.wait_dma2 semaphore(%run_scoped3A : memref<!tpu.dma_semaphore, #tpu.memory_space<semaphore_mem>>) src(%dma_wait3A_22 : memref<640x8xf32, #tpu.memory_space<vmem_shared>>) dst(%dma_wait3A_20 : memref<640x8xf32, #tpu.memory_space<hbm>>)
      tpu.yield
    }) : () -> ()
    return
  }
}

#map = affine_map<(d0, d1) -> (0, 0, 0)>
#map1 = affine_map<(d0, d1) -> (0, 0)>
module attributes {stable_mosaic.version = 14 : i64} {
  func.func @agg(%arg0: i32, %arg1: i32, %arg2: memref<32x80x125xi32, #tpu.memory_space<hbm>>, %arg3: memref<32x80x125xi32, #tpu.memory_space<hbm>>, %arg4: memref<10000x64xf32, #tpu.memory_space<hbm>>, %arg5: memref<10240x64xf32, #tpu.memory_space<hbm>>, %arg6: memref<2x10240x64xf32, #tpu.memory_space<hbm>>, %arg7: memref<80x125xi32, #tpu.memory_space<vmem>>, %arg8: memref<80x125xi32, #tpu.memory_space<vmem>>, %arg9: memref<125x64xf32, #tpu.memory_space<vmem>>, %arg10: memref<125x64xf32, #tpu.memory_space<vmem>>, %arg11: memref<125x64xf32, #tpu.memory_space<vmem>>, %arg12: memref<125x64xf32, #tpu.memory_space<vmem>>, %arg13: memref<10240x64xf32, #tpu.memory_space<vmem_shared>>, %arg14: memref<!tpu.dma_semaphore, #tpu.memory_space<semaphore_mem>>, %arg15: memref<!tpu.dma_semaphore, #tpu.memory_space<semaphore_mem>>, %arg16: memref<!tpu.dma_semaphore, #tpu.memory_space<semaphore_mem>>, %arg17: memref<!tpu.dma_semaphore, #tpu.memory_space<semaphore_mem>>) attributes {dimension_semantics = [#tpu.dimension_semantics<core_parallel>, #tpu.dimension_semantics<subcore_parallel>], iteration_bounds = array<i64: 2, 16>, scalar_prefetch = 0 : i64, scratch_operands = 11 : i64, tpu.core_type = #tpu.core_type<sc_vector_subcore>, window_params = [{transform_indices = #map}, {transform_indices = #map}, {transform_indices = #map1}, {transform_indices = #map1}, {transform_indices = #map}]} {
    %mul3A = arith.constant 16 : i32
    %mul3A_0 = arith.muli %arg0, %mul3A : i32
    %add3A = arith.addi %mul3A_0, %arg1 : i32
    "tpu.region"() ({
      %run_scoped3A = tpu.sem_alloc : memref<!tpu.dma_semaphore, #tpu.memory_space<semaphore_mem>>
      %dma_start3A_29 = arith.constant 0 : i32
      %dma_start3A_30 = arith.constant 0 : i32
      %dma_start3A_31 = tpu.memref_slice %arg2[%add3A, %dma_start3A_29, %dma_start3A_30] : memref<32x80x125xi32, #tpu.memory_space<hbm>> -> memref<1x80x125xi32, #tpu.memory_space<hbm>>
      %dma_start3A_32 = tpu.memref_squeeze %dma_start3A_31 : memref<1x80x125xi32, #tpu.memory_space<hbm>> -> memref<80x125xi32, #tpu.memory_space<hbm>>
      %dma_start3A_33 = arith.constant 0 : i32
      %dma_start3A_34 = arith.constant 0 : i32
      %dma_start3A_35 = tpu.memref_slice %arg2[%add3A, %dma_start3A_33, %dma_start3A_34] : memref<32x80x125xi32, #tpu.memory_space<hbm>> -> memref<1x80x125xi32, #tpu.memory_space<hbm>>
      %dma_start3A_36 = tpu.memref_squeeze %dma_start3A_35 : memref<1x80x125xi32, #tpu.memory_space<hbm>> -> memref<80x125xi32, #tpu.memory_space<hbm>>
      tpu.enqueue_dma source(%dma_start3A_36 : memref<80x125xi32, #tpu.memory_space<hbm>>) target(%arg7 : memref<80x125xi32, #tpu.memory_space<vmem>>) target_semaphore(%run_scoped3A : memref<!tpu.dma_semaphore, #tpu.memory_space<semaphore_mem>>)
      %dma_wait3A = arith.constant 0 : i32
      %dma_wait3A_37 = arith.constant 0 : i32
      %dma_wait3A_38 = tpu.memref_slice %arg2[%add3A, %dma_wait3A, %dma_wait3A_37] : memref<32x80x125xi32, #tpu.memory_space<hbm>> -> memref<1x80x125xi32, #tpu.memory_space<hbm>>
      %dma_wait3A_39 = tpu.memref_squeeze %dma_wait3A_38 : memref<1x80x125xi32, #tpu.memory_space<hbm>> -> memref<80x125xi32, #tpu.memory_space<hbm>>
      %dma_wait3A_40 = arith.constant 0 : i32
      %dma_wait3A_41 = arith.constant 0 : i32
      %dma_wait3A_42 = tpu.memref_slice %arg2[%add3A, %dma_wait3A_40, %dma_wait3A_41] : memref<32x80x125xi32, #tpu.memory_space<hbm>> -> memref<1x80x125xi32, #tpu.memory_space<hbm>>
      %dma_wait3A_43 = tpu.memref_squeeze %dma_wait3A_42 : memref<1x80x125xi32, #tpu.memory_space<hbm>> -> memref<80x125xi32, #tpu.memory_space<hbm>>
      tpu.wait_dma2 semaphore(%run_scoped3A : memref<!tpu.dma_semaphore, #tpu.memory_space<semaphore_mem>>) src(%dma_wait3A_43 : memref<80x125xi32, #tpu.memory_space<hbm>>) dst(%arg7 : memref<80x125xi32, #tpu.memory_space<vmem>>)
      tpu.yield
    }) : () -> ()
    "tpu.region"() ({
      %run_scoped3A = tpu.sem_alloc : memref<!tpu.dma_semaphore, #tpu.memory_space<semaphore_mem>>
      %dma_start3A_29 = arith.constant 0 : i32
      %dma_start3A_30 = arith.constant 0 : i32
      %dma_start3A_31 = tpu.memref_slice %arg3[%add3A, %dma_start3A_29, %dma_start3A_30] : memref<32x80x125xi32, #tpu.memory_space<hbm>> -> memref<1x80x125xi32, #tpu.memory_space<hbm>>
      %dma_start3A_32 = tpu.memref_squeeze %dma_start3A_31 : memref<1x80x125xi32, #tpu.memory_space<hbm>> -> memref<80x125xi32, #tpu.memory_space<hbm>>
      %dma_start3A_33 = arith.constant 0 : i32
      %dma_start3A_34 = arith.constant 0 : i32
      %dma_start3A_35 = tpu.memref_slice %arg3[%add3A, %dma_start3A_33, %dma_start3A_34] : memref<32x80x125xi32, #tpu.memory_space<hbm>> -> memref<1x80x125xi32, #tpu.memory_space<hbm>>
      %dma_start3A_36 = tpu.memref_squeeze %dma_start3A_35 : memref<1x80x125xi32, #tpu.memory_space<hbm>> -> memref<80x125xi32, #tpu.memory_space<hbm>>
      tpu.enqueue_dma source(%dma_start3A_36 : memref<80x125xi32, #tpu.memory_space<hbm>>) target(%arg8 : memref<80x125xi32, #tpu.memory_space<vmem>>) target_semaphore(%run_scoped3A : memref<!tpu.dma_semaphore, #tpu.memory_space<semaphore_mem>>)
      %dma_wait3A = arith.constant 0 : i32
      %dma_wait3A_37 = arith.constant 0 : i32
      %dma_wait3A_38 = tpu.memref_slice %arg3[%add3A, %dma_wait3A, %dma_wait3A_37] : memref<32x80x125xi32, #tpu.memory_space<hbm>> -> memref<1x80x125xi32, #tpu.memory_space<hbm>>
      %dma_wait3A_39 = tpu.memref_squeeze %dma_wait3A_38 : memref<1x80x125xi32, #tpu.memory_space<hbm>> -> memref<80x125xi32, #tpu.memory_space<hbm>>
      %dma_wait3A_40 = arith.constant 0 : i32
      %dma_wait3A_41 = arith.constant 0 : i32
      %dma_wait3A_42 = tpu.memref_slice %arg3[%add3A, %dma_wait3A_40, %dma_wait3A_41] : memref<32x80x125xi32, #tpu.memory_space<hbm>> -> memref<1x80x125xi32, #tpu.memory_space<hbm>>
      %dma_wait3A_43 = tpu.memref_squeeze %dma_wait3A_42 : memref<1x80x125xi32, #tpu.memory_space<hbm>> -> memref<80x125xi32, #tpu.memory_space<hbm>>
      tpu.wait_dma2 semaphore(%run_scoped3A : memref<!tpu.dma_semaphore, #tpu.memory_space<semaphore_mem>>) src(%dma_wait3A_43 : memref<80x125xi32, #tpu.memory_space<hbm>>) dst(%arg8 : memref<80x125xi32, #tpu.memory_space<vmem>>)
      tpu.yield
    }) : () -> ()
    %dma_start3A = arith.constant 0 : i32
    %dma_start3A_1 = arith.constant 0 : i32
    %dma_start3A_2 = tpu.memref_slice %arg7[%dma_start3A, %dma_start3A_1] : memref<80x125xi32, #tpu.memory_space<vmem>> -> memref<1x125xi32, #tpu.memory_space<vmem>>
    %dma_start3A_3 = tpu.memref_squeeze %dma_start3A_2 : memref<1x125xi32, #tpu.memory_space<vmem>> -> memref<125xi32, #tpu.memory_space<vmem>>
    %dma_start3A_4 = arith.constant 0 : i32
    %dma_start3A_5 = arith.constant 0 : i32
    %dma_start3A_6 = tpu.memref_slice %arg4[%dma_start3A_4, %dma_start3A_5] : memref<10000x64xf32, #tpu.memory_space<hbm>> -> memref<10000x64xf32, #tpu.memory_space<hbm>>
    tpu.enqueue_indirect_dma source(%dma_start3A_6 : memref<10000x64xf32, #tpu.memory_space<hbm>>) target(%arg9 : memref<125x64xf32, #tpu.memory_space<vmem>>) offsets(%dma_start3A_3 : memref<125xi32, #tpu.memory_space<vmem>>) semaphore(%arg14 : memref<!tpu.dma_semaphore, #tpu.memory_space<semaphore_mem>>)
    %dma_start3A_7 = arith.constant 1 : i32
    %dma_start3A_8 = arith.constant 0 : i32
    %dma_start3A_9 = tpu.memref_slice %arg7[%dma_start3A_7, %dma_start3A_8] : memref<80x125xi32, #tpu.memory_space<vmem>> -> memref<1x125xi32, #tpu.memory_space<vmem>>
    %dma_start3A_10 = tpu.memref_squeeze %dma_start3A_9 : memref<1x125xi32, #tpu.memory_space<vmem>> -> memref<125xi32, #tpu.memory_space<vmem>>
    %dma_start3A_11 = arith.constant 0 : i32
    %dma_start3A_12 = arith.constant 0 : i32
    %dma_start3A_13 = tpu.memref_slice %arg4[%dma_start3A_11, %dma_start3A_12] : memref<10000x64xf32, #tpu.memory_space<hbm>> -> memref<10000x64xf32, #tpu.memory_space<hbm>>
    tpu.enqueue_indirect_dma source(%dma_start3A_13 : memref<10000x64xf32, #tpu.memory_space<hbm>>) target(%arg10 : memref<125x64xf32, #tpu.memory_space<vmem>>) offsets(%dma_start3A_10 : memref<125xi32, #tpu.memory_space<vmem>>) semaphore(%arg15 : memref<!tpu.dma_semaphore, #tpu.memory_space<semaphore_mem>>)
    %dma_start3A_14 = arith.constant 2 : i32
    %dma_start3A_15 = arith.constant 0 : i32
    %dma_start3A_16 = tpu.memref_slice %arg7[%dma_start3A_14, %dma_start3A_15] : memref<80x125xi32, #tpu.memory_space<vmem>> -> memref<1x125xi32, #tpu.memory_space<vmem>>
    %dma_start3A_17 = tpu.memref_squeeze %dma_start3A_16 : memref<1x125xi32, #tpu.memory_space<vmem>> -> memref<125xi32, #tpu.memory_space<vmem>>
    %dma_start3A_18 = arith.constant 0 : i32
    %dma_start3A_19 = arith.constant 0 : i32
    %dma_start3A_20 = tpu.memref_slice %arg4[%dma_start3A_18, %dma_start3A_19] : memref<10000x64xf32, #tpu.memory_space<hbm>> -> memref<10000x64xf32, #tpu.memory_space<hbm>>
    tpu.enqueue_indirect_dma source(%dma_start3A_20 : memref<10000x64xf32, #tpu.memory_space<hbm>>) target(%arg11 : memref<125x64xf32, #tpu.memory_space<vmem>>) offsets(%dma_start3A_17 : memref<125xi32, #tpu.memory_space<vmem>>) semaphore(%arg16 : memref<!tpu.dma_semaphore, #tpu.memory_space<semaphore_mem>>)
    %mul3A_21 = arith.constant 640 : i32
    %mul3A_22 = arith.muli %arg1, %mul3A_21 : i32
    %multiple_of3A = tpu.assume_multiple %mul3A_22, 8 : i32
    "tpu.region"() ({
      %run_scoped3A = tpu.sem_alloc : memref<!tpu.dma_semaphore, #tpu.memory_space<semaphore_mem>>
      %dma_start3A_29 = arith.constant 0 : i32
      %dma_start3A_30 = tpu.memref_slice %arg13[%multiple_of3A, %dma_start3A_29] : memref<10240x64xf32, #tpu.memory_space<vmem_shared>> -> memref<640x64xf32, #tpu.memory_space<vmem_shared>>
      %dma_start3A_31 = arith.constant 0 : i32
      %dma_start3A_32 = tpu.memref_slice %arg5[%multiple_of3A, %dma_start3A_31] : memref<10240x64xf32, #tpu.memory_space<hbm>> -> memref<640x64xf32, #tpu.memory_space<hbm>>
      tpu.enqueue_dma source(%dma_start3A_32 : memref<640x64xf32, #tpu.memory_space<hbm>>) target(%dma_start3A_30 : memref<640x64xf32, #tpu.memory_space<vmem_shared>>) target_semaphore(%run_scoped3A : memref<!tpu.dma_semaphore, #tpu.memory_space<semaphore_mem>>)
      %dma_wait3A = arith.constant 0 : i32
      %dma_wait3A_33 = tpu.memref_slice %arg13[%multiple_of3A, %dma_wait3A] : memref<10240x64xf32, #tpu.memory_space<vmem_shared>> -> memref<640x64xf32, #tpu.memory_space<vmem_shared>>
      %dma_wait3A_34 = arith.constant 0 : i32
      %dma_wait3A_35 = tpu.memref_slice %arg5[%multiple_of3A, %dma_wait3A_34] : memref<10240x64xf32, #tpu.memory_space<hbm>> -> memref<640x64xf32, #tpu.memory_space<hbm>>
      tpu.wait_dma2 semaphore(%run_scoped3A : memref<!tpu.dma_semaphore, #tpu.memory_space<semaphore_mem>>) src(%dma_wait3A_35 : memref<640x64xf32, #tpu.memory_space<hbm>>) dst(%dma_wait3A_33 : memref<640x64xf32, #tpu.memory_space<vmem_shared>>)
      tpu.yield
    }) : () -> ()
    %barrier3A = arith.constant 0 : index
    tpu.barrier barrier_id(%barrier3A)
    %scan3A = arith.constant 0 : i32
    %scan3A_23 = arith.constant 0 : i32
    %scan3A_24 = arith.constant 20 : i32
    %scan3A_25 = arith.addi %scan3A_23, %scan3A_24 : i32
    %scan3A_26 = arith.constant 1 : i32
    scf.for %scan3A_29 = %scan3A_23 to %scan3A_25 step %scan3A_26  : i32 {
      %mul3A_30 = arith.constant 4 : i32
      %mul3A_31 = arith.muli %scan3A_29, %mul3A_30 : i32
      %add3A_32 = arith.constant 0 : i32
      %add3A_33 = arith.addi %mul3A_31, %add3A_32 : i32
      %add3A_34 = arith.constant 3 : i32
      %add3A_35 = arith.addi %add3A_33, %add3A_34 : i32
      %lt3A = arith.constant 80 : i32
      %lt3A_36 = arith.cmpi slt, %add3A_35, %lt3A : i32
      %convert_element_type3A = arith.extui %lt3A_36 : i1 to i32
      %cond3A = arith.constant 0 : i32
      %cond3A_37 = arith.cmpi ne, %convert_element_type3A, %cond3A : i32
      scf.if %cond3A_37 {
        %dma_start3A_104 = arith.constant 0 : i32
        %dma_start3A_105 = tpu.memref_slice %arg7[%add3A_35, %dma_start3A_104] : memref<80x125xi32, #tpu.memory_space<vmem>> -> memref<1x125xi32, #tpu.memory_space<vmem>>
        %dma_start3A_106 = tpu.memref_squeeze %dma_start3A_105 : memref<1x125xi32, #tpu.memory_space<vmem>> -> memref<125xi32, #tpu.memory_space<vmem>>
        %dma_start3A_107 = arith.constant 0 : i32
        %dma_start3A_108 = arith.constant 0 : i32
        %dma_start3A_109 = tpu.memref_slice %arg4[%dma_start3A_107, %dma_start3A_108] : memref<10000x64xf32, #tpu.memory_space<hbm>> -> memref<10000x64xf32, #tpu.memory_space<hbm>>
        tpu.enqueue_indirect_dma source(%dma_start3A_109 : memref<10000x64xf32, #tpu.memory_space<hbm>>) target(%arg12 : memref<125x64xf32, #tpu.memory_space<vmem>>) offsets(%dma_start3A_106 : memref<125xi32, #tpu.memory_space<vmem>>) semaphore(%arg17 : memref<!tpu.dma_semaphore, #tpu.memory_space<semaphore_mem>>)
      } else {
      }
      %add3A_38 = arith.constant 0 : i32
      %add3A_39 = arith.addi %mul3A_31, %add3A_38 : i32
      %dma_wait3A = arith.constant 0 : i32
      %dma_wait3A_40 = tpu.memref_slice %arg7[%add3A_39, %dma_wait3A] : memref<80x125xi32, #tpu.memory_space<vmem>> -> memref<1x125xi32, #tpu.memory_space<vmem>>
      %dma_wait3A_41 = tpu.memref_squeeze %dma_wait3A_40 : memref<1x125xi32, #tpu.memory_space<vmem>> -> memref<125xi32, #tpu.memory_space<vmem>>
      %dma_wait3A_42 = arith.constant 0 : i32
      %dma_wait3A_43 = arith.constant 0 : i32
      %dma_wait3A_44 = tpu.memref_slice %arg4[%dma_wait3A_42, %dma_wait3A_43] : memref<10000x64xf32, #tpu.memory_space<hbm>> -> memref<10000x64xf32, #tpu.memory_space<hbm>>
      tpu.wait_indirect_dma semaphore(%arg14 : memref<!tpu.dma_semaphore, #tpu.memory_space<semaphore_mem>>) src(%dma_wait3A_44 : memref<10000x64xf32, #tpu.memory_space<hbm>>) dst(%arg9 : memref<125x64xf32, #tpu.memory_space<vmem>>)
      %add3A_45 = arith.constant 0 : i32
      %add3A_46 = arith.addi %mul3A_31, %add3A_45 : i32
      "tpu.region"() ({
        %run_scoped3A = tpu.sem_alloc : memref<!tpu.dma_semaphore, #tpu.memory_space<semaphore_mem>>
        %dma_start3A_104 = arith.constant 0 : i32
        %dma_start3A_105 = tpu.memref_slice %arg8[%add3A_46, %dma_start3A_104] : memref<80x125xi32, #tpu.memory_space<vmem>> -> memref<1x125xi32, #tpu.memory_space<vmem>>
        %dma_start3A_106 = tpu.memref_squeeze %dma_start3A_105 : memref<1x125xi32, #tpu.memory_space<vmem>> -> memref<125xi32, #tpu.memory_space<vmem>>
        %dma_start3A_107 = arith.constant 0 : i32
        %dma_start3A_108 = arith.constant 0 : i32
        %dma_start3A_109 = tpu.memref_slice %arg13[%dma_start3A_107, %dma_start3A_108] : memref<10240x64xf32, #tpu.memory_space<vmem_shared>> -> memref<10240x64xf32, #tpu.memory_space<vmem_shared>>
        tpu.enqueue_indirect_dma source(%arg9 : memref<125x64xf32, #tpu.memory_space<vmem>>) target(%dma_start3A_109 : memref<10240x64xf32, #tpu.memory_space<vmem_shared>>) offsets(%dma_start3A_106 : memref<125xi32, #tpu.memory_space<vmem>>) semaphore(%run_scoped3A : memref<!tpu.dma_semaphore, #tpu.memory_space<semaphore_mem>>) {add = true}
        %dma_wait3A_110 = arith.constant 0 : i32
        %dma_wait3A_111 = tpu.memref_slice %arg8[%add3A_46, %dma_wait3A_110] : memref<80x125xi32, #tpu.memory_space<vmem>> -> memref<1x125xi32, #tpu.memory_space<vmem>>
        %dma_wait3A_112 = tpu.memref_squeeze %dma_wait3A_111 : memref<1x125xi32, #tpu.memory_space<vmem>> -> memref<125xi32, #tpu.memory_space<vmem>>
        %dma_wait3A_113 = arith.constant 0 : i32
        %dma_wait3A_114 = arith.constant 0 : i32
        %dma_wait3A_115 = tpu.memref_slice %arg13[%dma_wait3A_113, %dma_wait3A_114] : memref<10240x64xf32, #tpu.memory_space<vmem_shared>> -> memref<10240x64xf32, #tpu.memory_space<vmem_shared>>
        tpu.wait_indirect_dma semaphore(%run_scoped3A : memref<!tpu.dma_semaphore, #tpu.memory_space<semaphore_mem>>) src(%arg9 : memref<125x64xf32, #tpu.memory_space<vmem>>) dst(%dma_wait3A_115 : memref<10240x64xf32, #tpu.memory_space<vmem_shared>>)
        tpu.yield
      }) : () -> ()
      %add3A_47 = arith.constant 1 : i32
      %add3A_48 = arith.addi %mul3A_31, %add3A_47 : i32
      %add3A_49 = arith.constant 3 : i32
      %add3A_50 = arith.addi %add3A_48, %add3A_49 : i32
      %lt3A_51 = arith.constant 80 : i32
      %lt3A_52 = arith.cmpi slt, %add3A_50, %lt3A_51 : i32
      %convert_element_type3A_53 = arith.extui %lt3A_52 : i1 to i32
      %cond3A_54 = arith.constant 0 : i32
      %cond3A_55 = arith.cmpi ne, %convert_element_type3A_53, %cond3A_54 : i32
      scf.if %cond3A_55 {
        %dma_start3A_104 = arith.constant 0 : i32
        %dma_start3A_105 = tpu.memref_slice %arg7[%add3A_50, %dma_start3A_104] : memref<80x125xi32, #tpu.memory_space<vmem>> -> memref<1x125xi32, #tpu.memory_space<vmem>>
        %dma_start3A_106 = tpu.memref_squeeze %dma_start3A_105 : memref<1x125xi32, #tpu.memory_space<vmem>> -> memref<125xi32, #tpu.memory_space<vmem>>
        %dma_start3A_107 = arith.constant 0 : i32
        %dma_start3A_108 = arith.constant 0 : i32
        %dma_start3A_109 = tpu.memref_slice %arg4[%dma_start3A_107, %dma_start3A_108] : memref<10000x64xf32, #tpu.memory_space<hbm>> -> memref<10000x64xf32, #tpu.memory_space<hbm>>
        tpu.enqueue_indirect_dma source(%dma_start3A_109 : memref<10000x64xf32, #tpu.memory_space<hbm>>) target(%arg9 : memref<125x64xf32, #tpu.memory_space<vmem>>) offsets(%dma_start3A_106 : memref<125xi32, #tpu.memory_space<vmem>>) semaphore(%arg14 : memref<!tpu.dma_semaphore, #tpu.memory_space<semaphore_mem>>)
      } else {
      }
      %add3A_56 = arith.constant 1 : i32
      %add3A_57 = arith.addi %mul3A_31, %add3A_56 : i32
      %dma_wait3A_58 = arith.constant 0 : i32
      %dma_wait3A_59 = tpu.memref_slice %arg7[%add3A_57, %dma_wait3A_58] : memref<80x125xi32, #tpu.memory_space<vmem>> -> memref<1x125xi32, #tpu.memory_space<vmem>>
      %dma_wait3A_60 = tpu.memref_squeeze %dma_wait3A_59 : memref<1x125xi32, #tpu.memory_space<vmem>> -> memref<125xi32, #tpu.memory_space<vmem>>
      %dma_wait3A_61 = arith.constant 0 : i32
      %dma_wait3A_62 = arith.constant 0 : i32
      %dma_wait3A_63 = tpu.memref_slice %arg4[%dma_wait3A_61, %dma_wait3A_62] : memref<10000x64xf32, #tpu.memory_space<hbm>> -> memref<10000x64xf32, #tpu.memory_space<hbm>>
      tpu.wait_indirect_dma semaphore(%arg15 : memref<!tpu.dma_semaphore, #tpu.memory_space<semaphore_mem>>) src(%dma_wait3A_63 : memref<10000x64xf32, #tpu.memory_space<hbm>>) dst(%arg10 : memref<125x64xf32, #tpu.memory_space<vmem>>)
      %add3A_64 = arith.constant 1 : i32
      %add3A_65 = arith.addi %mul3A_31, %add3A_64 : i32
      "tpu.region"() ({
        %run_scoped3A = tpu.sem_alloc : memref<!tpu.dma_semaphore, #tpu.memory_space<semaphore_mem>>
        %dma_start3A_104 = arith.constant 0 : i32
        %dma_start3A_105 = tpu.memref_slice %arg8[%add3A_65, %dma_start3A_104] : memref<80x125xi32, #tpu.memory_space<vmem>> -> memref<1x125xi32, #tpu.memory_space<vmem>>
        %dma_start3A_106 = tpu.memref_squeeze %dma_start3A_105 : memref<1x125xi32, #tpu.memory_space<vmem>> -> memref<125xi32, #tpu.memory_space<vmem>>
        %dma_start3A_107 = arith.constant 0 : i32
        %dma_start3A_108 = arith.constant 0 : i32
        %dma_start3A_109 = tpu.memref_slice %arg13[%dma_start3A_107, %dma_start3A_108] : memref<10240x64xf32, #tpu.memory_space<vmem_shared>> -> memref<10240x64xf32, #tpu.memory_space<vmem_shared>>
        tpu.enqueue_indirect_dma source(%arg10 : memref<125x64xf32, #tpu.memory_space<vmem>>) target(%dma_start3A_109 : memref<10240x64xf32, #tpu.memory_space<vmem_shared>>) offsets(%dma_start3A_106 : memref<125xi32, #tpu.memory_space<vmem>>) semaphore(%run_scoped3A : memref<!tpu.dma_semaphore, #tpu.memory_space<semaphore_mem>>) {add = true}
        %dma_wait3A_110 = arith.constant 0 : i32
        %dma_wait3A_111 = tpu.memref_slice %arg8[%add3A_65, %dma_wait3A_110] : memref<80x125xi32, #tpu.memory_space<vmem>> -> memref<1x125xi32, #tpu.memory_space<vmem>>
        %dma_wait3A_112 = tpu.memref_squeeze %dma_wait3A_111 : memref<1x125xi32, #tpu.memory_space<vmem>> -> memref<125xi32, #tpu.memory_space<vmem>>
        %dma_wait3A_113 = arith.constant 0 : i32
        %dma_wait3A_114 = arith.constant 0 : i32
        %dma_wait3A_115 = tpu.memref_slice %arg13[%dma_wait3A_113, %dma_wait3A_114] : memref<10240x64xf32, #tpu.memory_space<vmem_shared>> -> memref<10240x64xf32, #tpu.memory_space<vmem_shared>>
        tpu.wait_indirect_dma semaphore(%run_scoped3A : memref<!tpu.dma_semaphore, #tpu.memory_space<semaphore_mem>>) src(%arg10 : memref<125x64xf32, #tpu.memory_space<vmem>>) dst(%dma_wait3A_115 : memref<10240x64xf32, #tpu.memory_space<vmem_shared>>)
        tpu.yield
      }) : () -> ()
      %add3A_66 = arith.constant 2 : i32
      %add3A_67 = arith.addi %mul3A_31, %add3A_66 : i32
      %add3A_68 = arith.constant 3 : i32
      %add3A_69 = arith.addi %add3A_67, %add3A_68 : i32
      %lt3A_70 = arith.constant 80 : i32
      %lt3A_71 = arith.cmpi slt, %add3A_69, %lt3A_70 : i32
      %convert_element_type3A_72 = arith.extui %lt3A_71 : i1 to i32
      %cond3A_73 = arith.constant 0 : i32
      %cond3A_74 = arith.cmpi ne, %convert_element_type3A_72, %cond3A_73 : i32
      scf.if %cond3A_74 {
        %dma_start3A_104 = arith.constant 0 : i32
        %dma_start3A_105 = tpu.memref_slice %arg7[%add3A_69, %dma_start3A_104] : memref<80x125xi32, #tpu.memory_space<vmem>> -> memref<1x125xi32, #tpu.memory_space<vmem>>
        %dma_start3A_106 = tpu.memref_squeeze %dma_start3A_105 : memref<1x125xi32, #tpu.memory_space<vmem>> -> memref<125xi32, #tpu.memory_space<vmem>>
        %dma_start3A_107 = arith.constant 0 : i32
        %dma_start3A_108 = arith.constant 0 : i32
        %dma_start3A_109 = tpu.memref_slice %arg4[%dma_start3A_107, %dma_start3A_108] : memref<10000x64xf32, #tpu.memory_space<hbm>> -> memref<10000x64xf32, #tpu.memory_space<hbm>>
        tpu.enqueue_indirect_dma source(%dma_start3A_109 : memref<10000x64xf32, #tpu.memory_space<hbm>>) target(%arg10 : memref<125x64xf32, #tpu.memory_space<vmem>>) offsets(%dma_start3A_106 : memref<125xi32, #tpu.memory_space<vmem>>) semaphore(%arg15 : memref<!tpu.dma_semaphore, #tpu.memory_space<semaphore_mem>>)
      } else {
      }
      %add3A_75 = arith.constant 2 : i32
      %add3A_76 = arith.addi %mul3A_31, %add3A_75 : i32
      %dma_wait3A_77 = arith.constant 0 : i32
      %dma_wait3A_78 = tpu.memref_slice %arg7[%add3A_76, %dma_wait3A_77] : memref<80x125xi32, #tpu.memory_space<vmem>> -> memref<1x125xi32, #tpu.memory_space<vmem>>
      %dma_wait3A_79 = tpu.memref_squeeze %dma_wait3A_78 : memref<1x125xi32, #tpu.memory_space<vmem>> -> memref<125xi32, #tpu.memory_space<vmem>>
      %dma_wait3A_80 = arith.constant 0 : i32
      %dma_wait3A_81 = arith.constant 0 : i32
      %dma_wait3A_82 = tpu.memref_slice %arg4[%dma_wait3A_80, %dma_wait3A_81] : memref<10000x64xf32, #tpu.memory_space<hbm>> -> memref<10000x64xf32, #tpu.memory_space<hbm>>
      tpu.wait_indirect_dma semaphore(%arg16 : memref<!tpu.dma_semaphore, #tpu.memory_space<semaphore_mem>>) src(%dma_wait3A_82 : memref<10000x64xf32, #tpu.memory_space<hbm>>) dst(%arg11 : memref<125x64xf32, #tpu.memory_space<vmem>>)
      %add3A_83 = arith.constant 2 : i32
      %add3A_84 = arith.addi %mul3A_31, %add3A_83 : i32
      "tpu.region"() ({
        %run_scoped3A = tpu.sem_alloc : memref<!tpu.dma_semaphore, #tpu.memory_space<semaphore_mem>>
        %dma_start3A_104 = arith.constant 0 : i32
        %dma_start3A_105 = tpu.memref_slice %arg8[%add3A_84, %dma_start3A_104] : memref<80x125xi32, #tpu.memory_space<vmem>> -> memref<1x125xi32, #tpu.memory_space<vmem>>
        %dma_start3A_106 = tpu.memref_squeeze %dma_start3A_105 : memref<1x125xi32, #tpu.memory_space<vmem>> -> memref<125xi32, #tpu.memory_space<vmem>>
        %dma_start3A_107 = arith.constant 0 : i32
        %dma_start3A_108 = arith.constant 0 : i32
        %dma_start3A_109 = tpu.memref_slice %arg13[%dma_start3A_107, %dma_start3A_108] : memref<10240x64xf32, #tpu.memory_space<vmem_shared>> -> memref<10240x64xf32, #tpu.memory_space<vmem_shared>>
        tpu.enqueue_indirect_dma source(%arg11 : memref<125x64xf32, #tpu.memory_space<vmem>>) target(%dma_start3A_109 : memref<10240x64xf32, #tpu.memory_space<vmem_shared>>) offsets(%dma_start3A_106 : memref<125xi32, #tpu.memory_space<vmem>>) semaphore(%run_scoped3A : memref<!tpu.dma_semaphore, #tpu.memory_space<semaphore_mem>>) {add = true}
        %dma_wait3A_110 = arith.constant 0 : i32
        %dma_wait3A_111 = tpu.memref_slice %arg8[%add3A_84, %dma_wait3A_110] : memref<80x125xi32, #tpu.memory_space<vmem>> -> memref<1x125xi32, #tpu.memory_space<vmem>>
        %dma_wait3A_112 = tpu.memref_squeeze %dma_wait3A_111 : memref<1x125xi32, #tpu.memory_space<vmem>> -> memref<125xi32, #tpu.memory_space<vmem>>
        %dma_wait3A_113 = arith.constant 0 : i32
        %dma_wait3A_114 = arith.constant 0 : i32
        %dma_wait3A_115 = tpu.memref_slice %arg13[%dma_wait3A_113, %dma_wait3A_114] : memref<10240x64xf32, #tpu.memory_space<vmem_shared>> -> memref<10240x64xf32, #tpu.memory_space<vmem_shared>>
        tpu.wait_indirect_dma semaphore(%run_scoped3A : memref<!tpu.dma_semaphore, #tpu.memory_space<semaphore_mem>>) src(%arg11 : memref<125x64xf32, #tpu.memory_space<vmem>>) dst(%dma_wait3A_115 : memref<10240x64xf32, #tpu.memory_space<vmem_shared>>)
        tpu.yield
      }) : () -> ()
      %add3A_85 = arith.constant 3 : i32
      %add3A_86 = arith.addi %mul3A_31, %add3A_85 : i32
      %add3A_87 = arith.constant 3 : i32
      %add3A_88 = arith.addi %add3A_86, %add3A_87 : i32
      %lt3A_89 = arith.constant 80 : i32
      %lt3A_90 = arith.cmpi slt, %add3A_88, %lt3A_89 : i32
      %convert_element_type3A_91 = arith.extui %lt3A_90 : i1 to i32
      %cond3A_92 = arith.constant 0 : i32
      %cond3A_93 = arith.cmpi ne, %convert_element_type3A_91, %cond3A_92 : i32
      scf.if %cond3A_93 {
        %dma_start3A_104 = arith.constant 0 : i32
        %dma_start3A_105 = tpu.memref_slice %arg7[%add3A_88, %dma_start3A_104] : memref<80x125xi32, #tpu.memory_space<vmem>> -> memref<1x125xi32, #tpu.memory_space<vmem>>
        %dma_start3A_106 = tpu.memref_squeeze %dma_start3A_105 : memref<1x125xi32, #tpu.memory_space<vmem>> -> memref<125xi32, #tpu.memory_space<vmem>>
        %dma_start3A_107 = arith.constant 0 : i32
        %dma_start3A_108 = arith.constant 0 : i32
        %dma_start3A_109 = tpu.memref_slice %arg4[%dma_start3A_107, %dma_start3A_108] : memref<10000x64xf32, #tpu.memory_space<hbm>> -> memref<10000x64xf32, #tpu.memory_space<hbm>>
        tpu.enqueue_indirect_dma source(%dma_start3A_109 : memref<10000x64xf32, #tpu.memory_space<hbm>>) target(%arg11 : memref<125x64xf32, #tpu.memory_space<vmem>>) offsets(%dma_start3A_106 : memref<125xi32, #tpu.memory_space<vmem>>) semaphore(%arg16 : memref<!tpu.dma_semaphore, #tpu.memory_space<semaphore_mem>>)
      } else {
      }
      %add3A_94 = arith.constant 3 : i32
      %add3A_95 = arith.addi %mul3A_31, %add3A_94 : i32
      %dma_wait3A_96 = arith.constant 0 : i32
      %dma_wait3A_97 = tpu.memref_slice %arg7[%add3A_95, %dma_wait3A_96] : memref<80x125xi32, #tpu.memory_space<vmem>> -> memref<1x125xi32, #tpu.memory_space<vmem>>
      %dma_wait3A_98 = tpu.memref_squeeze %dma_wait3A_97 : memref<1x125xi32, #tpu.memory_space<vmem>> -> memref<125xi32, #tpu.memory_space<vmem>>
      %dma_wait3A_99 = arith.constant 0 : i32
      %dma_wait3A_100 = arith.constant 0 : i32
      %dma_wait3A_101 = tpu.memref_slice %arg4[%dma_wait3A_99, %dma_wait3A_100] : memref<10000x64xf32, #tpu.memory_space<hbm>> -> memref<10000x64xf32, #tpu.memory_space<hbm>>
      tpu.wait_indirect_dma semaphore(%arg17 : memref<!tpu.dma_semaphore, #tpu.memory_space<semaphore_mem>>) src(%dma_wait3A_101 : memref<10000x64xf32, #tpu.memory_space<hbm>>) dst(%arg12 : memref<125x64xf32, #tpu.memory_space<vmem>>)
      %add3A_102 = arith.constant 3 : i32
      %add3A_103 = arith.addi %mul3A_31, %add3A_102 : i32
      "tpu.region"() ({
        %run_scoped3A = tpu.sem_alloc : memref<!tpu.dma_semaphore, #tpu.memory_space<semaphore_mem>>
        %dma_start3A_104 = arith.constant 0 : i32
        %dma_start3A_105 = tpu.memref_slice %arg8[%add3A_103, %dma_start3A_104] : memref<80x125xi32, #tpu.memory_space<vmem>> -> memref<1x125xi32, #tpu.memory_space<vmem>>
        %dma_start3A_106 = tpu.memref_squeeze %dma_start3A_105 : memref<1x125xi32, #tpu.memory_space<vmem>> -> memref<125xi32, #tpu.memory_space<vmem>>
        %dma_start3A_107 = arith.constant 0 : i32
        %dma_start3A_108 = arith.constant 0 : i32
        %dma_start3A_109 = tpu.memref_slice %arg13[%dma_start3A_107, %dma_start3A_108] : memref<10240x64xf32, #tpu.memory_space<vmem_shared>> -> memref<10240x64xf32, #tpu.memory_space<vmem_shared>>
        tpu.enqueue_indirect_dma source(%arg12 : memref<125x64xf32, #tpu.memory_space<vmem>>) target(%dma_start3A_109 : memref<10240x64xf32, #tpu.memory_space<vmem_shared>>) offsets(%dma_start3A_106 : memref<125xi32, #tpu.memory_space<vmem>>) semaphore(%run_scoped3A : memref<!tpu.dma_semaphore, #tpu.memory_space<semaphore_mem>>) {add = true}
        %dma_wait3A_110 = arith.constant 0 : i32
        %dma_wait3A_111 = tpu.memref_slice %arg8[%add3A_103, %dma_wait3A_110] : memref<80x125xi32, #tpu.memory_space<vmem>> -> memref<1x125xi32, #tpu.memory_space<vmem>>
        %dma_wait3A_112 = tpu.memref_squeeze %dma_wait3A_111 : memref<1x125xi32, #tpu.memory_space<vmem>> -> memref<125xi32, #tpu.memory_space<vmem>>
        %dma_wait3A_113 = arith.constant 0 : i32
        %dma_wait3A_114 = arith.constant 0 : i32
        %dma_wait3A_115 = tpu.memref_slice %arg13[%dma_wait3A_113, %dma_wait3A_114] : memref<10240x64xf32, #tpu.memory_space<vmem_shared>> -> memref<10240x64xf32, #tpu.memory_space<vmem_shared>>
        tpu.wait_indirect_dma semaphore(%run_scoped3A : memref<!tpu.dma_semaphore, #tpu.memory_space<semaphore_mem>>) src(%arg12 : memref<125x64xf32, #tpu.memory_space<vmem>>) dst(%dma_wait3A_115 : memref<10240x64xf32, #tpu.memory_space<vmem_shared>>)
        tpu.yield
      }) : () -> ()
    }
    %scan3A_27 = arith.constant 20 : i32
    %barrier3A_28 = arith.constant 0 : index
    tpu.barrier barrier_id(%barrier3A_28)
    "tpu.region"() ({
      %run_scoped3A = tpu.sem_alloc : memref<!tpu.dma_semaphore, #tpu.memory_space<semaphore_mem>>
      %dma_start3A_29 = arith.constant 0 : i32
      %dma_start3A_30 = arith.constant 0 : i32
      %dma_start3A_31 = tpu.memref_slice %arg6[%arg0, %dma_start3A_29, %dma_start3A_30] : memref<2x10240x64xf32, #tpu.memory_space<hbm>> -> memref<1x10240x64xf32, #tpu.memory_space<hbm>>
      %dma_start3A_32 = tpu.memref_squeeze %dma_start3A_31 : memref<1x10240x64xf32, #tpu.memory_space<hbm>> -> memref<10240x64xf32, #tpu.memory_space<hbm>>
      %dma_start3A_33 = arith.constant 0 : i32
      %dma_start3A_34 = tpu.memref_slice %dma_start3A_32[%multiple_of3A, %dma_start3A_33] : memref<10240x64xf32, #tpu.memory_space<hbm>> -> memref<640x64xf32, #tpu.memory_space<hbm>>
      %dma_start3A_35 = arith.constant 0 : i32
      %dma_start3A_36 = tpu.memref_slice %arg13[%multiple_of3A, %dma_start3A_35] : memref<10240x64xf32, #tpu.memory_space<vmem_shared>> -> memref<640x64xf32, #tpu.memory_space<vmem_shared>>
      tpu.enqueue_dma source(%dma_start3A_36 : memref<640x64xf32, #tpu.memory_space<vmem_shared>>) target(%dma_start3A_34 : memref<640x64xf32, #tpu.memory_space<hbm>>) target_semaphore(%run_scoped3A : memref<!tpu.dma_semaphore, #tpu.memory_space<semaphore_mem>>)
      %dma_wait3A = arith.constant 0 : i32
      %dma_wait3A_37 = arith.constant 0 : i32
      %dma_wait3A_38 = tpu.memref_slice %arg6[%arg0, %dma_wait3A, %dma_wait3A_37] : memref<2x10240x64xf32, #tpu.memory_space<hbm>> -> memref<1x10240x64xf32, #tpu.memory_space<hbm>>
      %dma_wait3A_39 = tpu.memref_squeeze %dma_wait3A_38 : memref<1x10240x64xf32, #tpu.memory_space<hbm>> -> memref<10240x64xf32, #tpu.memory_space<hbm>>
      %dma_wait3A_40 = arith.constant 0 : i32
      %dma_wait3A_41 = tpu.memref_slice %dma_wait3A_39[%multiple_of3A, %dma_wait3A_40] : memref<10240x64xf32, #tpu.memory_space<hbm>> -> memref<640x64xf32, #tpu.memory_space<hbm>>
      %dma_wait3A_42 = arith.constant 0 : i32
      %dma_wait3A_43 = tpu.memref_slice %arg13[%multiple_of3A, %dma_wait3A_42] : memref<10240x64xf32, #tpu.memory_space<vmem_shared>> -> memref<640x64xf32, #tpu.memory_space<vmem_shared>>
      tpu.wait_dma2 semaphore(%run_scoped3A : memref<!tpu.dma_semaphore, #tpu.memory_space<semaphore_mem>>) src(%dma_wait3A_43 : memref<640x64xf32, #tpu.memory_space<vmem_shared>>) dst(%dma_wait3A_41 : memref<640x64xf32, #tpu.memory_space<hbm>>)
      tpu.yield
    }) : () -> ()
    return
  }
}

#map = affine_map<(d0, d1) -> (0, 0, 0)>
#map1 = affine_map<(d0, d1) -> (0, 0)>
module attributes {stable_mosaic.version = 14 : i64} {
  func.func @agg(%arg0: i32, %arg1: i32, %arg2: memref<32x80x125xi32, #tpu.memory_space<hbm>>, %arg3: memref<32x80x125xi32, #tpu.memory_space<hbm>>, %arg4: memref<10000x64xf32, #tpu.memory_space<hbm>>, %arg5: memref<10240x64xf32, #tpu.memory_space<hbm>>, %arg6: memref<2x10240x64xf32, #tpu.memory_space<hbm>>, %arg7: memref<80x125xi32, #tpu.memory_space<vmem>>, %arg8: memref<80x125xi32, #tpu.memory_space<vmem>>, %arg9: memref<125x64xf32, #tpu.memory_space<vmem>>, %arg10: memref<125x64xf32, #tpu.memory_space<vmem>>, %arg11: memref<125x64xf32, #tpu.memory_space<vmem>>, %arg12: memref<125x64xf32, #tpu.memory_space<vmem>>, %arg13: memref<10240x64xf32, #tpu.memory_space<vmem_shared>>, %arg14: memref<!tpu.dma_semaphore, #tpu.memory_space<semaphore_mem>>, %arg15: memref<!tpu.dma_semaphore, #tpu.memory_space<semaphore_mem>>, %arg16: memref<!tpu.dma_semaphore, #tpu.memory_space<semaphore_mem>>, %arg17: memref<!tpu.dma_semaphore, #tpu.memory_space<semaphore_mem>>) attributes {dimension_semantics = [#tpu.dimension_semantics<core_parallel>, #tpu.dimension_semantics<subcore_parallel>], iteration_bounds = array<i64: 2, 16>, scalar_prefetch = 0 : i64, scratch_operands = 11 : i64, tpu.core_type = #tpu.core_type<sc_vector_subcore>, window_params = [{transform_indices = #map}, {transform_indices = #map}, {transform_indices = #map1}, {transform_indices = #map1}, {transform_indices = #map}]} {
    %mul3A = arith.constant 16 : i32
    %mul3A_0 = arith.muli %arg0, %mul3A : i32
    %add3A = arith.addi %mul3A_0, %arg1 : i32
    "tpu.region"() ({
      %run_scoped3A = tpu.sem_alloc : memref<!tpu.dma_semaphore, #tpu.memory_space<semaphore_mem>>
      %dma_start3A_29 = arith.constant 0 : i32
      %dma_start3A_30 = arith.constant 0 : i32
      %dma_start3A_31 = tpu.memref_slice %arg2[%add3A, %dma_start3A_29, %dma_start3A_30] : memref<32x80x125xi32, #tpu.memory_space<hbm>> -> memref<1x80x125xi32, #tpu.memory_space<hbm>>
      %dma_start3A_32 = tpu.memref_squeeze %dma_start3A_31 : memref<1x80x125xi32, #tpu.memory_space<hbm>> -> memref<80x125xi32, #tpu.memory_space<hbm>>
      %dma_start3A_33 = arith.constant 0 : i32
      %dma_start3A_34 = arith.constant 0 : i32
      %dma_start3A_35 = tpu.memref_slice %arg2[%add3A, %dma_start3A_33, %dma_start3A_34] : memref<32x80x125xi32, #tpu.memory_space<hbm>> -> memref<1x80x125xi32, #tpu.memory_space<hbm>>
      %dma_start3A_36 = tpu.memref_squeeze %dma_start3A_35 : memref<1x80x125xi32, #tpu.memory_space<hbm>> -> memref<80x125xi32, #tpu.memory_space<hbm>>
      tpu.enqueue_dma source(%dma_start3A_36 : memref<80x125xi32, #tpu.memory_space<hbm>>) target(%arg7 : memref<80x125xi32, #tpu.memory_space<vmem>>) target_semaphore(%run_scoped3A : memref<!tpu.dma_semaphore, #tpu.memory_space<semaphore_mem>>)
      %dma_wait3A = arith.constant 0 : i32
      %dma_wait3A_37 = arith.constant 0 : i32
      %dma_wait3A_38 = tpu.memref_slice %arg2[%add3A, %dma_wait3A, %dma_wait3A_37] : memref<32x80x125xi32, #tpu.memory_space<hbm>> -> memref<1x80x125xi32, #tpu.memory_space<hbm>>
      %dma_wait3A_39 = tpu.memref_squeeze %dma_wait3A_38 : memref<1x80x125xi32, #tpu.memory_space<hbm>> -> memref<80x125xi32, #tpu.memory_space<hbm>>
      %dma_wait3A_40 = arith.constant 0 : i32
      %dma_wait3A_41 = arith.constant 0 : i32
      %dma_wait3A_42 = tpu.memref_slice %arg2[%add3A, %dma_wait3A_40, %dma_wait3A_41] : memref<32x80x125xi32, #tpu.memory_space<hbm>> -> memref<1x80x125xi32, #tpu.memory_space<hbm>>
      %dma_wait3A_43 = tpu.memref_squeeze %dma_wait3A_42 : memref<1x80x125xi32, #tpu.memory_space<hbm>> -> memref<80x125xi32, #tpu.memory_space<hbm>>
      tpu.wait_dma2 semaphore(%run_scoped3A : memref<!tpu.dma_semaphore, #tpu.memory_space<semaphore_mem>>) src(%dma_wait3A_43 : memref<80x125xi32, #tpu.memory_space<hbm>>) dst(%arg7 : memref<80x125xi32, #tpu.memory_space<vmem>>)
      tpu.yield
    }) : () -> ()
    "tpu.region"() ({
      %run_scoped3A = tpu.sem_alloc : memref<!tpu.dma_semaphore, #tpu.memory_space<semaphore_mem>>
      %dma_start3A_29 = arith.constant 0 : i32
      %dma_start3A_30 = arith.constant 0 : i32
      %dma_start3A_31 = tpu.memref_slice %arg3[%add3A, %dma_start3A_29, %dma_start3A_30] : memref<32x80x125xi32, #tpu.memory_space<hbm>> -> memref<1x80x125xi32, #tpu.memory_space<hbm>>
      %dma_start3A_32 = tpu.memref_squeeze %dma_start3A_31 : memref<1x80x125xi32, #tpu.memory_space<hbm>> -> memref<80x125xi32, #tpu.memory_space<hbm>>
      %dma_start3A_33 = arith.constant 0 : i32
      %dma_start3A_34 = arith.constant 0 : i32
      %dma_start3A_35 = tpu.memref_slice %arg3[%add3A, %dma_start3A_33, %dma_start3A_34] : memref<32x80x125xi32, #tpu.memory_space<hbm>> -> memref<1x80x125xi32, #tpu.memory_space<hbm>>
      %dma_start3A_36 = tpu.memref_squeeze %dma_start3A_35 : memref<1x80x125xi32, #tpu.memory_space<hbm>> -> memref<80x125xi32, #tpu.memory_space<hbm>>
      tpu.enqueue_dma source(%dma_start3A_36 : memref<80x125xi32, #tpu.memory_space<hbm>>) target(%arg8 : memref<80x125xi32, #tpu.memory_space<vmem>>) target_semaphore(%run_scoped3A : memref<!tpu.dma_semaphore, #tpu.memory_space<semaphore_mem>>)
      %dma_wait3A = arith.constant 0 : i32
      %dma_wait3A_37 = arith.constant 0 : i32
      %dma_wait3A_38 = tpu.memref_slice %arg3[%add3A, %dma_wait3A, %dma_wait3A_37] : memref<32x80x125xi32, #tpu.memory_space<hbm>> -> memref<1x80x125xi32, #tpu.memory_space<hbm>>
      %dma_wait3A_39 = tpu.memref_squeeze %dma_wait3A_38 : memref<1x80x125xi32, #tpu.memory_space<hbm>> -> memref<80x125xi32, #tpu.memory_space<hbm>>
      %dma_wait3A_40 = arith.constant 0 : i32
      %dma_wait3A_41 = arith.constant 0 : i32
      %dma_wait3A_42 = tpu.memref_slice %arg3[%add3A, %dma_wait3A_40, %dma_wait3A_41] : memref<32x80x125xi32, #tpu.memory_space<hbm>> -> memref<1x80x125xi32, #tpu.memory_space<hbm>>
      %dma_wait3A_43 = tpu.memref_squeeze %dma_wait3A_42 : memref<1x80x125xi32, #tpu.memory_space<hbm>> -> memref<80x125xi32, #tpu.memory_space<hbm>>
      tpu.wait_dma2 semaphore(%run_scoped3A : memref<!tpu.dma_semaphore, #tpu.memory_space<semaphore_mem>>) src(%dma_wait3A_43 : memref<80x125xi32, #tpu.memory_space<hbm>>) dst(%arg8 : memref<80x125xi32, #tpu.memory_space<vmem>>)
      tpu.yield
    }) : () -> ()
    %dma_start3A = arith.constant 0 : i32
    %dma_start3A_1 = arith.constant 0 : i32
    %dma_start3A_2 = tpu.memref_slice %arg7[%dma_start3A, %dma_start3A_1] : memref<80x125xi32, #tpu.memory_space<vmem>> -> memref<1x125xi32, #tpu.memory_space<vmem>>
    %dma_start3A_3 = tpu.memref_squeeze %dma_start3A_2 : memref<1x125xi32, #tpu.memory_space<vmem>> -> memref<125xi32, #tpu.memory_space<vmem>>
    %dma_start3A_4 = arith.constant 0 : i32
    %dma_start3A_5 = arith.constant 0 : i32
    %dma_start3A_6 = tpu.memref_slice %arg4[%dma_start3A_4, %dma_start3A_5] : memref<10000x64xf32, #tpu.memory_space<hbm>> -> memref<10000x64xf32, #tpu.memory_space<hbm>>
    tpu.enqueue_indirect_dma source(%dma_start3A_6 : memref<10000x64xf32, #tpu.memory_space<hbm>>) target(%arg9 : memref<125x64xf32, #tpu.memory_space<vmem>>) offsets(%dma_start3A_3 : memref<125xi32, #tpu.memory_space<vmem>>) semaphore(%arg14 : memref<!tpu.dma_semaphore, #tpu.memory_space<semaphore_mem>>)
    %dma_start3A_7 = arith.constant 1 : i32
    %dma_start3A_8 = arith.constant 0 : i32
    %dma_start3A_9 = tpu.memref_slice %arg7[%dma_start3A_7, %dma_start3A_8] : memref<80x125xi32, #tpu.memory_space<vmem>> -> memref<1x125xi32, #tpu.memory_space<vmem>>
    %dma_start3A_10 = tpu.memref_squeeze %dma_start3A_9 : memref<1x125xi32, #tpu.memory_space<vmem>> -> memref<125xi32, #tpu.memory_space<vmem>>
    %dma_start3A_11 = arith.constant 0 : i32
    %dma_start3A_12 = arith.constant 0 : i32
    %dma_start3A_13 = tpu.memref_slice %arg4[%dma_start3A_11, %dma_start3A_12] : memref<10000x64xf32, #tpu.memory_space<hbm>> -> memref<10000x64xf32, #tpu.memory_space<hbm>>
    tpu.enqueue_indirect_dma source(%dma_start3A_13 : memref<10000x64xf32, #tpu.memory_space<hbm>>) target(%arg10 : memref<125x64xf32, #tpu.memory_space<vmem>>) offsets(%dma_start3A_10 : memref<125xi32, #tpu.memory_space<vmem>>) semaphore(%arg15 : memref<!tpu.dma_semaphore, #tpu.memory_space<semaphore_mem>>)
    %dma_start3A_14 = arith.constant 2 : i32
    %dma_start3A_15 = arith.constant 0 : i32
    %dma_start3A_16 = tpu.memref_slice %arg7[%dma_start3A_14, %dma_start3A_15] : memref<80x125xi32, #tpu.memory_space<vmem>> -> memref<1x125xi32, #tpu.memory_space<vmem>>
    %dma_start3A_17 = tpu.memref_squeeze %dma_start3A_16 : memref<1x125xi32, #tpu.memory_space<vmem>> -> memref<125xi32, #tpu.memory_space<vmem>>
    %dma_start3A_18 = arith.constant 0 : i32
    %dma_start3A_19 = arith.constant 0 : i32
    %dma_start3A_20 = tpu.memref_slice %arg4[%dma_start3A_18, %dma_start3A_19] : memref<10000x64xf32, #tpu.memory_space<hbm>> -> memref<10000x64xf32, #tpu.memory_space<hbm>>
    tpu.enqueue_indirect_dma source(%dma_start3A_20 : memref<10000x64xf32, #tpu.memory_space<hbm>>) target(%arg11 : memref<125x64xf32, #tpu.memory_space<vmem>>) offsets(%dma_start3A_17 : memref<125xi32, #tpu.memory_space<vmem>>) semaphore(%arg16 : memref<!tpu.dma_semaphore, #tpu.memory_space<semaphore_mem>>)
    %mul3A_21 = arith.constant 640 : i32
    %mul3A_22 = arith.muli %arg1, %mul3A_21 : i32
    %multiple_of3A = tpu.assume_multiple %mul3A_22, 8 : i32
    "tpu.region"() ({
      %run_scoped3A = tpu.sem_alloc : memref<!tpu.dma_semaphore, #tpu.memory_space<semaphore_mem>>
      %dma_start3A_29 = arith.constant 0 : i32
      %dma_start3A_30 = tpu.memref_slice %arg13[%multiple_of3A, %dma_start3A_29] : memref<10240x64xf32, #tpu.memory_space<vmem_shared>> -> memref<640x64xf32, #tpu.memory_space<vmem_shared>>
      %dma_start3A_31 = arith.constant 0 : i32
      %dma_start3A_32 = tpu.memref_slice %arg5[%multiple_of3A, %dma_start3A_31] : memref<10240x64xf32, #tpu.memory_space<hbm>> -> memref<640x64xf32, #tpu.memory_space<hbm>>
      tpu.enqueue_dma source(%dma_start3A_32 : memref<640x64xf32, #tpu.memory_space<hbm>>) target(%dma_start3A_30 : memref<640x64xf32, #tpu.memory_space<vmem_shared>>) target_semaphore(%run_scoped3A : memref<!tpu.dma_semaphore, #tpu.memory_space<semaphore_mem>>)
      %dma_wait3A = arith.constant 0 : i32
      %dma_wait3A_33 = tpu.memref_slice %arg13[%multiple_of3A, %dma_wait3A] : memref<10240x64xf32, #tpu.memory_space<vmem_shared>> -> memref<640x64xf32, #tpu.memory_space<vmem_shared>>
      %dma_wait3A_34 = arith.constant 0 : i32
      %dma_wait3A_35 = tpu.memref_slice %arg5[%multiple_of3A, %dma_wait3A_34] : memref<10240x64xf32, #tpu.memory_space<hbm>> -> memref<640x64xf32, #tpu.memory_space<hbm>>
      tpu.wait_dma2 semaphore(%run_scoped3A : memref<!tpu.dma_semaphore, #tpu.memory_space<semaphore_mem>>) src(%dma_wait3A_35 : memref<640x64xf32, #tpu.memory_space<hbm>>) dst(%dma_wait3A_33 : memref<640x64xf32, #tpu.memory_space<vmem_shared>>)
      tpu.yield
    }) : () -> ()
    %barrier3A = arith.constant 0 : index
    tpu.barrier barrier_id(%barrier3A)
    %scan3A = arith.constant 0 : i32
    %scan3A_23 = arith.constant 0 : i32
    %scan3A_24 = arith.constant 20 : i32
    %scan3A_25 = arith.addi %scan3A_23, %scan3A_24 : i32
    %scan3A_26 = arith.constant 1 : i32
    scf.for %scan3A_29 = %scan3A_23 to %scan3A_25 step %scan3A_26  : i32 {
      %mul3A_30 = arith.constant 4 : i32
      %mul3A_31 = arith.muli %scan3A_29, %mul3A_30 : i32
      %add3A_32 = arith.constant 0 : i32
      %add3A_33 = arith.addi %mul3A_31, %add3A_32 : i32
      %add3A_34 = arith.constant 3 : i32
      %add3A_35 = arith.addi %add3A_33, %add3A_34 : i32
      %lt3A = arith.constant 80 : i32
      %lt3A_36 = arith.cmpi slt, %add3A_35, %lt3A : i32
      %convert_element_type3A = arith.extui %lt3A_36 : i1 to i32
      %cond3A = arith.constant 0 : i32
      %cond3A_37 = arith.cmpi ne, %convert_element_type3A, %cond3A : i32
      scf.if %cond3A_37 {
        %dma_start3A_104 = arith.constant 0 : i32
        %dma_start3A_105 = tpu.memref_slice %arg7[%add3A_35, %dma_start3A_104] : memref<80x125xi32, #tpu.memory_space<vmem>> -> memref<1x125xi32, #tpu.memory_space<vmem>>
        %dma_start3A_106 = tpu.memref_squeeze %dma_start3A_105 : memref<1x125xi32, #tpu.memory_space<vmem>> -> memref<125xi32, #tpu.memory_space<vmem>>
        %dma_start3A_107 = arith.constant 0 : i32
        %dma_start3A_108 = arith.constant 0 : i32
        %dma_start3A_109 = tpu.memref_slice %arg4[%dma_start3A_107, %dma_start3A_108] : memref<10000x64xf32, #tpu.memory_space<hbm>> -> memref<10000x64xf32, #tpu.memory_space<hbm>>
        tpu.enqueue_indirect_dma source(%dma_start3A_109 : memref<10000x64xf32, #tpu.memory_space<hbm>>) target(%arg12 : memref<125x64xf32, #tpu.memory_space<vmem>>) offsets(%dma_start3A_106 : memref<125xi32, #tpu.memory_space<vmem>>) semaphore(%arg17 : memref<!tpu.dma_semaphore, #tpu.memory_space<semaphore_mem>>)
      } else {
      }
      %add3A_38 = arith.constant 0 : i32
      %add3A_39 = arith.addi %mul3A_31, %add3A_38 : i32
      %dma_wait3A = arith.constant 0 : i32
      %dma_wait3A_40 = tpu.memref_slice %arg7[%add3A_39, %dma_wait3A] : memref<80x125xi32, #tpu.memory_space<vmem>> -> memref<1x125xi32, #tpu.memory_space<vmem>>
      %dma_wait3A_41 = tpu.memref_squeeze %dma_wait3A_40 : memref<1x125xi32, #tpu.memory_space<vmem>> -> memref<125xi32, #tpu.memory_space<vmem>>
      %dma_wait3A_42 = arith.constant 0 : i32
      %dma_wait3A_43 = arith.constant 0 : i32
      %dma_wait3A_44 = tpu.memref_slice %arg4[%dma_wait3A_42, %dma_wait3A_43] : memref<10000x64xf32, #tpu.memory_space<hbm>> -> memref<10000x64xf32, #tpu.memory_space<hbm>>
      tpu.wait_indirect_dma semaphore(%arg14 : memref<!tpu.dma_semaphore, #tpu.memory_space<semaphore_mem>>) src(%dma_wait3A_44 : memref<10000x64xf32, #tpu.memory_space<hbm>>) dst(%arg9 : memref<125x64xf32, #tpu.memory_space<vmem>>)
      %add3A_45 = arith.constant 0 : i32
      %add3A_46 = arith.addi %mul3A_31, %add3A_45 : i32
      "tpu.region"() ({
        %run_scoped3A = tpu.sem_alloc : memref<!tpu.dma_semaphore, #tpu.memory_space<semaphore_mem>>
        %dma_start3A_104 = arith.constant 0 : i32
        %dma_start3A_105 = tpu.memref_slice %arg8[%add3A_46, %dma_start3A_104] : memref<80x125xi32, #tpu.memory_space<vmem>> -> memref<1x125xi32, #tpu.memory_space<vmem>>
        %dma_start3A_106 = tpu.memref_squeeze %dma_start3A_105 : memref<1x125xi32, #tpu.memory_space<vmem>> -> memref<125xi32, #tpu.memory_space<vmem>>
        %dma_start3A_107 = arith.constant 0 : i32
        %dma_start3A_108 = arith.constant 0 : i32
        %dma_start3A_109 = tpu.memref_slice %arg13[%dma_start3A_107, %dma_start3A_108] : memref<10240x64xf32, #tpu.memory_space<vmem_shared>> -> memref<10240x64xf32, #tpu.memory_space<vmem_shared>>
        tpu.enqueue_indirect_dma source(%arg9 : memref<125x64xf32, #tpu.memory_space<vmem>>) target(%dma_start3A_109 : memref<10240x64xf32, #tpu.memory_space<vmem_shared>>) offsets(%dma_start3A_106 : memref<125xi32, #tpu.memory_space<vmem>>) semaphore(%run_scoped3A : memref<!tpu.dma_semaphore, #tpu.memory_space<semaphore_mem>>) {add = true}
        %dma_wait3A_110 = arith.constant 0 : i32
        %dma_wait3A_111 = tpu.memref_slice %arg8[%add3A_46, %dma_wait3A_110] : memref<80x125xi32, #tpu.memory_space<vmem>> -> memref<1x125xi32, #tpu.memory_space<vmem>>
        %dma_wait3A_112 = tpu.memref_squeeze %dma_wait3A_111 : memref<1x125xi32, #tpu.memory_space<vmem>> -> memref<125xi32, #tpu.memory_space<vmem>>
        %dma_wait3A_113 = arith.constant 0 : i32
        %dma_wait3A_114 = arith.constant 0 : i32
        %dma_wait3A_115 = tpu.memref_slice %arg13[%dma_wait3A_113, %dma_wait3A_114] : memref<10240x64xf32, #tpu.memory_space<vmem_shared>> -> memref<10240x64xf32, #tpu.memory_space<vmem_shared>>
        tpu.wait_indirect_dma semaphore(%run_scoped3A : memref<!tpu.dma_semaphore, #tpu.memory_space<semaphore_mem>>) src(%arg9 : memref<125x64xf32, #tpu.memory_space<vmem>>) dst(%dma_wait3A_115 : memref<10240x64xf32, #tpu.memory_space<vmem_shared>>)
        tpu.yield
      }) : () -> ()
      %add3A_47 = arith.constant 1 : i32
      %add3A_48 = arith.addi %mul3A_31, %add3A_47 : i32
      %add3A_49 = arith.constant 3 : i32
      %add3A_50 = arith.addi %add3A_48, %add3A_49 : i32
      %lt3A_51 = arith.constant 80 : i32
      %lt3A_52 = arith.cmpi slt, %add3A_50, %lt3A_51 : i32
      %convert_element_type3A_53 = arith.extui %lt3A_52 : i1 to i32
      %cond3A_54 = arith.constant 0 : i32
      %cond3A_55 = arith.cmpi ne, %convert_element_type3A_53, %cond3A_54 : i32
      scf.if %cond3A_55 {
        %dma_start3A_104 = arith.constant 0 : i32
        %dma_start3A_105 = tpu.memref_slice %arg7[%add3A_50, %dma_start3A_104] : memref<80x125xi32, #tpu.memory_space<vmem>> -> memref<1x125xi32, #tpu.memory_space<vmem>>
        %dma_start3A_106 = tpu.memref_squeeze %dma_start3A_105 : memref<1x125xi32, #tpu.memory_space<vmem>> -> memref<125xi32, #tpu.memory_space<vmem>>
        %dma_start3A_107 = arith.constant 0 : i32
        %dma_start3A_108 = arith.constant 0 : i32
        %dma_start3A_109 = tpu.memref_slice %arg4[%dma_start3A_107, %dma_start3A_108] : memref<10000x64xf32, #tpu.memory_space<hbm>> -> memref<10000x64xf32, #tpu.memory_space<hbm>>
        tpu.enqueue_indirect_dma source(%dma_start3A_109 : memref<10000x64xf32, #tpu.memory_space<hbm>>) target(%arg9 : memref<125x64xf32, #tpu.memory_space<vmem>>) offsets(%dma_start3A_106 : memref<125xi32, #tpu.memory_space<vmem>>) semaphore(%arg14 : memref<!tpu.dma_semaphore, #tpu.memory_space<semaphore_mem>>)
      } else {
      }
      %add3A_56 = arith.constant 1 : i32
      %add3A_57 = arith.addi %mul3A_31, %add3A_56 : i32
      %dma_wait3A_58 = arith.constant 0 : i32
      %dma_wait3A_59 = tpu.memref_slice %arg7[%add3A_57, %dma_wait3A_58] : memref<80x125xi32, #tpu.memory_space<vmem>> -> memref<1x125xi32, #tpu.memory_space<vmem>>
      %dma_wait3A_60 = tpu.memref_squeeze %dma_wait3A_59 : memref<1x125xi32, #tpu.memory_space<vmem>> -> memref<125xi32, #tpu.memory_space<vmem>>
      %dma_wait3A_61 = arith.constant 0 : i32
      %dma_wait3A_62 = arith.constant 0 : i32
      %dma_wait3A_63 = tpu.memref_slice %arg4[%dma_wait3A_61, %dma_wait3A_62] : memref<10000x64xf32, #tpu.memory_space<hbm>> -> memref<10000x64xf32, #tpu.memory_space<hbm>>
      tpu.wait_indirect_dma semaphore(%arg15 : memref<!tpu.dma_semaphore, #tpu.memory_space<semaphore_mem>>) src(%dma_wait3A_63 : memref<10000x64xf32, #tpu.memory_space<hbm>>) dst(%arg10 : memref<125x64xf32, #tpu.memory_space<vmem>>)
      %add3A_64 = arith.constant 1 : i32
      %add3A_65 = arith.addi %mul3A_31, %add3A_64 : i32
      "tpu.region"() ({
        %run_scoped3A = tpu.sem_alloc : memref<!tpu.dma_semaphore, #tpu.memory_space<semaphore_mem>>
        %dma_start3A_104 = arith.constant 0 : i32
        %dma_start3A_105 = tpu.memref_slice %arg8[%add3A_65, %dma_start3A_104] : memref<80x125xi32, #tpu.memory_space<vmem>> -> memref<1x125xi32, #tpu.memory_space<vmem>>
        %dma_start3A_106 = tpu.memref_squeeze %dma_start3A_105 : memref<1x125xi32, #tpu.memory_space<vmem>> -> memref<125xi32, #tpu.memory_space<vmem>>
        %dma_start3A_107 = arith.constant 0 : i32
        %dma_start3A_108 = arith.constant 0 : i32
        %dma_start3A_109 = tpu.memref_slice %arg13[%dma_start3A_107, %dma_start3A_108] : memref<10240x64xf32, #tpu.memory_space<vmem_shared>> -> memref<10240x64xf32, #tpu.memory_space<vmem_shared>>
        tpu.enqueue_indirect_dma source(%arg10 : memref<125x64xf32, #tpu.memory_space<vmem>>) target(%dma_start3A_109 : memref<10240x64xf32, #tpu.memory_space<vmem_shared>>) offsets(%dma_start3A_106 : memref<125xi32, #tpu.memory_space<vmem>>) semaphore(%run_scoped3A : memref<!tpu.dma_semaphore, #tpu.memory_space<semaphore_mem>>) {add = true}
        %dma_wait3A_110 = arith.constant 0 : i32
        %dma_wait3A_111 = tpu.memref_slice %arg8[%add3A_65, %dma_wait3A_110] : memref<80x125xi32, #tpu.memory_space<vmem>> -> memref<1x125xi32, #tpu.memory_space<vmem>>
        %dma_wait3A_112 = tpu.memref_squeeze %dma_wait3A_111 : memref<1x125xi32, #tpu.memory_space<vmem>> -> memref<125xi32, #tpu.memory_space<vmem>>
        %dma_wait3A_113 = arith.constant 0 : i32
        %dma_wait3A_114 = arith.constant 0 : i32
        %dma_wait3A_115 = tpu.memref_slice %arg13[%dma_wait3A_113, %dma_wait3A_114] : memref<10240x64xf32, #tpu.memory_space<vmem_shared>> -> memref<10240x64xf32, #tpu.memory_space<vmem_shared>>
        tpu.wait_indirect_dma semaphore(%run_scoped3A : memref<!tpu.dma_semaphore, #tpu.memory_space<semaphore_mem>>) src(%arg10 : memref<125x64xf32, #tpu.memory_space<vmem>>) dst(%dma_wait3A_115 : memref<10240x64xf32, #tpu.memory_space<vmem_shared>>)
        tpu.yield
      }) : () -> ()
      %add3A_66 = arith.constant 2 : i32
      %add3A_67 = arith.addi %mul3A_31, %add3A_66 : i32
      %add3A_68 = arith.constant 3 : i32
      %add3A_69 = arith.addi %add3A_67, %add3A_68 : i32
      %lt3A_70 = arith.constant 80 : i32
      %lt3A_71 = arith.cmpi slt, %add3A_69, %lt3A_70 : i32
      %convert_element_type3A_72 = arith.extui %lt3A_71 : i1 to i32
      %cond3A_73 = arith.constant 0 : i32
      %cond3A_74 = arith.cmpi ne, %convert_element_type3A_72, %cond3A_73 : i32
      scf.if %cond3A_74 {
        %dma_start3A_104 = arith.constant 0 : i32
        %dma_start3A_105 = tpu.memref_slice %arg7[%add3A_69, %dma_start3A_104] : memref<80x125xi32, #tpu.memory_space<vmem>> -> memref<1x125xi32, #tpu.memory_space<vmem>>
        %dma_start3A_106 = tpu.memref_squeeze %dma_start3A_105 : memref<1x125xi32, #tpu.memory_space<vmem>> -> memref<125xi32, #tpu.memory_space<vmem>>
        %dma_start3A_107 = arith.constant 0 : i32
        %dma_start3A_108 = arith.constant 0 : i32
        %dma_start3A_109 = tpu.memref_slice %arg4[%dma_start3A_107, %dma_start3A_108] : memref<10000x64xf32, #tpu.memory_space<hbm>> -> memref<10000x64xf32, #tpu.memory_space<hbm>>
        tpu.enqueue_indirect_dma source(%dma_start3A_109 : memref<10000x64xf32, #tpu.memory_space<hbm>>) target(%arg10 : memref<125x64xf32, #tpu.memory_space<vmem>>) offsets(%dma_start3A_106 : memref<125xi32, #tpu.memory_space<vmem>>) semaphore(%arg15 : memref<!tpu.dma_semaphore, #tpu.memory_space<semaphore_mem>>)
      } else {
      }
      %add3A_75 = arith.constant 2 : i32
      %add3A_76 = arith.addi %mul3A_31, %add3A_75 : i32
      %dma_wait3A_77 = arith.constant 0 : i32
      %dma_wait3A_78 = tpu.memref_slice %arg7[%add3A_76, %dma_wait3A_77] : memref<80x125xi32, #tpu.memory_space<vmem>> -> memref<1x125xi32, #tpu.memory_space<vmem>>
      %dma_wait3A_79 = tpu.memref_squeeze %dma_wait3A_78 : memref<1x125xi32, #tpu.memory_space<vmem>> -> memref<125xi32, #tpu.memory_space<vmem>>
      %dma_wait3A_80 = arith.constant 0 : i32
      %dma_wait3A_81 = arith.constant 0 : i32
      %dma_wait3A_82 = tpu.memref_slice %arg4[%dma_wait3A_80, %dma_wait3A_81] : memref<10000x64xf32, #tpu.memory_space<hbm>> -> memref<10000x64xf32, #tpu.memory_space<hbm>>
      tpu.wait_indirect_dma semaphore(%arg16 : memref<!tpu.dma_semaphore, #tpu.memory_space<semaphore_mem>>) src(%dma_wait3A_82 : memref<10000x64xf32, #tpu.memory_space<hbm>>) dst(%arg11 : memref<125x64xf32, #tpu.memory_space<vmem>>)
      %add3A_83 = arith.constant 2 : i32
      %add3A_84 = arith.addi %mul3A_31, %add3A_83 : i32
      "tpu.region"() ({
        %run_scoped3A = tpu.sem_alloc : memref<!tpu.dma_semaphore, #tpu.memory_space<semaphore_mem>>
        %dma_start3A_104 = arith.constant 0 : i32
        %dma_start3A_105 = tpu.memref_slice %arg8[%add3A_84, %dma_start3A_104] : memref<80x125xi32, #tpu.memory_space<vmem>> -> memref<1x125xi32, #tpu.memory_space<vmem>>
        %dma_start3A_106 = tpu.memref_squeeze %dma_start3A_105 : memref<1x125xi32, #tpu.memory_space<vmem>> -> memref<125xi32, #tpu.memory_space<vmem>>
        %dma_start3A_107 = arith.constant 0 : i32
        %dma_start3A_108 = arith.constant 0 : i32
        %dma_start3A_109 = tpu.memref_slice %arg13[%dma_start3A_107, %dma_start3A_108] : memref<10240x64xf32, #tpu.memory_space<vmem_shared>> -> memref<10240x64xf32, #tpu.memory_space<vmem_shared>>
        tpu.enqueue_indirect_dma source(%arg11 : memref<125x64xf32, #tpu.memory_space<vmem>>) target(%dma_start3A_109 : memref<10240x64xf32, #tpu.memory_space<vmem_shared>>) offsets(%dma_start3A_106 : memref<125xi32, #tpu.memory_space<vmem>>) semaphore(%run_scoped3A : memref<!tpu.dma_semaphore, #tpu.memory_space<semaphore_mem>>) {add = true}
        %dma_wait3A_110 = arith.constant 0 : i32
        %dma_wait3A_111 = tpu.memref_slice %arg8[%add3A_84, %dma_wait3A_110] : memref<80x125xi32, #tpu.memory_space<vmem>> -> memref<1x125xi32, #tpu.memory_space<vmem>>
        %dma_wait3A_112 = tpu.memref_squeeze %dma_wait3A_111 : memref<1x125xi32, #tpu.memory_space<vmem>> -> memref<125xi32, #tpu.memory_space<vmem>>
        %dma_wait3A_113 = arith.constant 0 : i32
        %dma_wait3A_114 = arith.constant 0 : i32
        %dma_wait3A_115 = tpu.memref_slice %arg13[%dma_wait3A_113, %dma_wait3A_114] : memref<10240x64xf32, #tpu.memory_space<vmem_shared>> -> memref<10240x64xf32, #tpu.memory_space<vmem_shared>>
        tpu.wait_indirect_dma semaphore(%run_scoped3A : memref<!tpu.dma_semaphore, #tpu.memory_space<semaphore_mem>>) src(%arg11 : memref<125x64xf32, #tpu.memory_space<vmem>>) dst(%dma_wait3A_115 : memref<10240x64xf32, #tpu.memory_space<vmem_shared>>)
        tpu.yield
      }) : () -> ()
      %add3A_85 = arith.constant 3 : i32
      %add3A_86 = arith.addi %mul3A_31, %add3A_85 : i32
      %add3A_87 = arith.constant 3 : i32
      %add3A_88 = arith.addi %add3A_86, %add3A_87 : i32
      %lt3A_89 = arith.constant 80 : i32
      %lt3A_90 = arith.cmpi slt, %add3A_88, %lt3A_89 : i32
      %convert_element_type3A_91 = arith.extui %lt3A_90 : i1 to i32
      %cond3A_92 = arith.constant 0 : i32
      %cond3A_93 = arith.cmpi ne, %convert_element_type3A_91, %cond3A_92 : i32
      scf.if %cond3A_93 {
        %dma_start3A_104 = arith.constant 0 : i32
        %dma_start3A_105 = tpu.memref_slice %arg7[%add3A_88, %dma_start3A_104] : memref<80x125xi32, #tpu.memory_space<vmem>> -> memref<1x125xi32, #tpu.memory_space<vmem>>
        %dma_start3A_106 = tpu.memref_squeeze %dma_start3A_105 : memref<1x125xi32, #tpu.memory_space<vmem>> -> memref<125xi32, #tpu.memory_space<vmem>>
        %dma_start3A_107 = arith.constant 0 : i32
        %dma_start3A_108 = arith.constant 0 : i32
        %dma_start3A_109 = tpu.memref_slice %arg4[%dma_start3A_107, %dma_start3A_108] : memref<10000x64xf32, #tpu.memory_space<hbm>> -> memref<10000x64xf32, #tpu.memory_space<hbm>>
        tpu.enqueue_indirect_dma source(%dma_start3A_109 : memref<10000x64xf32, #tpu.memory_space<hbm>>) target(%arg11 : memref<125x64xf32, #tpu.memory_space<vmem>>) offsets(%dma_start3A_106 : memref<125xi32, #tpu.memory_space<vmem>>) semaphore(%arg16 : memref<!tpu.dma_semaphore, #tpu.memory_space<semaphore_mem>>)
      } else {
      }
      %add3A_94 = arith.constant 3 : i32
      %add3A_95 = arith.addi %mul3A_31, %add3A_94 : i32
      %dma_wait3A_96 = arith.constant 0 : i32
      %dma_wait3A_97 = tpu.memref_slice %arg7[%add3A_95, %dma_wait3A_96] : memref<80x125xi32, #tpu.memory_space<vmem>> -> memref<1x125xi32, #tpu.memory_space<vmem>>
      %dma_wait3A_98 = tpu.memref_squeeze %dma_wait3A_97 : memref<1x125xi32, #tpu.memory_space<vmem>> -> memref<125xi32, #tpu.memory_space<vmem>>
      %dma_wait3A_99 = arith.constant 0 : i32
      %dma_wait3A_100 = arith.constant 0 : i32
      %dma_wait3A_101 = tpu.memref_slice %arg4[%dma_wait3A_99, %dma_wait3A_100] : memref<10000x64xf32, #tpu.memory_space<hbm>> -> memref<10000x64xf32, #tpu.memory_space<hbm>>
      tpu.wait_indirect_dma semaphore(%arg17 : memref<!tpu.dma_semaphore, #tpu.memory_space<semaphore_mem>>) src(%dma_wait3A_101 : memref<10000x64xf32, #tpu.memory_space<hbm>>) dst(%arg12 : memref<125x64xf32, #tpu.memory_space<vmem>>)
      %add3A_102 = arith.constant 3 : i32
      %add3A_103 = arith.addi %mul3A_31, %add3A_102 : i32
      "tpu.region"() ({
        %run_scoped3A = tpu.sem_alloc : memref<!tpu.dma_semaphore, #tpu.memory_space<semaphore_mem>>
        %dma_start3A_104 = arith.constant 0 : i32
        %dma_start3A_105 = tpu.memref_slice %arg8[%add3A_103, %dma_start3A_104] : memref<80x125xi32, #tpu.memory_space<vmem>> -> memref<1x125xi32, #tpu.memory_space<vmem>>
        %dma_start3A_106 = tpu.memref_squeeze %dma_start3A_105 : memref<1x125xi32, #tpu.memory_space<vmem>> -> memref<125xi32, #tpu.memory_space<vmem>>
        %dma_start3A_107 = arith.constant 0 : i32
        %dma_start3A_108 = arith.constant 0 : i32
        %dma_start3A_109 = tpu.memref_slice %arg13[%dma_start3A_107, %dma_start3A_108] : memref<10240x64xf32, #tpu.memory_space<vmem_shared>> -> memref<10240x64xf32, #tpu.memory_space<vmem_shared>>
        tpu.enqueue_indirect_dma source(%arg12 : memref<125x64xf32, #tpu.memory_space<vmem>>) target(%dma_start3A_109 : memref<10240x64xf32, #tpu.memory_space<vmem_shared>>) offsets(%dma_start3A_106 : memref<125xi32, #tpu.memory_space<vmem>>) semaphore(%run_scoped3A : memref<!tpu.dma_semaphore, #tpu.memory_space<semaphore_mem>>) {add = true}
        %dma_wait3A_110 = arith.constant 0 : i32
        %dma_wait3A_111 = tpu.memref_slice %arg8[%add3A_103, %dma_wait3A_110] : memref<80x125xi32, #tpu.memory_space<vmem>> -> memref<1x125xi32, #tpu.memory_space<vmem>>
        %dma_wait3A_112 = tpu.memref_squeeze %dma_wait3A_111 : memref<1x125xi32, #tpu.memory_space<vmem>> -> memref<125xi32, #tpu.memory_space<vmem>>
        %dma_wait3A_113 = arith.constant 0 : i32
        %dma_wait3A_114 = arith.constant 0 : i32
        %dma_wait3A_115 = tpu.memref_slice %arg13[%dma_wait3A_113, %dma_wait3A_114] : memref<10240x64xf32, #tpu.memory_space<vmem_shared>> -> memref<10240x64xf32, #tpu.memory_space<vmem_shared>>
        tpu.wait_indirect_dma semaphore(%run_scoped3A : memref<!tpu.dma_semaphore, #tpu.memory_space<semaphore_mem>>) src(%arg12 : memref<125x64xf32, #tpu.memory_space<vmem>>) dst(%dma_wait3A_115 : memref<10240x64xf32, #tpu.memory_space<vmem_shared>>)
        tpu.yield
      }) : () -> ()
    }
    %scan3A_27 = arith.constant 20 : i32
    %barrier3A_28 = arith.constant 0 : index
    tpu.barrier barrier_id(%barrier3A_28)
    "tpu.region"() ({
      %run_scoped3A = tpu.sem_alloc : memref<!tpu.dma_semaphore, #tpu.memory_space<semaphore_mem>>
      %dma_start3A_29 = arith.constant 0 : i32
      %dma_start3A_30 = arith.constant 0 : i32
      %dma_start3A_31 = tpu.memref_slice %arg6[%arg0, %dma_start3A_29, %dma_start3A_30] : memref<2x10240x64xf32, #tpu.memory_space<hbm>> -> memref<1x10240x64xf32, #tpu.memory_space<hbm>>
      %dma_start3A_32 = tpu.memref_squeeze %dma_start3A_31 : memref<1x10240x64xf32, #tpu.memory_space<hbm>> -> memref<10240x64xf32, #tpu.memory_space<hbm>>
      %dma_start3A_33 = arith.constant 0 : i32
      %dma_start3A_34 = tpu.memref_slice %dma_start3A_32[%multiple_of3A, %dma_start3A_33] : memref<10240x64xf32, #tpu.memory_space<hbm>> -> memref<640x64xf32, #tpu.memory_space<hbm>>
      %dma_start3A_35 = arith.constant 0 : i32
      %dma_start3A_36 = tpu.memref_slice %arg13[%multiple_of3A, %dma_start3A_35] : memref<10240x64xf32, #tpu.memory_space<vmem_shared>> -> memref<640x64xf32, #tpu.memory_space<vmem_shared>>
      tpu.enqueue_dma source(%dma_start3A_36 : memref<640x64xf32, #tpu.memory_space<vmem_shared>>) target(%dma_start3A_34 : memref<640x64xf32, #tpu.memory_space<hbm>>) target_semaphore(%run_scoped3A : memref<!tpu.dma_semaphore, #tpu.memory_space<semaphore_mem>>)
      %dma_wait3A = arith.constant 0 : i32
      %dma_wait3A_37 = arith.constant 0 : i32
      %dma_wait3A_38 = tpu.memref_slice %arg6[%arg0, %dma_wait3A, %dma_wait3A_37] : memref<2x10240x64xf32, #tpu.memory_space<hbm>> -> memref<1x10240x64xf32, #tpu.memory_space<hbm>>
      %dma_wait3A_39 = tpu.memref_squeeze %dma_wait3A_38 : memref<1x10240x64xf32, #tpu.memory_space<hbm>> -> memref<10240x64xf32, #tpu.memory_space<hbm>>
      %dma_wait3A_40 = arith.constant 0 : i32
      %dma_wait3A_41 = tpu.memref_slice %dma_wait3A_39[%multiple_of3A, %dma_wait3A_40] : memref<10240x64xf32, #tpu.memory_space<hbm>> -> memref<640x64xf32, #tpu.memory_space<hbm>>
      %dma_wait3A_42 = arith.constant 0 : i32
      %dma_wait3A_43 = tpu.memref_slice %arg13[%multiple_of3A, %dma_wait3A_42] : memref<10240x64xf32, #tpu.memory_space<vmem_shared>> -> memref<640x64xf32, #tpu.memory_space<vmem_shared>>
      tpu.wait_dma2 semaphore(%run_scoped3A : memref<!tpu.dma_semaphore, #tpu.memory_space<semaphore_mem>>) src(%dma_wait3A_43 : memref<640x64xf32, #tpu.memory_space<vmem_shared>>) dst(%dma_wait3A_41 : memref<640x64xf32, #tpu.memory_space<hbm>>)
      tpu.yield
    }) : () -> ()
    return
  }
}

#map = affine_map<(d0, d1) -> (0, 0, 0)>
#map1 = affine_map<(d0, d1) -> (0, 0)>
module attributes {stable_mosaic.version = 14 : i64} {
  func.func @agg(%arg0: i32, %arg1: i32, %arg2: memref<32x80x125xi32, #tpu.memory_space<hbm>>, %arg3: memref<32x80x125xi32, #tpu.memory_space<hbm>>, %arg4: memref<10000x64xf32, #tpu.memory_space<hbm>>, %arg5: memref<10240x64xf32, #tpu.memory_space<hbm>>, %arg6: memref<2x10240x64xf32, #tpu.memory_space<hbm>>, %arg7: memref<80x125xi32, #tpu.memory_space<vmem>>, %arg8: memref<80x125xi32, #tpu.memory_space<vmem>>, %arg9: memref<125x64xf32, #tpu.memory_space<vmem>>, %arg10: memref<125x64xf32, #tpu.memory_space<vmem>>, %arg11: memref<125x64xf32, #tpu.memory_space<vmem>>, %arg12: memref<125x64xf32, #tpu.memory_space<vmem>>, %arg13: memref<10240x64xf32, #tpu.memory_space<vmem_shared>>, %arg14: memref<!tpu.dma_semaphore, #tpu.memory_space<semaphore_mem>>, %arg15: memref<!tpu.dma_semaphore, #tpu.memory_space<semaphore_mem>>, %arg16: memref<!tpu.dma_semaphore, #tpu.memory_space<semaphore_mem>>, %arg17: memref<!tpu.dma_semaphore, #tpu.memory_space<semaphore_mem>>) attributes {dimension_semantics = [#tpu.dimension_semantics<core_parallel>, #tpu.dimension_semantics<subcore_parallel>], iteration_bounds = array<i64: 2, 16>, scalar_prefetch = 0 : i64, scratch_operands = 11 : i64, tpu.core_type = #tpu.core_type<sc_vector_subcore>, window_params = [{transform_indices = #map}, {transform_indices = #map}, {transform_indices = #map1}, {transform_indices = #map1}, {transform_indices = #map}]} {
    %mul3A = arith.constant 16 : i32
    %mul3A_0 = arith.muli %arg0, %mul3A : i32
    %add3A = arith.addi %mul3A_0, %arg1 : i32
    "tpu.region"() ({
      %run_scoped3A = tpu.sem_alloc : memref<!tpu.dma_semaphore, #tpu.memory_space<semaphore_mem>>
      %dma_start3A_29 = arith.constant 0 : i32
      %dma_start3A_30 = arith.constant 0 : i32
      %dma_start3A_31 = tpu.memref_slice %arg2[%add3A, %dma_start3A_29, %dma_start3A_30] : memref<32x80x125xi32, #tpu.memory_space<hbm>> -> memref<1x80x125xi32, #tpu.memory_space<hbm>>
      %dma_start3A_32 = tpu.memref_squeeze %dma_start3A_31 : memref<1x80x125xi32, #tpu.memory_space<hbm>> -> memref<80x125xi32, #tpu.memory_space<hbm>>
      %dma_start3A_33 = arith.constant 0 : i32
      %dma_start3A_34 = arith.constant 0 : i32
      %dma_start3A_35 = tpu.memref_slice %arg2[%add3A, %dma_start3A_33, %dma_start3A_34] : memref<32x80x125xi32, #tpu.memory_space<hbm>> -> memref<1x80x125xi32, #tpu.memory_space<hbm>>
      %dma_start3A_36 = tpu.memref_squeeze %dma_start3A_35 : memref<1x80x125xi32, #tpu.memory_space<hbm>> -> memref<80x125xi32, #tpu.memory_space<hbm>>
      tpu.enqueue_dma source(%dma_start3A_36 : memref<80x125xi32, #tpu.memory_space<hbm>>) target(%arg7 : memref<80x125xi32, #tpu.memory_space<vmem>>) target_semaphore(%run_scoped3A : memref<!tpu.dma_semaphore, #tpu.memory_space<semaphore_mem>>)
      %dma_wait3A = arith.constant 0 : i32
      %dma_wait3A_37 = arith.constant 0 : i32
      %dma_wait3A_38 = tpu.memref_slice %arg2[%add3A, %dma_wait3A, %dma_wait3A_37] : memref<32x80x125xi32, #tpu.memory_space<hbm>> -> memref<1x80x125xi32, #tpu.memory_space<hbm>>
      %dma_wait3A_39 = tpu.memref_squeeze %dma_wait3A_38 : memref<1x80x125xi32, #tpu.memory_space<hbm>> -> memref<80x125xi32, #tpu.memory_space<hbm>>
      %dma_wait3A_40 = arith.constant 0 : i32
      %dma_wait3A_41 = arith.constant 0 : i32
      %dma_wait3A_42 = tpu.memref_slice %arg2[%add3A, %dma_wait3A_40, %dma_wait3A_41] : memref<32x80x125xi32, #tpu.memory_space<hbm>> -> memref<1x80x125xi32, #tpu.memory_space<hbm>>
      %dma_wait3A_43 = tpu.memref_squeeze %dma_wait3A_42 : memref<1x80x125xi32, #tpu.memory_space<hbm>> -> memref<80x125xi32, #tpu.memory_space<hbm>>
      tpu.wait_dma2 semaphore(%run_scoped3A : memref<!tpu.dma_semaphore, #tpu.memory_space<semaphore_mem>>) src(%dma_wait3A_43 : memref<80x125xi32, #tpu.memory_space<hbm>>) dst(%arg7 : memref<80x125xi32, #tpu.memory_space<vmem>>)
      tpu.yield
    }) : () -> ()
    "tpu.region"() ({
      %run_scoped3A = tpu.sem_alloc : memref<!tpu.dma_semaphore, #tpu.memory_space<semaphore_mem>>
      %dma_start3A_29 = arith.constant 0 : i32
      %dma_start3A_30 = arith.constant 0 : i32
      %dma_start3A_31 = tpu.memref_slice %arg3[%add3A, %dma_start3A_29, %dma_start3A_30] : memref<32x80x125xi32, #tpu.memory_space<hbm>> -> memref<1x80x125xi32, #tpu.memory_space<hbm>>
      %dma_start3A_32 = tpu.memref_squeeze %dma_start3A_31 : memref<1x80x125xi32, #tpu.memory_space<hbm>> -> memref<80x125xi32, #tpu.memory_space<hbm>>
      %dma_start3A_33 = arith.constant 0 : i32
      %dma_start3A_34 = arith.constant 0 : i32
      %dma_start3A_35 = tpu.memref_slice %arg3[%add3A, %dma_start3A_33, %dma_start3A_34] : memref<32x80x125xi32, #tpu.memory_space<hbm>> -> memref<1x80x125xi32, #tpu.memory_space<hbm>>
      %dma_start3A_36 = tpu.memref_squeeze %dma_start3A_35 : memref<1x80x125xi32, #tpu.memory_space<hbm>> -> memref<80x125xi32, #tpu.memory_space<hbm>>
      tpu.enqueue_dma source(%dma_start3A_36 : memref<80x125xi32, #tpu.memory_space<hbm>>) target(%arg8 : memref<80x125xi32, #tpu.memory_space<vmem>>) target_semaphore(%run_scoped3A : memref<!tpu.dma_semaphore, #tpu.memory_space<semaphore_mem>>)
      %dma_wait3A = arith.constant 0 : i32
      %dma_wait3A_37 = arith.constant 0 : i32
      %dma_wait3A_38 = tpu.memref_slice %arg3[%add3A, %dma_wait3A, %dma_wait3A_37] : memref<32x80x125xi32, #tpu.memory_space<hbm>> -> memref<1x80x125xi32, #tpu.memory_space<hbm>>
      %dma_wait3A_39 = tpu.memref_squeeze %dma_wait3A_38 : memref<1x80x125xi32, #tpu.memory_space<hbm>> -> memref<80x125xi32, #tpu.memory_space<hbm>>
      %dma_wait3A_40 = arith.constant 0 : i32
      %dma_wait3A_41 = arith.constant 0 : i32
      %dma_wait3A_42 = tpu.memref_slice %arg3[%add3A, %dma_wait3A_40, %dma_wait3A_41] : memref<32x80x125xi32, #tpu.memory_space<hbm>> -> memref<1x80x125xi32, #tpu.memory_space<hbm>>
      %dma_wait3A_43 = tpu.memref_squeeze %dma_wait3A_42 : memref<1x80x125xi32, #tpu.memory_space<hbm>> -> memref<80x125xi32, #tpu.memory_space<hbm>>
      tpu.wait_dma2 semaphore(%run_scoped3A : memref<!tpu.dma_semaphore, #tpu.memory_space<semaphore_mem>>) src(%dma_wait3A_43 : memref<80x125xi32, #tpu.memory_space<hbm>>) dst(%arg8 : memref<80x125xi32, #tpu.memory_space<vmem>>)
      tpu.yield
    }) : () -> ()
    %dma_start3A = arith.constant 0 : i32
    %dma_start3A_1 = arith.constant 0 : i32
    %dma_start3A_2 = tpu.memref_slice %arg7[%dma_start3A, %dma_start3A_1] : memref<80x125xi32, #tpu.memory_space<vmem>> -> memref<1x125xi32, #tpu.memory_space<vmem>>
    %dma_start3A_3 = tpu.memref_squeeze %dma_start3A_2 : memref<1x125xi32, #tpu.memory_space<vmem>> -> memref<125xi32, #tpu.memory_space<vmem>>
    %dma_start3A_4 = arith.constant 0 : i32
    %dma_start3A_5 = arith.constant 0 : i32
    %dma_start3A_6 = tpu.memref_slice %arg4[%dma_start3A_4, %dma_start3A_5] : memref<10000x64xf32, #tpu.memory_space<hbm>> -> memref<10000x64xf32, #tpu.memory_space<hbm>>
    tpu.enqueue_indirect_dma source(%dma_start3A_6 : memref<10000x64xf32, #tpu.memory_space<hbm>>) target(%arg9 : memref<125x64xf32, #tpu.memory_space<vmem>>) offsets(%dma_start3A_3 : memref<125xi32, #tpu.memory_space<vmem>>) semaphore(%arg14 : memref<!tpu.dma_semaphore, #tpu.memory_space<semaphore_mem>>)
    %dma_start3A_7 = arith.constant 1 : i32
    %dma_start3A_8 = arith.constant 0 : i32
    %dma_start3A_9 = tpu.memref_slice %arg7[%dma_start3A_7, %dma_start3A_8] : memref<80x125xi32, #tpu.memory_space<vmem>> -> memref<1x125xi32, #tpu.memory_space<vmem>>
    %dma_start3A_10 = tpu.memref_squeeze %dma_start3A_9 : memref<1x125xi32, #tpu.memory_space<vmem>> -> memref<125xi32, #tpu.memory_space<vmem>>
    %dma_start3A_11 = arith.constant 0 : i32
    %dma_start3A_12 = arith.constant 0 : i32
    %dma_start3A_13 = tpu.memref_slice %arg4[%dma_start3A_11, %dma_start3A_12] : memref<10000x64xf32, #tpu.memory_space<hbm>> -> memref<10000x64xf32, #tpu.memory_space<hbm>>
    tpu.enqueue_indirect_dma source(%dma_start3A_13 : memref<10000x64xf32, #tpu.memory_space<hbm>>) target(%arg10 : memref<125x64xf32, #tpu.memory_space<vmem>>) offsets(%dma_start3A_10 : memref<125xi32, #tpu.memory_space<vmem>>) semaphore(%arg15 : memref<!tpu.dma_semaphore, #tpu.memory_space<semaphore_mem>>)
    %dma_start3A_14 = arith.constant 2 : i32
    %dma_start3A_15 = arith.constant 0 : i32
    %dma_start3A_16 = tpu.memref_slice %arg7[%dma_start3A_14, %dma_start3A_15] : memref<80x125xi32, #tpu.memory_space<vmem>> -> memref<1x125xi32, #tpu.memory_space<vmem>>
    %dma_start3A_17 = tpu.memref_squeeze %dma_start3A_16 : memref<1x125xi32, #tpu.memory_space<vmem>> -> memref<125xi32, #tpu.memory_space<vmem>>
    %dma_start3A_18 = arith.constant 0 : i32
    %dma_start3A_19 = arith.constant 0 : i32
    %dma_start3A_20 = tpu.memref_slice %arg4[%dma_start3A_18, %dma_start3A_19] : memref<10000x64xf32, #tpu.memory_space<hbm>> -> memref<10000x64xf32, #tpu.memory_space<hbm>>
    tpu.enqueue_indirect_dma source(%dma_start3A_20 : memref<10000x64xf32, #tpu.memory_space<hbm>>) target(%arg11 : memref<125x64xf32, #tpu.memory_space<vmem>>) offsets(%dma_start3A_17 : memref<125xi32, #tpu.memory_space<vmem>>) semaphore(%arg16 : memref<!tpu.dma_semaphore, #tpu.memory_space<semaphore_mem>>)
    %mul3A_21 = arith.constant 640 : i32
    %mul3A_22 = arith.muli %arg1, %mul3A_21 : i32
    %multiple_of3A = tpu.assume_multiple %mul3A_22, 8 : i32
    "tpu.region"() ({
      %run_scoped3A = tpu.sem_alloc : memref<!tpu.dma_semaphore, #tpu.memory_space<semaphore_mem>>
      %dma_start3A_29 = arith.constant 0 : i32
      %dma_start3A_30 = tpu.memref_slice %arg13[%multiple_of3A, %dma_start3A_29] : memref<10240x64xf32, #tpu.memory_space<vmem_shared>> -> memref<640x64xf32, #tpu.memory_space<vmem_shared>>
      %dma_start3A_31 = arith.constant 0 : i32
      %dma_start3A_32 = tpu.memref_slice %arg5[%multiple_of3A, %dma_start3A_31] : memref<10240x64xf32, #tpu.memory_space<hbm>> -> memref<640x64xf32, #tpu.memory_space<hbm>>
      tpu.enqueue_dma source(%dma_start3A_32 : memref<640x64xf32, #tpu.memory_space<hbm>>) target(%dma_start3A_30 : memref<640x64xf32, #tpu.memory_space<vmem_shared>>) target_semaphore(%run_scoped3A : memref<!tpu.dma_semaphore, #tpu.memory_space<semaphore_mem>>)
      %dma_wait3A = arith.constant 0 : i32
      %dma_wait3A_33 = tpu.memref_slice %arg13[%multiple_of3A, %dma_wait3A] : memref<10240x64xf32, #tpu.memory_space<vmem_shared>> -> memref<640x64xf32, #tpu.memory_space<vmem_shared>>
      %dma_wait3A_34 = arith.constant 0 : i32
      %dma_wait3A_35 = tpu.memref_slice %arg5[%multiple_of3A, %dma_wait3A_34] : memref<10240x64xf32, #tpu.memory_space<hbm>> -> memref<640x64xf32, #tpu.memory_space<hbm>>
      tpu.wait_dma2 semaphore(%run_scoped3A : memref<!tpu.dma_semaphore, #tpu.memory_space<semaphore_mem>>) src(%dma_wait3A_35 : memref<640x64xf32, #tpu.memory_space<hbm>>) dst(%dma_wait3A_33 : memref<640x64xf32, #tpu.memory_space<vmem_shared>>)
      tpu.yield
    }) : () -> ()
    %barrier3A = arith.constant 0 : index
    tpu.barrier barrier_id(%barrier3A)
    %scan3A = arith.constant 0 : i32
    %scan3A_23 = arith.constant 0 : i32
    %scan3A_24 = arith.constant 20 : i32
    %scan3A_25 = arith.addi %scan3A_23, %scan3A_24 : i32
    %scan3A_26 = arith.constant 1 : i32
    scf.for %scan3A_29 = %scan3A_23 to %scan3A_25 step %scan3A_26  : i32 {
      %mul3A_30 = arith.constant 4 : i32
      %mul3A_31 = arith.muli %scan3A_29, %mul3A_30 : i32
      %add3A_32 = arith.constant 0 : i32
      %add3A_33 = arith.addi %mul3A_31, %add3A_32 : i32
      %add3A_34 = arith.constant 3 : i32
      %add3A_35 = arith.addi %add3A_33, %add3A_34 : i32
      %lt3A = arith.constant 80 : i32
      %lt3A_36 = arith.cmpi slt, %add3A_35, %lt3A : i32
      %convert_element_type3A = arith.extui %lt3A_36 : i1 to i32
      %cond3A = arith.constant 0 : i32
      %cond3A_37 = arith.cmpi ne, %convert_element_type3A, %cond3A : i32
      scf.if %cond3A_37 {
        %dma_start3A_104 = arith.constant 0 : i32
        %dma_start3A_105 = tpu.memref_slice %arg7[%add3A_35, %dma_start3A_104] : memref<80x125xi32, #tpu.memory_space<vmem>> -> memref<1x125xi32, #tpu.memory_space<vmem>>
        %dma_start3A_106 = tpu.memref_squeeze %dma_start3A_105 : memref<1x125xi32, #tpu.memory_space<vmem>> -> memref<125xi32, #tpu.memory_space<vmem>>
        %dma_start3A_107 = arith.constant 0 : i32
        %dma_start3A_108 = arith.constant 0 : i32
        %dma_start3A_109 = tpu.memref_slice %arg4[%dma_start3A_107, %dma_start3A_108] : memref<10000x64xf32, #tpu.memory_space<hbm>> -> memref<10000x64xf32, #tpu.memory_space<hbm>>
        tpu.enqueue_indirect_dma source(%dma_start3A_109 : memref<10000x64xf32, #tpu.memory_space<hbm>>) target(%arg12 : memref<125x64xf32, #tpu.memory_space<vmem>>) offsets(%dma_start3A_106 : memref<125xi32, #tpu.memory_space<vmem>>) semaphore(%arg17 : memref<!tpu.dma_semaphore, #tpu.memory_space<semaphore_mem>>)
      } else {
      }
      %add3A_38 = arith.constant 0 : i32
      %add3A_39 = arith.addi %mul3A_31, %add3A_38 : i32
      %dma_wait3A = arith.constant 0 : i32
      %dma_wait3A_40 = tpu.memref_slice %arg7[%add3A_39, %dma_wait3A] : memref<80x125xi32, #tpu.memory_space<vmem>> -> memref<1x125xi32, #tpu.memory_space<vmem>>
      %dma_wait3A_41 = tpu.memref_squeeze %dma_wait3A_40 : memref<1x125xi32, #tpu.memory_space<vmem>> -> memref<125xi32, #tpu.memory_space<vmem>>
      %dma_wait3A_42 = arith.constant 0 : i32
      %dma_wait3A_43 = arith.constant 0 : i32
      %dma_wait3A_44 = tpu.memref_slice %arg4[%dma_wait3A_42, %dma_wait3A_43] : memref<10000x64xf32, #tpu.memory_space<hbm>> -> memref<10000x64xf32, #tpu.memory_space<hbm>>
      tpu.wait_indirect_dma semaphore(%arg14 : memref<!tpu.dma_semaphore, #tpu.memory_space<semaphore_mem>>) src(%dma_wait3A_44 : memref<10000x64xf32, #tpu.memory_space<hbm>>) dst(%arg9 : memref<125x64xf32, #tpu.memory_space<vmem>>)
      %add3A_45 = arith.constant 0 : i32
      %add3A_46 = arith.addi %mul3A_31, %add3A_45 : i32
      "tpu.region"() ({
        %run_scoped3A = tpu.sem_alloc : memref<!tpu.dma_semaphore, #tpu.memory_space<semaphore_mem>>
        %dma_start3A_104 = arith.constant 0 : i32
        %dma_start3A_105 = tpu.memref_slice %arg8[%add3A_46, %dma_start3A_104] : memref<80x125xi32, #tpu.memory_space<vmem>> -> memref<1x125xi32, #tpu.memory_space<vmem>>
        %dma_start3A_106 = tpu.memref_squeeze %dma_start3A_105 : memref<1x125xi32, #tpu.memory_space<vmem>> -> memref<125xi32, #tpu.memory_space<vmem>>
        %dma_start3A_107 = arith.constant 0 : i32
        %dma_start3A_108 = arith.constant 0 : i32
        %dma_start3A_109 = tpu.memref_slice %arg13[%dma_start3A_107, %dma_start3A_108] : memref<10240x64xf32, #tpu.memory_space<vmem_shared>> -> memref<10240x64xf32, #tpu.memory_space<vmem_shared>>
        tpu.enqueue_indirect_dma source(%arg9 : memref<125x64xf32, #tpu.memory_space<vmem>>) target(%dma_start3A_109 : memref<10240x64xf32, #tpu.memory_space<vmem_shared>>) offsets(%dma_start3A_106 : memref<125xi32, #tpu.memory_space<vmem>>) semaphore(%run_scoped3A : memref<!tpu.dma_semaphore, #tpu.memory_space<semaphore_mem>>) {add = true}
        %dma_wait3A_110 = arith.constant 0 : i32
        %dma_wait3A_111 = tpu.memref_slice %arg8[%add3A_46, %dma_wait3A_110] : memref<80x125xi32, #tpu.memory_space<vmem>> -> memref<1x125xi32, #tpu.memory_space<vmem>>
        %dma_wait3A_112 = tpu.memref_squeeze %dma_wait3A_111 : memref<1x125xi32, #tpu.memory_space<vmem>> -> memref<125xi32, #tpu.memory_space<vmem>>
        %dma_wait3A_113 = arith.constant 0 : i32
        %dma_wait3A_114 = arith.constant 0 : i32
        %dma_wait3A_115 = tpu.memref_slice %arg13[%dma_wait3A_113, %dma_wait3A_114] : memref<10240x64xf32, #tpu.memory_space<vmem_shared>> -> memref<10240x64xf32, #tpu.memory_space<vmem_shared>>
        tpu.wait_indirect_dma semaphore(%run_scoped3A : memref<!tpu.dma_semaphore, #tpu.memory_space<semaphore_mem>>) src(%arg9 : memref<125x64xf32, #tpu.memory_space<vmem>>) dst(%dma_wait3A_115 : memref<10240x64xf32, #tpu.memory_space<vmem_shared>>)
        tpu.yield
      }) : () -> ()
      %add3A_47 = arith.constant 1 : i32
      %add3A_48 = arith.addi %mul3A_31, %add3A_47 : i32
      %add3A_49 = arith.constant 3 : i32
      %add3A_50 = arith.addi %add3A_48, %add3A_49 : i32
      %lt3A_51 = arith.constant 80 : i32
      %lt3A_52 = arith.cmpi slt, %add3A_50, %lt3A_51 : i32
      %convert_element_type3A_53 = arith.extui %lt3A_52 : i1 to i32
      %cond3A_54 = arith.constant 0 : i32
      %cond3A_55 = arith.cmpi ne, %convert_element_type3A_53, %cond3A_54 : i32
      scf.if %cond3A_55 {
        %dma_start3A_104 = arith.constant 0 : i32
        %dma_start3A_105 = tpu.memref_slice %arg7[%add3A_50, %dma_start3A_104] : memref<80x125xi32, #tpu.memory_space<vmem>> -> memref<1x125xi32, #tpu.memory_space<vmem>>
        %dma_start3A_106 = tpu.memref_squeeze %dma_start3A_105 : memref<1x125xi32, #tpu.memory_space<vmem>> -> memref<125xi32, #tpu.memory_space<vmem>>
        %dma_start3A_107 = arith.constant 0 : i32
        %dma_start3A_108 = arith.constant 0 : i32
        %dma_start3A_109 = tpu.memref_slice %arg4[%dma_start3A_107, %dma_start3A_108] : memref<10000x64xf32, #tpu.memory_space<hbm>> -> memref<10000x64xf32, #tpu.memory_space<hbm>>
        tpu.enqueue_indirect_dma source(%dma_start3A_109 : memref<10000x64xf32, #tpu.memory_space<hbm>>) target(%arg9 : memref<125x64xf32, #tpu.memory_space<vmem>>) offsets(%dma_start3A_106 : memref<125xi32, #tpu.memory_space<vmem>>) semaphore(%arg14 : memref<!tpu.dma_semaphore, #tpu.memory_space<semaphore_mem>>)
      } else {
      }
      %add3A_56 = arith.constant 1 : i32
      %add3A_57 = arith.addi %mul3A_31, %add3A_56 : i32
      %dma_wait3A_58 = arith.constant 0 : i32
      %dma_wait3A_59 = tpu.memref_slice %arg7[%add3A_57, %dma_wait3A_58] : memref<80x125xi32, #tpu.memory_space<vmem>> -> memref<1x125xi32, #tpu.memory_space<vmem>>
      %dma_wait3A_60 = tpu.memref_squeeze %dma_wait3A_59 : memref<1x125xi32, #tpu.memory_space<vmem>> -> memref<125xi32, #tpu.memory_space<vmem>>
      %dma_wait3A_61 = arith.constant 0 : i32
      %dma_wait3A_62 = arith.constant 0 : i32
      %dma_wait3A_63 = tpu.memref_slice %arg4[%dma_wait3A_61, %dma_wait3A_62] : memref<10000x64xf32, #tpu.memory_space<hbm>> -> memref<10000x64xf32, #tpu.memory_space<hbm>>
      tpu.wait_indirect_dma semaphore(%arg15 : memref<!tpu.dma_semaphore, #tpu.memory_space<semaphore_mem>>) src(%dma_wait3A_63 : memref<10000x64xf32, #tpu.memory_space<hbm>>) dst(%arg10 : memref<125x64xf32, #tpu.memory_space<vmem>>)
      %add3A_64 = arith.constant 1 : i32
      %add3A_65 = arith.addi %mul3A_31, %add3A_64 : i32
      "tpu.region"() ({
        %run_scoped3A = tpu.sem_alloc : memref<!tpu.dma_semaphore, #tpu.memory_space<semaphore_mem>>
        %dma_start3A_104 = arith.constant 0 : i32
        %dma_start3A_105 = tpu.memref_slice %arg8[%add3A_65, %dma_start3A_104] : memref<80x125xi32, #tpu.memory_space<vmem>> -> memref<1x125xi32, #tpu.memory_space<vmem>>
        %dma_start3A_106 = tpu.memref_squeeze %dma_start3A_105 : memref<1x125xi32, #tpu.memory_space<vmem>> -> memref<125xi32, #tpu.memory_space<vmem>>
        %dma_start3A_107 = arith.constant 0 : i32
        %dma_start3A_108 = arith.constant 0 : i32
        %dma_start3A_109 = tpu.memref_slice %arg13[%dma_start3A_107, %dma_start3A_108] : memref<10240x64xf32, #tpu.memory_space<vmem_shared>> -> memref<10240x64xf32, #tpu.memory_space<vmem_shared>>
        tpu.enqueue_indirect_dma source(%arg10 : memref<125x64xf32, #tpu.memory_space<vmem>>) target(%dma_start3A_109 : memref<10240x64xf32, #tpu.memory_space<vmem_shared>>) offsets(%dma_start3A_106 : memref<125xi32, #tpu.memory_space<vmem>>) semaphore(%run_scoped3A : memref<!tpu.dma_semaphore, #tpu.memory_space<semaphore_mem>>) {add = true}
        %dma_wait3A_110 = arith.constant 0 : i32
        %dma_wait3A_111 = tpu.memref_slice %arg8[%add3A_65, %dma_wait3A_110] : memref<80x125xi32, #tpu.memory_space<vmem>> -> memref<1x125xi32, #tpu.memory_space<vmem>>
        %dma_wait3A_112 = tpu.memref_squeeze %dma_wait3A_111 : memref<1x125xi32, #tpu.memory_space<vmem>> -> memref<125xi32, #tpu.memory_space<vmem>>
        %dma_wait3A_113 = arith.constant 0 : i32
        %dma_wait3A_114 = arith.constant 0 : i32
        %dma_wait3A_115 = tpu.memref_slice %arg13[%dma_wait3A_113, %dma_wait3A_114] : memref<10240x64xf32, #tpu.memory_space<vmem_shared>> -> memref<10240x64xf32, #tpu.memory_space<vmem_shared>>
        tpu.wait_indirect_dma semaphore(%run_scoped3A : memref<!tpu.dma_semaphore, #tpu.memory_space<semaphore_mem>>) src(%arg10 : memref<125x64xf32, #tpu.memory_space<vmem>>) dst(%dma_wait3A_115 : memref<10240x64xf32, #tpu.memory_space<vmem_shared>>)
        tpu.yield
      }) : () -> ()
      %add3A_66 = arith.constant 2 : i32
      %add3A_67 = arith.addi %mul3A_31, %add3A_66 : i32
      %add3A_68 = arith.constant 3 : i32
      %add3A_69 = arith.addi %add3A_67, %add3A_68 : i32
      %lt3A_70 = arith.constant 80 : i32
      %lt3A_71 = arith.cmpi slt, %add3A_69, %lt3A_70 : i32
      %convert_element_type3A_72 = arith.extui %lt3A_71 : i1 to i32
      %cond3A_73 = arith.constant 0 : i32
      %cond3A_74 = arith.cmpi ne, %convert_element_type3A_72, %cond3A_73 : i32
      scf.if %cond3A_74 {
        %dma_start3A_104 = arith.constant 0 : i32
        %dma_start3A_105 = tpu.memref_slice %arg7[%add3A_69, %dma_start3A_104] : memref<80x125xi32, #tpu.memory_space<vmem>> -> memref<1x125xi32, #tpu.memory_space<vmem>>
        %dma_start3A_106 = tpu.memref_squeeze %dma_start3A_105 : memref<1x125xi32, #tpu.memory_space<vmem>> -> memref<125xi32, #tpu.memory_space<vmem>>
        %dma_start3A_107 = arith.constant 0 : i32
        %dma_start3A_108 = arith.constant 0 : i32
        %dma_start3A_109 = tpu.memref_slice %arg4[%dma_start3A_107, %dma_start3A_108] : memref<10000x64xf32, #tpu.memory_space<hbm>> -> memref<10000x64xf32, #tpu.memory_space<hbm>>
        tpu.enqueue_indirect_dma source(%dma_start3A_109 : memref<10000x64xf32, #tpu.memory_space<hbm>>) target(%arg10 : memref<125x64xf32, #tpu.memory_space<vmem>>) offsets(%dma_start3A_106 : memref<125xi32, #tpu.memory_space<vmem>>) semaphore(%arg15 : memref<!tpu.dma_semaphore, #tpu.memory_space<semaphore_mem>>)
      } else {
      }
      %add3A_75 = arith.constant 2 : i32
      %add3A_76 = arith.addi %mul3A_31, %add3A_75 : i32
      %dma_wait3A_77 = arith.constant 0 : i32
      %dma_wait3A_78 = tpu.memref_slice %arg7[%add3A_76, %dma_wait3A_77] : memref<80x125xi32, #tpu.memory_space<vmem>> -> memref<1x125xi32, #tpu.memory_space<vmem>>
      %dma_wait3A_79 = tpu.memref_squeeze %dma_wait3A_78 : memref<1x125xi32, #tpu.memory_space<vmem>> -> memref<125xi32, #tpu.memory_space<vmem>>
      %dma_wait3A_80 = arith.constant 0 : i32
      %dma_wait3A_81 = arith.constant 0 : i32
      %dma_wait3A_82 = tpu.memref_slice %arg4[%dma_wait3A_80, %dma_wait3A_81] : memref<10000x64xf32, #tpu.memory_space<hbm>> -> memref<10000x64xf32, #tpu.memory_space<hbm>>
      tpu.wait_indirect_dma semaphore(%arg16 : memref<!tpu.dma_semaphore, #tpu.memory_space<semaphore_mem>>) src(%dma_wait3A_82 : memref<10000x64xf32, #tpu.memory_space<hbm>>) dst(%arg11 : memref<125x64xf32, #tpu.memory_space<vmem>>)
      %add3A_83 = arith.constant 2 : i32
      %add3A_84 = arith.addi %mul3A_31, %add3A_83 : i32
      "tpu.region"() ({
        %run_scoped3A = tpu.sem_alloc : memref<!tpu.dma_semaphore, #tpu.memory_space<semaphore_mem>>
        %dma_start3A_104 = arith.constant 0 : i32
        %dma_start3A_105 = tpu.memref_slice %arg8[%add3A_84, %dma_start3A_104] : memref<80x125xi32, #tpu.memory_space<vmem>> -> memref<1x125xi32, #tpu.memory_space<vmem>>
        %dma_start3A_106 = tpu.memref_squeeze %dma_start3A_105 : memref<1x125xi32, #tpu.memory_space<vmem>> -> memref<125xi32, #tpu.memory_space<vmem>>
        %dma_start3A_107 = arith.constant 0 : i32
        %dma_start3A_108 = arith.constant 0 : i32
        %dma_start3A_109 = tpu.memref_slice %arg13[%dma_start3A_107, %dma_start3A_108] : memref<10240x64xf32, #tpu.memory_space<vmem_shared>> -> memref<10240x64xf32, #tpu.memory_space<vmem_shared>>
        tpu.enqueue_indirect_dma source(%arg11 : memref<125x64xf32, #tpu.memory_space<vmem>>) target(%dma_start3A_109 : memref<10240x64xf32, #tpu.memory_space<vmem_shared>>) offsets(%dma_start3A_106 : memref<125xi32, #tpu.memory_space<vmem>>) semaphore(%run_scoped3A : memref<!tpu.dma_semaphore, #tpu.memory_space<semaphore_mem>>) {add = true}
        %dma_wait3A_110 = arith.constant 0 : i32
        %dma_wait3A_111 = tpu.memref_slice %arg8[%add3A_84, %dma_wait3A_110] : memref<80x125xi32, #tpu.memory_space<vmem>> -> memref<1x125xi32, #tpu.memory_space<vmem>>
        %dma_wait3A_112 = tpu.memref_squeeze %dma_wait3A_111 : memref<1x125xi32, #tpu.memory_space<vmem>> -> memref<125xi32, #tpu.memory_space<vmem>>
        %dma_wait3A_113 = arith.constant 0 : i32
        %dma_wait3A_114 = arith.constant 0 : i32
        %dma_wait3A_115 = tpu.memref_slice %arg13[%dma_wait3A_113, %dma_wait3A_114] : memref<10240x64xf32, #tpu.memory_space<vmem_shared>> -> memref<10240x64xf32, #tpu.memory_space<vmem_shared>>
        tpu.wait_indirect_dma semaphore(%run_scoped3A : memref<!tpu.dma_semaphore, #tpu.memory_space<semaphore_mem>>) src(%arg11 : memref<125x64xf32, #tpu.memory_space<vmem>>) dst(%dma_wait3A_115 : memref<10240x64xf32, #tpu.memory_space<vmem_shared>>)
        tpu.yield
      }) : () -> ()
      %add3A_85 = arith.constant 3 : i32
      %add3A_86 = arith.addi %mul3A_31, %add3A_85 : i32
      %add3A_87 = arith.constant 3 : i32
      %add3A_88 = arith.addi %add3A_86, %add3A_87 : i32
      %lt3A_89 = arith.constant 80 : i32
      %lt3A_90 = arith.cmpi slt, %add3A_88, %lt3A_89 : i32
      %convert_element_type3A_91 = arith.extui %lt3A_90 : i1 to i32
      %cond3A_92 = arith.constant 0 : i32
      %cond3A_93 = arith.cmpi ne, %convert_element_type3A_91, %cond3A_92 : i32
      scf.if %cond3A_93 {
        %dma_start3A_104 = arith.constant 0 : i32
        %dma_start3A_105 = tpu.memref_slice %arg7[%add3A_88, %dma_start3A_104] : memref<80x125xi32, #tpu.memory_space<vmem>> -> memref<1x125xi32, #tpu.memory_space<vmem>>
        %dma_start3A_106 = tpu.memref_squeeze %dma_start3A_105 : memref<1x125xi32, #tpu.memory_space<vmem>> -> memref<125xi32, #tpu.memory_space<vmem>>
        %dma_start3A_107 = arith.constant 0 : i32
        %dma_start3A_108 = arith.constant 0 : i32
        %dma_start3A_109 = tpu.memref_slice %arg4[%dma_start3A_107, %dma_start3A_108] : memref<10000x64xf32, #tpu.memory_space<hbm>> -> memref<10000x64xf32, #tpu.memory_space<hbm>>
        tpu.enqueue_indirect_dma source(%dma_start3A_109 : memref<10000x64xf32, #tpu.memory_space<hbm>>) target(%arg11 : memref<125x64xf32, #tpu.memory_space<vmem>>) offsets(%dma_start3A_106 : memref<125xi32, #tpu.memory_space<vmem>>) semaphore(%arg16 : memref<!tpu.dma_semaphore, #tpu.memory_space<semaphore_mem>>)
      } else {
      }
      %add3A_94 = arith.constant 3 : i32
      %add3A_95 = arith.addi %mul3A_31, %add3A_94 : i32
      %dma_wait3A_96 = arith.constant 0 : i32
      %dma_wait3A_97 = tpu.memref_slice %arg7[%add3A_95, %dma_wait3A_96] : memref<80x125xi32, #tpu.memory_space<vmem>> -> memref<1x125xi32, #tpu.memory_space<vmem>>
      %dma_wait3A_98 = tpu.memref_squeeze %dma_wait3A_97 : memref<1x125xi32, #tpu.memory_space<vmem>> -> memref<125xi32, #tpu.memory_space<vmem>>
      %dma_wait3A_99 = arith.constant 0 : i32
      %dma_wait3A_100 = arith.constant 0 : i32
      %dma_wait3A_101 = tpu.memref_slice %arg4[%dma_wait3A_99, %dma_wait3A_100] : memref<10000x64xf32, #tpu.memory_space<hbm>> -> memref<10000x64xf32, #tpu.memory_space<hbm>>
      tpu.wait_indirect_dma semaphore(%arg17 : memref<!tpu.dma_semaphore, #tpu.memory_space<semaphore_mem>>) src(%dma_wait3A_101 : memref<10000x64xf32, #tpu.memory_space<hbm>>) dst(%arg12 : memref<125x64xf32, #tpu.memory_space<vmem>>)
      %add3A_102 = arith.constant 3 : i32
      %add3A_103 = arith.addi %mul3A_31, %add3A_102 : i32
      "tpu.region"() ({
        %run_scoped3A = tpu.sem_alloc : memref<!tpu.dma_semaphore, #tpu.memory_space<semaphore_mem>>
        %dma_start3A_104 = arith.constant 0 : i32
        %dma_start3A_105 = tpu.memref_slice %arg8[%add3A_103, %dma_start3A_104] : memref<80x125xi32, #tpu.memory_space<vmem>> -> memref<1x125xi32, #tpu.memory_space<vmem>>
        %dma_start3A_106 = tpu.memref_squeeze %dma_start3A_105 : memref<1x125xi32, #tpu.memory_space<vmem>> -> memref<125xi32, #tpu.memory_space<vmem>>
        %dma_start3A_107 = arith.constant 0 : i32
        %dma_start3A_108 = arith.constant 0 : i32
        %dma_start3A_109 = tpu.memref_slice %arg13[%dma_start3A_107, %dma_start3A_108] : memref<10240x64xf32, #tpu.memory_space<vmem_shared>> -> memref<10240x64xf32, #tpu.memory_space<vmem_shared>>
        tpu.enqueue_indirect_dma source(%arg12 : memref<125x64xf32, #tpu.memory_space<vmem>>) target(%dma_start3A_109 : memref<10240x64xf32, #tpu.memory_space<vmem_shared>>) offsets(%dma_start3A_106 : memref<125xi32, #tpu.memory_space<vmem>>) semaphore(%run_scoped3A : memref<!tpu.dma_semaphore, #tpu.memory_space<semaphore_mem>>) {add = true}
        %dma_wait3A_110 = arith.constant 0 : i32
        %dma_wait3A_111 = tpu.memref_slice %arg8[%add3A_103, %dma_wait3A_110] : memref<80x125xi32, #tpu.memory_space<vmem>> -> memref<1x125xi32, #tpu.memory_space<vmem>>
        %dma_wait3A_112 = tpu.memref_squeeze %dma_wait3A_111 : memref<1x125xi32, #tpu.memory_space<vmem>> -> memref<125xi32, #tpu.memory_space<vmem>>
        %dma_wait3A_113 = arith.constant 0 : i32
        %dma_wait3A_114 = arith.constant 0 : i32
        %dma_wait3A_115 = tpu.memref_slice %arg13[%dma_wait3A_113, %dma_wait3A_114] : memref<10240x64xf32, #tpu.memory_space<vmem_shared>> -> memref<10240x64xf32, #tpu.memory_space<vmem_shared>>
        tpu.wait_indirect_dma semaphore(%run_scoped3A : memref<!tpu.dma_semaphore, #tpu.memory_space<semaphore_mem>>) src(%arg12 : memref<125x64xf32, #tpu.memory_space<vmem>>) dst(%dma_wait3A_115 : memref<10240x64xf32, #tpu.memory_space<vmem_shared>>)
        tpu.yield
      }) : () -> ()
    }
    %scan3A_27 = arith.constant 20 : i32
    %barrier3A_28 = arith.constant 0 : index
    tpu.barrier barrier_id(%barrier3A_28)
    "tpu.region"() ({
      %run_scoped3A = tpu.sem_alloc : memref<!tpu.dma_semaphore, #tpu.memory_space<semaphore_mem>>
      %dma_start3A_29 = arith.constant 0 : i32
      %dma_start3A_30 = arith.constant 0 : i32
      %dma_start3A_31 = tpu.memref_slice %arg6[%arg0, %dma_start3A_29, %dma_start3A_30] : memref<2x10240x64xf32, #tpu.memory_space<hbm>> -> memref<1x10240x64xf32, #tpu.memory_space<hbm>>
      %dma_start3A_32 = tpu.memref_squeeze %dma_start3A_31 : memref<1x10240x64xf32, #tpu.memory_space<hbm>> -> memref<10240x64xf32, #tpu.memory_space<hbm>>
      %dma_start3A_33 = arith.constant 0 : i32
      %dma_start3A_34 = tpu.memref_slice %dma_start3A_32[%multiple_of3A, %dma_start3A_33] : memref<10240x64xf32, #tpu.memory_space<hbm>> -> memref<640x64xf32, #tpu.memory_space<hbm>>
      %dma_start3A_35 = arith.constant 0 : i32
      %dma_start3A_36 = tpu.memref_slice %arg13[%multiple_of3A, %dma_start3A_35] : memref<10240x64xf32, #tpu.memory_space<vmem_shared>> -> memref<640x64xf32, #tpu.memory_space<vmem_shared>>
      tpu.enqueue_dma source(%dma_start3A_36 : memref<640x64xf32, #tpu.memory_space<vmem_shared>>) target(%dma_start3A_34 : memref<640x64xf32, #tpu.memory_space<hbm>>) target_semaphore(%run_scoped3A : memref<!tpu.dma_semaphore, #tpu.memory_space<semaphore_mem>>)
      %dma_wait3A = arith.constant 0 : i32
      %dma_wait3A_37 = arith.constant 0 : i32
      %dma_wait3A_38 = tpu.memref_slice %arg6[%arg0, %dma_wait3A, %dma_wait3A_37] : memref<2x10240x64xf32, #tpu.memory_space<hbm>> -> memref<1x10240x64xf32, #tpu.memory_space<hbm>>
      %dma_wait3A_39 = tpu.memref_squeeze %dma_wait3A_38 : memref<1x10240x64xf32, #tpu.memory_space<hbm>> -> memref<10240x64xf32, #tpu.memory_space<hbm>>
      %dma_wait3A_40 = arith.constant 0 : i32
      %dma_wait3A_41 = tpu.memref_slice %dma_wait3A_39[%multiple_of3A, %dma_wait3A_40] : memref<10240x64xf32, #tpu.memory_space<hbm>> -> memref<640x64xf32, #tpu.memory_space<hbm>>
      %dma_wait3A_42 = arith.constant 0 : i32
      %dma_wait3A_43 = tpu.memref_slice %arg13[%multiple_of3A, %dma_wait3A_42] : memref<10240x64xf32, #tpu.memory_space<vmem_shared>> -> memref<640x64xf32, #tpu.memory_space<vmem_shared>>
      tpu.wait_dma2 semaphore(%run_scoped3A : memref<!tpu.dma_semaphore, #tpu.memory_space<semaphore_mem>>) src(%dma_wait3A_43 : memref<640x64xf32, #tpu.memory_space<vmem_shared>>) dst(%dma_wait3A_41 : memref<640x64xf32, #tpu.memory_space<hbm>>)
      tpu.yield
    }) : () -> ()
    return
  }
}

#map = affine_map<(d0, d1) -> (0, 0, 0)>
#map1 = affine_map<(d0, d1) -> (0, 0)>
module attributes {stable_mosaic.version = 14 : i64} {
  func.func @agg(%arg0: i32, %arg1: i32, %arg2: memref<32x80x125xi32, #tpu.memory_space<hbm>>, %arg3: memref<32x80x125xi32, #tpu.memory_space<hbm>>, %arg4: memref<10000x64xf32, #tpu.memory_space<hbm>>, %arg5: memref<10240x64xf32, #tpu.memory_space<hbm>>, %arg6: memref<2x10240x64xf32, #tpu.memory_space<hbm>>, %arg7: memref<80x125xi32, #tpu.memory_space<vmem>>, %arg8: memref<80x125xi32, #tpu.memory_space<vmem>>, %arg9: memref<125x64xf32, #tpu.memory_space<vmem>>, %arg10: memref<125x64xf32, #tpu.memory_space<vmem>>, %arg11: memref<125x64xf32, #tpu.memory_space<vmem>>, %arg12: memref<125x64xf32, #tpu.memory_space<vmem>>, %arg13: memref<10240x64xf32, #tpu.memory_space<vmem_shared>>, %arg14: memref<!tpu.dma_semaphore, #tpu.memory_space<semaphore_mem>>, %arg15: memref<!tpu.dma_semaphore, #tpu.memory_space<semaphore_mem>>, %arg16: memref<!tpu.dma_semaphore, #tpu.memory_space<semaphore_mem>>, %arg17: memref<!tpu.dma_semaphore, #tpu.memory_space<semaphore_mem>>) attributes {dimension_semantics = [#tpu.dimension_semantics<core_parallel>, #tpu.dimension_semantics<subcore_parallel>], iteration_bounds = array<i64: 2, 16>, scalar_prefetch = 0 : i64, scratch_operands = 11 : i64, tpu.core_type = #tpu.core_type<sc_vector_subcore>, window_params = [{transform_indices = #map}, {transform_indices = #map}, {transform_indices = #map1}, {transform_indices = #map1}, {transform_indices = #map}]} {
    %mul3A = arith.constant 16 : i32
    %mul3A_0 = arith.muli %arg0, %mul3A : i32
    %add3A = arith.addi %mul3A_0, %arg1 : i32
    "tpu.region"() ({
      %run_scoped3A = tpu.sem_alloc : memref<!tpu.dma_semaphore, #tpu.memory_space<semaphore_mem>>
      %dma_start3A_29 = arith.constant 0 : i32
      %dma_start3A_30 = arith.constant 0 : i32
      %dma_start3A_31 = tpu.memref_slice %arg2[%add3A, %dma_start3A_29, %dma_start3A_30] : memref<32x80x125xi32, #tpu.memory_space<hbm>> -> memref<1x80x125xi32, #tpu.memory_space<hbm>>
      %dma_start3A_32 = tpu.memref_squeeze %dma_start3A_31 : memref<1x80x125xi32, #tpu.memory_space<hbm>> -> memref<80x125xi32, #tpu.memory_space<hbm>>
      %dma_start3A_33 = arith.constant 0 : i32
      %dma_start3A_34 = arith.constant 0 : i32
      %dma_start3A_35 = tpu.memref_slice %arg2[%add3A, %dma_start3A_33, %dma_start3A_34] : memref<32x80x125xi32, #tpu.memory_space<hbm>> -> memref<1x80x125xi32, #tpu.memory_space<hbm>>
      %dma_start3A_36 = tpu.memref_squeeze %dma_start3A_35 : memref<1x80x125xi32, #tpu.memory_space<hbm>> -> memref<80x125xi32, #tpu.memory_space<hbm>>
      tpu.enqueue_dma source(%dma_start3A_36 : memref<80x125xi32, #tpu.memory_space<hbm>>) target(%arg7 : memref<80x125xi32, #tpu.memory_space<vmem>>) target_semaphore(%run_scoped3A : memref<!tpu.dma_semaphore, #tpu.memory_space<semaphore_mem>>)
      %dma_wait3A = arith.constant 0 : i32
      %dma_wait3A_37 = arith.constant 0 : i32
      %dma_wait3A_38 = tpu.memref_slice %arg2[%add3A, %dma_wait3A, %dma_wait3A_37] : memref<32x80x125xi32, #tpu.memory_space<hbm>> -> memref<1x80x125xi32, #tpu.memory_space<hbm>>
      %dma_wait3A_39 = tpu.memref_squeeze %dma_wait3A_38 : memref<1x80x125xi32, #tpu.memory_space<hbm>> -> memref<80x125xi32, #tpu.memory_space<hbm>>
      %dma_wait3A_40 = arith.constant 0 : i32
      %dma_wait3A_41 = arith.constant 0 : i32
      %dma_wait3A_42 = tpu.memref_slice %arg2[%add3A, %dma_wait3A_40, %dma_wait3A_41] : memref<32x80x125xi32, #tpu.memory_space<hbm>> -> memref<1x80x125xi32, #tpu.memory_space<hbm>>
      %dma_wait3A_43 = tpu.memref_squeeze %dma_wait3A_42 : memref<1x80x125xi32, #tpu.memory_space<hbm>> -> memref<80x125xi32, #tpu.memory_space<hbm>>
      tpu.wait_dma2 semaphore(%run_scoped3A : memref<!tpu.dma_semaphore, #tpu.memory_space<semaphore_mem>>) src(%dma_wait3A_43 : memref<80x125xi32, #tpu.memory_space<hbm>>) dst(%arg7 : memref<80x125xi32, #tpu.memory_space<vmem>>)
      tpu.yield
    }) : () -> ()
    "tpu.region"() ({
      %run_scoped3A = tpu.sem_alloc : memref<!tpu.dma_semaphore, #tpu.memory_space<semaphore_mem>>
      %dma_start3A_29 = arith.constant 0 : i32
      %dma_start3A_30 = arith.constant 0 : i32
      %dma_start3A_31 = tpu.memref_slice %arg3[%add3A, %dma_start3A_29, %dma_start3A_30] : memref<32x80x125xi32, #tpu.memory_space<hbm>> -> memref<1x80x125xi32, #tpu.memory_space<hbm>>
      %dma_start3A_32 = tpu.memref_squeeze %dma_start3A_31 : memref<1x80x125xi32, #tpu.memory_space<hbm>> -> memref<80x125xi32, #tpu.memory_space<hbm>>
      %dma_start3A_33 = arith.constant 0 : i32
      %dma_start3A_34 = arith.constant 0 : i32
      %dma_start3A_35 = tpu.memref_slice %arg3[%add3A, %dma_start3A_33, %dma_start3A_34] : memref<32x80x125xi32, #tpu.memory_space<hbm>> -> memref<1x80x125xi32, #tpu.memory_space<hbm>>
      %dma_start3A_36 = tpu.memref_squeeze %dma_start3A_35 : memref<1x80x125xi32, #tpu.memory_space<hbm>> -> memref<80x125xi32, #tpu.memory_space<hbm>>
      tpu.enqueue_dma source(%dma_start3A_36 : memref<80x125xi32, #tpu.memory_space<hbm>>) target(%arg8 : memref<80x125xi32, #tpu.memory_space<vmem>>) target_semaphore(%run_scoped3A : memref<!tpu.dma_semaphore, #tpu.memory_space<semaphore_mem>>)
      %dma_wait3A = arith.constant 0 : i32
      %dma_wait3A_37 = arith.constant 0 : i32
      %dma_wait3A_38 = tpu.memref_slice %arg3[%add3A, %dma_wait3A, %dma_wait3A_37] : memref<32x80x125xi32, #tpu.memory_space<hbm>> -> memref<1x80x125xi32, #tpu.memory_space<hbm>>
      %dma_wait3A_39 = tpu.memref_squeeze %dma_wait3A_38 : memref<1x80x125xi32, #tpu.memory_space<hbm>> -> memref<80x125xi32, #tpu.memory_space<hbm>>
      %dma_wait3A_40 = arith.constant 0 : i32
      %dma_wait3A_41 = arith.constant 0 : i32
      %dma_wait3A_42 = tpu.memref_slice %arg3[%add3A, %dma_wait3A_40, %dma_wait3A_41] : memref<32x80x125xi32, #tpu.memory_space<hbm>> -> memref<1x80x125xi32, #tpu.memory_space<hbm>>
      %dma_wait3A_43 = tpu.memref_squeeze %dma_wait3A_42 : memref<1x80x125xi32, #tpu.memory_space<hbm>> -> memref<80x125xi32, #tpu.memory_space<hbm>>
      tpu.wait_dma2 semaphore(%run_scoped3A : memref<!tpu.dma_semaphore, #tpu.memory_space<semaphore_mem>>) src(%dma_wait3A_43 : memref<80x125xi32, #tpu.memory_space<hbm>>) dst(%arg8 : memref<80x125xi32, #tpu.memory_space<vmem>>)
      tpu.yield
    }) : () -> ()
    %dma_start3A = arith.constant 0 : i32
    %dma_start3A_1 = arith.constant 0 : i32
    %dma_start3A_2 = tpu.memref_slice %arg7[%dma_start3A, %dma_start3A_1] : memref<80x125xi32, #tpu.memory_space<vmem>> -> memref<1x125xi32, #tpu.memory_space<vmem>>
    %dma_start3A_3 = tpu.memref_squeeze %dma_start3A_2 : memref<1x125xi32, #tpu.memory_space<vmem>> -> memref<125xi32, #tpu.memory_space<vmem>>
    %dma_start3A_4 = arith.constant 0 : i32
    %dma_start3A_5 = arith.constant 0 : i32
    %dma_start3A_6 = tpu.memref_slice %arg4[%dma_start3A_4, %dma_start3A_5] : memref<10000x64xf32, #tpu.memory_space<hbm>> -> memref<10000x64xf32, #tpu.memory_space<hbm>>
    tpu.enqueue_indirect_dma source(%dma_start3A_6 : memref<10000x64xf32, #tpu.memory_space<hbm>>) target(%arg9 : memref<125x64xf32, #tpu.memory_space<vmem>>) offsets(%dma_start3A_3 : memref<125xi32, #tpu.memory_space<vmem>>) semaphore(%arg14 : memref<!tpu.dma_semaphore, #tpu.memory_space<semaphore_mem>>)
    %dma_start3A_7 = arith.constant 1 : i32
    %dma_start3A_8 = arith.constant 0 : i32
    %dma_start3A_9 = tpu.memref_slice %arg7[%dma_start3A_7, %dma_start3A_8] : memref<80x125xi32, #tpu.memory_space<vmem>> -> memref<1x125xi32, #tpu.memory_space<vmem>>
    %dma_start3A_10 = tpu.memref_squeeze %dma_start3A_9 : memref<1x125xi32, #tpu.memory_space<vmem>> -> memref<125xi32, #tpu.memory_space<vmem>>
    %dma_start3A_11 = arith.constant 0 : i32
    %dma_start3A_12 = arith.constant 0 : i32
    %dma_start3A_13 = tpu.memref_slice %arg4[%dma_start3A_11, %dma_start3A_12] : memref<10000x64xf32, #tpu.memory_space<hbm>> -> memref<10000x64xf32, #tpu.memory_space<hbm>>
    tpu.enqueue_indirect_dma source(%dma_start3A_13 : memref<10000x64xf32, #tpu.memory_space<hbm>>) target(%arg10 : memref<125x64xf32, #tpu.memory_space<vmem>>) offsets(%dma_start3A_10 : memref<125xi32, #tpu.memory_space<vmem>>) semaphore(%arg15 : memref<!tpu.dma_semaphore, #tpu.memory_space<semaphore_mem>>)
    %dma_start3A_14 = arith.constant 2 : i32
    %dma_start3A_15 = arith.constant 0 : i32
    %dma_start3A_16 = tpu.memref_slice %arg7[%dma_start3A_14, %dma_start3A_15] : memref<80x125xi32, #tpu.memory_space<vmem>> -> memref<1x125xi32, #tpu.memory_space<vmem>>
    %dma_start3A_17 = tpu.memref_squeeze %dma_start3A_16 : memref<1x125xi32, #tpu.memory_space<vmem>> -> memref<125xi32, #tpu.memory_space<vmem>>
    %dma_start3A_18 = arith.constant 0 : i32
    %dma_start3A_19 = arith.constant 0 : i32
    %dma_start3A_20 = tpu.memref_slice %arg4[%dma_start3A_18, %dma_start3A_19] : memref<10000x64xf32, #tpu.memory_space<hbm>> -> memref<10000x64xf32, #tpu.memory_space<hbm>>
    tpu.enqueue_indirect_dma source(%dma_start3A_20 : memref<10000x64xf32, #tpu.memory_space<hbm>>) target(%arg11 : memref<125x64xf32, #tpu.memory_space<vmem>>) offsets(%dma_start3A_17 : memref<125xi32, #tpu.memory_space<vmem>>) semaphore(%arg16 : memref<!tpu.dma_semaphore, #tpu.memory_space<semaphore_mem>>)
    %mul3A_21 = arith.constant 640 : i32
    %mul3A_22 = arith.muli %arg1, %mul3A_21 : i32
    %multiple_of3A = tpu.assume_multiple %mul3A_22, 8 : i32
    "tpu.region"() ({
      %run_scoped3A = tpu.sem_alloc : memref<!tpu.dma_semaphore, #tpu.memory_space<semaphore_mem>>
      %dma_start3A_29 = arith.constant 0 : i32
      %dma_start3A_30 = tpu.memref_slice %arg13[%multiple_of3A, %dma_start3A_29] : memref<10240x64xf32, #tpu.memory_space<vmem_shared>> -> memref<640x64xf32, #tpu.memory_space<vmem_shared>>
      %dma_start3A_31 = arith.constant 0 : i32
      %dma_start3A_32 = tpu.memref_slice %arg5[%multiple_of3A, %dma_start3A_31] : memref<10240x64xf32, #tpu.memory_space<hbm>> -> memref<640x64xf32, #tpu.memory_space<hbm>>
      tpu.enqueue_dma source(%dma_start3A_32 : memref<640x64xf32, #tpu.memory_space<hbm>>) target(%dma_start3A_30 : memref<640x64xf32, #tpu.memory_space<vmem_shared>>) target_semaphore(%run_scoped3A : memref<!tpu.dma_semaphore, #tpu.memory_space<semaphore_mem>>)
      %dma_wait3A = arith.constant 0 : i32
      %dma_wait3A_33 = tpu.memref_slice %arg13[%multiple_of3A, %dma_wait3A] : memref<10240x64xf32, #tpu.memory_space<vmem_shared>> -> memref<640x64xf32, #tpu.memory_space<vmem_shared>>
      %dma_wait3A_34 = arith.constant 0 : i32
      %dma_wait3A_35 = tpu.memref_slice %arg5[%multiple_of3A, %dma_wait3A_34] : memref<10240x64xf32, #tpu.memory_space<hbm>> -> memref<640x64xf32, #tpu.memory_space<hbm>>
      tpu.wait_dma2 semaphore(%run_scoped3A : memref<!tpu.dma_semaphore, #tpu.memory_space<semaphore_mem>>) src(%dma_wait3A_35 : memref<640x64xf32, #tpu.memory_space<hbm>>) dst(%dma_wait3A_33 : memref<640x64xf32, #tpu.memory_space<vmem_shared>>)
      tpu.yield
    }) : () -> ()
    %barrier3A = arith.constant 0 : index
    tpu.barrier barrier_id(%barrier3A)
    %scan3A = arith.constant 0 : i32
    %scan3A_23 = arith.constant 0 : i32
    %scan3A_24 = arith.constant 20 : i32
    %scan3A_25 = arith.addi %scan3A_23, %scan3A_24 : i32
    %scan3A_26 = arith.constant 1 : i32
    scf.for %scan3A_29 = %scan3A_23 to %scan3A_25 step %scan3A_26  : i32 {
      %mul3A_30 = arith.constant 4 : i32
      %mul3A_31 = arith.muli %scan3A_29, %mul3A_30 : i32
      %add3A_32 = arith.constant 0 : i32
      %add3A_33 = arith.addi %mul3A_31, %add3A_32 : i32
      %add3A_34 = arith.constant 3 : i32
      %add3A_35 = arith.addi %add3A_33, %add3A_34 : i32
      %lt3A = arith.constant 80 : i32
      %lt3A_36 = arith.cmpi slt, %add3A_35, %lt3A : i32
      %convert_element_type3A = arith.extui %lt3A_36 : i1 to i32
      %cond3A = arith.constant 0 : i32
      %cond3A_37 = arith.cmpi ne, %convert_element_type3A, %cond3A : i32
      scf.if %cond3A_37 {
        %dma_start3A_104 = arith.constant 0 : i32
        %dma_start3A_105 = tpu.memref_slice %arg7[%add3A_35, %dma_start3A_104] : memref<80x125xi32, #tpu.memory_space<vmem>> -> memref<1x125xi32, #tpu.memory_space<vmem>>
        %dma_start3A_106 = tpu.memref_squeeze %dma_start3A_105 : memref<1x125xi32, #tpu.memory_space<vmem>> -> memref<125xi32, #tpu.memory_space<vmem>>
        %dma_start3A_107 = arith.constant 0 : i32
        %dma_start3A_108 = arith.constant 0 : i32
        %dma_start3A_109 = tpu.memref_slice %arg4[%dma_start3A_107, %dma_start3A_108] : memref<10000x64xf32, #tpu.memory_space<hbm>> -> memref<10000x64xf32, #tpu.memory_space<hbm>>
        tpu.enqueue_indirect_dma source(%dma_start3A_109 : memref<10000x64xf32, #tpu.memory_space<hbm>>) target(%arg12 : memref<125x64xf32, #tpu.memory_space<vmem>>) offsets(%dma_start3A_106 : memref<125xi32, #tpu.memory_space<vmem>>) semaphore(%arg17 : memref<!tpu.dma_semaphore, #tpu.memory_space<semaphore_mem>>)
      } else {
      }
      %add3A_38 = arith.constant 0 : i32
      %add3A_39 = arith.addi %mul3A_31, %add3A_38 : i32
      %dma_wait3A = arith.constant 0 : i32
      %dma_wait3A_40 = tpu.memref_slice %arg7[%add3A_39, %dma_wait3A] : memref<80x125xi32, #tpu.memory_space<vmem>> -> memref<1x125xi32, #tpu.memory_space<vmem>>
      %dma_wait3A_41 = tpu.memref_squeeze %dma_wait3A_40 : memref<1x125xi32, #tpu.memory_space<vmem>> -> memref<125xi32, #tpu.memory_space<vmem>>
      %dma_wait3A_42 = arith.constant 0 : i32
      %dma_wait3A_43 = arith.constant 0 : i32
      %dma_wait3A_44 = tpu.memref_slice %arg4[%dma_wait3A_42, %dma_wait3A_43] : memref<10000x64xf32, #tpu.memory_space<hbm>> -> memref<10000x64xf32, #tpu.memory_space<hbm>>
      tpu.wait_indirect_dma semaphore(%arg14 : memref<!tpu.dma_semaphore, #tpu.memory_space<semaphore_mem>>) src(%dma_wait3A_44 : memref<10000x64xf32, #tpu.memory_space<hbm>>) dst(%arg9 : memref<125x64xf32, #tpu.memory_space<vmem>>)
      %add3A_45 = arith.constant 0 : i32
      %add3A_46 = arith.addi %mul3A_31, %add3A_45 : i32
      "tpu.region"() ({
        %run_scoped3A = tpu.sem_alloc : memref<!tpu.dma_semaphore, #tpu.memory_space<semaphore_mem>>
        %dma_start3A_104 = arith.constant 0 : i32
        %dma_start3A_105 = tpu.memref_slice %arg8[%add3A_46, %dma_start3A_104] : memref<80x125xi32, #tpu.memory_space<vmem>> -> memref<1x125xi32, #tpu.memory_space<vmem>>
        %dma_start3A_106 = tpu.memref_squeeze %dma_start3A_105 : memref<1x125xi32, #tpu.memory_space<vmem>> -> memref<125xi32, #tpu.memory_space<vmem>>
        %dma_start3A_107 = arith.constant 0 : i32
        %dma_start3A_108 = arith.constant 0 : i32
        %dma_start3A_109 = tpu.memref_slice %arg13[%dma_start3A_107, %dma_start3A_108] : memref<10240x64xf32, #tpu.memory_space<vmem_shared>> -> memref<10240x64xf32, #tpu.memory_space<vmem_shared>>
        tpu.enqueue_indirect_dma source(%arg9 : memref<125x64xf32, #tpu.memory_space<vmem>>) target(%dma_start3A_109 : memref<10240x64xf32, #tpu.memory_space<vmem_shared>>) offsets(%dma_start3A_106 : memref<125xi32, #tpu.memory_space<vmem>>) semaphore(%run_scoped3A : memref<!tpu.dma_semaphore, #tpu.memory_space<semaphore_mem>>) {add = true}
        %dma_wait3A_110 = arith.constant 0 : i32
        %dma_wait3A_111 = tpu.memref_slice %arg8[%add3A_46, %dma_wait3A_110] : memref<80x125xi32, #tpu.memory_space<vmem>> -> memref<1x125xi32, #tpu.memory_space<vmem>>
        %dma_wait3A_112 = tpu.memref_squeeze %dma_wait3A_111 : memref<1x125xi32, #tpu.memory_space<vmem>> -> memref<125xi32, #tpu.memory_space<vmem>>
        %dma_wait3A_113 = arith.constant 0 : i32
        %dma_wait3A_114 = arith.constant 0 : i32
        %dma_wait3A_115 = tpu.memref_slice %arg13[%dma_wait3A_113, %dma_wait3A_114] : memref<10240x64xf32, #tpu.memory_space<vmem_shared>> -> memref<10240x64xf32, #tpu.memory_space<vmem_shared>>
        tpu.wait_indirect_dma semaphore(%run_scoped3A : memref<!tpu.dma_semaphore, #tpu.memory_space<semaphore_mem>>) src(%arg9 : memref<125x64xf32, #tpu.memory_space<vmem>>) dst(%dma_wait3A_115 : memref<10240x64xf32, #tpu.memory_space<vmem_shared>>)
        tpu.yield
      }) : () -> ()
      %add3A_47 = arith.constant 1 : i32
      %add3A_48 = arith.addi %mul3A_31, %add3A_47 : i32
      %add3A_49 = arith.constant 3 : i32
      %add3A_50 = arith.addi %add3A_48, %add3A_49 : i32
      %lt3A_51 = arith.constant 80 : i32
      %lt3A_52 = arith.cmpi slt, %add3A_50, %lt3A_51 : i32
      %convert_element_type3A_53 = arith.extui %lt3A_52 : i1 to i32
      %cond3A_54 = arith.constant 0 : i32
      %cond3A_55 = arith.cmpi ne, %convert_element_type3A_53, %cond3A_54 : i32
      scf.if %cond3A_55 {
        %dma_start3A_104 = arith.constant 0 : i32
        %dma_start3A_105 = tpu.memref_slice %arg7[%add3A_50, %dma_start3A_104] : memref<80x125xi32, #tpu.memory_space<vmem>> -> memref<1x125xi32, #tpu.memory_space<vmem>>
        %dma_start3A_106 = tpu.memref_squeeze %dma_start3A_105 : memref<1x125xi32, #tpu.memory_space<vmem>> -> memref<125xi32, #tpu.memory_space<vmem>>
        %dma_start3A_107 = arith.constant 0 : i32
        %dma_start3A_108 = arith.constant 0 : i32
        %dma_start3A_109 = tpu.memref_slice %arg4[%dma_start3A_107, %dma_start3A_108] : memref<10000x64xf32, #tpu.memory_space<hbm>> -> memref<10000x64xf32, #tpu.memory_space<hbm>>
        tpu.enqueue_indirect_dma source(%dma_start3A_109 : memref<10000x64xf32, #tpu.memory_space<hbm>>) target(%arg9 : memref<125x64xf32, #tpu.memory_space<vmem>>) offsets(%dma_start3A_106 : memref<125xi32, #tpu.memory_space<vmem>>) semaphore(%arg14 : memref<!tpu.dma_semaphore, #tpu.memory_space<semaphore_mem>>)
      } else {
      }
      %add3A_56 = arith.constant 1 : i32
      %add3A_57 = arith.addi %mul3A_31, %add3A_56 : i32
      %dma_wait3A_58 = arith.constant 0 : i32
      %dma_wait3A_59 = tpu.memref_slice %arg7[%add3A_57, %dma_wait3A_58] : memref<80x125xi32, #tpu.memory_space<vmem>> -> memref<1x125xi32, #tpu.memory_space<vmem>>
      %dma_wait3A_60 = tpu.memref_squeeze %dma_wait3A_59 : memref<1x125xi32, #tpu.memory_space<vmem>> -> memref<125xi32, #tpu.memory_space<vmem>>
      %dma_wait3A_61 = arith.constant 0 : i32
      %dma_wait3A_62 = arith.constant 0 : i32
      %dma_wait3A_63 = tpu.memref_slice %arg4[%dma_wait3A_61, %dma_wait3A_62] : memref<10000x64xf32, #tpu.memory_space<hbm>> -> memref<10000x64xf32, #tpu.memory_space<hbm>>
      tpu.wait_indirect_dma semaphore(%arg15 : memref<!tpu.dma_semaphore, #tpu.memory_space<semaphore_mem>>) src(%dma_wait3A_63 : memref<10000x64xf32, #tpu.memory_space<hbm>>) dst(%arg10 : memref<125x64xf32, #tpu.memory_space<vmem>>)
      %add3A_64 = arith.constant 1 : i32
      %add3A_65 = arith.addi %mul3A_31, %add3A_64 : i32
      "tpu.region"() ({
        %run_scoped3A = tpu.sem_alloc : memref<!tpu.dma_semaphore, #tpu.memory_space<semaphore_mem>>
        %dma_start3A_104 = arith.constant 0 : i32
        %dma_start3A_105 = tpu.memref_slice %arg8[%add3A_65, %dma_start3A_104] : memref<80x125xi32, #tpu.memory_space<vmem>> -> memref<1x125xi32, #tpu.memory_space<vmem>>
        %dma_start3A_106 = tpu.memref_squeeze %dma_start3A_105 : memref<1x125xi32, #tpu.memory_space<vmem>> -> memref<125xi32, #tpu.memory_space<vmem>>
        %dma_start3A_107 = arith.constant 0 : i32
        %dma_start3A_108 = arith.constant 0 : i32
        %dma_start3A_109 = tpu.memref_slice %arg13[%dma_start3A_107, %dma_start3A_108] : memref<10240x64xf32, #tpu.memory_space<vmem_shared>> -> memref<10240x64xf32, #tpu.memory_space<vmem_shared>>
        tpu.enqueue_indirect_dma source(%arg10 : memref<125x64xf32, #tpu.memory_space<vmem>>) target(%dma_start3A_109 : memref<10240x64xf32, #tpu.memory_space<vmem_shared>>) offsets(%dma_start3A_106 : memref<125xi32, #tpu.memory_space<vmem>>) semaphore(%run_scoped3A : memref<!tpu.dma_semaphore, #tpu.memory_space<semaphore_mem>>) {add = true}
        %dma_wait3A_110 = arith.constant 0 : i32
        %dma_wait3A_111 = tpu.memref_slice %arg8[%add3A_65, %dma_wait3A_110] : memref<80x125xi32, #tpu.memory_space<vmem>> -> memref<1x125xi32, #tpu.memory_space<vmem>>
        %dma_wait3A_112 = tpu.memref_squeeze %dma_wait3A_111 : memref<1x125xi32, #tpu.memory_space<vmem>> -> memref<125xi32, #tpu.memory_space<vmem>>
        %dma_wait3A_113 = arith.constant 0 : i32
        %dma_wait3A_114 = arith.constant 0 : i32
        %dma_wait3A_115 = tpu.memref_slice %arg13[%dma_wait3A_113, %dma_wait3A_114] : memref<10240x64xf32, #tpu.memory_space<vmem_shared>> -> memref<10240x64xf32, #tpu.memory_space<vmem_shared>>
        tpu.wait_indirect_dma semaphore(%run_scoped3A : memref<!tpu.dma_semaphore, #tpu.memory_space<semaphore_mem>>) src(%arg10 : memref<125x64xf32, #tpu.memory_space<vmem>>) dst(%dma_wait3A_115 : memref<10240x64xf32, #tpu.memory_space<vmem_shared>>)
        tpu.yield
      }) : () -> ()
      %add3A_66 = arith.constant 2 : i32
      %add3A_67 = arith.addi %mul3A_31, %add3A_66 : i32
      %add3A_68 = arith.constant 3 : i32
      %add3A_69 = arith.addi %add3A_67, %add3A_68 : i32
      %lt3A_70 = arith.constant 80 : i32
      %lt3A_71 = arith.cmpi slt, %add3A_69, %lt3A_70 : i32
      %convert_element_type3A_72 = arith.extui %lt3A_71 : i1 to i32
      %cond3A_73 = arith.constant 0 : i32
      %cond3A_74 = arith.cmpi ne, %convert_element_type3A_72, %cond3A_73 : i32
      scf.if %cond3A_74 {
        %dma_start3A_104 = arith.constant 0 : i32
        %dma_start3A_105 = tpu.memref_slice %arg7[%add3A_69, %dma_start3A_104] : memref<80x125xi32, #tpu.memory_space<vmem>> -> memref<1x125xi32, #tpu.memory_space<vmem>>
        %dma_start3A_106 = tpu.memref_squeeze %dma_start3A_105 : memref<1x125xi32, #tpu.memory_space<vmem>> -> memref<125xi32, #tpu.memory_space<vmem>>
        %dma_start3A_107 = arith.constant 0 : i32
        %dma_start3A_108 = arith.constant 0 : i32
        %dma_start3A_109 = tpu.memref_slice %arg4[%dma_start3A_107, %dma_start3A_108] : memref<10000x64xf32, #tpu.memory_space<hbm>> -> memref<10000x64xf32, #tpu.memory_space<hbm>>
        tpu.enqueue_indirect_dma source(%dma_start3A_109 : memref<10000x64xf32, #tpu.memory_space<hbm>>) target(%arg10 : memref<125x64xf32, #tpu.memory_space<vmem>>) offsets(%dma_start3A_106 : memref<125xi32, #tpu.memory_space<vmem>>) semaphore(%arg15 : memref<!tpu.dma_semaphore, #tpu.memory_space<semaphore_mem>>)
      } else {
      }
      %add3A_75 = arith.constant 2 : i32
      %add3A_76 = arith.addi %mul3A_31, %add3A_75 : i32
      %dma_wait3A_77 = arith.constant 0 : i32
      %dma_wait3A_78 = tpu.memref_slice %arg7[%add3A_76, %dma_wait3A_77] : memref<80x125xi32, #tpu.memory_space<vmem>> -> memref<1x125xi32, #tpu.memory_space<vmem>>
      %dma_wait3A_79 = tpu.memref_squeeze %dma_wait3A_78 : memref<1x125xi32, #tpu.memory_space<vmem>> -> memref<125xi32, #tpu.memory_space<vmem>>
      %dma_wait3A_80 = arith.constant 0 : i32
      %dma_wait3A_81 = arith.constant 0 : i32
      %dma_wait3A_82 = tpu.memref_slice %arg4[%dma_wait3A_80, %dma_wait3A_81] : memref<10000x64xf32, #tpu.memory_space<hbm>> -> memref<10000x64xf32, #tpu.memory_space<hbm>>
      tpu.wait_indirect_dma semaphore(%arg16 : memref<!tpu.dma_semaphore, #tpu.memory_space<semaphore_mem>>) src(%dma_wait3A_82 : memref<10000x64xf32, #tpu.memory_space<hbm>>) dst(%arg11 : memref<125x64xf32, #tpu.memory_space<vmem>>)
      %add3A_83 = arith.constant 2 : i32
      %add3A_84 = arith.addi %mul3A_31, %add3A_83 : i32
      "tpu.region"() ({
        %run_scoped3A = tpu.sem_alloc : memref<!tpu.dma_semaphore, #tpu.memory_space<semaphore_mem>>
        %dma_start3A_104 = arith.constant 0 : i32
        %dma_start3A_105 = tpu.memref_slice %arg8[%add3A_84, %dma_start3A_104] : memref<80x125xi32, #tpu.memory_space<vmem>> -> memref<1x125xi32, #tpu.memory_space<vmem>>
        %dma_start3A_106 = tpu.memref_squeeze %dma_start3A_105 : memref<1x125xi32, #tpu.memory_space<vmem>> -> memref<125xi32, #tpu.memory_space<vmem>>
        %dma_start3A_107 = arith.constant 0 : i32
        %dma_start3A_108 = arith.constant 0 : i32
        %dma_start3A_109 = tpu.memref_slice %arg13[%dma_start3A_107, %dma_start3A_108] : memref<10240x64xf32, #tpu.memory_space<vmem_shared>> -> memref<10240x64xf32, #tpu.memory_space<vmem_shared>>
        tpu.enqueue_indirect_dma source(%arg11 : memref<125x64xf32, #tpu.memory_space<vmem>>) target(%dma_start3A_109 : memref<10240x64xf32, #tpu.memory_space<vmem_shared>>) offsets(%dma_start3A_106 : memref<125xi32, #tpu.memory_space<vmem>>) semaphore(%run_scoped3A : memref<!tpu.dma_semaphore, #tpu.memory_space<semaphore_mem>>) {add = true}
        %dma_wait3A_110 = arith.constant 0 : i32
        %dma_wait3A_111 = tpu.memref_slice %arg8[%add3A_84, %dma_wait3A_110] : memref<80x125xi32, #tpu.memory_space<vmem>> -> memref<1x125xi32, #tpu.memory_space<vmem>>
        %dma_wait3A_112 = tpu.memref_squeeze %dma_wait3A_111 : memref<1x125xi32, #tpu.memory_space<vmem>> -> memref<125xi32, #tpu.memory_space<vmem>>
        %dma_wait3A_113 = arith.constant 0 : i32
        %dma_wait3A_114 = arith.constant 0 : i32
        %dma_wait3A_115 = tpu.memref_slice %arg13[%dma_wait3A_113, %dma_wait3A_114] : memref<10240x64xf32, #tpu.memory_space<vmem_shared>> -> memref<10240x64xf32, #tpu.memory_space<vmem_shared>>
        tpu.wait_indirect_dma semaphore(%run_scoped3A : memref<!tpu.dma_semaphore, #tpu.memory_space<semaphore_mem>>) src(%arg11 : memref<125x64xf32, #tpu.memory_space<vmem>>) dst(%dma_wait3A_115 : memref<10240x64xf32, #tpu.memory_space<vmem_shared>>)
        tpu.yield
      }) : () -> ()
      %add3A_85 = arith.constant 3 : i32
      %add3A_86 = arith.addi %mul3A_31, %add3A_85 : i32
      %add3A_87 = arith.constant 3 : i32
      %add3A_88 = arith.addi %add3A_86, %add3A_87 : i32
      %lt3A_89 = arith.constant 80 : i32
      %lt3A_90 = arith.cmpi slt, %add3A_88, %lt3A_89 : i32
      %convert_element_type3A_91 = arith.extui %lt3A_90 : i1 to i32
      %cond3A_92 = arith.constant 0 : i32
      %cond3A_93 = arith.cmpi ne, %convert_element_type3A_91, %cond3A_92 : i32
      scf.if %cond3A_93 {
        %dma_start3A_104 = arith.constant 0 : i32
        %dma_start3A_105 = tpu.memref_slice %arg7[%add3A_88, %dma_start3A_104] : memref<80x125xi32, #tpu.memory_space<vmem>> -> memref<1x125xi32, #tpu.memory_space<vmem>>
        %dma_start3A_106 = tpu.memref_squeeze %dma_start3A_105 : memref<1x125xi32, #tpu.memory_space<vmem>> -> memref<125xi32, #tpu.memory_space<vmem>>
        %dma_start3A_107 = arith.constant 0 : i32
        %dma_start3A_108 = arith.constant 0 : i32
        %dma_start3A_109 = tpu.memref_slice %arg4[%dma_start3A_107, %dma_start3A_108] : memref<10000x64xf32, #tpu.memory_space<hbm>> -> memref<10000x64xf32, #tpu.memory_space<hbm>>
        tpu.enqueue_indirect_dma source(%dma_start3A_109 : memref<10000x64xf32, #tpu.memory_space<hbm>>) target(%arg11 : memref<125x64xf32, #tpu.memory_space<vmem>>) offsets(%dma_start3A_106 : memref<125xi32, #tpu.memory_space<vmem>>) semaphore(%arg16 : memref<!tpu.dma_semaphore, #tpu.memory_space<semaphore_mem>>)
      } else {
      }
      %add3A_94 = arith.constant 3 : i32
      %add3A_95 = arith.addi %mul3A_31, %add3A_94 : i32
      %dma_wait3A_96 = arith.constant 0 : i32
      %dma_wait3A_97 = tpu.memref_slice %arg7[%add3A_95, %dma_wait3A_96] : memref<80x125xi32, #tpu.memory_space<vmem>> -> memref<1x125xi32, #tpu.memory_space<vmem>>
      %dma_wait3A_98 = tpu.memref_squeeze %dma_wait3A_97 : memref<1x125xi32, #tpu.memory_space<vmem>> -> memref<125xi32, #tpu.memory_space<vmem>>
      %dma_wait3A_99 = arith.constant 0 : i32
      %dma_wait3A_100 = arith.constant 0 : i32
      %dma_wait3A_101 = tpu.memref_slice %arg4[%dma_wait3A_99, %dma_wait3A_100] : memref<10000x64xf32, #tpu.memory_space<hbm>> -> memref<10000x64xf32, #tpu.memory_space<hbm>>
      tpu.wait_indirect_dma semaphore(%arg17 : memref<!tpu.dma_semaphore, #tpu.memory_space<semaphore_mem>>) src(%dma_wait3A_101 : memref<10000x64xf32, #tpu.memory_space<hbm>>) dst(%arg12 : memref<125x64xf32, #tpu.memory_space<vmem>>)
      %add3A_102 = arith.constant 3 : i32
      %add3A_103 = arith.addi %mul3A_31, %add3A_102 : i32
      "tpu.region"() ({
        %run_scoped3A = tpu.sem_alloc : memref<!tpu.dma_semaphore, #tpu.memory_space<semaphore_mem>>
        %dma_start3A_104 = arith.constant 0 : i32
        %dma_start3A_105 = tpu.memref_slice %arg8[%add3A_103, %dma_start3A_104] : memref<80x125xi32, #tpu.memory_space<vmem>> -> memref<1x125xi32, #tpu.memory_space<vmem>>
        %dma_start3A_106 = tpu.memref_squeeze %dma_start3A_105 : memref<1x125xi32, #tpu.memory_space<vmem>> -> memref<125xi32, #tpu.memory_space<vmem>>
        %dma_start3A_107 = arith.constant 0 : i32
        %dma_start3A_108 = arith.constant 0 : i32
        %dma_start3A_109 = tpu.memref_slice %arg13[%dma_start3A_107, %dma_start3A_108] : memref<10240x64xf32, #tpu.memory_space<vmem_shared>> -> memref<10240x64xf32, #tpu.memory_space<vmem_shared>>
        tpu.enqueue_indirect_dma source(%arg12 : memref<125x64xf32, #tpu.memory_space<vmem>>) target(%dma_start3A_109 : memref<10240x64xf32, #tpu.memory_space<vmem_shared>>) offsets(%dma_start3A_106 : memref<125xi32, #tpu.memory_space<vmem>>) semaphore(%run_scoped3A : memref<!tpu.dma_semaphore, #tpu.memory_space<semaphore_mem>>) {add = true}
        %dma_wait3A_110 = arith.constant 0 : i32
        %dma_wait3A_111 = tpu.memref_slice %arg8[%add3A_103, %dma_wait3A_110] : memref<80x125xi32, #tpu.memory_space<vmem>> -> memref<1x125xi32, #tpu.memory_space<vmem>>
        %dma_wait3A_112 = tpu.memref_squeeze %dma_wait3A_111 : memref<1x125xi32, #tpu.memory_space<vmem>> -> memref<125xi32, #tpu.memory_space<vmem>>
        %dma_wait3A_113 = arith.constant 0 : i32
        %dma_wait3A_114 = arith.constant 0 : i32
        %dma_wait3A_115 = tpu.memref_slice %arg13[%dma_wait3A_113, %dma_wait3A_114] : memref<10240x64xf32, #tpu.memory_space<vmem_shared>> -> memref<10240x64xf32, #tpu.memory_space<vmem_shared>>
        tpu.wait_indirect_dma semaphore(%run_scoped3A : memref<!tpu.dma_semaphore, #tpu.memory_space<semaphore_mem>>) src(%arg12 : memref<125x64xf32, #tpu.memory_space<vmem>>) dst(%dma_wait3A_115 : memref<10240x64xf32, #tpu.memory_space<vmem_shared>>)
        tpu.yield
      }) : () -> ()
    }
    %scan3A_27 = arith.constant 20 : i32
    %barrier3A_28 = arith.constant 0 : index
    tpu.barrier barrier_id(%barrier3A_28)
    "tpu.region"() ({
      %run_scoped3A = tpu.sem_alloc : memref<!tpu.dma_semaphore, #tpu.memory_space<semaphore_mem>>
      %dma_start3A_29 = arith.constant 0 : i32
      %dma_start3A_30 = arith.constant 0 : i32
      %dma_start3A_31 = tpu.memref_slice %arg6[%arg0, %dma_start3A_29, %dma_start3A_30] : memref<2x10240x64xf32, #tpu.memory_space<hbm>> -> memref<1x10240x64xf32, #tpu.memory_space<hbm>>
      %dma_start3A_32 = tpu.memref_squeeze %dma_start3A_31 : memref<1x10240x64xf32, #tpu.memory_space<hbm>> -> memref<10240x64xf32, #tpu.memory_space<hbm>>
      %dma_start3A_33 = arith.constant 0 : i32
      %dma_start3A_34 = tpu.memref_slice %dma_start3A_32[%multiple_of3A, %dma_start3A_33] : memref<10240x64xf32, #tpu.memory_space<hbm>> -> memref<640x64xf32, #tpu.memory_space<hbm>>
      %dma_start3A_35 = arith.constant 0 : i32
      %dma_start3A_36 = tpu.memref_slice %arg13[%multiple_of3A, %dma_start3A_35] : memref<10240x64xf32, #tpu.memory_space<vmem_shared>> -> memref<640x64xf32, #tpu.memory_space<vmem_shared>>
      tpu.enqueue_dma source(%dma_start3A_36 : memref<640x64xf32, #tpu.memory_space<vmem_shared>>) target(%dma_start3A_34 : memref<640x64xf32, #tpu.memory_space<hbm>>) target_semaphore(%run_scoped3A : memref<!tpu.dma_semaphore, #tpu.memory_space<semaphore_mem>>)
      %dma_wait3A = arith.constant 0 : i32
      %dma_wait3A_37 = arith.constant 0 : i32
      %dma_wait3A_38 = tpu.memref_slice %arg6[%arg0, %dma_wait3A, %dma_wait3A_37] : memref<2x10240x64xf32, #tpu.memory_space<hbm>> -> memref<1x10240x64xf32, #tpu.memory_space<hbm>>
      %dma_wait3A_39 = tpu.memref_squeeze %dma_wait3A_38 : memref<1x10240x64xf32, #tpu.memory_space<hbm>> -> memref<10240x64xf32, #tpu.memory_space<hbm>>
      %dma_wait3A_40 = arith.constant 0 : i32
      %dma_wait3A_41 = tpu.memref_slice %dma_wait3A_39[%multiple_of3A, %dma_wait3A_40] : memref<10240x64xf32, #tpu.memory_space<hbm>> -> memref<640x64xf32, #tpu.memory_space<hbm>>
      %dma_wait3A_42 = arith.constant 0 : i32
      %dma_wait3A_43 = tpu.memref_slice %arg13[%multiple_of3A, %dma_wait3A_42] : memref<10240x64xf32, #tpu.memory_space<vmem_shared>> -> memref<640x64xf32, #tpu.memory_space<vmem_shared>>
      tpu.wait_dma2 semaphore(%run_scoped3A : memref<!tpu.dma_semaphore, #tpu.memory_space<semaphore_mem>>) src(%dma_wait3A_43 : memref<640x64xf32, #tpu.memory_space<vmem_shared>>) dst(%dma_wait3A_41 : memref<640x64xf32, #tpu.memory_space<hbm>>)
      tpu.yield
    }) : () -> ()
    return
  }
}

#map = affine_map<(d0, d1) -> (0, 0, 0)>
#map1 = affine_map<(d0, d1) -> (0, 0)>
module attributes {stable_mosaic.version = 14 : i64} {
  func.func @agg(%arg0: i32, %arg1: i32, %arg2: memref<32x80x125xi32, #tpu.memory_space<hbm>>, %arg3: memref<32x80x125xi32, #tpu.memory_space<hbm>>, %arg4: memref<10000x64xf32, #tpu.memory_space<hbm>>, %arg5: memref<10240x64xf32, #tpu.memory_space<hbm>>, %arg6: memref<2x10240x64xf32, #tpu.memory_space<hbm>>, %arg7: memref<80x125xi32, #tpu.memory_space<vmem>>, %arg8: memref<80x125xi32, #tpu.memory_space<vmem>>, %arg9: memref<125x64xf32, #tpu.memory_space<vmem>>, %arg10: memref<125x64xf32, #tpu.memory_space<vmem>>, %arg11: memref<125x64xf32, #tpu.memory_space<vmem>>, %arg12: memref<125x64xf32, #tpu.memory_space<vmem>>, %arg13: memref<10240x64xf32, #tpu.memory_space<vmem_shared>>, %arg14: memref<!tpu.dma_semaphore, #tpu.memory_space<semaphore_mem>>, %arg15: memref<!tpu.dma_semaphore, #tpu.memory_space<semaphore_mem>>, %arg16: memref<!tpu.dma_semaphore, #tpu.memory_space<semaphore_mem>>, %arg17: memref<!tpu.dma_semaphore, #tpu.memory_space<semaphore_mem>>) attributes {dimension_semantics = [#tpu.dimension_semantics<core_parallel>, #tpu.dimension_semantics<subcore_parallel>], iteration_bounds = array<i64: 2, 16>, scalar_prefetch = 0 : i64, scratch_operands = 11 : i64, tpu.core_type = #tpu.core_type<sc_vector_subcore>, window_params = [{transform_indices = #map}, {transform_indices = #map}, {transform_indices = #map1}, {transform_indices = #map1}, {transform_indices = #map}]} {
    %mul3A = arith.constant 16 : i32
    %mul3A_0 = arith.muli %arg0, %mul3A : i32
    %add3A = arith.addi %mul3A_0, %arg1 : i32
    "tpu.region"() ({
      %run_scoped3A = tpu.sem_alloc : memref<!tpu.dma_semaphore, #tpu.memory_space<semaphore_mem>>
      %dma_start3A_29 = arith.constant 0 : i32
      %dma_start3A_30 = arith.constant 0 : i32
      %dma_start3A_31 = tpu.memref_slice %arg2[%add3A, %dma_start3A_29, %dma_start3A_30] : memref<32x80x125xi32, #tpu.memory_space<hbm>> -> memref<1x80x125xi32, #tpu.memory_space<hbm>>
      %dma_start3A_32 = tpu.memref_squeeze %dma_start3A_31 : memref<1x80x125xi32, #tpu.memory_space<hbm>> -> memref<80x125xi32, #tpu.memory_space<hbm>>
      %dma_start3A_33 = arith.constant 0 : i32
      %dma_start3A_34 = arith.constant 0 : i32
      %dma_start3A_35 = tpu.memref_slice %arg2[%add3A, %dma_start3A_33, %dma_start3A_34] : memref<32x80x125xi32, #tpu.memory_space<hbm>> -> memref<1x80x125xi32, #tpu.memory_space<hbm>>
      %dma_start3A_36 = tpu.memref_squeeze %dma_start3A_35 : memref<1x80x125xi32, #tpu.memory_space<hbm>> -> memref<80x125xi32, #tpu.memory_space<hbm>>
      tpu.enqueue_dma source(%dma_start3A_36 : memref<80x125xi32, #tpu.memory_space<hbm>>) target(%arg7 : memref<80x125xi32, #tpu.memory_space<vmem>>) target_semaphore(%run_scoped3A : memref<!tpu.dma_semaphore, #tpu.memory_space<semaphore_mem>>)
      %dma_wait3A = arith.constant 0 : i32
      %dma_wait3A_37 = arith.constant 0 : i32
      %dma_wait3A_38 = tpu.memref_slice %arg2[%add3A, %dma_wait3A, %dma_wait3A_37] : memref<32x80x125xi32, #tpu.memory_space<hbm>> -> memref<1x80x125xi32, #tpu.memory_space<hbm>>
      %dma_wait3A_39 = tpu.memref_squeeze %dma_wait3A_38 : memref<1x80x125xi32, #tpu.memory_space<hbm>> -> memref<80x125xi32, #tpu.memory_space<hbm>>
      %dma_wait3A_40 = arith.constant 0 : i32
      %dma_wait3A_41 = arith.constant 0 : i32
      %dma_wait3A_42 = tpu.memref_slice %arg2[%add3A, %dma_wait3A_40, %dma_wait3A_41] : memref<32x80x125xi32, #tpu.memory_space<hbm>> -> memref<1x80x125xi32, #tpu.memory_space<hbm>>
      %dma_wait3A_43 = tpu.memref_squeeze %dma_wait3A_42 : memref<1x80x125xi32, #tpu.memory_space<hbm>> -> memref<80x125xi32, #tpu.memory_space<hbm>>
      tpu.wait_dma2 semaphore(%run_scoped3A : memref<!tpu.dma_semaphore, #tpu.memory_space<semaphore_mem>>) src(%dma_wait3A_43 : memref<80x125xi32, #tpu.memory_space<hbm>>) dst(%arg7 : memref<80x125xi32, #tpu.memory_space<vmem>>)
      tpu.yield
    }) : () -> ()
    "tpu.region"() ({
      %run_scoped3A = tpu.sem_alloc : memref<!tpu.dma_semaphore, #tpu.memory_space<semaphore_mem>>
      %dma_start3A_29 = arith.constant 0 : i32
      %dma_start3A_30 = arith.constant 0 : i32
      %dma_start3A_31 = tpu.memref_slice %arg3[%add3A, %dma_start3A_29, %dma_start3A_30] : memref<32x80x125xi32, #tpu.memory_space<hbm>> -> memref<1x80x125xi32, #tpu.memory_space<hbm>>
      %dma_start3A_32 = tpu.memref_squeeze %dma_start3A_31 : memref<1x80x125xi32, #tpu.memory_space<hbm>> -> memref<80x125xi32, #tpu.memory_space<hbm>>
      %dma_start3A_33 = arith.constant 0 : i32
      %dma_start3A_34 = arith.constant 0 : i32
      %dma_start3A_35 = tpu.memref_slice %arg3[%add3A, %dma_start3A_33, %dma_start3A_34] : memref<32x80x125xi32, #tpu.memory_space<hbm>> -> memref<1x80x125xi32, #tpu.memory_space<hbm>>
      %dma_start3A_36 = tpu.memref_squeeze %dma_start3A_35 : memref<1x80x125xi32, #tpu.memory_space<hbm>> -> memref<80x125xi32, #tpu.memory_space<hbm>>
      tpu.enqueue_dma source(%dma_start3A_36 : memref<80x125xi32, #tpu.memory_space<hbm>>) target(%arg8 : memref<80x125xi32, #tpu.memory_space<vmem>>) target_semaphore(%run_scoped3A : memref<!tpu.dma_semaphore, #tpu.memory_space<semaphore_mem>>)
      %dma_wait3A = arith.constant 0 : i32
      %dma_wait3A_37 = arith.constant 0 : i32
      %dma_wait3A_38 = tpu.memref_slice %arg3[%add3A, %dma_wait3A, %dma_wait3A_37] : memref<32x80x125xi32, #tpu.memory_space<hbm>> -> memref<1x80x125xi32, #tpu.memory_space<hbm>>
      %dma_wait3A_39 = tpu.memref_squeeze %dma_wait3A_38 : memref<1x80x125xi32, #tpu.memory_space<hbm>> -> memref<80x125xi32, #tpu.memory_space<hbm>>
      %dma_wait3A_40 = arith.constant 0 : i32
      %dma_wait3A_41 = arith.constant 0 : i32
      %dma_wait3A_42 = tpu.memref_slice %arg3[%add3A, %dma_wait3A_40, %dma_wait3A_41] : memref<32x80x125xi32, #tpu.memory_space<hbm>> -> memref<1x80x125xi32, #tpu.memory_space<hbm>>
      %dma_wait3A_43 = tpu.memref_squeeze %dma_wait3A_42 : memref<1x80x125xi32, #tpu.memory_space<hbm>> -> memref<80x125xi32, #tpu.memory_space<hbm>>
      tpu.wait_dma2 semaphore(%run_scoped3A : memref<!tpu.dma_semaphore, #tpu.memory_space<semaphore_mem>>) src(%dma_wait3A_43 : memref<80x125xi32, #tpu.memory_space<hbm>>) dst(%arg8 : memref<80x125xi32, #tpu.memory_space<vmem>>)
      tpu.yield
    }) : () -> ()
    %dma_start3A = arith.constant 0 : i32
    %dma_start3A_1 = arith.constant 0 : i32
    %dma_start3A_2 = tpu.memref_slice %arg7[%dma_start3A, %dma_start3A_1] : memref<80x125xi32, #tpu.memory_space<vmem>> -> memref<1x125xi32, #tpu.memory_space<vmem>>
    %dma_start3A_3 = tpu.memref_squeeze %dma_start3A_2 : memref<1x125xi32, #tpu.memory_space<vmem>> -> memref<125xi32, #tpu.memory_space<vmem>>
    %dma_start3A_4 = arith.constant 0 : i32
    %dma_start3A_5 = arith.constant 0 : i32
    %dma_start3A_6 = tpu.memref_slice %arg4[%dma_start3A_4, %dma_start3A_5] : memref<10000x64xf32, #tpu.memory_space<hbm>> -> memref<10000x64xf32, #tpu.memory_space<hbm>>
    tpu.enqueue_indirect_dma source(%dma_start3A_6 : memref<10000x64xf32, #tpu.memory_space<hbm>>) target(%arg9 : memref<125x64xf32, #tpu.memory_space<vmem>>) offsets(%dma_start3A_3 : memref<125xi32, #tpu.memory_space<vmem>>) semaphore(%arg14 : memref<!tpu.dma_semaphore, #tpu.memory_space<semaphore_mem>>)
    %dma_start3A_7 = arith.constant 1 : i32
    %dma_start3A_8 = arith.constant 0 : i32
    %dma_start3A_9 = tpu.memref_slice %arg7[%dma_start3A_7, %dma_start3A_8] : memref<80x125xi32, #tpu.memory_space<vmem>> -> memref<1x125xi32, #tpu.memory_space<vmem>>
    %dma_start3A_10 = tpu.memref_squeeze %dma_start3A_9 : memref<1x125xi32, #tpu.memory_space<vmem>> -> memref<125xi32, #tpu.memory_space<vmem>>
    %dma_start3A_11 = arith.constant 0 : i32
    %dma_start3A_12 = arith.constant 0 : i32
    %dma_start3A_13 = tpu.memref_slice %arg4[%dma_start3A_11, %dma_start3A_12] : memref<10000x64xf32, #tpu.memory_space<hbm>> -> memref<10000x64xf32, #tpu.memory_space<hbm>>
    tpu.enqueue_indirect_dma source(%dma_start3A_13 : memref<10000x64xf32, #tpu.memory_space<hbm>>) target(%arg10 : memref<125x64xf32, #tpu.memory_space<vmem>>) offsets(%dma_start3A_10 : memref<125xi32, #tpu.memory_space<vmem>>) semaphore(%arg15 : memref<!tpu.dma_semaphore, #tpu.memory_space<semaphore_mem>>)
    %dma_start3A_14 = arith.constant 2 : i32
    %dma_start3A_15 = arith.constant 0 : i32
    %dma_start3A_16 = tpu.memref_slice %arg7[%dma_start3A_14, %dma_start3A_15] : memref<80x125xi32, #tpu.memory_space<vmem>> -> memref<1x125xi32, #tpu.memory_space<vmem>>
    %dma_start3A_17 = tpu.memref_squeeze %dma_start3A_16 : memref<1x125xi32, #tpu.memory_space<vmem>> -> memref<125xi32, #tpu.memory_space<vmem>>
    %dma_start3A_18 = arith.constant 0 : i32
    %dma_start3A_19 = arith.constant 0 : i32
    %dma_start3A_20 = tpu.memref_slice %arg4[%dma_start3A_18, %dma_start3A_19] : memref<10000x64xf32, #tpu.memory_space<hbm>> -> memref<10000x64xf32, #tpu.memory_space<hbm>>
    tpu.enqueue_indirect_dma source(%dma_start3A_20 : memref<10000x64xf32, #tpu.memory_space<hbm>>) target(%arg11 : memref<125x64xf32, #tpu.memory_space<vmem>>) offsets(%dma_start3A_17 : memref<125xi32, #tpu.memory_space<vmem>>) semaphore(%arg16 : memref<!tpu.dma_semaphore, #tpu.memory_space<semaphore_mem>>)
    %mul3A_21 = arith.constant 640 : i32
    %mul3A_22 = arith.muli %arg1, %mul3A_21 : i32
    %multiple_of3A = tpu.assume_multiple %mul3A_22, 8 : i32
    "tpu.region"() ({
      %run_scoped3A = tpu.sem_alloc : memref<!tpu.dma_semaphore, #tpu.memory_space<semaphore_mem>>
      %dma_start3A_29 = arith.constant 0 : i32
      %dma_start3A_30 = tpu.memref_slice %arg13[%multiple_of3A, %dma_start3A_29] : memref<10240x64xf32, #tpu.memory_space<vmem_shared>> -> memref<640x64xf32, #tpu.memory_space<vmem_shared>>
      %dma_start3A_31 = arith.constant 0 : i32
      %dma_start3A_32 = tpu.memref_slice %arg5[%multiple_of3A, %dma_start3A_31] : memref<10240x64xf32, #tpu.memory_space<hbm>> -> memref<640x64xf32, #tpu.memory_space<hbm>>
      tpu.enqueue_dma source(%dma_start3A_32 : memref<640x64xf32, #tpu.memory_space<hbm>>) target(%dma_start3A_30 : memref<640x64xf32, #tpu.memory_space<vmem_shared>>) target_semaphore(%run_scoped3A : memref<!tpu.dma_semaphore, #tpu.memory_space<semaphore_mem>>)
      %dma_wait3A = arith.constant 0 : i32
      %dma_wait3A_33 = tpu.memref_slice %arg13[%multiple_of3A, %dma_wait3A] : memref<10240x64xf32, #tpu.memory_space<vmem_shared>> -> memref<640x64xf32, #tpu.memory_space<vmem_shared>>
      %dma_wait3A_34 = arith.constant 0 : i32
      %dma_wait3A_35 = tpu.memref_slice %arg5[%multiple_of3A, %dma_wait3A_34] : memref<10240x64xf32, #tpu.memory_space<hbm>> -> memref<640x64xf32, #tpu.memory_space<hbm>>
      tpu.wait_dma2 semaphore(%run_scoped3A : memref<!tpu.dma_semaphore, #tpu.memory_space<semaphore_mem>>) src(%dma_wait3A_35 : memref<640x64xf32, #tpu.memory_space<hbm>>) dst(%dma_wait3A_33 : memref<640x64xf32, #tpu.memory_space<vmem_shared>>)
      tpu.yield
    }) : () -> ()
    %barrier3A = arith.constant 0 : index
    tpu.barrier barrier_id(%barrier3A)
    %scan3A = arith.constant 0 : i32
    %scan3A_23 = arith.constant 0 : i32
    %scan3A_24 = arith.constant 20 : i32
    %scan3A_25 = arith.addi %scan3A_23, %scan3A_24 : i32
    %scan3A_26 = arith.constant 1 : i32
    scf.for %scan3A_29 = %scan3A_23 to %scan3A_25 step %scan3A_26  : i32 {
      %mul3A_30 = arith.constant 4 : i32
      %mul3A_31 = arith.muli %scan3A_29, %mul3A_30 : i32
      %add3A_32 = arith.constant 0 : i32
      %add3A_33 = arith.addi %mul3A_31, %add3A_32 : i32
      %add3A_34 = arith.constant 3 : i32
      %add3A_35 = arith.addi %add3A_33, %add3A_34 : i32
      %lt3A = arith.constant 80 : i32
      %lt3A_36 = arith.cmpi slt, %add3A_35, %lt3A : i32
      %convert_element_type3A = arith.extui %lt3A_36 : i1 to i32
      %cond3A = arith.constant 0 : i32
      %cond3A_37 = arith.cmpi ne, %convert_element_type3A, %cond3A : i32
      scf.if %cond3A_37 {
        %dma_start3A_104 = arith.constant 0 : i32
        %dma_start3A_105 = tpu.memref_slice %arg7[%add3A_35, %dma_start3A_104] : memref<80x125xi32, #tpu.memory_space<vmem>> -> memref<1x125xi32, #tpu.memory_space<vmem>>
        %dma_start3A_106 = tpu.memref_squeeze %dma_start3A_105 : memref<1x125xi32, #tpu.memory_space<vmem>> -> memref<125xi32, #tpu.memory_space<vmem>>
        %dma_start3A_107 = arith.constant 0 : i32
        %dma_start3A_108 = arith.constant 0 : i32
        %dma_start3A_109 = tpu.memref_slice %arg4[%dma_start3A_107, %dma_start3A_108] : memref<10000x64xf32, #tpu.memory_space<hbm>> -> memref<10000x64xf32, #tpu.memory_space<hbm>>
        tpu.enqueue_indirect_dma source(%dma_start3A_109 : memref<10000x64xf32, #tpu.memory_space<hbm>>) target(%arg12 : memref<125x64xf32, #tpu.memory_space<vmem>>) offsets(%dma_start3A_106 : memref<125xi32, #tpu.memory_space<vmem>>) semaphore(%arg17 : memref<!tpu.dma_semaphore, #tpu.memory_space<semaphore_mem>>)
      } else {
      }
      %add3A_38 = arith.constant 0 : i32
      %add3A_39 = arith.addi %mul3A_31, %add3A_38 : i32
      %dma_wait3A = arith.constant 0 : i32
      %dma_wait3A_40 = tpu.memref_slice %arg7[%add3A_39, %dma_wait3A] : memref<80x125xi32, #tpu.memory_space<vmem>> -> memref<1x125xi32, #tpu.memory_space<vmem>>
      %dma_wait3A_41 = tpu.memref_squeeze %dma_wait3A_40 : memref<1x125xi32, #tpu.memory_space<vmem>> -> memref<125xi32, #tpu.memory_space<vmem>>
      %dma_wait3A_42 = arith.constant 0 : i32
      %dma_wait3A_43 = arith.constant 0 : i32
      %dma_wait3A_44 = tpu.memref_slice %arg4[%dma_wait3A_42, %dma_wait3A_43] : memref<10000x64xf32, #tpu.memory_space<hbm>> -> memref<10000x64xf32, #tpu.memory_space<hbm>>
      tpu.wait_indirect_dma semaphore(%arg14 : memref<!tpu.dma_semaphore, #tpu.memory_space<semaphore_mem>>) src(%dma_wait3A_44 : memref<10000x64xf32, #tpu.memory_space<hbm>>) dst(%arg9 : memref<125x64xf32, #tpu.memory_space<vmem>>)
      %add3A_45 = arith.constant 0 : i32
      %add3A_46 = arith.addi %mul3A_31, %add3A_45 : i32
      "tpu.region"() ({
        %run_scoped3A = tpu.sem_alloc : memref<!tpu.dma_semaphore, #tpu.memory_space<semaphore_mem>>
        %dma_start3A_104 = arith.constant 0 : i32
        %dma_start3A_105 = tpu.memref_slice %arg8[%add3A_46, %dma_start3A_104] : memref<80x125xi32, #tpu.memory_space<vmem>> -> memref<1x125xi32, #tpu.memory_space<vmem>>
        %dma_start3A_106 = tpu.memref_squeeze %dma_start3A_105 : memref<1x125xi32, #tpu.memory_space<vmem>> -> memref<125xi32, #tpu.memory_space<vmem>>
        %dma_start3A_107 = arith.constant 0 : i32
        %dma_start3A_108 = arith.constant 0 : i32
        %dma_start3A_109 = tpu.memref_slice %arg13[%dma_start3A_107, %dma_start3A_108] : memref<10240x64xf32, #tpu.memory_space<vmem_shared>> -> memref<10240x64xf32, #tpu.memory_space<vmem_shared>>
        tpu.enqueue_indirect_dma source(%arg9 : memref<125x64xf32, #tpu.memory_space<vmem>>) target(%dma_start3A_109 : memref<10240x64xf32, #tpu.memory_space<vmem_shared>>) offsets(%dma_start3A_106 : memref<125xi32, #tpu.memory_space<vmem>>) semaphore(%run_scoped3A : memref<!tpu.dma_semaphore, #tpu.memory_space<semaphore_mem>>) {add = true}
        %dma_wait3A_110 = arith.constant 0 : i32
        %dma_wait3A_111 = tpu.memref_slice %arg8[%add3A_46, %dma_wait3A_110] : memref<80x125xi32, #tpu.memory_space<vmem>> -> memref<1x125xi32, #tpu.memory_space<vmem>>
        %dma_wait3A_112 = tpu.memref_squeeze %dma_wait3A_111 : memref<1x125xi32, #tpu.memory_space<vmem>> -> memref<125xi32, #tpu.memory_space<vmem>>
        %dma_wait3A_113 = arith.constant 0 : i32
        %dma_wait3A_114 = arith.constant 0 : i32
        %dma_wait3A_115 = tpu.memref_slice %arg13[%dma_wait3A_113, %dma_wait3A_114] : memref<10240x64xf32, #tpu.memory_space<vmem_shared>> -> memref<10240x64xf32, #tpu.memory_space<vmem_shared>>
        tpu.wait_indirect_dma semaphore(%run_scoped3A : memref<!tpu.dma_semaphore, #tpu.memory_space<semaphore_mem>>) src(%arg9 : memref<125x64xf32, #tpu.memory_space<vmem>>) dst(%dma_wait3A_115 : memref<10240x64xf32, #tpu.memory_space<vmem_shared>>)
        tpu.yield
      }) : () -> ()
      %add3A_47 = arith.constant 1 : i32
      %add3A_48 = arith.addi %mul3A_31, %add3A_47 : i32
      %add3A_49 = arith.constant 3 : i32
      %add3A_50 = arith.addi %add3A_48, %add3A_49 : i32
      %lt3A_51 = arith.constant 80 : i32
      %lt3A_52 = arith.cmpi slt, %add3A_50, %lt3A_51 : i32
      %convert_element_type3A_53 = arith.extui %lt3A_52 : i1 to i32
      %cond3A_54 = arith.constant 0 : i32
      %cond3A_55 = arith.cmpi ne, %convert_element_type3A_53, %cond3A_54 : i32
      scf.if %cond3A_55 {
        %dma_start3A_104 = arith.constant 0 : i32
        %dma_start3A_105 = tpu.memref_slice %arg7[%add3A_50, %dma_start3A_104] : memref<80x125xi32, #tpu.memory_space<vmem>> -> memref<1x125xi32, #tpu.memory_space<vmem>>
        %dma_start3A_106 = tpu.memref_squeeze %dma_start3A_105 : memref<1x125xi32, #tpu.memory_space<vmem>> -> memref<125xi32, #tpu.memory_space<vmem>>
        %dma_start3A_107 = arith.constant 0 : i32
        %dma_start3A_108 = arith.constant 0 : i32
        %dma_start3A_109 = tpu.memref_slice %arg4[%dma_start3A_107, %dma_start3A_108] : memref<10000x64xf32, #tpu.memory_space<hbm>> -> memref<10000x64xf32, #tpu.memory_space<hbm>>
        tpu.enqueue_indirect_dma source(%dma_start3A_109 : memref<10000x64xf32, #tpu.memory_space<hbm>>) target(%arg9 : memref<125x64xf32, #tpu.memory_space<vmem>>) offsets(%dma_start3A_106 : memref<125xi32, #tpu.memory_space<vmem>>) semaphore(%arg14 : memref<!tpu.dma_semaphore, #tpu.memory_space<semaphore_mem>>)
      } else {
      }
      %add3A_56 = arith.constant 1 : i32
      %add3A_57 = arith.addi %mul3A_31, %add3A_56 : i32
      %dma_wait3A_58 = arith.constant 0 : i32
      %dma_wait3A_59 = tpu.memref_slice %arg7[%add3A_57, %dma_wait3A_58] : memref<80x125xi32, #tpu.memory_space<vmem>> -> memref<1x125xi32, #tpu.memory_space<vmem>>
      %dma_wait3A_60 = tpu.memref_squeeze %dma_wait3A_59 : memref<1x125xi32, #tpu.memory_space<vmem>> -> memref<125xi32, #tpu.memory_space<vmem>>
      %dma_wait3A_61 = arith.constant 0 : i32
      %dma_wait3A_62 = arith.constant 0 : i32
      %dma_wait3A_63 = tpu.memref_slice %arg4[%dma_wait3A_61, %dma_wait3A_62] : memref<10000x64xf32, #tpu.memory_space<hbm>> -> memref<10000x64xf32, #tpu.memory_space<hbm>>
      tpu.wait_indirect_dma semaphore(%arg15 : memref<!tpu.dma_semaphore, #tpu.memory_space<semaphore_mem>>) src(%dma_wait3A_63 : memref<10000x64xf32, #tpu.memory_space<hbm>>) dst(%arg10 : memref<125x64xf32, #tpu.memory_space<vmem>>)
      %add3A_64 = arith.constant 1 : i32
      %add3A_65 = arith.addi %mul3A_31, %add3A_64 : i32
      "tpu.region"() ({
        %run_scoped3A = tpu.sem_alloc : memref<!tpu.dma_semaphore, #tpu.memory_space<semaphore_mem>>
        %dma_start3A_104 = arith.constant 0 : i32
        %dma_start3A_105 = tpu.memref_slice %arg8[%add3A_65, %dma_start3A_104] : memref<80x125xi32, #tpu.memory_space<vmem>> -> memref<1x125xi32, #tpu.memory_space<vmem>>
        %dma_start3A_106 = tpu.memref_squeeze %dma_start3A_105 : memref<1x125xi32, #tpu.memory_space<vmem>> -> memref<125xi32, #tpu.memory_space<vmem>>
        %dma_start3A_107 = arith.constant 0 : i32
        %dma_start3A_108 = arith.constant 0 : i32
        %dma_start3A_109 = tpu.memref_slice %arg13[%dma_start3A_107, %dma_start3A_108] : memref<10240x64xf32, #tpu.memory_space<vmem_shared>> -> memref<10240x64xf32, #tpu.memory_space<vmem_shared>>
        tpu.enqueue_indirect_dma source(%arg10 : memref<125x64xf32, #tpu.memory_space<vmem>>) target(%dma_start3A_109 : memref<10240x64xf32, #tpu.memory_space<vmem_shared>>) offsets(%dma_start3A_106 : memref<125xi32, #tpu.memory_space<vmem>>) semaphore(%run_scoped3A : memref<!tpu.dma_semaphore, #tpu.memory_space<semaphore_mem>>) {add = true}
        %dma_wait3A_110 = arith.constant 0 : i32
        %dma_wait3A_111 = tpu.memref_slice %arg8[%add3A_65, %dma_wait3A_110] : memref<80x125xi32, #tpu.memory_space<vmem>> -> memref<1x125xi32, #tpu.memory_space<vmem>>
        %dma_wait3A_112 = tpu.memref_squeeze %dma_wait3A_111 : memref<1x125xi32, #tpu.memory_space<vmem>> -> memref<125xi32, #tpu.memory_space<vmem>>
        %dma_wait3A_113 = arith.constant 0 : i32
        %dma_wait3A_114 = arith.constant 0 : i32
        %dma_wait3A_115 = tpu.memref_slice %arg13[%dma_wait3A_113, %dma_wait3A_114] : memref<10240x64xf32, #tpu.memory_space<vmem_shared>> -> memref<10240x64xf32, #tpu.memory_space<vmem_shared>>
        tpu.wait_indirect_dma semaphore(%run_scoped3A : memref<!tpu.dma_semaphore, #tpu.memory_space<semaphore_mem>>) src(%arg10 : memref<125x64xf32, #tpu.memory_space<vmem>>) dst(%dma_wait3A_115 : memref<10240x64xf32, #tpu.memory_space<vmem_shared>>)
        tpu.yield
      }) : () -> ()
      %add3A_66 = arith.constant 2 : i32
      %add3A_67 = arith.addi %mul3A_31, %add3A_66 : i32
      %add3A_68 = arith.constant 3 : i32
      %add3A_69 = arith.addi %add3A_67, %add3A_68 : i32
      %lt3A_70 = arith.constant 80 : i32
      %lt3A_71 = arith.cmpi slt, %add3A_69, %lt3A_70 : i32
      %convert_element_type3A_72 = arith.extui %lt3A_71 : i1 to i32
      %cond3A_73 = arith.constant 0 : i32
      %cond3A_74 = arith.cmpi ne, %convert_element_type3A_72, %cond3A_73 : i32
      scf.if %cond3A_74 {
        %dma_start3A_104 = arith.constant 0 : i32
        %dma_start3A_105 = tpu.memref_slice %arg7[%add3A_69, %dma_start3A_104] : memref<80x125xi32, #tpu.memory_space<vmem>> -> memref<1x125xi32, #tpu.memory_space<vmem>>
        %dma_start3A_106 = tpu.memref_squeeze %dma_start3A_105 : memref<1x125xi32, #tpu.memory_space<vmem>> -> memref<125xi32, #tpu.memory_space<vmem>>
        %dma_start3A_107 = arith.constant 0 : i32
        %dma_start3A_108 = arith.constant 0 : i32
        %dma_start3A_109 = tpu.memref_slice %arg4[%dma_start3A_107, %dma_start3A_108] : memref<10000x64xf32, #tpu.memory_space<hbm>> -> memref<10000x64xf32, #tpu.memory_space<hbm>>
        tpu.enqueue_indirect_dma source(%dma_start3A_109 : memref<10000x64xf32, #tpu.memory_space<hbm>>) target(%arg10 : memref<125x64xf32, #tpu.memory_space<vmem>>) offsets(%dma_start3A_106 : memref<125xi32, #tpu.memory_space<vmem>>) semaphore(%arg15 : memref<!tpu.dma_semaphore, #tpu.memory_space<semaphore_mem>>)
      } else {
      }
      %add3A_75 = arith.constant 2 : i32
      %add3A_76 = arith.addi %mul3A_31, %add3A_75 : i32
      %dma_wait3A_77 = arith.constant 0 : i32
      %dma_wait3A_78 = tpu.memref_slice %arg7[%add3A_76, %dma_wait3A_77] : memref<80x125xi32, #tpu.memory_space<vmem>> -> memref<1x125xi32, #tpu.memory_space<vmem>>
      %dma_wait3A_79 = tpu.memref_squeeze %dma_wait3A_78 : memref<1x125xi32, #tpu.memory_space<vmem>> -> memref<125xi32, #tpu.memory_space<vmem>>
      %dma_wait3A_80 = arith.constant 0 : i32
      %dma_wait3A_81 = arith.constant 0 : i32
      %dma_wait3A_82 = tpu.memref_slice %arg4[%dma_wait3A_80, %dma_wait3A_81] : memref<10000x64xf32, #tpu.memory_space<hbm>> -> memref<10000x64xf32, #tpu.memory_space<hbm>>
      tpu.wait_indirect_dma semaphore(%arg16 : memref<!tpu.dma_semaphore, #tpu.memory_space<semaphore_mem>>) src(%dma_wait3A_82 : memref<10000x64xf32, #tpu.memory_space<hbm>>) dst(%arg11 : memref<125x64xf32, #tpu.memory_space<vmem>>)
      %add3A_83 = arith.constant 2 : i32
      %add3A_84 = arith.addi %mul3A_31, %add3A_83 : i32
      "tpu.region"() ({
        %run_scoped3A = tpu.sem_alloc : memref<!tpu.dma_semaphore, #tpu.memory_space<semaphore_mem>>
        %dma_start3A_104 = arith.constant 0 : i32
        %dma_start3A_105 = tpu.memref_slice %arg8[%add3A_84, %dma_start3A_104] : memref<80x125xi32, #tpu.memory_space<vmem>> -> memref<1x125xi32, #tpu.memory_space<vmem>>
        %dma_start3A_106 = tpu.memref_squeeze %dma_start3A_105 : memref<1x125xi32, #tpu.memory_space<vmem>> -> memref<125xi32, #tpu.memory_space<vmem>>
        %dma_start3A_107 = arith.constant 0 : i32
        %dma_start3A_108 = arith.constant 0 : i32
        %dma_start3A_109 = tpu.memref_slice %arg13[%dma_start3A_107, %dma_start3A_108] : memref<10240x64xf32, #tpu.memory_space<vmem_shared>> -> memref<10240x64xf32, #tpu.memory_space<vmem_shared>>
        tpu.enqueue_indirect_dma source(%arg11 : memref<125x64xf32, #tpu.memory_space<vmem>>) target(%dma_start3A_109 : memref<10240x64xf32, #tpu.memory_space<vmem_shared>>) offsets(%dma_start3A_106 : memref<125xi32, #tpu.memory_space<vmem>>) semaphore(%run_scoped3A : memref<!tpu.dma_semaphore, #tpu.memory_space<semaphore_mem>>) {add = true}
        %dma_wait3A_110 = arith.constant 0 : i32
        %dma_wait3A_111 = tpu.memref_slice %arg8[%add3A_84, %dma_wait3A_110] : memref<80x125xi32, #tpu.memory_space<vmem>> -> memref<1x125xi32, #tpu.memory_space<vmem>>
        %dma_wait3A_112 = tpu.memref_squeeze %dma_wait3A_111 : memref<1x125xi32, #tpu.memory_space<vmem>> -> memref<125xi32, #tpu.memory_space<vmem>>
        %dma_wait3A_113 = arith.constant 0 : i32
        %dma_wait3A_114 = arith.constant 0 : i32
        %dma_wait3A_115 = tpu.memref_slice %arg13[%dma_wait3A_113, %dma_wait3A_114] : memref<10240x64xf32, #tpu.memory_space<vmem_shared>> -> memref<10240x64xf32, #tpu.memory_space<vmem_shared>>
        tpu.wait_indirect_dma semaphore(%run_scoped3A : memref<!tpu.dma_semaphore, #tpu.memory_space<semaphore_mem>>) src(%arg11 : memref<125x64xf32, #tpu.memory_space<vmem>>) dst(%dma_wait3A_115 : memref<10240x64xf32, #tpu.memory_space<vmem_shared>>)
        tpu.yield
      }) : () -> ()
      %add3A_85 = arith.constant 3 : i32
      %add3A_86 = arith.addi %mul3A_31, %add3A_85 : i32
      %add3A_87 = arith.constant 3 : i32
      %add3A_88 = arith.addi %add3A_86, %add3A_87 : i32
      %lt3A_89 = arith.constant 80 : i32
      %lt3A_90 = arith.cmpi slt, %add3A_88, %lt3A_89 : i32
      %convert_element_type3A_91 = arith.extui %lt3A_90 : i1 to i32
      %cond3A_92 = arith.constant 0 : i32
      %cond3A_93 = arith.cmpi ne, %convert_element_type3A_91, %cond3A_92 : i32
      scf.if %cond3A_93 {
        %dma_start3A_104 = arith.constant 0 : i32
        %dma_start3A_105 = tpu.memref_slice %arg7[%add3A_88, %dma_start3A_104] : memref<80x125xi32, #tpu.memory_space<vmem>> -> memref<1x125xi32, #tpu.memory_space<vmem>>
        %dma_start3A_106 = tpu.memref_squeeze %dma_start3A_105 : memref<1x125xi32, #tpu.memory_space<vmem>> -> memref<125xi32, #tpu.memory_space<vmem>>
        %dma_start3A_107 = arith.constant 0 : i32
        %dma_start3A_108 = arith.constant 0 : i32
        %dma_start3A_109 = tpu.memref_slice %arg4[%dma_start3A_107, %dma_start3A_108] : memref<10000x64xf32, #tpu.memory_space<hbm>> -> memref<10000x64xf32, #tpu.memory_space<hbm>>
        tpu.enqueue_indirect_dma source(%dma_start3A_109 : memref<10000x64xf32, #tpu.memory_space<hbm>>) target(%arg11 : memref<125x64xf32, #tpu.memory_space<vmem>>) offsets(%dma_start3A_106 : memref<125xi32, #tpu.memory_space<vmem>>) semaphore(%arg16 : memref<!tpu.dma_semaphore, #tpu.memory_space<semaphore_mem>>)
      } else {
      }
      %add3A_94 = arith.constant 3 : i32
      %add3A_95 = arith.addi %mul3A_31, %add3A_94 : i32
      %dma_wait3A_96 = arith.constant 0 : i32
      %dma_wait3A_97 = tpu.memref_slice %arg7[%add3A_95, %dma_wait3A_96] : memref<80x125xi32, #tpu.memory_space<vmem>> -> memref<1x125xi32, #tpu.memory_space<vmem>>
      %dma_wait3A_98 = tpu.memref_squeeze %dma_wait3A_97 : memref<1x125xi32, #tpu.memory_space<vmem>> -> memref<125xi32, #tpu.memory_space<vmem>>
      %dma_wait3A_99 = arith.constant 0 : i32
      %dma_wait3A_100 = arith.constant 0 : i32
      %dma_wait3A_101 = tpu.memref_slice %arg4[%dma_wait3A_99, %dma_wait3A_100] : memref<10000x64xf32, #tpu.memory_space<hbm>> -> memref<10000x64xf32, #tpu.memory_space<hbm>>
      tpu.wait_indirect_dma semaphore(%arg17 : memref<!tpu.dma_semaphore, #tpu.memory_space<semaphore_mem>>) src(%dma_wait3A_101 : memref<10000x64xf32, #tpu.memory_space<hbm>>) dst(%arg12 : memref<125x64xf32, #tpu.memory_space<vmem>>)
      %add3A_102 = arith.constant 3 : i32
      %add3A_103 = arith.addi %mul3A_31, %add3A_102 : i32
      "tpu.region"() ({
        %run_scoped3A = tpu.sem_alloc : memref<!tpu.dma_semaphore, #tpu.memory_space<semaphore_mem>>
        %dma_start3A_104 = arith.constant 0 : i32
        %dma_start3A_105 = tpu.memref_slice %arg8[%add3A_103, %dma_start3A_104] : memref<80x125xi32, #tpu.memory_space<vmem>> -> memref<1x125xi32, #tpu.memory_space<vmem>>
        %dma_start3A_106 = tpu.memref_squeeze %dma_start3A_105 : memref<1x125xi32, #tpu.memory_space<vmem>> -> memref<125xi32, #tpu.memory_space<vmem>>
        %dma_start3A_107 = arith.constant 0 : i32
        %dma_start3A_108 = arith.constant 0 : i32
        %dma_start3A_109 = tpu.memref_slice %arg13[%dma_start3A_107, %dma_start3A_108] : memref<10240x64xf32, #tpu.memory_space<vmem_shared>> -> memref<10240x64xf32, #tpu.memory_space<vmem_shared>>
        tpu.enqueue_indirect_dma source(%arg12 : memref<125x64xf32, #tpu.memory_space<vmem>>) target(%dma_start3A_109 : memref<10240x64xf32, #tpu.memory_space<vmem_shared>>) offsets(%dma_start3A_106 : memref<125xi32, #tpu.memory_space<vmem>>) semaphore(%run_scoped3A : memref<!tpu.dma_semaphore, #tpu.memory_space<semaphore_mem>>) {add = true}
        %dma_wait3A_110 = arith.constant 0 : i32
        %dma_wait3A_111 = tpu.memref_slice %arg8[%add3A_103, %dma_wait3A_110] : memref<80x125xi32, #tpu.memory_space<vmem>> -> memref<1x125xi32, #tpu.memory_space<vmem>>
        %dma_wait3A_112 = tpu.memref_squeeze %dma_wait3A_111 : memref<1x125xi32, #tpu.memory_space<vmem>> -> memref<125xi32, #tpu.memory_space<vmem>>
        %dma_wait3A_113 = arith.constant 0 : i32
        %dma_wait3A_114 = arith.constant 0 : i32
        %dma_wait3A_115 = tpu.memref_slice %arg13[%dma_wait3A_113, %dma_wait3A_114] : memref<10240x64xf32, #tpu.memory_space<vmem_shared>> -> memref<10240x64xf32, #tpu.memory_space<vmem_shared>>
        tpu.wait_indirect_dma semaphore(%run_scoped3A : memref<!tpu.dma_semaphore, #tpu.memory_space<semaphore_mem>>) src(%arg12 : memref<125x64xf32, #tpu.memory_space<vmem>>) dst(%dma_wait3A_115 : memref<10240x64xf32, #tpu.memory_space<vmem_shared>>)
        tpu.yield
      }) : () -> ()
    }
    %scan3A_27 = arith.constant 20 : i32
    %barrier3A_28 = arith.constant 0 : index
    tpu.barrier barrier_id(%barrier3A_28)
    "tpu.region"() ({
      %run_scoped3A = tpu.sem_alloc : memref<!tpu.dma_semaphore, #tpu.memory_space<semaphore_mem>>
      %dma_start3A_29 = arith.constant 0 : i32
      %dma_start3A_30 = arith.constant 0 : i32
      %dma_start3A_31 = tpu.memref_slice %arg6[%arg0, %dma_start3A_29, %dma_start3A_30] : memref<2x10240x64xf32, #tpu.memory_space<hbm>> -> memref<1x10240x64xf32, #tpu.memory_space<hbm>>
      %dma_start3A_32 = tpu.memref_squeeze %dma_start3A_31 : memref<1x10240x64xf32, #tpu.memory_space<hbm>> -> memref<10240x64xf32, #tpu.memory_space<hbm>>
      %dma_start3A_33 = arith.constant 0 : i32
      %dma_start3A_34 = tpu.memref_slice %dma_start3A_32[%multiple_of3A, %dma_start3A_33] : memref<10240x64xf32, #tpu.memory_space<hbm>> -> memref<640x64xf32, #tpu.memory_space<hbm>>
      %dma_start3A_35 = arith.constant 0 : i32
      %dma_start3A_36 = tpu.memref_slice %arg13[%multiple_of3A, %dma_start3A_35] : memref<10240x64xf32, #tpu.memory_space<vmem_shared>> -> memref<640x64xf32, #tpu.memory_space<vmem_shared>>
      tpu.enqueue_dma source(%dma_start3A_36 : memref<640x64xf32, #tpu.memory_space<vmem_shared>>) target(%dma_start3A_34 : memref<640x64xf32, #tpu.memory_space<hbm>>) target_semaphore(%run_scoped3A : memref<!tpu.dma_semaphore, #tpu.memory_space<semaphore_mem>>)
      %dma_wait3A = arith.constant 0 : i32
      %dma_wait3A_37 = arith.constant 0 : i32
      %dma_wait3A_38 = tpu.memref_slice %arg6[%arg0, %dma_wait3A, %dma_wait3A_37] : memref<2x10240x64xf32, #tpu.memory_space<hbm>> -> memref<1x10240x64xf32, #tpu.memory_space<hbm>>
      %dma_wait3A_39 = tpu.memref_squeeze %dma_wait3A_38 : memref<1x10240x64xf32, #tpu.memory_space<hbm>> -> memref<10240x64xf32, #tpu.memory_space<hbm>>
      %dma_wait3A_40 = arith.constant 0 : i32
      %dma_wait3A_41 = tpu.memref_slice %dma_wait3A_39[%multiple_of3A, %dma_wait3A_40] : memref<10240x64xf32, #tpu.memory_space<hbm>> -> memref<640x64xf32, #tpu.memory_space<hbm>>
      %dma_wait3A_42 = arith.constant 0 : i32
      %dma_wait3A_43 = tpu.memref_slice %arg13[%multiple_of3A, %dma_wait3A_42] : memref<10240x64xf32, #tpu.memory_space<vmem_shared>> -> memref<640x64xf32, #tpu.memory_space<vmem_shared>>
      tpu.wait_dma2 semaphore(%run_scoped3A : memref<!tpu.dma_semaphore, #tpu.memory_space<semaphore_mem>>) src(%dma_wait3A_43 : memref<640x64xf32, #tpu.memory_space<vmem_shared>>) dst(%dma_wait3A_41 : memref<640x64xf32, #tpu.memory_space<hbm>>)
      tpu.yield
    }) : () -> ()
    return
  }
}

module attributes {stable_mosaic.version = 14 : i64} {
  func.func @body(%arg0: i32, %arg1: memref<2000x128xf32, #tpu.memory_space<vmem>>, %arg2: memref<128x64xf32, #tpu.memory_space<vmem>>, %arg3: memref<2000x64xf32, #tpu.memory_space<vmem>>) attributes {dimension_semantics = [#tpu.dimension_semantics<arbitrary>], iteration_bounds = array<i64: 5>, scalar_prefetch = 0 : i64, scratch_operands = 0 : i64, tpu.core_type = #tpu.core_type<tc>, window_params = [{transform_indices = @transform_0, window_bounds = array<i64: 2000, 128>}, {pipeline_mode = #tpu.pipeline_mode<synchronous>, transform_indices = @transform_1, window_bounds = array<i64: 128, 64>}, {transform_indices = @transform_2, window_bounds = array<i64: 2000, 64>}]} {
    %get3A = arith.constant 0 : index
    %get3A_0 = arith.constant 0 : index
    %get3A_1 = vector.load %arg1[%get3A, %get3A_0] : memref<2000x128xf32, #tpu.memory_space<vmem>>, vector<2000x128xf32>
    %get3A_2 = arith.constant 0 : index
    %get3A_3 = arith.constant 0 : index
    %get3A_4 = vector.load %arg2[%get3A_2, %get3A_3] : memref<128x64xf32, #tpu.memory_space<vmem>>, vector<128x64xf32>
    %dot_general3A = arith.constant dense<0.000000e+00> : vector<2000x64xf32>
    %dot_general3A_5 = tpu.matmul %get3A_1, %get3A_4, %dot_general3A {dimension_numbers = #tpu.dot_dimension_numbers<[1], [0], [0], [1], [0, 0, 1, 1], [], []>, transpose_lhs_hint = false} : vector<2000x128xf32>, vector<128x64xf32>, vector<2000x64xf32> -> vector<2000x64xf32>
    %swap3A = arith.constant 0 : index
    %swap3A_6 = arith.constant 0 : index
    %swap3A_7 = vector.load %arg3[%swap3A, %swap3A_6] : memref<2000x64xf32, #tpu.memory_space<vmem>>, vector<2000x64xf32>
    tpu.vector_store %arg3[%swap3A, %swap3A_6], %dot_general3A_5 {strides = array<i32>} : memref<2000x64xf32, #tpu.memory_space<vmem>>, vector<2000x64xf32>,
    return
  }
  func.func @transform_0(%arg0: i32) -> (i32, i32) {
    %c0_i32 = arith.constant 0 : i32
    %c0_i32_0 = arith.constant 0 : i32
    return %arg0, %c0_i32 : i32, i32
  }
  func.func @transform_1(%arg0: i32) -> (i32, i32) {
    %c0_i32 = arith.constant 0 : i32
    %c0_i32_0 = arith.constant 0 : i32
    %c0_i32_1 = arith.constant 0 : i32
    return %c0_i32, %c0_i32_0 : i32, i32
  }
  func.func @transform_2(%arg0: i32) -> (i32, i32) {
    %c0_i32 = arith.constant 0 : i32
    %c0_i32_0 = arith.constant 0 : i32
    return %arg0, %c0_i32 : i32, i32
  }
}

module attributes {stable_mosaic.version = 14 : i64} {
  func.func @body(%arg0: i32, %arg1: memref<2000x64xf32, #tpu.memory_space<vmem>>, %arg2: memref<2x2000x8xf32, #tpu.memory_space<vmem>>, %arg3: memref<2000x64xf32, #tpu.memory_space<vmem>>) attributes {dimension_semantics = [#tpu.dimension_semantics<arbitrary>], iteration_bounds = array<i64: 5>, scalar_prefetch = 0 : i64, scratch_operands = 0 : i64, tpu.core_type = #tpu.core_type<tc>, window_params = [{transform_indices = @transform_0, window_bounds = array<i64: 2000, 64>}, {transform_indices = @transform_1, window_bounds = array<i64: 2, 2000, 8>}, {transform_indices = @transform_2, window_bounds = array<i64: 2000, 64>}]} {
    %get3A = arith.constant 0 : index
    %get3A_0 = arith.constant 0 : index
    %get3A_1 = arith.constant 0 : index
    %get3A_2 = vector.load %arg2[%get3A, %get3A_0, %get3A_1] : memref<2x2000x8xf32, #tpu.memory_space<vmem>>, vector<1x2000x1xf32>
    %get3A_3 = vector.shape_cast %get3A_2 : vector<1x2000x1xf32> to vector<2000x1xf32>
    %get3A_4 = arith.constant 1 : index
    %get3A_5 = arith.constant 0 : index
    %get3A_6 = arith.constant 0 : index
    %get3A_7 = vector.load %arg2[%get3A_4, %get3A_5, %get3A_6] : memref<2x2000x8xf32, #tpu.memory_space<vmem>>, vector<1x2000x1xf32>
    %get3A_8 = vector.shape_cast %get3A_7 : vector<1x2000x1xf32> to vector<2000x1xf32>
    %add3A = arith.addf %get3A_3, %get3A_8 : vector<2000x1xf32>
    %add3A_9 = arith.constant 1.000000e+00 : f32
    %add3A_10 = vector.broadcast %add3A_9 : f32 to vector<2000x1xf32>
    %add3A_11 = arith.addf %add3A, %add3A_10 : vector<2000x1xf32>
    %rsqrt3A = math.rsqrt %add3A_11 : vector<2000x1xf32>
    %get3A_12 = arith.constant 0 : index
    %get3A_13 = arith.constant 0 : index
    %get3A_14 = vector.load %arg1[%get3A_12, %get3A_13] : memref<2000x64xf32, #tpu.memory_space<vmem>>, vector<2000x64xf32>
    %mul3A = vector.broadcast %rsqrt3A : vector<2000x1xf32> to vector<2000x64xf32>
    %mul3A_15 = arith.mulf %mul3A, %get3A_14 : vector<2000x64xf32>
    %swap3A = arith.constant 0 : index
    %swap3A_16 = arith.constant 0 : index
    %swap3A_17 = vector.load %arg3[%swap3A, %swap3A_16] : memref<2000x64xf32, #tpu.memory_space<vmem>>, vector<2000x64xf32>
    tpu.vector_store %arg3[%swap3A, %swap3A_16], %mul3A_15 {strides = array<i32>} : memref<2000x64xf32, #tpu.memory_space<vmem>>, vector<2000x64xf32>,
    return
  }
  func.func @transform_0(%arg0: i32) -> (i32, i32) {
    %c0_i32 = arith.constant 0 : i32
    %c0_i32_0 = arith.constant 0 : i32
    return %arg0, %c0_i32 : i32, i32
  }
  func.func @transform_1(%arg0: i32) -> (i32, i32, i32) {
    %c0_i32 = arith.constant 0 : i32
    %c0_i32_0 = arith.constant 0 : i32
    %c0_i32_1 = arith.constant 0 : i32
    return %c0_i32, %arg0, %c0_i32_0 : i32, i32, i32
  }
  func.func @transform_2(%arg0: i32) -> (i32, i32) {
    %c0_i32 = arith.constant 0 : i32
    %c0_i32_0 = arith.constant 0 : i32
    return %arg0, %c0_i32 : i32, i32
  }
}

module attributes {stable_mosaic.version = 14 : i64} {
  func.func @body(%arg0: i32, %arg1: memref<2x2000x64xf32, #tpu.memory_space<vmem>>, %arg2: memref<2000x64xf32, #tpu.memory_space<vmem>>, %arg3: memref<2x2000x8xf32, #tpu.memory_space<vmem>>, %arg4: memref<1x64xf32, #tpu.memory_space<vmem>>, %arg5: memref<64x64xf32, #tpu.memory_space<vmem>>, %arg6: memref<2000x64xf32, #tpu.memory_space<vmem>>) attributes {dimension_semantics = [#tpu.dimension_semantics<arbitrary>], iteration_bounds = array<i64: 5>, scalar_prefetch = 0 : i64, scratch_operands = 0 : i64, tpu.core_type = #tpu.core_type<tc>, window_params = [{transform_indices = @transform_0, window_bounds = array<i64: 2, 2000, 64>}, {transform_indices = @transform_1, window_bounds = array<i64: 2000, 64>}, {transform_indices = @transform_2, window_bounds = array<i64: 2, 2000, 8>}, {pipeline_mode = #tpu.pipeline_mode<synchronous>, transform_indices = @transform_3, window_bounds = array<i64: 1, 64>}, {pipeline_mode = #tpu.pipeline_mode<synchronous>, transform_indices = @transform_4, window_bounds = array<i64: 64, 64>}, {transform_indices = @transform_5, window_bounds = array<i64: 2000, 64>}]} {
    %get3A = arith.constant 0 : index
    %get3A_0 = arith.constant 0 : index
    %get3A_1 = arith.constant 0 : index
    %get3A_2 = vector.load %arg3[%get3A, %get3A_0, %get3A_1] : memref<2x2000x8xf32, #tpu.memory_space<vmem>>, vector<1x2000x1xf32>
    %get3A_3 = vector.shape_cast %get3A_2 : vector<1x2000x1xf32> to vector<2000x1xf32>
    %get3A_4 = arith.constant 1 : index
    %get3A_5 = arith.constant 0 : index
    %get3A_6 = arith.constant 0 : index
    %get3A_7 = vector.load %arg3[%get3A_4, %get3A_5, %get3A_6] : memref<2x2000x8xf32, #tpu.memory_space<vmem>>, vector<1x2000x1xf32>
    %get3A_8 = vector.shape_cast %get3A_7 : vector<1x2000x1xf32> to vector<2000x1xf32>
    %add3A = arith.addf %get3A_3, %get3A_8 : vector<2000x1xf32>
    %add3A_9 = arith.constant 1.000000e+00 : f32
    %add3A_10 = vector.broadcast %add3A_9 : f32 to vector<2000x1xf32>
    %add3A_11 = arith.addf %add3A, %add3A_10 : vector<2000x1xf32>
    %rsqrt3A = math.rsqrt %add3A_11 : vector<2000x1xf32>
    %get3A_12 = arith.constant 0 : index
    %get3A_13 = arith.constant 0 : index
    %get3A_14 = arith.constant 0 : index
    %get3A_15 = vector.load %arg1[%get3A_12, %get3A_13, %get3A_14] : memref<2x2000x64xf32, #tpu.memory_space<vmem>>, vector<1x2000x64xf32>
    %get3A_16 = vector.shape_cast %get3A_15 : vector<1x2000x64xf32> to vector<2000x64xf32>
    %get3A_17 = arith.constant 1 : index
    %get3A_18 = arith.constant 0 : index
    %get3A_19 = arith.constant 0 : index
    %get3A_20 = vector.load %arg1[%get3A_17, %get3A_18, %get3A_19] : memref<2x2000x64xf32, #tpu.memory_space<vmem>>, vector<1x2000x64xf32>
    %get3A_21 = vector.shape_cast %get3A_20 : vector<1x2000x64xf32> to vector<2000x64xf32>
    %add3A_22 = arith.addf %get3A_16, %get3A_21 : vector<2000x64xf32>
    %get3A_23 = arith.constant 0 : index
    %get3A_24 = arith.constant 0 : index
    %get3A_25 = vector.load %arg2[%get3A_23, %get3A_24] : memref<2000x64xf32, #tpu.memory_space<vmem>>, vector<2000x64xf32>
    %add3A_26 = arith.addf %add3A_22, %get3A_25 : vector<2000x64xf32>
    %mul3A = vector.broadcast %rsqrt3A : vector<2000x1xf32> to vector<2000x64xf32>
    %mul3A_27 = arith.mulf %mul3A, %add3A_26 : vector<2000x64xf32>
    %get3A_28 = arith.constant 0 : index
    %get3A_29 = arith.constant 0 : index
    %get3A_30 = vector.load %arg4[%get3A_28, %get3A_29] : memref<1x64xf32, #tpu.memory_space<vmem>>, vector<1x64xf32>
    %add3A_31 = vector.broadcast %get3A_30 : vector<1x64xf32> to vector<2000x64xf32>
    %add3A_32 = arith.addf %mul3A_27, %add3A_31 : vector<2000x64xf32>
    %max3A = arith.constant 0.000000e+00 : f32
    %max3A_33 = vector.broadcast %max3A : f32 to vector<2000x64xf32>
    %max3A_34 = arith.maximumf %add3A_32, %max3A_33 : vector<2000x64xf32>
    %get3A_35 = arith.constant 0 : index
    %get3A_36 = arith.constant 0 : index
    %get3A_37 = vector.load %arg5[%get3A_35, %get3A_36] : memref<64x64xf32, #tpu.memory_space<vmem>>, vector<64x64xf32>
    %dot_general3A = arith.constant dense<0.000000e+00> : vector<2000x64xf32>
    %dot_general3A_38 = tpu.matmul %max3A_34, %get3A_37, %dot_general3A {dimension_numbers = #tpu.dot_dimension_numbers<[1], [0], [0], [1], [0, 0, 1, 1], [], []>, transpose_lhs_hint = false} : vector<2000x64xf32>, vector<64x64xf32>, vector<2000x64xf32> -> vector<2000x64xf32>
    %mul3A_39 = vector.broadcast %rsqrt3A : vector<2000x1xf32> to vector<2000x64xf32>
    %mul3A_40 = arith.mulf %mul3A_39, %dot_general3A_38 : vector<2000x64xf32>
    %swap3A = arith.constant 0 : index
    %swap3A_41 = arith.constant 0 : index
    %swap3A_42 = vector.load %arg6[%swap3A, %swap3A_41] : memref<2000x64xf32, #tpu.memory_space<vmem>>, vector<2000x64xf32>
    tpu.vector_store %arg6[%swap3A, %swap3A_41], %mul3A_40 {strides = array<i32>} : memref<2000x64xf32, #tpu.memory_space<vmem>>, vector<2000x64xf32>,
    return
  }
  func.func @transform_0(%arg0: i32) -> (i32, i32, i32) {
    %c0_i32 = arith.constant 0 : i32
    %c0_i32_0 = arith.constant 0 : i32
    %c0_i32_1 = arith.constant 0 : i32
    return %c0_i32, %arg0, %c0_i32_0 : i32, i32, i32
  }
  func.func @transform_1(%arg0: i32) -> (i32, i32) {
    %c0_i32 = arith.constant 0 : i32
    %c0_i32_0 = arith.constant 0 : i32
    return %arg0, %c0_i32 : i32, i32
  }
  func.func @transform_2(%arg0: i32) -> (i32, i32, i32) {
    %c0_i32 = arith.constant 0 : i32
    %c0_i32_0 = arith.constant 0 : i32
    %c0_i32_1 = arith.constant 0 : i32
    return %c0_i32, %arg0, %c0_i32_0 : i32, i32, i32
  }
  func.func @transform_3(%arg0: i32) -> (i32, i32) {
    %c0_i32 = arith.constant 0 : i32
    %c0_i32_0 = arith.constant 0 : i32
    %c0_i32_1 = arith.constant 0 : i32
    return %c0_i32, %c0_i32_0 : i32, i32
  }
  func.func @transform_4(%arg0: i32) -> (i32, i32) {
    %c0_i32 = arith.constant 0 : i32
    %c0_i32_0 = arith.constant 0 : i32
    %c0_i32_1 = arith.constant 0 : i32
    return %c0_i32, %c0_i32_0 : i32, i32
  }
  func.func @transform_5(%arg0: i32) -> (i32, i32) {
    %c0_i32 = arith.constant 0 : i32
    %c0_i32_0 = arith.constant 0 : i32
    return %arg0, %c0_i32 : i32, i32
  }
}

module attributes {stable_mosaic.version = 14 : i64} {
  func.func @body(%arg0: i32, %arg1: memref<2x2000x64xf32, #tpu.memory_space<vmem>>, %arg2: memref<2000x64xf32, #tpu.memory_space<vmem>>, %arg3: memref<2x2000x8xf32, #tpu.memory_space<vmem>>, %arg4: memref<1x64xf32, #tpu.memory_space<vmem>>, %arg5: memref<64x64xf32, #tpu.memory_space<vmem>>, %arg6: memref<64x64xf32, #tpu.memory_space<vmem>>, %arg7: memref<2000x64xf32, #tpu.memory_space<vmem>>, %arg8: memref<2000x64xf32, #tpu.memory_space<vmem>>) attributes {dimension_semantics = [#tpu.dimension_semantics<arbitrary>], iteration_bounds = array<i64: 5>, scalar_prefetch = 0 : i64, scratch_operands = 0 : i64, tpu.core_type = #tpu.core_type<tc>, window_params = [{transform_indices = @transform_0, window_bounds = array<i64: 2, 2000, 64>}, {transform_indices = @transform_1, window_bounds = array<i64: 2000, 64>}, {transform_indices = @transform_2, window_bounds = array<i64: 2, 2000, 8>}, {pipeline_mode = #tpu.pipeline_mode<synchronous>, transform_indices = @transform_3, window_bounds = array<i64: 1, 64>}, {pipeline_mode = #tpu.pipeline_mode<synchronous>, transform_indices = @transform_4, window_bounds = array<i64: 64, 64>}, {pipeline_mode = #tpu.pipeline_mode<synchronous>, transform_indices = @transform_5, window_bounds = array<i64: 64, 64>}, {transform_indices = @transform_6, window_bounds = array<i64: 2000, 64>}, {transform_indices = @transform_7, window_bounds = array<i64: 2000, 64>}]} {
    %get3A = arith.constant 0 : index
    %get3A_0 = arith.constant 0 : index
    %get3A_1 = arith.constant 0 : index
    %get3A_2 = vector.load %arg3[%get3A, %get3A_0, %get3A_1] : memref<2x2000x8xf32, #tpu.memory_space<vmem>>, vector<1x2000x1xf32>
    %get3A_3 = vector.shape_cast %get3A_2 : vector<1x2000x1xf32> to vector<2000x1xf32>
    %get3A_4 = arith.constant 1 : index
    %get3A_5 = arith.constant 0 : index
    %get3A_6 = arith.constant 0 : index
    %get3A_7 = vector.load %arg3[%get3A_4, %get3A_5, %get3A_6] : memref<2x2000x8xf32, #tpu.memory_space<vmem>>, vector<1x2000x1xf32>
    %get3A_8 = vector.shape_cast %get3A_7 : vector<1x2000x1xf32> to vector<2000x1xf32>
    %add3A = arith.addf %get3A_3, %get3A_8 : vector<2000x1xf32>
    %add3A_9 = arith.constant 1.000000e+00 : f32
    %add3A_10 = vector.broadcast %add3A_9 : f32 to vector<2000x1xf32>
    %add3A_11 = arith.addf %add3A, %add3A_10 : vector<2000x1xf32>
    %rsqrt3A = math.rsqrt %add3A_11 : vector<2000x1xf32>
    %get3A_12 = arith.constant 0 : index
    %get3A_13 = arith.constant 0 : index
    %get3A_14 = arith.constant 0 : index
    %get3A_15 = vector.load %arg1[%get3A_12, %get3A_13, %get3A_14] : memref<2x2000x64xf32, #tpu.memory_space<vmem>>, vector<1x2000x64xf32>
    %get3A_16 = vector.shape_cast %get3A_15 : vector<1x2000x64xf32> to vector<2000x64xf32>
    %get3A_17 = arith.constant 1 : index
    %get3A_18 = arith.constant 0 : index
    %get3A_19 = arith.constant 0 : index
    %get3A_20 = vector.load %arg1[%get3A_17, %get3A_18, %get3A_19] : memref<2x2000x64xf32, #tpu.memory_space<vmem>>, vector<1x2000x64xf32>
    %get3A_21 = vector.shape_cast %get3A_20 : vector<1x2000x64xf32> to vector<2000x64xf32>
    %add3A_22 = arith.addf %get3A_16, %get3A_21 : vector<2000x64xf32>
    %get3A_23 = arith.constant 0 : index
    %get3A_24 = arith.constant 0 : index
    %get3A_25 = vector.load %arg2[%get3A_23, %get3A_24] : memref<2000x64xf32, #tpu.memory_space<vmem>>, vector<2000x64xf32>
    %add3A_26 = arith.addf %add3A_22, %get3A_25 : vector<2000x64xf32>
    %mul3A = vector.broadcast %rsqrt3A : vector<2000x1xf32> to vector<2000x64xf32>
    %mul3A_27 = arith.mulf %mul3A, %add3A_26 : vector<2000x64xf32>
    %get3A_28 = arith.constant 0 : index
    %get3A_29 = arith.constant 0 : index
    %get3A_30 = vector.load %arg4[%get3A_28, %get3A_29] : memref<1x64xf32, #tpu.memory_space<vmem>>, vector<1x64xf32>
    %add3A_31 = vector.broadcast %get3A_30 : vector<1x64xf32> to vector<2000x64xf32>
    %add3A_32 = arith.addf %mul3A_27, %add3A_31 : vector<2000x64xf32>
    %max3A = arith.constant 0.000000e+00 : f32
    %max3A_33 = vector.broadcast %max3A : f32 to vector<2000x64xf32>
    %max3A_34 = arith.maximumf %add3A_32, %max3A_33 : vector<2000x64xf32>
    %get3A_35 = arith.constant 0 : index
    %get3A_36 = arith.constant 0 : index
    %get3A_37 = vector.load %arg5[%get3A_35, %get3A_36] : memref<64x64xf32, #tpu.memory_space<vmem>>, vector<64x64xf32>
    %dot_general3A = arith.constant dense<0.000000e+00> : vector<2000x64xf32>
    %dot_general3A_38 = tpu.matmul %max3A_34, %get3A_37, %dot_general3A {dimension_numbers = #tpu.dot_dimension_numbers<[1], [0], [0], [1], [0, 0, 1, 1], [], []>, transpose_lhs_hint = false} : vector<2000x64xf32>, vector<64x64xf32>, vector<2000x64xf32> -> vector<2000x64xf32>
    %mul3A_39 = vector.broadcast %rsqrt3A : vector<2000x1xf32> to vector<2000x64xf32>
    %mul3A_40 = arith.mulf %mul3A_39, %dot_general3A_38 : vector<2000x64xf32>
    %swap3A = arith.constant 0 : index
    %swap3A_41 = arith.constant 0 : index
    %swap3A_42 = vector.load %arg7[%swap3A, %swap3A_41] : memref<2000x64xf32, #tpu.memory_space<vmem>>, vector<2000x64xf32>
    tpu.vector_store %arg7[%swap3A, %swap3A_41], %mul3A_40 {strides = array<i32>} : memref<2000x64xf32, #tpu.memory_space<vmem>>, vector<2000x64xf32>,
    %get3A_43 = arith.constant 0 : index
    %get3A_44 = arith.constant 0 : index
    %get3A_45 = vector.load %arg6[%get3A_43, %get3A_44] : memref<64x64xf32, #tpu.memory_space<vmem>>, vector<64x64xf32>
    %dot_general3A_46 = arith.constant dense<0.000000e+00> : vector<2000x64xf32>
    %dot_general3A_47 = tpu.matmul %max3A_34, %get3A_45, %dot_general3A_46 {dimension_numbers = #tpu.dot_dimension_numbers<[1], [0], [0], [1], [0, 0, 1, 1], [], []>, transpose_lhs_hint = false} : vector<2000x64xf32>, vector<64x64xf32>, vector<2000x64xf32> -> vector<2000x64xf32>
    %mul3A_48 = vector.broadcast %rsqrt3A : vector<2000x1xf32> to vector<2000x64xf32>
    %mul3A_49 = arith.mulf %mul3A_48, %dot_general3A_47 : vector<2000x64xf32>
    %swap3A_50 = arith.constant 0 : index
    %swap3A_51 = arith.constant 0 : index
    %swap3A_52 = vector.load %arg8[%swap3A_50, %swap3A_51] : memref<2000x64xf32, #tpu.memory_space<vmem>>, vector<2000x64xf32>
    tpu.vector_store %arg8[%swap3A_50, %swap3A_51], %mul3A_49 {strides = array<i32>} : memref<2000x64xf32, #tpu.memory_space<vmem>>, vector<2000x64xf32>,
    return
  }
  func.func @transform_0(%arg0: i32) -> (i32, i32, i32) {
    %c0_i32 = arith.constant 0 : i32
    %c0_i32_0 = arith.constant 0 : i32
    %c0_i32_1 = arith.constant 0 : i32
    return %c0_i32, %arg0, %c0_i32_0 : i32, i32, i32
  }
  func.func @transform_1(%arg0: i32) -> (i32, i32) {
    %c0_i32 = arith.constant 0 : i32
    %c0_i32_0 = arith.constant 0 : i32
    return %arg0, %c0_i32 : i32, i32
  }
  func.func @transform_2(%arg0: i32) -> (i32, i32, i32) {
    %c0_i32 = arith.constant 0 : i32
    %c0_i32_0 = arith.constant 0 : i32
    %c0_i32_1 = arith.constant 0 : i32
    return %c0_i32, %arg0, %c0_i32_0 : i32, i32, i32
  }
  func.func @transform_3(%arg0: i32) -> (i32, i32) {
    %c0_i32 = arith.constant 0 : i32
    %c0_i32_0 = arith.constant 0 : i32
    %c0_i32_1 = arith.constant 0 : i32
    return %c0_i32, %c0_i32_0 : i32, i32
  }
  func.func @transform_4(%arg0: i32) -> (i32, i32) {
    %c0_i32 = arith.constant 0 : i32
    %c0_i32_0 = arith.constant 0 : i32
    %c0_i32_1 = arith.constant 0 : i32
    return %c0_i32, %c0_i32_0 : i32, i32
  }
  func.func @transform_5(%arg0: i32) -> (i32, i32) {
    %c0_i32 = arith.constant 0 : i32
    %c0_i32_0 = arith.constant 0 : i32
    %c0_i32_1 = arith.constant 0 : i32
    return %c0_i32, %c0_i32_0 : i32, i32
  }
  func.func @transform_6(%arg0: i32) -> (i32, i32) {
    %c0_i32 = arith.constant 0 : i32
    %c0_i32_0 = arith.constant 0 : i32
    return %arg0, %c0_i32 : i32, i32
  }
  func.func @transform_7(%arg0: i32) -> (i32, i32) {
    %c0_i32 = arith.constant 0 : i32
    %c0_i32_0 = arith.constant 0 : i32
    return %arg0, %c0_i32 : i32, i32
  }
}

module attributes {stable_mosaic.version = 14 : i64} {
  func.func @body(%arg0: i32, %arg1: memref<2x2000x64xf32, #tpu.memory_space<vmem>>, %arg2: memref<2000x64xf32, #tpu.memory_space<vmem>>, %arg3: memref<2x2000x8xf32, #tpu.memory_space<vmem>>, %arg4: memref<1x64xf32, #tpu.memory_space<vmem>>, %arg5: memref<2000x64xf32, #tpu.memory_space<vmem>>) attributes {dimension_semantics = [#tpu.dimension_semantics<arbitrary>], iteration_bounds = array<i64: 5>, scalar_prefetch = 0 : i64, scratch_operands = 0 : i64, tpu.core_type = #tpu.core_type<tc>, window_params = [{transform_indices = @transform_0, window_bounds = array<i64: 2, 2000, 64>}, {transform_indices = @transform_1, window_bounds = array<i64: 2000, 64>}, {transform_indices = @transform_2, window_bounds = array<i64: 2, 2000, 8>}, {pipeline_mode = #tpu.pipeline_mode<synchronous>, transform_indices = @transform_3, window_bounds = array<i64: 1, 64>}, {transform_indices = @transform_4, window_bounds = array<i64: 2000, 64>}]} {
    %get3A = arith.constant 0 : index
    %get3A_0 = arith.constant 0 : index
    %get3A_1 = arith.constant 0 : index
    %get3A_2 = vector.load %arg3[%get3A, %get3A_0, %get3A_1] : memref<2x2000x8xf32, #tpu.memory_space<vmem>>, vector<1x2000x1xf32>
    %get3A_3 = vector.shape_cast %get3A_2 : vector<1x2000x1xf32> to vector<2000x1xf32>
    %get3A_4 = arith.constant 1 : index
    %get3A_5 = arith.constant 0 : index
    %get3A_6 = arith.constant 0 : index
    %get3A_7 = vector.load %arg3[%get3A_4, %get3A_5, %get3A_6] : memref<2x2000x8xf32, #tpu.memory_space<vmem>>, vector<1x2000x1xf32>
    %get3A_8 = vector.shape_cast %get3A_7 : vector<1x2000x1xf32> to vector<2000x1xf32>
    %add3A = arith.addf %get3A_3, %get3A_8 : vector<2000x1xf32>
    %add3A_9 = arith.constant 1.000000e+00 : f32
    %add3A_10 = vector.broadcast %add3A_9 : f32 to vector<2000x1xf32>
    %add3A_11 = arith.addf %add3A, %add3A_10 : vector<2000x1xf32>
    %rsqrt3A = math.rsqrt %add3A_11 : vector<2000x1xf32>
    %get3A_12 = arith.constant 0 : index
    %get3A_13 = arith.constant 0 : index
    %get3A_14 = arith.constant 0 : index
    %get3A_15 = vector.load %arg1[%get3A_12, %get3A_13, %get3A_14] : memref<2x2000x64xf32, #tpu.memory_space<vmem>>, vector<1x2000x64xf32>
    %get3A_16 = vector.shape_cast %get3A_15 : vector<1x2000x64xf32> to vector<2000x64xf32>
    %get3A_17 = arith.constant 1 : index
    %get3A_18 = arith.constant 0 : index
    %get3A_19 = arith.constant 0 : index
    %get3A_20 = vector.load %arg1[%get3A_17, %get3A_18, %get3A_19] : memref<2x2000x64xf32, #tpu.memory_space<vmem>>, vector<1x2000x64xf32>
    %get3A_21 = vector.shape_cast %get3A_20 : vector<1x2000x64xf32> to vector<2000x64xf32>
    %add3A_22 = arith.addf %get3A_16, %get3A_21 : vector<2000x64xf32>
    %get3A_23 = arith.constant 0 : index
    %get3A_24 = arith.constant 0 : index
    %get3A_25 = vector.load %arg2[%get3A_23, %get3A_24] : memref<2000x64xf32, #tpu.memory_space<vmem>>, vector<2000x64xf32>
    %add3A_26 = arith.addf %add3A_22, %get3A_25 : vector<2000x64xf32>
    %mul3A = vector.broadcast %rsqrt3A : vector<2000x1xf32> to vector<2000x64xf32>
    %mul3A_27 = arith.mulf %mul3A, %add3A_26 : vector<2000x64xf32>
    %get3A_28 = arith.constant 0 : index
    %get3A_29 = arith.constant 0 : index
    %get3A_30 = vector.load %arg4[%get3A_28, %get3A_29] : memref<1x64xf32, #tpu.memory_space<vmem>>, vector<1x64xf32>
    %add3A_31 = vector.broadcast %get3A_30 : vector<1x64xf32> to vector<2000x64xf32>
    %add3A_32 = arith.addf %mul3A_27, %add3A_31 : vector<2000x64xf32>
    %max3A = arith.constant 0.000000e+00 : f32
    %max3A_33 = vector.broadcast %max3A : f32 to vector<2000x64xf32>
    %max3A_34 = arith.maximumf %add3A_32, %max3A_33 : vector<2000x64xf32>
    %mul3A_35 = vector.broadcast %rsqrt3A : vector<2000x1xf32> to vector<2000x64xf32>
    %mul3A_36 = arith.mulf %mul3A_35, %max3A_34 : vector<2000x64xf32>
    %swap3A = arith.constant 0 : index
    %swap3A_37 = arith.constant 0 : index
    %swap3A_38 = vector.load %arg5[%swap3A, %swap3A_37] : memref<2000x64xf32, #tpu.memory_space<vmem>>, vector<2000x64xf32>
    tpu.vector_store %arg5[%swap3A, %swap3A_37], %mul3A_36 {strides = array<i32>} : memref<2000x64xf32, #tpu.memory_space<vmem>>, vector<2000x64xf32>,
    return
  }
  func.func @transform_0(%arg0: i32) -> (i32, i32, i32) {
    %c0_i32 = arith.constant 0 : i32
    %c0_i32_0 = arith.constant 0 : i32
    %c0_i32_1 = arith.constant 0 : i32
    return %c0_i32, %arg0, %c0_i32_0 : i32, i32, i32
  }
  func.func @transform_1(%arg0: i32) -> (i32, i32) {
    %c0_i32 = arith.constant 0 : i32
    %c0_i32_0 = arith.constant 0 : i32
    return %arg0, %c0_i32 : i32, i32
  }
  func.func @transform_2(%arg0: i32) -> (i32, i32, i32) {
    %c0_i32 = arith.constant 0 : i32
    %c0_i32_0 = arith.constant 0 : i32
    %c0_i32_1 = arith.constant 0 : i32
    return %c0_i32, %arg0, %c0_i32_0 : i32, i32, i32
  }
  func.func @transform_3(%arg0: i32) -> (i32, i32) {
    %c0_i32 = arith.constant 0 : i32
    %c0_i32_0 = arith.constant 0 : i32
    %c0_i32_1 = arith.constant 0 : i32
    return %c0_i32, %c0_i32_0 : i32, i32
  }
  func.func @transform_4(%arg0: i32) -> (i32, i32) {
    %c0_i32 = arith.constant 0 : i32
    %c0_i32_0 = arith.constant 0 : i32
    return %arg0, %c0_i32 : i32, i32
  }
}

module attributes {stable_mosaic.version = 14 : i64} {
  func.func @body(%arg0: i32, %arg1: memref<2x2000x64xf32, #tpu.memory_space<vmem>>, %arg2: memref<2000x64xf32, #tpu.memory_space<vmem>>, %arg3: memref<2x2000x8xf32, #tpu.memory_space<vmem>>, %arg4: memref<1x64xf32, #tpu.memory_space<vmem>>, %arg5: memref<2000x64xf32, #tpu.memory_space<vmem>>) attributes {dimension_semantics = [#tpu.dimension_semantics<arbitrary>], iteration_bounds = array<i64: 5>, scalar_prefetch = 0 : i64, scratch_operands = 0 : i64, tpu.core_type = #tpu.core_type<tc>, window_params = [{transform_indices = @transform_0, window_bounds = array<i64: 2, 2000, 64>}, {transform_indices = @transform_1, window_bounds = array<i64: 2000, 64>}, {transform_indices = @transform_2, window_bounds = array<i64: 2, 2000, 8>}, {pipeline_mode = #tpu.pipeline_mode<synchronous>, transform_indices = @transform_3, window_bounds = array<i64: 1, 64>}, {transform_indices = @transform_4, window_bounds = array<i64: 2000, 64>}]} {
    %get3A = arith.constant 0 : index
    %get3A_0 = arith.constant 0 : index
    %get3A_1 = arith.constant 0 : index
    %get3A_2 = vector.load %arg3[%get3A, %get3A_0, %get3A_1] : memref<2x2000x8xf32, #tpu.memory_space<vmem>>, vector<1x2000x1xf32>
    %get3A_3 = vector.shape_cast %get3A_2 : vector<1x2000x1xf32> to vector<2000x1xf32>
    %get3A_4 = arith.constant 1 : index
    %get3A_5 = arith.constant 0 : index
    %get3A_6 = arith.constant 0 : index
    %get3A_7 = vector.load %arg3[%get3A_4, %get3A_5, %get3A_6] : memref<2x2000x8xf32, #tpu.memory_space<vmem>>, vector<1x2000x1xf32>
    %get3A_8 = vector.shape_cast %get3A_7 : vector<1x2000x1xf32> to vector<2000x1xf32>
    %add3A = arith.addf %get3A_3, %get3A_8 : vector<2000x1xf32>
    %add3A_9 = arith.constant 1.000000e+00 : f32
    %add3A_10 = vector.broadcast %add3A_9 : f32 to vector<2000x1xf32>
    %add3A_11 = arith.addf %add3A, %add3A_10 : vector<2000x1xf32>
    %rsqrt3A = math.rsqrt %add3A_11 : vector<2000x1xf32>
    %get3A_12 = arith.constant 0 : index
    %get3A_13 = arith.constant 0 : index
    %get3A_14 = arith.constant 0 : index
    %get3A_15 = vector.load %arg1[%get3A_12, %get3A_13, %get3A_14] : memref<2x2000x64xf32, #tpu.memory_space<vmem>>, vector<1x2000x64xf32>
    %get3A_16 = vector.shape_cast %get3A_15 : vector<1x2000x64xf32> to vector<2000x64xf32>
    %get3A_17 = arith.constant 1 : index
    %get3A_18 = arith.constant 0 : index
    %get3A_19 = arith.constant 0 : index
    %get3A_20 = vector.load %arg1[%get3A_17, %get3A_18, %get3A_19] : memref<2x2000x64xf32, #tpu.memory_space<vmem>>, vector<1x2000x64xf32>
    %get3A_21 = vector.shape_cast %get3A_20 : vector<1x2000x64xf32> to vector<2000x64xf32>
    %add3A_22 = arith.addf %get3A_16, %get3A_21 : vector<2000x64xf32>
    %get3A_23 = arith.constant 0 : index
    %get3A_24 = arith.constant 0 : index
    %get3A_25 = vector.load %arg2[%get3A_23, %get3A_24] : memref<2000x64xf32, #tpu.memory_space<vmem>>, vector<2000x64xf32>
    %add3A_26 = arith.addf %add3A_22, %get3A_25 : vector<2000x64xf32>
    %mul3A = vector.broadcast %rsqrt3A : vector<2000x1xf32> to vector<2000x64xf32>
    %mul3A_27 = arith.mulf %mul3A, %add3A_26 : vector<2000x64xf32>
    %get3A_28 = arith.constant 0 : index
    %get3A_29 = arith.constant 0 : index
    %get3A_30 = vector.load %arg4[%get3A_28, %get3A_29] : memref<1x64xf32, #tpu.memory_space<vmem>>, vector<1x64xf32>
    %add3A_31 = vector.broadcast %get3A_30 : vector<1x64xf32> to vector<2000x64xf32>
    %add3A_32 = arith.addf %mul3A_27, %add3A_31 : vector<2000x64xf32>
    %max3A = arith.constant 0.000000e+00 : f32
    %max3A_33 = vector.broadcast %max3A : f32 to vector<2000x64xf32>
    %max3A_34 = arith.maximumf %add3A_32, %max3A_33 : vector<2000x64xf32>
    %swap3A = arith.constant 0 : index
    %swap3A_35 = arith.constant 0 : index
    %swap3A_36 = vector.load %arg5[%swap3A, %swap3A_35] : memref<2000x64xf32, #tpu.memory_space<vmem>>, vector<2000x64xf32>
    tpu.vector_store %arg5[%swap3A, %swap3A_35], %max3A_34 {strides = array<i32>} : memref<2000x64xf32, #tpu.memory_space<vmem>>, vector<2000x64xf32>,
    return
  }
  func.func @transform_0(%arg0: i32) -> (i32, i32, i32) {
    %c0_i32 = arith.constant 0 : i32
    %c0_i32_0 = arith.constant 0 : i32
    %c0_i32_1 = arith.constant 0 : i32
    return %c0_i32, %arg0, %c0_i32_0 : i32, i32, i32
  }
  func.func @transform_1(%arg0: i32) -> (i32, i32) {
    %c0_i32 = arith.constant 0 : i32
    %c0_i32_0 = arith.constant 0 : i32
    return %arg0, %c0_i32 : i32, i32
  }
  func.func @transform_2(%arg0: i32) -> (i32, i32, i32) {
    %c0_i32 = arith.constant 0 : i32
    %c0_i32_0 = arith.constant 0 : i32
    %c0_i32_1 = arith.constant 0 : i32
    return %c0_i32, %arg0, %c0_i32_0 : i32, i32, i32
  }
  func.func @transform_3(%arg0: i32) -> (i32, i32) {
    %c0_i32 = arith.constant 0 : i32
    %c0_i32_0 = arith.constant 0 : i32
    %c0_i32_1 = arith.constant 0 : i32
    return %c0_i32, %c0_i32_0 : i32, i32
  }
  func.func @transform_4(%arg0: i32) -> (i32, i32) {
    %c0_i32 = arith.constant 0 : i32
    %c0_i32_0 = arith.constant 0 : i32
    return %arg0, %c0_i32 : i32, i32
  }
}

module attributes {stable_mosaic.version = 14 : i64} {
  func.func @body(%arg0: i32, %arg1: i32, %arg2: memref<2000x64xf32, #tpu.memory_space<vmem>>, %arg3: memref<2048x64xf32, #tpu.memory_space<vmem>>, %arg4: memref<2000x2048xf32, #tpu.memory_space<vmem>>) attributes {dimension_semantics = [#tpu.dimension_semantics<parallel>, #tpu.dimension_semantics<parallel>], iteration_bounds = array<i64: 5, 5>, scalar_prefetch = 0 : i64, scratch_operands = 0 : i64, tpu.core_type = #tpu.core_type<tc>, window_params = [{transform_indices = @transform_0, window_bounds = array<i64: 2000, 64>}, {transform_indices = @transform_1, window_bounds = array<i64: 2048, 64>}, {transform_indices = @transform_2, window_bounds = array<i64: 2000, 2048>}]} {
    %get3A = arith.constant 0 : index
    %get3A_0 = arith.constant 0 : index
    %get3A_1 = vector.load %arg2[%get3A, %get3A_0] : memref<2000x64xf32, #tpu.memory_space<vmem>>, vector<2000x64xf32>
    %get3A_2 = arith.constant 0 : index
    %get3A_3 = arith.constant 0 : index
    %get3A_4 = vector.load %arg3[%get3A_2, %get3A_3] : memref<2048x64xf32, #tpu.memory_space<vmem>>, vector<2048x64xf32>
    %dot_general3A = arith.constant dense<0.000000e+00> : vector<2000x2048xf32>
    %dot_general3A_5 = tpu.matmul %get3A_1, %get3A_4, %dot_general3A {dimension_numbers = #tpu.dot_dimension_numbers<[1], [1], [0], [0], [0, 0, 1, 0], [], []>, transpose_lhs_hint = false} : vector<2000x64xf32>, vector<2048x64xf32>, vector<2000x2048xf32> -> vector<2000x2048xf32>
    %swap3A = arith.constant 0 : index
    %swap3A_6 = arith.constant 0 : index
    %swap3A_7 = vector.load %arg4[%swap3A, %swap3A_6] : memref<2000x2048xf32, #tpu.memory_space<vmem>>, vector<2000x2048xf32>
    tpu.vector_store %arg4[%swap3A, %swap3A_6], %dot_general3A_5 {strides = array<i32>} : memref<2000x2048xf32, #tpu.memory_space<vmem>>, vector<2000x2048xf32>,
    return
  }
  func.func @transform_0(%arg0: i32, %arg1: i32) -> (i32, i32) {
    %c0_i32 = arith.constant 0 : i32
    %c0_i32_0 = arith.constant 0 : i32
    return %arg0, %c0_i32 : i32, i32
  }
  func.func @transform_1(%arg0: i32, %arg1: i32) -> (i32, i32) {
    %c0_i32 = arith.constant 0 : i32
    %c0_i32_0 = arith.constant 0 : i32
    return %arg1, %c0_i32 : i32, i32
  }
  func.func @transform_2(%arg0: i32, %arg1: i32) -> (i32, i32) {
    %c0_i32 = arith.constant 0 : i32
    return %arg0, %arg1 : i32, i32
  }
}

module attributes {stable_mosaic.version = 14 : i64} {
  func.func @body(%arg0: i32, %arg1: memref<2x2000x64xf32, #tpu.memory_space<vmem>>, %arg2: memref<2000x64xf32, #tpu.memory_space<vmem>>, %arg3: memref<2x2000x8xf32, #tpu.memory_space<vmem>>, %arg4: memref<64x128xf32, #tpu.memory_space<vmem>>, %arg5: memref<1x128xf32, #tpu.memory_space<vmem>>, %arg6: memref<2000x128xf32, #tpu.memory_space<vmem>>) attributes {dimension_semantics = [#tpu.dimension_semantics<arbitrary>], iteration_bounds = array<i64: 5>, scalar_prefetch = 0 : i64, scratch_operands = 0 : i64, tpu.core_type = #tpu.core_type<tc>, window_params = [{transform_indices = @transform_0, window_bounds = array<i64: 2, 2000, 64>}, {transform_indices = @transform_1, window_bounds = array<i64: 2000, 64>}, {transform_indices = @transform_2, window_bounds = array<i64: 2, 2000, 8>}, {pipeline_mode = #tpu.pipeline_mode<synchronous>, transform_indices = @transform_3, window_bounds = array<i64: 64, 128>}, {pipeline_mode = #tpu.pipeline_mode<synchronous>, transform_indices = @transform_4, window_bounds = array<i64: 1, 128>}, {transform_indices = @transform_5, window_bounds = array<i64: 2000, 128>}]} {
    %get3A = arith.constant 0 : index
    %get3A_0 = arith.constant 0 : index
    %get3A_1 = arith.constant 0 : index
    %get3A_2 = vector.load %arg3[%get3A, %get3A_0, %get3A_1] : memref<2x2000x8xf32, #tpu.memory_space<vmem>>, vector<1x2000x1xf32>
    %get3A_3 = vector.shape_cast %get3A_2 : vector<1x2000x1xf32> to vector<2000x1xf32>
    %get3A_4 = arith.constant 1 : index
    %get3A_5 = arith.constant 0 : index
    %get3A_6 = arith.constant 0 : index
    %get3A_7 = vector.load %arg3[%get3A_4, %get3A_5, %get3A_6] : memref<2x2000x8xf32, #tpu.memory_space<vmem>>, vector<1x2000x1xf32>
    %get3A_8 = vector.shape_cast %get3A_7 : vector<1x2000x1xf32> to vector<2000x1xf32>
    %add3A = arith.addf %get3A_3, %get3A_8 : vector<2000x1xf32>
    %add3A_9 = arith.constant 1.000000e+00 : f32
    %add3A_10 = vector.broadcast %add3A_9 : f32 to vector<2000x1xf32>
    %add3A_11 = arith.addf %add3A, %add3A_10 : vector<2000x1xf32>
    %rsqrt3A = math.rsqrt %add3A_11 : vector<2000x1xf32>
    %get3A_12 = arith.constant 0 : index
    %get3A_13 = arith.constant 0 : index
    %get3A_14 = arith.constant 0 : index
    %get3A_15 = vector.load %arg1[%get3A_12, %get3A_13, %get3A_14] : memref<2x2000x64xf32, #tpu.memory_space<vmem>>, vector<1x2000x64xf32>
    %get3A_16 = vector.shape_cast %get3A_15 : vector<1x2000x64xf32> to vector<2000x64xf32>
    %get3A_17 = arith.constant 1 : index
    %get3A_18 = arith.constant 0 : index
    %get3A_19 = arith.constant 0 : index
    %get3A_20 = vector.load %arg1[%get3A_17, %get3A_18, %get3A_19] : memref<2x2000x64xf32, #tpu.memory_space<vmem>>, vector<1x2000x64xf32>
    %get3A_21 = vector.shape_cast %get3A_20 : vector<1x2000x64xf32> to vector<2000x64xf32>
    %add3A_22 = arith.addf %get3A_16, %get3A_21 : vector<2000x64xf32>
    %get3A_23 = arith.constant 0 : index
    %get3A_24 = arith.constant 0 : index
    %get3A_25 = vector.load %arg2[%get3A_23, %get3A_24] : memref<2000x64xf32, #tpu.memory_space<vmem>>, vector<2000x64xf32>
    %add3A_26 = arith.addf %add3A_22, %get3A_25 : vector<2000x64xf32>
    %mul3A = vector.broadcast %rsqrt3A : vector<2000x1xf32> to vector<2000x64xf32>
    %mul3A_27 = arith.mulf %mul3A, %add3A_26 : vector<2000x64xf32>
    %get3A_28 = arith.constant 0 : index
    %get3A_29 = arith.constant 0 : index
    %get3A_30 = vector.load %arg4[%get3A_28, %get3A_29] : memref<64x128xf32, #tpu.memory_space<vmem>>, vector<64x128xf32>
    %dot_general3A = arith.constant dense<0.000000e+00> : vector<2000x128xf32>
    %dot_general3A_31 = tpu.matmul %mul3A_27, %get3A_30, %dot_general3A {dimension_numbers = #tpu.dot_dimension_numbers<[1], [0], [0], [1], [0, 0, 1, 1], [], []>, transpose_lhs_hint = false} : vector<2000x64xf32>, vector<64x128xf32>, vector<2000x128xf32> -> vector<2000x128xf32>
    %get3A_32 = arith.constant 0 : index
    %get3A_33 = arith.constant 0 : index
    %get3A_34 = vector.load %arg5[%get3A_32, %get3A_33] : memref<1x128xf32, #tpu.memory_space<vmem>>, vector<1x128xf32>
    %add3A_35 = vector.broadcast %get3A_34 : vector<1x128xf32> to vector<2000x128xf32>
    %add3A_36 = arith.addf %dot_general3A_31, %add3A_35 : vector<2000x128xf32>
    %max3A = arith.constant 0.000000e+00 : f32
    %max3A_37 = vector.broadcast %max3A : f32 to vector<2000x128xf32>
    %max3A_38 = arith.maximumf %add3A_36, %max3A_37 : vector<2000x128xf32>
    %swap3A = arith.constant 0 : index
    %swap3A_39 = arith.constant 0 : index
    %swap3A_40 = vector.load %arg6[%swap3A, %swap3A_39] : memref<2000x128xf32, #tpu.memory_space<vmem>>, vector<2000x128xf32>
    tpu.vector_store %arg6[%swap3A, %swap3A_39], %max3A_38 {strides = array<i32>} : memref<2000x128xf32, #tpu.memory_space<vmem>>, vector<2000x128xf32>,
    return
  }
  func.func @transform_0(%arg0: i32) -> (i32, i32, i32) {
    %c0_i32 = arith.constant 0 : i32
    %c0_i32_0 = arith.constant 0 : i32
    %c0_i32_1 = arith.constant 0 : i32
    return %c0_i32, %arg0, %c0_i32_0 : i32, i32, i32
  }
  func.func @transform_1(%arg0: i32) -> (i32, i32) {
    %c0_i32 = arith.constant 0 : i32
    %c0_i32_0 = arith.constant 0 : i32
    return %arg0, %c0_i32 : i32, i32
  }
  func.func @transform_2(%arg0: i32) -> (i32, i32, i32) {
    %c0_i32 = arith.constant 0 : i32
    %c0_i32_0 = arith.constant 0 : i32
    %c0_i32_1 = arith.constant 0 : i32
    return %c0_i32, %arg0, %c0_i32_0 : i32, i32, i32
  }
  func.func @transform_3(%arg0: i32) -> (i32, i32) {
    %c0_i32 = arith.constant 0 : i32
    %c0_i32_0 = arith.constant 0 : i32
    %c0_i32_1 = arith.constant 0 : i32
    return %c0_i32, %c0_i32_0 : i32, i32
  }
  func.func @transform_4(%arg0: i32) -> (i32, i32) {
    %c0_i32 = arith.constant 0 : i32
    %c0_i32_0 = arith.constant 0 : i32
    %c0_i32_1 = arith.constant 0 : i32
    return %c0_i32, %c0_i32_0 : i32, i32
  }
  func.func @transform_5(%arg0: i32) -> (i32, i32) {
    %c0_i32 = arith.constant 0 : i32
    %c0_i32_0 = arith.constant 0 : i32
    return %arg0, %c0_i32 : i32, i32
  }
}

</mosaic_0001>

<sc_bundles>
// kernel: kernel.16.cloned.1.call-start
scs
__scs_entry_jumppad:
0x0: {  	(pc) =	sbr.rel $0x88, $3  }
0x1: {  	(tag) =	ssettag $0x0;
	lr =	simm.s32 $0x1  }
0x2: {  	[smem:$0x3F95] =	sst lr;
	_ =	strace $0xD0000000  }
0x3: {  	_ = 	snop  }
0x4: {  	_ = 	snop  }
0x5: {  	_ = 	snop  }
0x6: {  	_ = 	snop  }
0x7: {  	_ = 	snop  }
__scs_overlays_trampoline_lowered:
0x8: {  	[smem:$0x3FA4] =	sst s0  }
0x9: {  	[smem:$0x3FA5] =	sst s1  }
0xa: {  	[smem:$0x3FA6] =	sst s2  }
0xb: {  	[smem:$0x3FA7] =	sst s3  }
0xc: {  	[smem:$0x3FA8] =	sst s4  }
0xd: {  	[smem:$0x3FA9] =	sst s5  }
0xe: {  	[smem:$0x3FAA] =	sst s6  }
0xf: {  	[smem:$0x3FAB] =	sst s7  }
0x10: {  	[smem:$0x3FAC] =	sst s8  }
0x11: {  	[smem:$0x3FAD] =	sst s9;
	s0 =	simm.s32 @!p0 $0x0  }
0x12: {  	s1 =	sld [smem:$0x3F93];
	s0 =	simm.s32 @p0 $0x1  }
0x13: {  	[smem:$0x3FAE] =	sst s0;
	s0 =	simm.s32 @!p1 $0x0  }
0x14: {  	s2 =	sld [smem:$0x3F92];
	s0 =	simm.s32 @p1 $0x1  }
0x15: {  	[smem:$0x3FAF] =	sst s0;
	s0 =	simm.s32 @!p2 $0x0  }
0x16: {  	s3 =	sld [smem:$0x3FDB];
	s0 =	simm.s32 @p2 $0x1  }
0x17: {  	s4 =	simm.s32 $0x1BF5;
	[smem:$0x3FB1] =	sst s0  }
0x18: {  	s0 =	sld [smem:$0x3F94];
	_ =	swait.ge [sflag:s4], $0x0  }
0x19: {  	s7 =	sld [smem:$0x3F95]  }
0x1a: {  	s8 =	sadd.s32 $0xFFFFE003, lr  }
0x1b: {  	s9 =	sadd.s32 $0xFFFFFEF7, lr;
	s5 =	simm.s32 $0xFFFFFFFF;
	p2 =	slt.u32 s8, $0xFFFFF086  }
0x1c: {  	p1 =	slt.u32 s9, $0xF7A;
	s5 =	simm.s32 @!p2 $0x0  }
0x1d: {  	s5 =	simm.s32 @p1 $0x1;
	p0 =	seq.s32 s7, s2  }
0x1e: {  	s7 =	smul.u32 @!p0 $0xF7A, s2;
	p2 =	seq.s32 @!p0 s5, $0x0  }
0x1f: {  	s9 =	smul.u32 $0xF7A, s1;
	s8 =	simm.s32 @!p0 $0x1BF5;
	p2 =	por !p2, p0  }
0x20: {  	[sflag:s8] =	ssyncset.s32 @!p0 $0xFFFFF086;
	s6 =	sadd.s32 @!p0 s3, s7;
	s7 =	simm.s32 @!p0 $0x108  }
0x21: {  	s3 =	sadd.s32 s3, s9;
	s6 =	sadd.s32 @!p0 $0x88, s6;
	s7 =	simm.s32 @p2 $0x1082  }
0x22: {  	[simem:s7], [sflag:s8] =	dma.local @!p0 [hbm:s6], $0xF7A  }
0x23: {  	s9 =	sor.u32 $0xD0000000, s2;
	s6 =	simm.s32 $0x108;
	_ =	swait.ge @!p0 [sflag:s8], $0x0  }
0x24: {  	s3 =	sadd.s32 $0x88, s3;
	s6 =	simm.s32 @!p1 $0x1082;
	[sflag:s4] =	ssyncset.s32 $0xFFFFF086  }
0x25: {  	[simem:s6], [sflag:s4] =	dma.local [hbm:s3], $0xF7A  }
0x26: {  	[smem:$0x3F95] =	sst s1;
	(tag) =	ssettag s2;
	_ =	strace s9  }
0x27: {  	s1 =	sld [smem:$0x3FA5]  }
0x28: {  	s2 =	sld [smem:$0x3FA6]  }
0x29: {  	s4 =	sld [smem:$0x3FA8]  }
0x2a: {  	p0 =	seq.s32 s5, $0x0;
	s5 =	sld [smem:$0x3FA9]  }
0x2b: {  	s6 =	sld [smem:$0x3FAA]  }
0x2c: {  	s7 =	sld [smem:$0x3FAB]  }
0x2d: {  	s3 =	simm.s32 $0x108;
	s8 =	sld [smem:$0x3FAC]  }
0x2e: {  	s3 =	simm.s32 @!p0 $0x1082;
	s9 =	sld [smem:$0x3FAD]  }
0x2f: {  	lr =	sadd.s32 s0, s3;
	s0 =	sld [smem:$0x3FA4]  }
0x30: {  	s3 =	sld [smem:$0x3FA7]  }
0x31: {  	[smem:$0x3FB0] =	sst s10  }
0x32: {  	s10 =	sld [smem:$0x3FAE];
	_ =	sdelay $0x3  }
0x33: {  	p0 =	seq.s32 s10, $0x1;
	s10 =	sld [smem:$0x3FB0];
	_ =	sdelay $0x3  }
0x34: {  	[smem:$0x3FB0] =	sst s10  }
0x35: {  	s10 =	sld [smem:$0x3FAF];
	_ =	sdelay $0x3  }
0x36: {  	p1 =	seq.s32 s10, $0x1;
	s10 =	sld [smem:$0x3FB0];
	_ =	sdelay $0x3  }
0x37: {  	[smem:$0x3FB0] =	sst s10  }
0x38: {  	s10 =	sld [smem:$0x3FB1]  }
0x39: {  	_ = 	snop;
	(pc) =	sbr.ind lr, $3  }
0x3a: {  	_ = 	snop  }
0x3b: {  	_ = 	snop  }
0x3c: {  	p2 =	seq.s32 s10, $0x1;
	s10 =	sld [smem:$0x3FB0]  }
0x3d: {  	_ =	shalt  }
0x3e: {  	_ =	shalt  }
0x3f: {  	_ =	shalt  }
0x40: {  	_ =	shalt  }
0x41: {  	_ =	shalt  }
0x42: {  	_ =	shalt  }
0x43: {  	_ =	shalt  }
0x44: {  	_ =	shalt  }
0x45: {  	_ =	shalt  }
0x46: {  	_ =	shalt  }
0x47: {  	_ =	shalt  }
0x48: {  	_ =	shalt  }
0x49: {  	_ =	shalt  }
0x4a: {  	_ =	shalt  }
0x4b: {  	_ =	shalt  }
0x4c: {  	_ =	shalt  }
0x4d: {  	_ =	shalt  }
0x4e: {  	_ =	shalt  }
0x4f: {  	_ =	shalt  }
0x50: {  	_ =	shalt  }
0x51: {  	_ =	shalt  }
0x52: {  	_ =	shalt  }
0x53: {  	_ =	shalt  }
0x54: {  	_ =	shalt  }
0x55: {  	_ =	shalt  }
0x56: {  	_ =	shalt  }
0x57: {  	_ =	shalt  }
0x58: {  	_ =	shalt  }
0x59: {  	_ =	shalt  }
0x5a: {  	_ =	shalt  }
0x5b: {  	_ =	shalt  }
0x5c: {  	_ =	shalt  }
0x5d: {  	_ =	shalt  }
0x5e: {  	_ =	shalt  }
0x5f: {  	_ =	shalt  }
0x60: {  	_ =	shalt  }
0x61: {  	_ =	shalt  }
0x62: {  	_ =	shalt  }
0x63: {  	_ =	shalt  }
0x64: {  	_ =	shalt  }
0x65: {  	_ =	shalt  }
0x66: {  	_ =	shalt  }
0x67: {  	_ =	shalt  }
0x68: {  	_ =	shalt  }
0x69: {  	_ =	shalt  }
0x6a: {  	_ =	shalt  }
0x6b: {  	_ =	shalt  }
0x6c: {  	_ =	shalt  }
0x6d: {  	_ =	shalt  }
0x6e: {  	_ =	shalt  }
0x6f: {  	_ =	shalt  }
0x70: {  	_ =	shalt  }
0x71: {  	_ =	shalt  }
0x72: {  	_ =	shalt  }
0x73: {  	_ =	shalt  }
0x74: {  	_ =	shalt  }
0x75: {  	_ =	shalt  }
0x76: {  	_ =	shalt  }
0x77: {  	_ =	shalt  }
0x78: {  	_ =	shalt  }
0x79: {  	_ =	shalt  }
0x7a: {  	_ =	shalt  }
0x7b: {  	_ =	shalt  }
0x7c: {  	_ =	shalt  }
0x7d: {  	_ =	shalt  }
0x7e: {  	_ =	shalt  }
0x7f: {  	_ =	shalt  }
0x80: {  	_ =	shalt  }
0x81: {  	_ =	shalt  }
0x82: {  	_ =	shalt  }
0x83: {  	_ =	shalt  }
0x84: {  	_ =	shalt  }
0x85: {  	_ =	shalt  }
0x86: {  	_ =	shalt  }
0x87: {  	_ =	shalt  }
.Lfunc_end0:
.L_simem_size_0:
called_computation_lowered:
.L_overlay_start_0:
0x88: {  	s2 =	sld [smem:$0x3FD9]  }
0x89: {  	s3 =	sld [smem:$0x3FFE];
	_ =	sdelay $0x1  }
0x8a: {  	s1 =	srdreg.scid  }
0x8b: {  	s0 =	sand.u32 $0x1, s1  }
0x8c: {  	s14 =	sshll.u32 s0, $0xA;
	s2 =	sadd.s32 s3, s2  }
0x8d: {  	s2 =	sadd.s32 s2, s14  }
0x8e: {  	[smem:$0x3FBC] =	sst s2  }
0x8f: {  	_ = 	snop  }
0x90: {  	s2 =	sld [smem:$0x3FD0];
	_ =	sdelay $0x2  }
0x91: {  	s15 =	simm.s32 $0xB;
	s4 =	simm.s32 $0x10  }
0x92: {  	[smem:s4], [sflag:s15] =	dma.local [hbm:s2], $0x1  }
0x93: {  	_ =	swait.eq [sflag:s15], $0x1  }
0x94: {  	[sflag:s15] =	ssyncset.done $0x0  }
0x95: {  	s16 =	sld [smem:$0x10];
	[sflag:s15] =	ssyncadd.s32 $0xFFFFFFFF  }
0x96: {  	s17 =	sld [smem:$0x11];
	(tm) =	ssettm $0x1  }
0x97: {  	s18 =	sld [smem:$0x3FFB];
	_ =	sdelay $0x3  }
0x98: {  	_ =	strace s18  }
0x99: {  	s4 =	sld [smem:$0x3FFC];
	_ =	sdelay $0x3  }
0x9a: {  	_ =	strace s4  }
0x9b: {  	s4 =	sld [smem:$0x3FFD];
	_ =	sdelay $0x3  }
0x9c: {  	_ =	strace s4  }
0x9d: {  	_ =	strace $0x8FFFFFFF  }
0x9e: {  	s19 =	sld [smem:$0x3FDB];
	_ =	sdelay $0x1  }
0x9f: {  	s5 =	simm.s32 $_scs_section_size  }
0xa0: {  	s6 =	simm.s32 $_size__tile_overlayer_lowered;
	s7 =	simm.s32 $_tile_overlayer_lowered  }
0xa1: {  	s22 =	simm.s32 $0x1BFF;
	s21 =	sshll.u32 s7, $0x1;
	s4 =	sadd.s32 s5, s19  }
0xa2: {  	s8 =	simm.s32 $0x0;
	s20 =	sshll.u32 s6, $0x1;
	s6 =	sadd.s32 s21, s4  }
0xa3: {  	[timem:s8], [sflag:s22] =	dma.local [hbm:s6], s20  }
0xa4: {  	_ =	swait.ge [sflag:s22], s20  }
0xa5: {  	s5 =	ssub.s32 $0x0, s20;
	[sflag:s22] =	ssyncset.done $0x0  }
0xa6: {  	[sflag:s22] =	ssyncadd.s32 s5;
	_ =	sdelay $0x1  }
0xa7: {  	s23 =	simm.s32 $0x1B8B  }
0xa8: {  	_ =	swait.ge [sflag:s23], $0x1  }
0xa9: {  	[sflag:s23] =	ssyncset.done $0x0  }
0xaa: {  	s25 =	simm.s32 $0x1B8E;
	s24 =	sld [smem:$0x3FFE];
	[sflag:s23] =	ssyncadd.s32 $0xFFFFFFFF  }
0xab: {  	s26 =	simm.s32 $execute0_lowered;
	[smem:$0x3FD2] =	sst s25  }
0xac: {  	s6 =	sshll.u32 s26, $0x1;
	_ =	strace $0x80000046;
	[dreg:$0x1] =	wrdreg $0xFFFFFFFF  }
0xad: {  	s28 =	simm.s32 $_size_execute0_lowered;
	s4 =	sadd.s32 s4, s6;
	[dreg:$0x0] =	wrdreg $0x0  }
0xae: {  	s6 =	sshll.u32 s28, $0x1;
	[dreg:$0x2] =	wrdreg s4  }
0xaf: {  	[dreg:$0x3] =	wrdreg s6  }
0xb0: {  	[dreg:$0x4] =	wrdreg $0xC0  }
0xb1: {  	_ =	task [dreg:s8], $0x5FFFF  }
0xb2: {  	[dreg:$0x1] =	wrdreg $0xFFFFFFFF  }
0xb3: {  	[dreg:$0x0] =	wrdreg $0x60  }
0xb4: {  	[dreg:$0x2] =	wrdreg s24  }
0xb5: {  	[dreg:$0x3] =	wrdreg s16  }
0xb6: {  	[dreg:$0x4] =	wrdreg s17  }
0xb7: {  	[dreg:$0x5] =	wrdreg $0x2BE80  }
0xb8: {  	[dreg:$0x6] =	wrdreg $0x9  }
0xb9: {  	_ =	task.clear_ibuf [dreg:s8], $0x7FFFF;
	_ =	strace $0x90000046  }
0xba: {  	s29 =	simm.s32 $0x9;
	_ =	strace $0x80000048  }
0xbb: {  	_ =	swait.ge [sflag:s29], $0x1  }
0xbc: {  	[sflag:s29] =	ssyncadd.s32 $0xFFFFFFFF  }
0xbd: {  	_ =	strace $0x90000048  }
0xbe: {  	_ =	sfence  }
0xbf: {  	s30 =	sld [smem:$0x0];
	_ =	sdelay $0x2  }
0xc0: {  	s31 =	sshll.u32 s1, $0xD;
	s1 =	sshrl.u32 s1, $0x2  }
0xc1: {  	s3 =	sand.u32 $0x4000, s31;
	s1 =	sadd.s32 s1, s30  }
0xc2: {  	s0 =	sor.u32 s3, s0;
	s1 =	sshll.u32 s1, $0x11  }
0xc3: {  	s0 =	sor.u32 s1, s0  }
0xc4: {  	s0 =	sadd.s32 $0x8F2B, s0  }
0xc5: {  	[sflag:s0] =	ssyncadd.remote.s32 $0x1  }
0xc6: {  	_ =	sfence.sel $0xFFFF  }
0xc7: {  	[dreg:$0x0] =	wrdreg $0xFFFFFFFF;
	(pc) =	sbr.abs _section_cstart, $3  }
0xc8: {  	[dreg:$0x1] =	wrdreg $0xFFFFFFFF  }
0xc9: {  	_ =	task.clear_ibuf [dreg:s8], $0x2FFFF;
	_ =	strace $0x9FFFFFFF  }
0xca: {  	(tm) =	ssettm $0x7FFFFFFF  }
0xcb: {  	_ =	shalt  }
tec
execute0_lowered:
.L_overlay_start_1:
0x0: {  	(tag) =	ssettag $0x1  }
0x1: {  	s4 =	rddreg [dreg:$0x0]  }
0x2: {  	s6 =	rddreg [dreg:$0x1]  }
0x3: {  	s0 =	srdreg.scid;
	s7 =	rddreg [dreg:$0x2]  }
0x4: {  	s2 =	rddreg [dreg:$0x3];
	s1 =	stileid.u32  }
0x5: {  	s3 =	simm.s32 $0x0;
	s5 =	sand.u32 $0x1, s0;
	s0 =	rddreg [dreg:$0x4]  }
0x6: {  	[smem:$0x7FF] =	sst s3;
	s10 =	smul.u32 $0x1400, s1  }
0x7: {  	s31 =	sshll.u32 s1, $0x6;
	s8 =	sshll.u32 s5, $0x4;
	_ =	strace $0x80000047  }
0x8: {  	s9 =	ssub.s32 $0x2, s5;
	s12 =	smul.u32 $0x2800, s5;
	s8 =	sor.u32 s1, s8  }
0x9: {  	s11 =	sshrl.u32 s9, $0x1;
	s13 =	sshrl.u32 s10, $0x3;
	s30 =	sadd.s32 s10, s2  }
0xa: {  	s10 =	sor.u32 $0x1C01, s31;
	s8 =	smul.u32 $0x500, s8;
	s9 =	ssub.s32 s9, s11  }
0xb: {  	s6 =	sadd.s32 s6, s13;
	s14 =	sadd.s32 s7, s12;
	s11 =	sshrl.u32 s30, $0x3  }
0xc: {  	s12 =	simm.s32 $0x7D;
	s7 =	smax.u32 s9, $0x1;
	s9 =	simm.s32 $0x2800  }
0xd: {  	s13 =	sadd.s32 s13, s14;
	s14 =	simm.s32 $0x0;
	s8 =	sadd.s32 s8, s4  }
0xe: {  	s4 =	sadd.s32 $0xD400, s4;
	s5 =	sadd.s32 $0x3400, s8;
	s8 =	simm.s32 $0x1  }
.LBB2_1:
0xf: {  	[tilespmem:s3], [sflag:$0x1] =	stream.linear.gather [hbm4b:s5+s3], $0x2800, $0x38;
	[tilespmem:$0x3FE8] =	vst v63  }
0x10: {  	_ =	swait.ge [sflag:s8], $0x2800  }
0x11: {  	[sflag:s8] =	ssyncset.done $0x0  }
0x12: {  	[sflag:s8] =	ssyncadd.s32 $0xFFFFD800  }
0x13: {  	[tilespmem:s9], [sflag:$0x1] =	stream.linear.gather [hbm4b:s4+s3], $0x3E8, $0x38;
	[tilespmem:$0x3FE8] =	vst v63  }
0x14: {  	_ =	swait.ge [sflag:s8], $0x3E8  }
0x15: {  	[sflag:s8] =	ssyncset.done $0x0  }
0x16: {  	[sflag:s8] =	ssyncadd.s32 $0xFFFFFC18  }
0x17: {  	[spmem:s11], [sflag:s10] =	dma.local [hbm:s6], $0x280  }
0x18: {  	_ =	swait.ge [sflag:s8], $0x280  }
0x19: {  	[sflag:s8] =	ssyncset.done $0x0  }
0x1a: {  	[sflag:s8] =	ssyncadd.s32 $0xFFFFFD80  }
0x1b: {  	s15 =	simm.s32 $0x0;
	[bflag:$0x0] =	sbarrier.arrive $0xFFFF  }
0x1c: {  	[spmem:s2] =	stream.indirect.scatter.add.f32 [tilespmem:s9], [sflag:$0x1], $0x8, s15, s12, $0xb8;
	[tilespmem:$0x3FE8] =	vst v63  }
0x1d: {  	_ =	swait.ge [sflag:s8], $0x3E8  }
0x1e: {  	s15 =	simm.s32 $0x200;
	[sflag:s8] =	ssyncset.done $0x0  }
.LBB2_2:
0x1f: {  	s16 =	sshra.s32 s15, $0x2;
	[sflag:s8] =	ssyncadd.s32 $0xFFFFFC18;
	p0 =	sne.s32 s15, $0x9E00  }
0x20: {  	[spmem:s2] =	stream.indirect.scatter.add.f32 [tilespmem:s9], [sflag:$0x1], $0x8, s16, s12, $0xb8;
	[tilespmem:$0x3FE8] =	vst v63  }
.Ltmp0:
0x21: {  	_ = 	snop;
	(pc) =	sbr.rel @p0 .LBB2_2-.Ltmp0, $4  }
0x22: {  	_ = 	snop  }
0x23: {  	s15 =	sadd.s32 $0x200, s15  }
0x24: {  	_ =	swait.ge [sflag:s8], $0x3E8  }
0x25: {  	[sflag:s8] =	ssyncset.done $0x0  }
0x26: {  	s14 =	sadd.s32 $0x1, s14  }
0x27: {  	[sflag:s8] =	ssyncadd.s32 $0xFFFFFC18;
	p0 =	sne.s32 s14, s7  }
.Ltmp1:
0x28: {  	[bflag:$0x0] =	sbarrier.arrive $0xFFFF;
	(pc) =	sbr.rel @p0 .LBB2_1-.Ltmp1, $4  }
0x29: {  	[hbm:s13], [sflag:s10] =	dma.local [spmem:s11], $0x280  }
0x2a: {  	_ =	swait.ge [sflag:s8], $0x280  }
0x2b: {  	[sflag:s8] =	ssyncset.done $0x0  }
0x2c: {  	[sflag:s8] =	ssyncadd.s32 $0xFFFFFD80  }
0x2d: {  	_ =	sfence.sel $0x180000  }
0x2e: {  	[bflag:$0x0] =	sbarrier.arrive $0xFFFF  }
0x2f: {  	p0 =	sne.s32 s1, $0x0;
	_ =	strace $0x90000047  }
0x30: {  	s0 =	sadd.s32 @!p0 $0x100000, s0;
	[bflag:$0x2] =	sbarrier.arrive $0xFFFF  }
0x31: {  	[sflag:s0] =	ssyncadd.tile.s32 @!p0 $0x1;
	_ =	shalt  }
.Lfunc_end2:
_tile_overlayer_lowered:
.L_overlay_start_2:
0x32: {  	(tag) =	ssettag $0x2  }
0x33: {  	s0 =	rddreg [dreg:$0x0];
	s2 =	stileid.u32  }
0x34: {  	s1 =	rddreg [dreg:$0x1];
	p0 =	sne.s32 s2, $0x0  }
0x35: {  	s3 =	rddreg [dreg:$0x2];
	[bflag:$0x3] =	sbarrier.arrive $0xFFFF;
	s2 =	simm.s32 @!p0 $0x1C01  }
0x36: {  	[timem:s3], [sflag:s2] =	dma.local @!p0 [hbm:s0], s1  }
0x37: {  	s0 =	simm.s32 @!p0 $0x1  }
0x38: {  	_ =	swait.ge @!p0 [sflag:s0], s1  }
0x39: {  	s1 =	ssub.s32 @!p0 $0x0, s1;
	[sflag:s0] =	ssyncset.done @!p0 $0x0  }
0x3a: {  	[sflag:s0] =	ssyncadd.s32 @!p0 s1  }
0x3b: {  	[bflag:$0x3] =	sbarrier.arrive $0xFFFF  }
0x3c: {  	_ =	shalt  }

// kernel: kernel.19.cloned.1.call-start
scs
__scs_entry_jumppad:
0x0: {  	(pc) =	sbr.rel $0x88, $3  }
0x1: {  	(tag) =	ssettag $0x0;
	lr =	simm.s32 $0x1  }
0x2: {  	[smem:$0x3F95] =	sst lr;
	_ =	strace $0xD0000000  }
0x3: {  	_ = 	snop  }
0x4: {  	_ = 	snop  }
0x5: {  	_ = 	snop  }
0x6: {  	_ = 	snop  }
0x7: {  	_ = 	snop  }
__scs_overlays_trampoline_lowered:
0x8: {  	[smem:$0x3FA4] =	sst s0  }
0x9: {  	[smem:$0x3FA5] =	sst s1  }
0xa: {  	[smem:$0x3FA6] =	sst s2  }
0xb: {  	[smem:$0x3FA7] =	sst s3  }
0xc: {  	[smem:$0x3FA8] =	sst s4  }
0xd: {  	[smem:$0x3FA9] =	sst s5  }
0xe: {  	[smem:$0x3FAA] =	sst s6  }
0xf: {  	[smem:$0x3FAB] =	sst s7  }
0x10: {  	[smem:$0x3FAC] =	sst s8  }
0x11: {  	[smem:$0x3FAD] =	sst s9;
	s0 =	simm.s32 @!p0 $0x0  }
0x12: {  	s1 =	sld [smem:$0x3F93];
	s0 =	simm.s32 @p0 $0x1  }
0x13: {  	[smem:$0x3FAE] =	sst s0;
	s0 =	simm.s32 @!p1 $0x0  }
0x14: {  	s2 =	sld [smem:$0x3F92];
	s0 =	simm.s32 @p1 $0x1  }
0x15: {  	[smem:$0x3FAF] =	sst s0;
	s0 =	simm.s32 @!p2 $0x0  }
0x16: {  	s3 =	sld [smem:$0x3FDB];
	s0 =	simm.s32 @p2 $0x1  }
0x17: {  	s4 =	simm.s32 $0x1BF5;
	[smem:$0x3FB1] =	sst s0  }
0x18: {  	s0 =	sld [smem:$0x3F94];
	_ =	swait.ge [sflag:s4], $0x0  }
0x19: {  	s7 =	sld [smem:$0x3F95]  }
0x1a: {  	s8 =	sadd.s32 $0xFFFFE003, lr  }
0x1b: {  	s9 =	sadd.s32 $0xFFFFFEF7, lr;
	s5 =	simm.s32 $0xFFFFFFFF;
	p2 =	slt.u32 s8, $0xFFFFF086  }
0x1c: {  	p1 =	slt.u32 s9, $0xF7A;
	s5 =	simm.s32 @!p2 $0x0  }
0x1d: {  	s5 =	simm.s32 @p1 $0x1;
	p0 =	seq.s32 s7, s2  }
0x1e: {  	s7 =	smul.u32 @!p0 $0xF7A, s2;
	p2 =	seq.s32 @!p0 s5, $0x0  }
0x1f: {  	s9 =	smul.u32 $0xF7A, s1;
	s8 =	simm.s32 @!p0 $0x1BF5;
	p2 =	por !p2, p0  }
0x20: {  	[sflag:s8] =	ssyncset.s32 @!p0 $0xFFFFF086;
	s6 =	sadd.s32 @!p0 s3, s7;
	s7 =	simm.s32 @!p0 $0x108  }
0x21: {  	s3 =	sadd.s32 s3, s9;
	s6 =	sadd.s32 @!p0 $0x88, s6;
	s7 =	simm.s32 @p2 $0x1082  }
0x22: {  	[simem:s7], [sflag:s8] =	dma.local @!p0 [hbm:s6], $0xF7A  }
0x23: {  	s9 =	sor.u32 $0xD0000000, s2;
	s6 =	simm.s32 $0x108;
	_ =	swait.ge @!p0 [sflag:s8], $0x0  }
0x24: {  	s3 =	sadd.s32 $0x88, s3;
	s6 =	simm.s32 @!p1 $0x1082;
	[sflag:s4] =	ssyncset.s32 $0xFFFFF086  }
0x25: {  	[simem:s6], [sflag:s4] =	dma.local [hbm:s3], $0xF7A  }
0x26: {  	[smem:$0x3F95] =	sst s1;
	(tag) =	ssettag s2;
	_ =	strace s9  }
0x27: {  	s1 =	sld [smem:$0x3FA5]  }
0x28: {  	s2 =	sld [smem:$0x3FA6]  }
0x29: {  	s4 =	sld [smem:$0x3FA8]  }
0x2a: {  	p0 =	seq.s32 s5, $0x0;
	s5 =	sld [smem:$0x3FA9]  }
0x2b: {  	s6 =	sld [smem:$0x3FAA]  }
0x2c: {  	s7 =	sld [smem:$0x3FAB]  }
0x2d: {  	s3 =	simm.s32 $0x108;
	s8 =	sld [smem:$0x3FAC]  }
0x2e: {  	s3 =	simm.s32 @!p0 $0x1082;
	s9 =	sld [smem:$0x3FAD]  }
0x2f: {  	lr =	sadd.s32 s0, s3;
	s0 =	sld [smem:$0x3FA4]  }
0x30: {  	s3 =	sld [smem:$0x3FA7]  }
0x31: {  	[smem:$0x3FB0] =	sst s10  }
0x32: {  	s10 =	sld [smem:$0x3FAE];
	_ =	sdelay $0x3  }
0x33: {  	p0 =	seq.s32 s10, $0x1;
	s10 =	sld [smem:$0x3FB0];
	_ =	sdelay $0x3  }
0x34: {  	[smem:$0x3FB0] =	sst s10  }
0x35: {  	s10 =	sld [smem:$0x3FAF];
	_ =	sdelay $0x3  }
0x36: {  	p1 =	seq.s32 s10, $0x1;
	s10 =	sld [smem:$0x3FB0];
	_ =	sdelay $0x3  }
0x37: {  	[smem:$0x3FB0] =	sst s10  }
0x38: {  	s10 =	sld [smem:$0x3FB1]  }
0x39: {  	_ = 	snop;
	(pc) =	sbr.ind lr, $3  }
0x3a: {  	_ = 	snop  }
0x3b: {  	_ = 	snop  }
0x3c: {  	p2 =	seq.s32 s10, $0x1;
	s10 =	sld [smem:$0x3FB0]  }
0x3d: {  	_ =	shalt  }
0x3e: {  	_ =	shalt  }
0x3f: {  	_ =	shalt  }
0x40: {  	_ =	shalt  }
0x41: {  	_ =	shalt  }
0x42: {  	_ =	shalt  }
0x43: {  	_ =	shalt  }
0x44: {  	_ =	shalt  }
0x45: {  	_ =	shalt  }
0x46: {  	_ =	shalt  }
0x47: {  	_ =	shalt  }
0x48: {  	_ =	shalt  }
0x49: {  	_ =	shalt  }
0x4a: {  	_ =	shalt  }
0x4b: {  	_ =	shalt  }
0x4c: {  	_ =	shalt  }
0x4d: {  	_ =	shalt  }
0x4e: {  	_ =	shalt  }
0x4f: {  	_ =	shalt  }
0x50: {  	_ =	shalt  }
0x51: {  	_ =	shalt  }
0x52: {  	_ =	shalt  }
0x53: {  	_ =	shalt  }
0x54: {  	_ =	shalt  }
0x55: {  	_ =	shalt  }
0x56: {  	_ =	shalt  }
0x57: {  	_ =	shalt  }
0x58: {  	_ =	shalt  }
0x59: {  	_ =	shalt  }
0x5a: {  	_ =	shalt  }
0x5b: {  	_ =	shalt  }
0x5c: {  	_ =	shalt  }
0x5d: {  	_ =	shalt  }
0x5e: {  	_ =	shalt  }
0x5f: {  	_ =	shalt  }
0x60: {  	_ =	shalt  }
0x61: {  	_ =	shalt  }
0x62: {  	_ =	shalt  }
0x63: {  	_ =	shalt  }
0x64: {  	_ =	shalt  }
0x65: {  	_ =	shalt  }
0x66: {  	_ =	shalt  }
0x67: {  	_ =	shalt  }
0x68: {  	_ =	shalt  }
0x69: {  	_ =	shalt  }
0x6a: {  	_ =	shalt  }
0x6b: {  	_ =	shalt  }
0x6c: {  	_ =	shalt  }
0x6d: {  	_ =	shalt  }
0x6e: {  	_ =	shalt  }
0x6f: {  	_ =	shalt  }
0x70: {  	_ =	shalt  }
0x71: {  	_ =	shalt  }
0x72: {  	_ =	shalt  }
0x73: {  	_ =	shalt  }
0x74: {  	_ =	shalt  }
0x75: {  	_ =	shalt  }
0x76: {  	_ =	shalt  }
0x77: {  	_ =	shalt  }
0x78: {  	_ =	shalt  }
0x79: {  	_ =	shalt  }
0x7a: {  	_ =	shalt  }
0x7b: {  	_ =	shalt  }
0x7c: {  	_ =	shalt  }
0x7d: {  	_ =	shalt  }
0x7e: {  	_ =	shalt  }
0x7f: {  	_ =	shalt  }
0x80: {  	_ =	shalt  }
0x81: {  	_ =	shalt  }
0x82: {  	_ =	shalt  }
0x83: {  	_ =	shalt  }
0x84: {  	_ =	shalt  }
0x85: {  	_ =	shalt  }
0x86: {  	_ =	shalt  }
0x87: {  	_ =	shalt  }
.Lfunc_end0:
.L_simem_size_0:
called_computation.1_lowered:
.L_overlay_start_0:
0x88: {  	s2 =	sld [smem:$0x3FD9]  }
0x89: {  	s3 =	sld [smem:$0x3FFE];
	_ =	sdelay $0x1  }
0x8a: {  	s1 =	srdreg.scid  }
0x8b: {  	s0 =	sand.u32 $0x1, s1  }
0x8c: {  	s14 =	sshll.u32 s0, $0xA;
	s2 =	sadd.s32 s3, s2  }
0x8d: {  	s2 =	sadd.s32 s2, s14  }
0x8e: {  	[smem:$0x3FBC] =	sst s2  }
0x8f: {  	_ = 	snop  }
0x90: {  	s2 =	sld [smem:$0x3FD0];
	_ =	sdelay $0x2  }
0x91: {  	s15 =	simm.s32 $0xB;
	s4 =	simm.s32 $0x10  }
0x92: {  	[smem:s4], [sflag:s15] =	dma.local [hbm:s2], $0x1  }
0x93: {  	_ =	swait.eq [sflag:s15], $0x1  }
0x94: {  	[sflag:s15] =	ssyncset.done $0x0  }
0x95: {  	[sflag:s15] =	ssyncadd.s32 $0xFFFFFFFF  }
0x96: {  	s16 =	sld [smem:$0x10];
	(tm) =	ssettm $0x1  }
0x97: {  	s17 =	sld [smem:$0x3FFB];
	_ =	sdelay $0x3  }
0x98: {  	_ =	strace s17  }
0x99: {  	s3 =	sld [smem:$0x3FFC];
	_ =	sdelay $0x3  }
0x9a: {  	_ =	strace s3  }
0x9b: {  	s3 =	sld [smem:$0x3FFD];
	_ =	sdelay $0x3  }
0x9c: {  	_ =	strace s3  }
0x9d: {  	_ =	strace $0x8FFFFFFF  }
0x9e: {  	s18 =	sld [smem:$0x3FDB];
	_ =	sdelay $0x1  }
0x9f: {  	s19 =	simm.s32 $_scs_section_size  }
0xa0: {  	s5 =	simm.s32 $_size__tile_overlayer_lowered;
	s6 =	simm.s32 $_tile_overlayer_lowered  }
0xa1: {  	s22 =	simm.s32 $0x1BFF;
	s21 =	sshll.u32 s6, $0x1;
	s3 =	sadd.s32 s19, s18  }
0xa2: {  	s7 =	simm.s32 $0x0;
	s20 =	sshll.u32 s5, $0x1;
	s5 =	sadd.s32 s21, s3  }
0xa3: {  	[timem:s7], [sflag:s22] =	dma.local [hbm:s5], s20  }
0xa4: {  	_ =	swait.ge [sflag:s22], s20  }
0xa5: {  	s4 =	ssub.s32 $0x0, s20;
	[sflag:s22] =	ssyncset.done $0x0  }
0xa6: {  	[sflag:s22] =	ssyncadd.s32 s4;
	_ =	sdelay $0x1  }
0xa7: {  	s23 =	simm.s32 $0x1B8B  }
0xa8: {  	_ =	swait.ge [sflag:s23], $0x1  }
0xa9: {  	[sflag:s23] =	ssyncset.done $0x0  }
0xaa: {  	s25 =	simm.s32 $0x1B8E;
	s24 =	sld [smem:$0x3FFE];
	[sflag:s23] =	ssyncadd.s32 $0xFFFFFFFF  }
0xab: {  	s26 =	simm.s32 $execute0_lowered;
	[smem:$0x3FD2] =	sst s25  }
0xac: {  	s5 =	sshll.u32 s26, $0x1;
	_ =	strace $0x80000049;
	[dreg:$0x1] =	wrdreg $0xFFFFFFFF  }
0xad: {  	s28 =	simm.s32 $_size_execute0_lowered;
	s3 =	sadd.s32 s3, s5;
	[dreg:$0x0] =	wrdreg $0x0  }
0xae: {  	s5 =	sshll.u32 s28, $0x1;
	[dreg:$0x2] =	wrdreg s3  }
0xaf: {  	[dreg:$0x3] =	wrdreg s5  }
0xb0: {  	[dreg:$0x4] =	wrdreg $0xC0  }
0xb1: {  	_ =	task [dreg:s7], $0x5FFFF  }
0xb2: {  	[dreg:$0x1] =	wrdreg $0xFFFFFFFF  }
0xb3: {  	[dreg:$0x0] =	wrdreg $0x60  }
0xb4: {  	[dreg:$0x2] =	wrdreg s24  }
0xb5: {  	[dreg:$0x3] =	wrdreg s16  }
0xb6: {  	[dreg:$0x4] =	wrdreg $0xCD000  }
0xb7: {  	[dreg:$0x5] =	wrdreg $0x9  }
0xb8: {  	_ =	task.clear_ibuf [dreg:s7], $0x6FFFF;
	_ =	strace $0x90000049  }
0xb9: {  	s29 =	simm.s32 $0x9;
	_ =	strace $0x8000004B  }
0xba: {  	_ =	swait.ge [sflag:s29], $0x1  }
0xbb: {  	[sflag:s29] =	ssyncadd.s32 $0xFFFFFFFF  }
0xbc: {  	_ =	strace $0x9000004B  }
0xbd: {  	_ =	sfence  }
0xbe: {  	s30 =	sld [smem:$0x0];
	_ =	sdelay $0x2  }
0xbf: {  	s31 =	sshll.u32 s1, $0xD;
	s1 =	sshrl.u32 s1, $0x2  }
0xc0: {  	s3 =	sand.u32 $0x4000, s31;
	s1 =	sadd.s32 s1, s30  }
0xc1: {  	s0 =	sor.u32 s3, s0;
	s1 =	sshll.u32 s1, $0x11  }
0xc2: {  	s0 =	sor.u32 s1, s0  }
0xc3: {  	s0 =	sadd.s32 $0x8F2B, s0  }
0xc4: {  	[sflag:s0] =	ssyncadd.remote.s32 $0x1  }
0xc5: {  	_ =	sfence.sel $0xFFFF  }
0xc6: {  	[dreg:$0x0] =	wrdreg $0xFFFFFFFF;
	(pc) =	sbr.abs _section_cstart, $3  }
0xc7: {  	[dreg:$0x1] =	wrdreg $0xFFFFFFFF  }
0xc8: {  	_ =	task.clear_ibuf [dreg:s7], $0x2FFFF;
	_ =	strace $0x9FFFFFFF  }
0xc9: {  	(tm) =	ssettm $0x7FFFFFFF  }
tec
execute0_lowered:
.L_overlay_start_1:
0x0: {  	(tag) =	ssettag $0x1  }
0x1: {  	s1 =	rddreg [dreg:$0x0]  }
0x2: {  	s0 =	srdreg.scid;
	s8 =	rddreg [dreg:$0x1]  }
0x3: {  	s15 =	stileid.u32;
	s2 =	rddreg [dreg:$0x2]  }
0x4: {  	s11 =	simm.s32 $0x7D;
	s12 =	simm.s32 $0x5000;
	s14 =	simm.s32 $0x6F40  }
0x5: {  	s16 =	simm.s32 $0x8E80;
	s19 =	simm.s32 $0xADC0;
	s20 =	simm.s32 $0x1  }
0x6: {  	s21 =	simm.s32 $0x2;
	s22 =	simm.s32 $0x3;
	s23 =	simm.s32 $0x4  }
0x7: {  	s25 =	simm.s32 $0x2780;
	s28 =	simm.s32 $0x4E80;
	s29 =	simm.s32 $0x4F00  }
0x8: {  	s30 =	simm.s32 $0x4F80;
	s31 =	simm.s32 $0x0;
	s0 =	sand.u32 $0x1, s0  }
0x9: {  	s7 =	smul.u32 $0xA000, s15;
	s26 =	sshll.u32 s15, $0x6;
	s3 =	sshll.u32 s0, $0x4  }
0xa: {  	s5 =	ssub.s32 $0x2, s0;
	s0 =	smul.u32 $0x14000, s0;
	s17 =	sor.u32 $0x1C05, s26  }
0xb: {  	s26 =	simm.s32 $0x4E00;
	s4 =	sor.u32 s15, s3;
	s3 =	simm.s32 $0x0  }
0xc: {  	s10 =	sshrl.u32 s7, $0x3;
	s9 =	sshrl.u32 s5, $0x1;
	s13 =	sadd.s32 s7, s2  }
0xd: {  	s4 =	smul.u32 $0x500, s4;
	[smem:$0x7FF] =	sst s3;
	s9 =	ssub.s32 s5, s9  }
0xe: {  	s0 =	sadd.s32 s8, s0;
	s18 =	sshrl.u32 s13, $0x3;
	_ =	strace $0x8000004A  }
0xf: {  	s8 =	smax.u32 s9, $0x1;
	s9 =	simm.s32 $0x5;
	s24 =	sadd.s32 s10, s0  }
0x10: {  	s6 =	sadd.s32 s4, s1;
	s4 =	sadd.s32 $0x67600, s1;
	s1 =	sadd.s32 s10, s1  }
0x11: {  	s5 =	sadd.s32 $0xD600, s6;
	s6 =	sadd.s32 $0x3400, s6;
	s7 =	sadd.s32 $0x7B000, s1  }
.LBB2_1:
0x12: {  	[tilespmem:s3], [sflag:$0x5] =	stream.linear.gather [hbm4b:s5+s3], $0x2800, $0x38;
	[tilespmem:$0x16D00] =	vst v63  }
0x13: {  	_ =	swait.ge [sflag:s9], $0x2800  }
0x14: {  	[sflag:s9] =	ssyncset.done $0x0  }
0x15: {  	s0 =	simm.s32 $0x2800;
	[sflag:s9] =	ssyncadd.s32 $0xFFFFD800  }
0x16: {  	[tilespmem:s0], [sflag:$0x5] =	stream.linear.gather [hbm4b:s6+s3], $0x2800, $0x38;
	[tilespmem:$0x16D00] =	vst v63  }
0x17: {  	_ =	swait.ge [sflag:s9], $0x2800  }
0x18: {  	[sflag:s9] =	ssyncset.done $0x0  }
0x19: {  	[sflag:s9] =	ssyncadd.s32 $0xFFFFD800  }
0x1a: {  	[tilespmem:s12], [sflag:$0x1] =	stream.indirect.gather [hbm4b:s4+s11], $0x40, s3, s11, $0xb8;
	[tilespmem:$0x16D00] =	vst v63  }
0x1b: {  	s13 =	simm.s32 $0x80  }
0x1c: {  	[tilespmem:s14], [sflag:$0x2] =	stream.indirect.gather [hbm4b:s4+s11], $0x40, s13, s11, $0xb8;
	[tilespmem:$0x16D00] =	vst v63  }
0x1d: {  	s15 =	simm.s32 $0x100  }
0x1e: {  	[tilespmem:s16], [sflag:$0x3] =	stream.indirect.gather [hbm4b:s4+s11], $0x40, s15, s11, $0xb8;
	[tilespmem:$0x16D00] =	vst v63  }
0x1f: {  	[spmem:s18], [sflag:s17] =	dma.local [hbm:s7], $0x1400  }
0x20: {  	_ =	swait.ge [sflag:s9], $0x1400  }
0x21: {  	[sflag:s9] =	ssyncset.done $0x0  }
0x22: {  	[sflag:s9] =	ssyncadd.s32 $0xFFFFEC00  }
0x23: {  	s1 =	simm.s32 $0x180;
	[bflag:$0x0] =	sbarrier.arrive $0xFFFF  }
0x24: {  	[tilespmem:s19], [sflag:$0x4] =	stream.indirect.gather [hbm4b:s4+s11], $0x40, s1, s11, $0xb8;
	[tilespmem:$0x16D00] =	vst v63  }
0x25: {  	_ =	swait.ge [sflag:s20], $0x1F40  }
0x26: {  	[sflag:s20] =	ssyncset.done $0x0  }
0x27: {  	s10 =	simm.s32 $0x2800;
	[sflag:s20] =	ssyncadd.s32 $0xFFFFE0C0  }
0x28: {  	[spmem:s2] =	stream.indirect.scatter.add.f32 [tilespmem:s12], [sflag:$0x5], $0x40, s10, s11, $0xb8;
	[tilespmem:$0x16D00] =	vst v63  }
0x29: {  	_ =	swait.ge [sflag:s9], $0x1F40  }
0x2a: {  	[sflag:s9] =	ssyncset.done $0x0  }
0x2b: {  	s13 =	simm.s32 $0x200;
	[sflag:s9] =	ssyncadd.s32 $0xFFFFE0C0  }
0x2c: {  	[tilespmem:s12], [sflag:$0x1] =	stream.indirect.gather [hbm4b:s4+s11], $0x40, s13, s11, $0xb8;
	[tilespmem:$0x16D00] =	vst v63  }
0x2d: {  	_ =	swait.ge [sflag:s21], $0x1F40  }
0x2e: {  	[sflag:s21] =	ssyncset.done $0x0  }
0x2f: {  	s15 =	simm.s32 $0x2880;
	[sflag:s21] =	ssyncadd.s32 $0xFFFFE0C0  }
0x30: {  	[spmem:s2] =	stream.indirect.scatter.add.f32 [tilespmem:s14], [sflag:$0x5], $0x40, s15, s11, $0xb8;
	[tilespmem:$0x16D00] =	vst v63  }
0x31: {  	_ =	swait.ge [sflag:s9], $0x1F40  }
0x32: {  	[sflag:s9] =	ssyncset.done $0x0  }
0x33: {  	s1 =	simm.s32 $0x280;
	[sflag:s9] =	ssyncadd.s32 $0xFFFFE0C0  }
0x34: {  	[tilespmem:s14], [sflag:$0x2] =	stream.indirect.gather [hbm4b:s4+s11], $0x40, s1, s11, $0xb8;
	[tilespmem:$0x16D00] =	vst v63  }
0x35: {  	_ =	swait.ge [sflag:s22], $0x1F40  }
0x36: {  	[sflag:s22] =	ssyncset.done $0x0  }
0x37: {  	s10 =	simm.s32 $0x2900;
	[sflag:s22] =	ssyncadd.s32 $0xFFFFE0C0  }
0x38: {  	[spmem:s2] =	stream.indirect.scatter.add.f32 [tilespmem:s16], [sflag:$0x5], $0x40, s10, s11, $0xb8;
	[tilespmem:$0x16D00] =	vst v63  }
0x39: {  	_ =	swait.ge [sflag:s9], $0x1F40  }
0x3a: {  	[sflag:s9] =	ssyncset.done $0x0  }
0x3b: {  	s13 =	simm.s32 $0x300;
	[sflag:s9] =	ssyncadd.s32 $0xFFFFE0C0  }
0x3c: {  	[tilespmem:s16], [sflag:$0x3] =	stream.indirect.gather [hbm4b:s4+s11], $0x40, s13, s11, $0xb8;
	[tilespmem:$0x16D00] =	vst v63  }
0x3d: {  	_ =	swait.ge [sflag:s23], $0x1F40  }
0x3e: {  	[sflag:s23] =	ssyncset.done $0x0  }
0x3f: {  	s15 =	simm.s32 $0x2980;
	[sflag:s23] =	ssyncadd.s32 $0xFFFFE0C0  }
0x40: {  	[spmem:s2] =	stream.indirect.scatter.add.f32 [tilespmem:s19], [sflag:$0x5], $0x40, s15, s11, $0xb8;
	[tilespmem:$0x16D00] =	vst v63  }
0x41: {  	_ =	swait.ge [sflag:s9], $0x1F40  }
0x42: {  	s0 =	simm.s32 $0x1000;
	s1 =	simm.s32 $0x200;
	[sflag:s9] =	ssyncset.done $0x0  }
.LBB2_2:
0x43: {  	s15 =	sadd.s32 $0x180, s1  }
0x44: {  	[sflag:s9] =	ssyncadd.s32 $0xFFFFE0C0;
	s10 =	smov.u32 s0;
	s13 =	sadd.s32 $0x800, s0  }
0x45: {  	[tilespmem:s19], [sflag:$0x4] =	stream.indirect.gather [hbm4b:s4+s11], $0x40, s15, s11, $0xb8;
	[tilespmem:$0x16D00] =	vst v63  }
0x46: {  	p0 =	sne.s32 s0, $0x9000;
	_ =	swait.ge [sflag:s20], $0x1F40  }
0x47: {  	[sflag:s20] =	ssyncset.done $0x0  }
0x48: {  	s0 =	sadd.s32 $0x2800, s1;
	[sflag:s20] =	ssyncadd.s32 $0xFFFFE0C0  }
0x49: {  	[spmem:s2] =	stream.indirect.scatter.add.f32 [tilespmem:s12], [sflag:$0x5], $0x40, s0, s11, $0xb8;
	[tilespmem:$0x16D00] =	vst v63  }
0x4a: {  	_ =	swait.ge [sflag:s9], $0x1F40  }
0x4b: {  	[sflag:s9] =	ssyncset.done $0x0  }
0x4c: {  	s0 =	sadd.s32 $0x200, s1;
	[sflag:s9] =	ssyncadd.s32 $0xFFFFE0C0  }
0x4d: {  	[tilespmem:s12], [sflag:$0x1] =	stream.indirect.gather [hbm4b:s4+s11], $0x40, s0, s11, $0xb8;
	[tilespmem:$0x16D00] =	vst v63  }
0x4e: {  	_ =	swait.ge [sflag:s21], $0x1F40  }
0x4f: {  	[sflag:s21] =	ssyncset.done $0x0  }
0x50: {  	s0 =	sadd.s32 $0x2880, s1;
	[sflag:s21] =	ssyncadd.s32 $0xFFFFE0C0  }
0x51: {  	[spmem:s2] =	stream.indirect.scatter.add.f32 [tilespmem:s14], [sflag:$0x5], $0x40, s0, s11, $0xb8;
	[tilespmem:$0x16D00] =	vst v63  }
0x52: {  	_ =	swait.ge [sflag:s9], $0x1F40  }
0x53: {  	[sflag:s9] =	ssyncset.done $0x0  }
0x54: {  	s0 =	sadd.s32 $0x280, s1;
	[sflag:s9] =	ssyncadd.s32 $0xFFFFE0C0  }
0x55: {  	[tilespmem:s14], [sflag:$0x2] =	stream.indirect.gather [hbm4b:s4+s11], $0x40, s0, s11, $0xb8;
	[tilespmem:$0x16D00] =	vst v63  }
0x56: {  	_ =	swait.ge [sflag:s22], $0x1F40  }
0x57: {  	[sflag:s22] =	ssyncset.done $0x0  }
0x58: {  	s0 =	sadd.s32 $0x2900, s1;
	[sflag:s22] =	ssyncadd.s32 $0xFFFFE0C0  }
0x59: {  	[spmem:s2] =	stream.indirect.scatter.add.f32 [tilespmem:s16], [sflag:$0x5], $0x40, s0, s11, $0xb8;
	[tilespmem:$0x16D00] =	vst v63  }
0x5a: {  	_ =	swait.ge [sflag:s9], $0x1F40  }
0x5b: {  	[sflag:s9] =	ssyncset.done $0x0  }
0x5c: {  	s0 =	sadd.s32 $0x300, s1;
	[sflag:s9] =	ssyncadd.s32 $0xFFFFE0C0  }
0x5d: {  	[tilespmem:s16], [sflag:$0x3] =	stream.indirect.gather [hbm4b:s4+s11], $0x40, s0, s11, $0xb8;
	[tilespmem:$0x16D00] =	vst v63  }
0x5e: {  	_ =	swait.ge [sflag:s23], $0x1F40  }
.Ltmp0:
0x5f: {  	[sflag:s23] =	ssyncset.done $0x0;
	(pc) =	sbr.rel @p0 .LBB2_2-.Ltmp0, $4  }
0x60: {  	s0 =	sadd.s32 $0x2980, s1;
	[sflag:s23] =	ssyncadd.s32 $0xFFFFE0C0  }
0x61: {  	[spmem:s2] =	stream.indirect.scatter.add.f32 [tilespmem:s19], [sflag:$0x5], $0x40, s0, s11, $0xb8;
	[tilespmem:$0x16D00] =	vst v63  }
0x62: {  	_ =	swait.ge [sflag:s9], $0x1F40  }
0x63: {  	s1 =	sshra.s32 s10, $0x2;
	s0 =	smov.u32 s13;
	[sflag:s9] =	ssyncset.done $0x0  }
0x64: {  	s0 =	sadd.s32 $0x180, s1;
	[sflag:s9] =	ssyncadd.s32 $0xFFFFE0C0  }
0x65: {  	[tilespmem:s19], [sflag:$0x4] =	stream.indirect.gather [hbm4b:s4+s11], $0x40, s0, s11, $0xb8;
	[tilespmem:$0x16D00] =	vst v63  }
0x66: {  	_ =	swait.ge [sflag:s20], $0x1F40  }
0x67: {  	[sflag:s20] =	ssyncset.done $0x0  }
0x68: {  	s15 =	sadd.s32 $0x2800, s1;
	[sflag:s20] =	ssyncadd.s32 $0xFFFFE0C0  }
0x69: {  	[spmem:s2] =	stream.indirect.scatter.add.f32 [tilespmem:s12], [sflag:$0x5], $0x40, s15, s11, $0xb8;
	[tilespmem:$0x16D00] =	vst v63  }
0x6a: {  	_ =	swait.ge [sflag:s9], $0x1F40  }
0x6b: {  	[sflag:s9] =	ssyncset.done $0x0  }
0x6c: {  	s10 =	sadd.s32 $0x200, s1;
	[sflag:s9] =	ssyncadd.s32 $0xFFFFE0C0  }
0x6d: {  	[tilespmem:s12], [sflag:$0x1] =	stream.indirect.gather [hbm4b:s4+s11], $0x40, s10, s11, $0xb8;
	[tilespmem:$0x16D00] =	vst v63  }
0x6e: {  	_ =	swait.ge [sflag:s21], $0x1F40  }
0x6f: {  	[sflag:s21] =	ssyncset.done $0x0  }
0x70: {  	s13 =	sadd.s32 $0x2880, s1;
	[sflag:s21] =	ssyncadd.s32 $0xFFFFE0C0  }
0x71: {  	[spmem:s2] =	stream.indirect.scatter.add.f32 [tilespmem:s14], [sflag:$0x5], $0x40, s13, s11, $0xb8;
	[tilespmem:$0x16D00] =	vst v63  }
0x72: {  	_ =	swait.ge [sflag:s9], $0x1F40  }
0x73: {  	[sflag:s9] =	ssyncset.done $0x0  }
0x74: {  	s15 =	sadd.s32 $0x280, s1;
	[sflag:s9] =	ssyncadd.s32 $0xFFFFE0C0  }
0x75: {  	[tilespmem:s14], [sflag:$0x2] =	stream.indirect.gather [hbm4b:s4+s11], $0x40, s15, s11, $0xb8;
	[tilespmem:$0x16D00] =	vst v63  }
0x76: {  	_ =	swait.ge [sflag:s22], $0x1F40  }
0x77: {  	[sflag:s22] =	ssyncset.done $0x0  }
0x78: {  	s10 =	sadd.s32 $0x2900, s1;
	[sflag:s22] =	ssyncadd.s32 $0xFFFFE0C0  }
0x79: {  	[spmem:s2] =	stream.indirect.scatter.add.f32 [tilespmem:s16], [sflag:$0x5], $0x40, s10, s11, $0xb8;
	[tilespmem:$0x16D00] =	vst v63  }
0x7a: {  	_ =	swait.ge [sflag:s9], $0x1F40  }
0x7b: {  	[sflag:s9] =	ssyncset.done $0x0  }
0x7c: {  	s13 =	sadd.s32 $0x300, s1;
	[sflag:s9] =	ssyncadd.s32 $0xFFFFE0C0  }
0x7d: {  	[tilespmem:s16], [sflag:$0x3] =	stream.indirect.gather [hbm4b:s4+s11], $0x40, s13, s11, $0xb8;
	[tilespmem:$0x16D00] =	vst v63  }
0x7e: {  	_ =	swait.ge [sflag:s23], $0x1F40  }
0x7f: {  	[sflag:s23] =	ssyncset.done $0x0  }
0x80: {  	s15 =	sadd.s32 $0x2980, s1;
	[sflag:s23] =	ssyncadd.s32 $0xFFFFE0C0  }
0x81: {  	[spmem:s2] =	stream.indirect.scatter.add.f32 [tilespmem:s19], [sflag:$0x5], $0x40, s15, s11, $0xb8;
	[tilespmem:$0x16D00] =	vst v63  }
0x82: {  	_ =	swait.ge [sflag:s9], $0x1F40  }
0x83: {  	[sflag:s9] =	ssyncset.done $0x0  }
0x84: {  	[sflag:s9] =	ssyncadd.s32 $0xFFFFE0C0  }
0x85: {  	[tilespmem:s19], [sflag:$0x4] =	stream.indirect.gather [hbm4b:s4+s11], $0x40, s25, s11, $0xb8;
	[tilespmem:$0x16D00] =	vst v63  }
0x86: {  	_ =	swait.ge [sflag:s20], $0x1F40  }
0x87: {  	[sflag:s20] =	ssyncset.done $0x0  }
0x88: {  	[sflag:s20] =	ssyncadd.s32 $0xFFFFE0C0  }
0x89: {  	[spmem:s2] =	stream.indirect.scatter.add.f32 [tilespmem:s12], [sflag:$0x5], $0x40, s26, s11, $0xb8;
	[tilespmem:$0x16D00] =	vst v63  }
0x8a: {  	_ =	swait.ge [sflag:s9], $0x1F40  }
0x8b: {  	[sflag:s9] =	ssyncset.done $0x0  }
0x8c: {  	[sflag:s9] =	ssyncadd.s32 $0xFFFFE0C0  }
0x8d: {  	_ =	swait.ge [sflag:s21], $0x1F40  }
0x8e: {  	[sflag:s21] =	ssyncset.done $0x0  }
0x8f: {  	[sflag:s21] =	ssyncadd.s32 $0xFFFFE0C0  }
0x90: {  	[spmem:s2] =	stream.indirect.scatter.add.f32 [tilespmem:s14], [sflag:$0x5], $0x40, s28, s11, $0xb8;
	[tilespmem:$0x16D00] =	vst v63  }
0x91: {  	_ =	swait.ge [sflag:s9], $0x1F40  }
0x92: {  	[sflag:s9] =	ssyncset.done $0x0  }
0x93: {  	[sflag:s9] =	ssyncadd.s32 $0xFFFFE0C0  }
0x94: {  	_ =	swait.ge [sflag:s22], $0x1F40  }
0x95: {  	[sflag:s22] =	ssyncset.done $0x0  }
0x96: {  	[sflag:s22] =	ssyncadd.s32 $0xFFFFE0C0  }
0x97: {  	[spmem:s2] =	stream.indirect.scatter.add.f32 [tilespmem:s16], [sflag:$0x5], $0x40, s29, s11, $0xb8;
	[tilespmem:$0x16D00] =	vst v63  }
0x98: {  	_ =	swait.ge [sflag:s9], $0x1F40  }
0x99: {  	[sflag:s9] =	ssyncset.done $0x0  }
0x9a: {  	[sflag:s9] =	ssyncadd.s32 $0xFFFFE0C0  }
0x9b: {  	_ =	swait.ge [sflag:s23], $0x1F40  }
0x9c: {  	[sflag:s23] =	ssyncset.done $0x0  }
0x9d: {  	[sflag:s23] =	ssyncadd.s32 $0xFFFFE0C0  }
0x9e: {  	[spmem:s2] =	stream.indirect.scatter.add.f32 [tilespmem:s19], [sflag:$0x5], $0x40, s30, s11, $0xb8;
	[tilespmem:$0x16D00] =	vst v63  }
0x9f: {  	_ =	swait.ge [sflag:s9], $0x1F40  }
0xa0: {  	s31 =	sadd.s32 $0x1, s31;
	[sflag:s9] =	ssyncset.done $0x0  }
0xa1: {  	p0 =	sne.s32 s31, s8;
	[sflag:s9] =	ssyncadd.s32 $0xFFFFE0C0  }
.Ltmp1:
0xa2: {  	[bflag:$0x0] =	sbarrier.arrive $0xFFFF;
	(pc) =	sbr.rel @p0 .LBB2_1-.Ltmp1, $4  }
0xa3: {  	[hbm:s24], [sflag:s17] =	dma.local [spmem:s18], $0x1400  }
0xa4: {  	_ =	swait.ge [sflag:s9], $0x1400  }
0xa5: {  	[sflag:s9] =	ssyncset.done $0x0  }
0xa6: {  	[sflag:s9] =	ssyncadd.s32 $0xFFFFEC00  }
0xa7: {  	_ =	sfence.sel $0x180000  }
0xa8: {  	[bflag:$0x0] =	sbarrier.arrive $0xFFFF  }
0xa9: {  	_ =	strace $0x9000004A  }
0xaa: {  	s0 =	stileid.u32;
	[bflag:$0x2] =	sbarrier.arrive $0xFFFF  }
0xab: {  	p0 =	sne.s32 s0, $0x0;
	s0 =	rddreg [dreg:$0x3]  }
0xac: {  	s0 =	sadd.s32 @!p0 $0x100000, s0  }
0xad: {  	[sflag:s0] =	ssyncadd.tile.s32 @!p0 $0x1;
	_ =	shalt  }
.Lfunc_end2:
_tile_overlayer_lowered:
.L_overlay_start_2:
0xae: {  	(tag) =	ssettag $0x2  }
0xaf: {  	s0 =	rddreg [dreg:$0x0];
	s2 =	stileid.u32  }
0xb0: {  	s1 =	rddreg [dreg:$0x1];
	p0 =	sne.s32 s2, $0x0  }
0xb1: {  	s3 =	rddreg [dreg:$0x2];
	[bflag:$0x3] =	sbarrier.arrive $0xFFFF;
	s2 =	simm.s32 @!p0 $0x1C05  }
0xb2: {  	[timem:s3], [sflag:s2] =	dma.local @!p0 [hbm:s0], s1  }
0xb3: {  	s0 =	simm.s32 @!p0 $0x5  }
0xb4: {  	_ =	swait.ge @!p0 [sflag:s0], s1  }
0xb5: {  	s1 =	ssub.s32 @!p0 $0x0, s1;
	[sflag:s0] =	ssyncset.done @!p0 $0x0  }
0xb6: {  	[sflag:s0] =	ssyncadd.s32 @!p0 s1  }
0xb7: {  	[bflag:$0x3] =	sbarrier.arrive $0xFFFF  }
0xb8: {  	_ =	shalt  }

// kernel: kernel.22.cloned.1.call-start
scs
__scs_entry_jumppad:
0x0: {  	(pc) =	sbr.rel $0x88, $3  }
0x1: {  	(tag) =	ssettag $0x0;
	lr =	simm.s32 $0x1  }
0x2: {  	[smem:$0x3F95] =	sst lr;
	_ =	strace $0xD0000000  }
0x3: {  	_ = 	snop  }
0x4: {  	_ = 	snop  }
0x5: {  	_ = 	snop  }
0x6: {  	_ = 	snop  }
0x7: {  	_ = 	snop  }
__scs_overlays_trampoline_lowered:
0x8: {  	[smem:$0x3FA4] =	sst s0  }
0x9: {  	[smem:$0x3FA5] =	sst s1  }
0xa: {  	[smem:$0x3FA6] =	sst s2  }
0xb: {  	[smem:$0x3FA7] =	sst s3  }
0xc: {  	[smem:$0x3FA8] =	sst s4  }
0xd: {  	[smem:$0x3FA9] =	sst s5  }
0xe: {  	[smem:$0x3FAA] =	sst s6  }
0xf: {  	[smem:$0x3FAB] =	sst s7  }
0x10: {  	[smem:$0x3FAC] =	sst s8  }
0x11: {  	[smem:$0x3FAD] =	sst s9;
	s0 =	simm.s32 @!p0 $0x0  }
0x12: {  	s1 =	sld [smem:$0x3F93];
	s0 =	simm.s32 @p0 $0x1  }
0x13: {  	[smem:$0x3FAE] =	sst s0;
	s0 =	simm.s32 @!p1 $0x0  }
0x14: {  	s2 =	sld [smem:$0x3F92];
	s0 =	simm.s32 @p1 $0x1  }
0x15: {  	[smem:$0x3FAF] =	sst s0;
	s0 =	simm.s32 @!p2 $0x0  }
0x16: {  	s3 =	sld [smem:$0x3FDB];
	s0 =	simm.s32 @p2 $0x1  }
0x17: {  	s4 =	simm.s32 $0x1BF5;
	[smem:$0x3FB1] =	sst s0  }
0x18: {  	s0 =	sld [smem:$0x3F94];
	_ =	swait.ge [sflag:s4], $0x0  }
0x19: {  	s7 =	sld [smem:$0x3F95]  }
0x1a: {  	s8 =	sadd.s32 $0xFFFFE003, lr  }
0x1b: {  	s9 =	sadd.s32 $0xFFFFFEF7, lr;
	s5 =	simm.s32 $0xFFFFFFFF;
	p2 =	slt.u32 s8, $0xFFFFF086  }
0x1c: {  	p1 =	slt.u32 s9, $0xF7A;
	s5 =	simm.s32 @!p2 $0x0  }
0x1d: {  	s5 =	simm.s32 @p1 $0x1;
	p0 =	seq.s32 s7, s2  }
0x1e: {  	s7 =	smul.u32 @!p0 $0xF7A, s2;
	p2 =	seq.s32 @!p0 s5, $0x0  }
0x1f: {  	s9 =	smul.u32 $0xF7A, s1;
	s8 =	simm.s32 @!p0 $0x1BF5;
	p2 =	por !p2, p0  }
0x20: {  	[sflag:s8] =	ssyncset.s32 @!p0 $0xFFFFF086;
	s6 =	sadd.s32 @!p0 s3, s7;
	s7 =	simm.s32 @!p0 $0x108  }
0x21: {  	s3 =	sadd.s32 s3, s9;
	s6 =	sadd.s32 @!p0 $0x88, s6;
	s7 =	simm.s32 @p2 $0x1082  }
0x22: {  	[simem:s7], [sflag:s8] =	dma.local @!p0 [hbm:s6], $0xF7A  }
0x23: {  	s9 =	sor.u32 $0xD0000000, s2;
	s6 =	simm.s32 $0x108;
	_ =	swait.ge @!p0 [sflag:s8], $0x0  }
0x24: {  	s3 =	sadd.s32 $0x88, s3;
	s6 =	simm.s32 @!p1 $0x1082;
	[sflag:s4] =	ssyncset.s32 $0xFFFFF086  }
0x25: {  	[simem:s6], [sflag:s4] =	dma.local [hbm:s3], $0xF7A  }
0x26: {  	[smem:$0x3F95] =	sst s1;
	(tag) =	ssettag s2;
	_ =	strace s9  }
0x27: {  	s1 =	sld [smem:$0x3FA5]  }
0x28: {  	s2 =	sld [smem:$0x3FA6]  }
0x29: {  	s4 =	sld [smem:$0x3FA8]  }
0x2a: {  	p0 =	seq.s32 s5, $0x0;
	s5 =	sld [smem:$0x3FA9]  }
0x2b: {  	s6 =	sld [smem:$0x3FAA]  }
0x2c: {  	s7 =	sld [smem:$0x3FAB]  }
0x2d: {  	s3 =	simm.s32 $0x108;
	s8 =	sld [smem:$0x3FAC]  }
0x2e: {  	s3 =	simm.s32 @!p0 $0x1082;
	s9 =	sld [smem:$0x3FAD]  }
0x2f: {  	lr =	sadd.s32 s0, s3;
	s0 =	sld [smem:$0x3FA4]  }
0x30: {  	s3 =	sld [smem:$0x3FA7]  }
0x31: {  	[smem:$0x3FB0] =	sst s10  }
0x32: {  	s10 =	sld [smem:$0x3FAE];
	_ =	sdelay $0x3  }
0x33: {  	p0 =	seq.s32 s10, $0x1;
	s10 =	sld [smem:$0x3FB0];
	_ =	sdelay $0x3  }
0x34: {  	[smem:$0x3FB0] =	sst s10  }
0x35: {  	s10 =	sld [smem:$0x3FAF];
	_ =	sdelay $0x3  }
0x36: {  	p1 =	seq.s32 s10, $0x1;
	s10 =	sld [smem:$0x3FB0];
	_ =	sdelay $0x3  }
0x37: {  	[smem:$0x3FB0] =	sst s10  }
0x38: {  	s10 =	sld [smem:$0x3FB1]  }
0x39: {  	_ = 	snop;
	(pc) =	sbr.ind lr, $3  }
0x3a: {  	_ = 	snop  }
0x3b: {  	_ = 	snop  }
0x3c: {  	p2 =	seq.s32 s10, $0x1;
	s10 =	sld [smem:$0x3FB0]  }
0x3d: {  	_ =	shalt  }
0x3e: {  	_ =	shalt  }
0x3f: {  	_ =	shalt  }
0x40: {  	_ =	shalt  }
0x41: {  	_ =	shalt  }
0x42: {  	_ =	shalt  }
0x43: {  	_ =	shalt  }
0x44: {  	_ =	shalt  }
0x45: {  	_ =	shalt  }
0x46: {  	_ =	shalt  }
0x47: {  	_ =	shalt  }
0x48: {  	_ =	shalt  }
0x49: {  	_ =	shalt  }
0x4a: {  	_ =	shalt  }
0x4b: {  	_ =	shalt  }
0x4c: {  	_ =	shalt  }
0x4d: {  	_ =	shalt  }
0x4e: {  	_ =	shalt  }
0x4f: {  	_ =	shalt  }
0x50: {  	_ =	shalt  }
0x51: {  	_ =	shalt  }
0x52: {  	_ =	shalt  }
0x53: {  	_ =	shalt  }
0x54: {  	_ =	shalt  }
0x55: {  	_ =	shalt  }
0x56: {  	_ =	shalt  }
0x57: {  	_ =	shalt  }
0x58: {  	_ =	shalt  }
0x59: {  	_ =	shalt  }
0x5a: {  	_ =	shalt  }
0x5b: {  	_ =	shalt  }
0x5c: {  	_ =	shalt  }
0x5d: {  	_ =	shalt  }
0x5e: {  	_ =	shalt  }
0x5f: {  	_ =	shalt  }
0x60: {  	_ =	shalt  }
0x61: {  	_ =	shalt  }
0x62: {  	_ =	shalt  }
0x63: {  	_ =	shalt  }
0x64: {  	_ =	shalt  }
0x65: {  	_ =	shalt  }
0x66: {  	_ =	shalt  }
0x67: {  	_ =	shalt  }
0x68: {  	_ =	shalt  }
0x69: {  	_ =	shalt  }
0x6a: {  	_ =	shalt  }
0x6b: {  	_ =	shalt  }
0x6c: {  	_ =	shalt  }
0x6d: {  	_ =	shalt  }
0x6e: {  	_ =	shalt  }
0x6f: {  	_ =	shalt  }
0x70: {  	_ =	shalt  }
0x71: {  	_ =	shalt  }
0x72: {  	_ =	shalt  }
0x73: {  	_ =	shalt  }
0x74: {  	_ =	shalt  }
0x75: {  	_ =	shalt  }
0x76: {  	_ =	shalt  }
0x77: {  	_ =	shalt  }
0x78: {  	_ =	shalt  }
0x79: {  	_ =	shalt  }
0x7a: {  	_ =	shalt  }
0x7b: {  	_ =	shalt  }
0x7c: {  	_ =	shalt  }
0x7d: {  	_ =	shalt  }
0x7e: {  	_ =	shalt  }
0x7f: {  	_ =	shalt  }
0x80: {  	_ =	shalt  }
0x81: {  	_ =	shalt  }
0x82: {  	_ =	shalt  }
0x83: {  	_ =	shalt  }
0x84: {  	_ =	shalt  }
0x85: {  	_ =	shalt  }
0x86: {  	_ =	shalt  }
0x87: {  	_ =	shalt  }
.Lfunc_end0:
.L_simem_size_0:
called_computation.2_lowered:
.L_overlay_start_0:
0x88: {  	s2 =	sld [smem:$0x3FD9]  }
0x89: {  	s3 =	sld [smem:$0x3FFE];
	_ =	sdelay $0x1  }
0x8a: {  	s1 =	srdreg.scid  }
0x8b: {  	s0 =	sand.u32 $0x1, s1  }
0x8c: {  	s14 =	sshll.u32 s0, $0xA;
	s2 =	sadd.s32 s3, s2  }
0x8d: {  	s2 =	sadd.s32 s2, s14  }
0x8e: {  	[smem:$0x3FBC] =	sst s2  }
0x8f: {  	_ = 	snop  }
0x90: {  	s2 =	sld [smem:$0x3FD0];
	_ =	sdelay $0x2  }
0x91: {  	s15 =	simm.s32 $0xB;
	s4 =	simm.s32 $0x10  }
0x92: {  	[smem:s4], [sflag:s15] =	dma.local [hbm:s2], $0x1  }
0x93: {  	_ =	swait.eq [sflag:s15], $0x1  }
0x94: {  	[sflag:s15] =	ssyncset.done $0x0  }
0x95: {  	[sflag:s15] =	ssyncadd.s32 $0xFFFFFFFF  }
0x96: {  	s16 =	sld [smem:$0x11];
	(tm) =	ssettm $0x1  }
0x97: {  	s17 =	sld [smem:$0x3FFB];
	_ =	sdelay $0x3  }
0x98: {  	_ =	strace s17  }
0x99: {  	s3 =	sld [smem:$0x3FFC];
	_ =	sdelay $0x3  }
0x9a: {  	_ =	strace s3  }
0x9b: {  	s3 =	sld [smem:$0x3FFD];
	_ =	sdelay $0x3  }
0x9c: {  	_ =	strace s3  }
0x9d: {  	_ =	strace $0x8FFFFFFF  }
0x9e: {  	s18 =	sld [smem:$0x3FDB];
	_ =	sdelay $0x1  }
0x9f: {  	s19 =	simm.s32 $_scs_section_size  }
0xa0: {  	s5 =	simm.s32 $_size__tile_overlayer_lowered;
	s6 =	simm.s32 $_tile_overlayer_lowered  }
0xa1: {  	s22 =	simm.s32 $0x1BFF;
	s21 =	sshll.u32 s6, $0x1;
	s3 =	sadd.s32 s19, s18  }
0xa2: {  	s7 =	simm.s32 $0x0;
	s20 =	sshll.u32 s5, $0x1;
	s5 =	sadd.s32 s21, s3  }
0xa3: {  	[timem:s7], [sflag:s22] =	dma.local [hbm:s5], s20  }
0xa4: {  	_ =	swait.ge [sflag:s22], s20  }
0xa5: {  	s4 =	ssub.s32 $0x0, s20;
	[sflag:s22] =	ssyncset.done $0x0  }
0xa6: {  	[sflag:s22] =	ssyncadd.s32 s4;
	_ =	sdelay $0x1  }
0xa7: {  	s23 =	simm.s32 $0x1B8B  }
0xa8: {  	_ =	swait.ge [sflag:s23], $0x1  }
0xa9: {  	[sflag:s23] =	ssyncset.done $0x0  }
0xaa: {  	s25 =	simm.s32 $0x1B8E;
	s24 =	sld [smem:$0x3FFE];
	[sflag:s23] =	ssyncadd.s32 $0xFFFFFFFF  }
0xab: {  	s26 =	simm.s32 $execute0_lowered;
	[smem:$0x3FD2] =	sst s25  }
0xac: {  	s5 =	sshll.u32 s26, $0x1;
	_ =	strace $0x8000004C;
	[dreg:$0x1] =	wrdreg $0xFFFFFFFF  }
0xad: {  	s28 =	simm.s32 $_size_execute0_lowered;
	s3 =	sadd.s32 s3, s5;
	[dreg:$0x0] =	wrdreg $0x0  }
0xae: {  	s5 =	sshll.u32 s28, $0x1;
	[dreg:$0x2] =	wrdreg s3  }
0xaf: {  	[dreg:$0x3] =	wrdreg s5  }
0xb0: {  	[dreg:$0x4] =	wrdreg $0xC0  }
0xb1: {  	_ =	task [dreg:s7], $0x5FFFF  }
0xb2: {  	[dreg:$0x1] =	wrdreg $0xFFFFFFFF  }
0xb3: {  	[dreg:$0x0] =	wrdreg $0x60  }
0xb4: {  	[dreg:$0x2] =	wrdreg s24  }
0xb5: {  	[dreg:$0x3] =	wrdreg s16  }
0xb6: {  	[dreg:$0x4] =	wrdreg $0xCD000  }
0xb7: {  	[dreg:$0x5] =	wrdreg $0x9  }
0xb8: {  	_ =	task.clear_ibuf [dreg:s7], $0x6FFFF;
	_ =	strace $0x9000004C  }
0xb9: {  	s29 =	simm.s32 $0x9;
	_ =	strace $0x8000004E  }
0xba: {  	_ =	swait.ge [sflag:s29], $0x1  }
0xbb: {  	[sflag:s29] =	ssyncadd.s32 $0xFFFFFFFF  }
0xbc: {  	_ =	strace $0x9000004E  }
0xbd: {  	_ =	sfence  }
0xbe: {  	s30 =	sld [smem:$0x0];
	_ =	sdelay $0x2  }
0xbf: {  	s31 =	sshll.u32 s1, $0xD;
	s1 =	sshrl.u32 s1, $0x2  }
0xc0: {  	s3 =	sand.u32 $0x4000, s31;
	s1 =	sadd.s32 s1, s30  }
0xc1: {  	s0 =	sor.u32 s3, s0;
	s1 =	sshll.u32 s1, $0x11  }
0xc2: {  	s0 =	sor.u32 s1, s0  }
0xc3: {  	s0 =	sadd.s32 $0x8F2B, s0  }
0xc4: {  	[sflag:s0] =	ssyncadd.remote.s32 $0x1  }
0xc5: {  	_ =	sfence.sel $0xFFFF  }
0xc6: {  	[dreg:$0x0] =	wrdreg $0xFFFFFFFF;
	(pc) =	sbr.abs _section_cstart, $3  }
0xc7: {  	[dreg:$0x1] =	wrdreg $0xFFFFFFFF  }
0xc8: {  	_ =	task.clear_ibuf [dreg:s7], $0x2FFFF;
	_ =	strace $0x9FFFFFFF  }
0xc9: {  	(tm) =	ssettm $0x7FFFFFFF  }
tec
execute0_lowered:
.L_overlay_start_1:
0x0: {  	(tag) =	ssettag $0x1  }
0x1: {  	s1 =	rddreg [dreg:$0x0]  }
0x2: {  	s0 =	srdreg.scid;
	s2 =	rddreg [dreg:$0x1]  }
0x3: {  	s15 =	stileid.u32;
	s3 =	rddreg [dreg:$0x2]  }
0x4: {  	s11 =	simm.s32 $0x7D;
	s12 =	simm.s32 $0x5000;
	s14 =	simm.s32 $0x6F40  }
0x5: {  	s16 =	simm.s32 $0x8E80;
	s19 =	simm.s32 $0xADC0;
	s20 =	simm.s32 $0x1  }
0x6: {  	s21 =	simm.s32 $0x2;
	s22 =	simm.s32 $0x3;
	s23 =	simm.s32 $0x4  }
0x7: {  	s28 =	simm.s32 $0x4E80;
	s29 =	simm.s32 $0x4F00;
	s30 =	simm.s32 $0x4F80  }
0x8: {  	s31 =	simm.s32 $0x0;
	s0 =	sand.u32 $0x1, s0;
	s7 =	smul.u32 $0xA000, s15  }
0x9: {  	s26 =	sshll.u32 s15, $0x6;
	s4 =	sshll.u32 s0, $0x4;
	s6 =	smul.u32 $0x14000, s0  }
0xa: {  	s0 =	ssub.s32 $0x2, s0;
	s17 =	sor.u32 $0x1C05, s26;
	s26 =	simm.s32 $0x4E00  }
0xb: {  	s5 =	sor.u32 s15, s4;
	s4 =	simm.s32 $0x0;
	s10 =	sshrl.u32 s7, $0x3  }
0xc: {  	s25 =	sshrl.u32 s0, $0x1;
	s13 =	sadd.s32 s7, s3;
	s5 =	smul.u32 $0x500, s5  }
0xd: {  	[smem:$0x7FF] =	sst s4;
	s9 =	sadd.s32 s10, s1;
	s0 =	ssub.s32 s0, s25  }
0xe: {  	s18 =	sshrl.u32 s13, $0x3;
	s25 =	simm.s32 $0x2780;
	_ =	strace $0x8000004D  }
0xf: {  	s7 =	sadd.s32 $0x7B000, s9;
	s8 =	sadd.s32 s5, s1;
	s1 =	sadd.s32 s6, s1  }
0x10: {  	s9 =	simm.s32 $0x5;
	s5 =	sadd.s32 $0xD600, s8;
	s1 =	sadd.s32 $0x8F000, s1  }
0x11: {  	s6 =	sadd.s32 $0x3400, s8;
	s8 =	smax.u32 s0, $0x1;
	s24 =	sadd.s32 s10, s1  }
.LBB2_1:
0x12: {  	[tilespmem:s4], [sflag:$0x5] =	stream.linear.gather [hbm4b:s5+s4], $0x2800, $0x38;
	[tilespmem:$0x16D00] =	vst v63  }
0x13: {  	_ =	swait.ge [sflag:s9], $0x2800  }
0x14: {  	[sflag:s9] =	ssyncset.done $0x0  }
0x15: {  	s0 =	simm.s32 $0x2800;
	[sflag:s9] =	ssyncadd.s32 $0xFFFFD800  }
0x16: {  	[tilespmem:s0], [sflag:$0x5] =	stream.linear.gather [hbm4b:s6+s4], $0x2800, $0x38;
	[tilespmem:$0x16D00] =	vst v63  }
0x17: {  	_ =	swait.ge [sflag:s9], $0x2800  }
0x18: {  	[sflag:s9] =	ssyncset.done $0x0  }
0x19: {  	[sflag:s9] =	ssyncadd.s32 $0xFFFFD800  }
0x1a: {  	[tilespmem:s12], [sflag:$0x1] =	stream.indirect.gather [hbm4b:s2+s11], $0x40, s4, s11, $0xb8;
	[tilespmem:$0x16D00] =	vst v63  }
0x1b: {  	s13 =	simm.s32 $0x80  }
0x1c: {  	[tilespmem:s14], [sflag:$0x2] =	stream.indirect.gather [hbm4b:s2+s11], $0x40, s13, s11, $0xb8;
	[tilespmem:$0x16D00] =	vst v63  }
0x1d: {  	s15 =	simm.s32 $0x100  }
0x1e: {  	[tilespmem:s16], [sflag:$0x3] =	stream.indirect.gather [hbm4b:s2+s11], $0x40, s15, s11, $0xb8;
	[tilespmem:$0x16D00] =	vst v63  }
0x1f: {  	[spmem:s18], [sflag:s17] =	dma.local [hbm:s7], $0x1400  }
0x20: {  	_ =	swait.ge [sflag:s9], $0x1400  }
0x21: {  	[sflag:s9] =	ssyncset.done $0x0  }
0x22: {  	[sflag:s9] =	ssyncadd.s32 $0xFFFFEC00  }
0x23: {  	s1 =	simm.s32 $0x180;
	[bflag:$0x0] =	sbarrier.arrive $0xFFFF  }
0x24: {  	[tilespmem:s19], [sflag:$0x4] =	stream.indirect.gather [hbm4b:s2+s11], $0x40, s1, s11, $0xb8;
	[tilespmem:$0x16D00] =	vst v63  }
0x25: {  	_ =	swait.ge [sflag:s20], $0x1F40  }
0x26: {  	[sflag:s20] =	ssyncset.done $0x0  }
0x27: {  	s10 =	simm.s32 $0x2800;
	[sflag:s20] =	ssyncadd.s32 $0xFFFFE0C0  }
0x28: {  	[spmem:s3] =	stream.indirect.scatter.add.f32 [tilespmem:s12], [sflag:$0x5], $0x40, s10, s11, $0xb8;
	[tilespmem:$0x16D00] =	vst v63  }
0x29: {  	_ =	swait.ge [sflag:s9], $0x1F40  }
0x2a: {  	[sflag:s9] =	ssyncset.done $0x0  }
0x2b: {  	s13 =	simm.s32 $0x200;
	[sflag:s9] =	ssyncadd.s32 $0xFFFFE0C0  }
0x2c: {  	[tilespmem:s12], [sflag:$0x1] =	stream.indirect.gather [hbm4b:s2+s11], $0x40, s13, s11, $0xb8;
	[tilespmem:$0x16D00] =	vst v63  }
0x2d: {  	_ =	swait.ge [sflag:s21], $0x1F40  }
0x2e: {  	[sflag:s21] =	ssyncset.done $0x0  }
0x2f: {  	s15 =	simm.s32 $0x2880;
	[sflag:s21] =	ssyncadd.s32 $0xFFFFE0C0  }
0x30: {  	[spmem:s3] =	stream.indirect.scatter.add.f32 [tilespmem:s14], [sflag:$0x5], $0x40, s15, s11, $0xb8;
	[tilespmem:$0x16D00] =	vst v63  }
0x31: {  	_ =	swait.ge [sflag:s9], $0x1F40  }
0x32: {  	[sflag:s9] =	ssyncset.done $0x0  }
0x33: {  	s1 =	simm.s32 $0x280;
	[sflag:s9] =	ssyncadd.s32 $0xFFFFE0C0  }
0x34: {  	[tilespmem:s14], [sflag:$0x2] =	stream.indirect.gather [hbm4b:s2+s11], $0x40, s1, s11, $0xb8;
	[tilespmem:$0x16D00] =	vst v63  }
0x35: {  	_ =	swait.ge [sflag:s22], $0x1F40  }
0x36: {  	[sflag:s22] =	ssyncset.done $0x0  }
0x37: {  	s10 =	simm.s32 $0x2900;
	[sflag:s22] =	ssyncadd.s32 $0xFFFFE0C0  }
0x38: {  	[spmem:s3] =	stream.indirect.scatter.add.f32 [tilespmem:s16], [sflag:$0x5], $0x40, s10, s11, $0xb8;
	[tilespmem:$0x16D00] =	vst v63  }
0x39: {  	_ =	swait.ge [sflag:s9], $0x1F40  }
0x3a: {  	[sflag:s9] =	ssyncset.done $0x0  }
0x3b: {  	s13 =	simm.s32 $0x300;
	[sflag:s9] =	ssyncadd.s32 $0xFFFFE0C0  }
0x3c: {  	[tilespmem:s16], [sflag:$0x3] =	stream.indirect.gather [hbm4b:s2+s11], $0x40, s13, s11, $0xb8;
	[tilespmem:$0x16D00] =	vst v63  }
0x3d: {  	_ =	swait.ge [sflag:s23], $0x1F40  }
0x3e: {  	[sflag:s23] =	ssyncset.done $0x0  }
0x3f: {  	s15 =	simm.s32 $0x2980;
	[sflag:s23] =	ssyncadd.s32 $0xFFFFE0C0  }
0x40: {  	[spmem:s3] =	stream.indirect.scatter.add.f32 [tilespmem:s19], [sflag:$0x5], $0x40, s15, s11, $0xb8;
	[tilespmem:$0x16D00] =	vst v63  }
0x41: {  	_ =	swait.ge [sflag:s9], $0x1F40  }
0x42: {  	s0 =	simm.s32 $0x1000;
	s1 =	simm.s32 $0x200;
	[sflag:s9] =	ssyncset.done $0x0  }
.LBB2_2:
0x43: {  	s15 =	sadd.s32 $0x180, s1  }
0x44: {  	[sflag:s9] =	ssyncadd.s32 $0xFFFFE0C0;
	s10 =	smov.u32 s0;
	s13 =	sadd.s32 $0x800, s0  }
0x45: {  	[tilespmem:s19], [sflag:$0x4] =	stream.indirect.gather [hbm4b:s2+s11], $0x40, s15, s11, $0xb8;
	[tilespmem:$0x16D00] =	vst v63  }
0x46: {  	p0 =	sne.s32 s0, $0x9000;
	_ =	swait.ge [sflag:s20], $0x1F40  }
0x47: {  	[sflag:s20] =	ssyncset.done $0x0  }
0x48: {  	s0 =	sadd.s32 $0x2800, s1;
	[sflag:s20] =	ssyncadd.s32 $0xFFFFE0C0  }
0x49: {  	[spmem:s3] =	stream.indirect.scatter.add.f32 [tilespmem:s12], [sflag:$0x5], $0x40, s0, s11, $0xb8;
	[tilespmem:$0x16D00] =	vst v63  }
0x4a: {  	_ =	swait.ge [sflag:s9], $0x1F40  }
0x4b: {  	[sflag:s9] =	ssyncset.done $0x0  }
0x4c: {  	s0 =	sadd.s32 $0x200, s1;
	[sflag:s9] =	ssyncadd.s32 $0xFFFFE0C0  }
0x4d: {  	[tilespmem:s12], [sflag:$0x1] =	stream.indirect.gather [hbm4b:s2+s11], $0x40, s0, s11, $0xb8;
	[tilespmem:$0x16D00] =	vst v63  }
0x4e: {  	_ =	swait.ge [sflag:s21], $0x1F40  }
0x4f: {  	[sflag:s21] =	ssyncset.done $0x0  }
0x50: {  	s0 =	sadd.s32 $0x2880, s1;
	[sflag:s21] =	ssyncadd.s32 $0xFFFFE0C0  }
0x51: {  	[spmem:s3] =	stream.indirect.scatter.add.f32 [tilespmem:s14], [sflag:$0x5], $0x40, s0, s11, $0xb8;
	[tilespmem:$0x16D00] =	vst v63  }
0x52: {  	_ =	swait.ge [sflag:s9], $0x1F40  }
0x53: {  	[sflag:s9] =	ssyncset.done $0x0  }
0x54: {  	s0 =	sadd.s32 $0x280, s1;
	[sflag:s9] =	ssyncadd.s32 $0xFFFFE0C0  }
0x55: {  	[tilespmem:s14], [sflag:$0x2] =	stream.indirect.gather [hbm4b:s2+s11], $0x40, s0, s11, $0xb8;
	[tilespmem:$0x16D00] =	vst v63  }
0x56: {  	_ =	swait.ge [sflag:s22], $0x1F40  }
0x57: {  	[sflag:s22] =	ssyncset.done $0x0  }
0x58: {  	s0 =	sadd.s32 $0x2900, s1;
	[sflag:s22] =	ssyncadd.s32 $0xFFFFE0C0  }
0x59: {  	[spmem:s3] =	stream.indirect.scatter.add.f32 [tilespmem:s16], [sflag:$0x5], $0x40, s0, s11, $0xb8;
	[tilespmem:$0x16D00] =	vst v63  }
0x5a: {  	_ =	swait.ge [sflag:s9], $0x1F40  }
0x5b: {  	[sflag:s9] =	ssyncset.done $0x0  }
0x5c: {  	s0 =	sadd.s32 $0x300, s1;
	[sflag:s9] =	ssyncadd.s32 $0xFFFFE0C0  }
0x5d: {  	[tilespmem:s16], [sflag:$0x3] =	stream.indirect.gather [hbm4b:s2+s11], $0x40, s0, s11, $0xb8;
	[tilespmem:$0x16D00] =	vst v63  }
0x5e: {  	_ =	swait.ge [sflag:s23], $0x1F40  }
.Ltmp0:
0x5f: {  	[sflag:s23] =	ssyncset.done $0x0;
	(pc) =	sbr.rel @p0 .LBB2_2-.Ltmp0, $4  }
0x60: {  	s0 =	sadd.s32 $0x2980, s1;
	[sflag:s23] =	ssyncadd.s32 $0xFFFFE0C0  }
0x61: {  	[spmem:s3] =	stream.indirect.scatter.add.f32 [tilespmem:s19], [sflag:$0x5], $0x40, s0, s11, $0xb8;
	[tilespmem:$0x16D00] =	vst v63  }
0x62: {  	_ =	swait.ge [sflag:s9], $0x1F40  }
0x63: {  	s1 =	sshra.s32 s10, $0x2;
	s0 =	smov.u32 s13;
	[sflag:s9] =	ssyncset.done $0x0  }
0x64: {  	s0 =	sadd.s32 $0x180, s1;
	[sflag:s9] =	ssyncadd.s32 $0xFFFFE0C0  }
0x65: {  	[tilespmem:s19], [sflag:$0x4] =	stream.indirect.gather [hbm4b:s2+s11], $0x40, s0, s11, $0xb8;
	[tilespmem:$0x16D00] =	vst v63  }
0x66: {  	_ =	swait.ge [sflag:s20], $0x1F40  }
0x67: {  	[sflag:s20] =	ssyncset.done $0x0  }
0x68: {  	s15 =	sadd.s32 $0x2800, s1;
	[sflag:s20] =	ssyncadd.s32 $0xFFFFE0C0  }
0x69: {  	[spmem:s3] =	stream.indirect.scatter.add.f32 [tilespmem:s12], [sflag:$0x5], $0x40, s15, s11, $0xb8;
	[tilespmem:$0x16D00] =	vst v63  }
0x6a: {  	_ =	swait.ge [sflag:s9], $0x1F40  }
0x6b: {  	[sflag:s9] =	ssyncset.done $0x0  }
0x6c: {  	s10 =	sadd.s32 $0x200, s1;
	[sflag:s9] =	ssyncadd.s32 $0xFFFFE0C0  }
0x6d: {  	[tilespmem:s12], [sflag:$0x1] =	stream.indirect.gather [hbm4b:s2+s11], $0x40, s10, s11, $0xb8;
	[tilespmem:$0x16D00] =	vst v63  }
0x6e: {  	_ =	swait.ge [sflag:s21], $0x1F40  }
0x6f: {  	[sflag:s21] =	ssyncset.done $0x0  }
0x70: {  	s13 =	sadd.s32 $0x2880, s1;
	[sflag:s21] =	ssyncadd.s32 $0xFFFFE0C0  }
0x71: {  	[spmem:s3] =	stream.indirect.scatter.add.f32 [tilespmem:s14], [sflag:$0x5], $0x40, s13, s11, $0xb8;
	[tilespmem:$0x16D00] =	vst v63  }
0x72: {  	_ =	swait.ge [sflag:s9], $0x1F40  }
0x73: {  	[sflag:s9] =	ssyncset.done $0x0  }
0x74: {  	s15 =	sadd.s32 $0x280, s1;
	[sflag:s9] =	ssyncadd.s32 $0xFFFFE0C0  }
0x75: {  	[tilespmem:s14], [sflag:$0x2] =	stream.indirect.gather [hbm4b:s2+s11], $0x40, s15, s11, $0xb8;
	[tilespmem:$0x16D00] =	vst v63  }
0x76: {  	_ =	swait.ge [sflag:s22], $0x1F40  }
0x77: {  	[sflag:s22] =	ssyncset.done $0x0  }
0x78: {  	s10 =	sadd.s32 $0x2900, s1;
	[sflag:s22] =	ssyncadd.s32 $0xFFFFE0C0  }
0x79: {  	[spmem:s3] =	stream.indirect.scatter.add.f32 [tilespmem:s16], [sflag:$0x5], $0x40, s10, s11, $0xb8;
	[tilespmem:$0x16D00] =	vst v63  }
0x7a: {  	_ =	swait.ge [sflag:s9], $0x1F40  }
0x7b: {  	[sflag:s9] =	ssyncset.done $0x0  }
0x7c: {  	s13 =	sadd.s32 $0x300, s1;
	[sflag:s9] =	ssyncadd.s32 $0xFFFFE0C0  }
0x7d: {  	[tilespmem:s16], [sflag:$0x3] =	stream.indirect.gather [hbm4b:s2+s11], $0x40, s13, s11, $0xb8;
	[tilespmem:$0x16D00] =	vst v63  }
0x7e: {  	_ =	swait.ge [sflag:s23], $0x1F40  }
0x7f: {  	[sflag:s23] =	ssyncset.done $0x0  }
0x80: {  	s15 =	sadd.s32 $0x2980, s1;
	[sflag:s23] =	ssyncadd.s32 $0xFFFFE0C0  }
0x81: {  	[spmem:s3] =	stream.indirect.scatter.add.f32 [tilespmem:s19], [sflag:$0x5], $0x40, s15, s11, $0xb8;
	[tilespmem:$0x16D00] =	vst v63  }
0x82: {  	_ =	swait.ge [sflag:s9], $0x1F40  }
0x83: {  	[sflag:s9] =	ssyncset.done $0x0  }
0x84: {  	[sflag:s9] =	ssyncadd.s32 $0xFFFFE0C0  }
0x85: {  	[tilespmem:s19], [sflag:$0x4] =	stream.indirect.gather [hbm4b:s2+s11], $0x40, s25, s11, $0xb8;
	[tilespmem:$0x16D00] =	vst v63  }
0x86: {  	_ =	swait.ge [sflag:s20], $0x1F40  }
0x87: {  	[sflag:s20] =	ssyncset.done $0x0  }
0x88: {  	[sflag:s20] =	ssyncadd.s32 $0xFFFFE0C0  }
0x89: {  	[spmem:s3] =	stream.indirect.scatter.add.f32 [tilespmem:s12], [sflag:$0x5], $0x40, s26, s11, $0xb8;
	[tilespmem:$0x16D00] =	vst v63  }
0x8a: {  	_ =	swait.ge [sflag:s9], $0x1F40  }
0x8b: {  	[sflag:s9] =	ssyncset.done $0x0  }
0x8c: {  	[sflag:s9] =	ssyncadd.s32 $0xFFFFE0C0  }
0x8d: {  	_ =	swait.ge [sflag:s21], $0x1F40  }
0x8e: {  	[sflag:s21] =	ssyncset.done $0x0  }
0x8f: {  	[sflag:s21] =	ssyncadd.s32 $0xFFFFE0C0  }
0x90: {  	[spmem:s3] =	stream.indirect.scatter.add.f32 [tilespmem:s14], [sflag:$0x5], $0x40, s28, s11, $0xb8;
	[tilespmem:$0x16D00] =	vst v63  }
0x91: {  	_ =	swait.ge [sflag:s9], $0x1F40  }
0x92: {  	[sflag:s9] =	ssyncset.done $0x0  }
0x93: {  	[sflag:s9] =	ssyncadd.s32 $0xFFFFE0C0  }
0x94: {  	_ =	swait.ge [sflag:s22], $0x1F40  }
0x95: {  	[sflag:s22] =	ssyncset.done $0x0  }
0x96: {  	[sflag:s22] =	ssyncadd.s32 $0xFFFFE0C0  }
0x97: {  	[spmem:s3] =	stream.indirect.scatter.add.f32 [tilespmem:s16], [sflag:$0x5], $0x40, s29, s11, $0xb8;
	[tilespmem:$0x16D00] =	vst v63  }
0x98: {  	_ =	swait.ge [sflag:s9], $0x1F40  }
0x99: {  	[sflag:s9] =	ssyncset.done $0x0  }
0x9a: {  	[sflag:s9] =	ssyncadd.s32 $0xFFFFE0C0  }
0x9b: {  	_ =	swait.ge [sflag:s23], $0x1F40  }
0x9c: {  	[sflag:s23] =	ssyncset.done $0x0  }
0x9d: {  	[sflag:s23] =	ssyncadd.s32 $0xFFFFE0C0  }
0x9e: {  	[spmem:s3] =	stream.indirect.scatter.add.f32 [tilespmem:s19], [sflag:$0x5], $0x40, s30, s11, $0xb8;
	[tilespmem:$0x16D00] =	vst v63  }
0x9f: {  	_ =	swait.ge [sflag:s9], $0x1F40  }
0xa0: {  	s31 =	sadd.s32 $0x1, s31;
	[sflag:s9] =	ssyncset.done $0x0  }
0xa1: {  	p0 =	sne.s32 s31, s8;
	[sflag:s9] =	ssyncadd.s32 $0xFFFFE0C0  }
.Ltmp1:
0xa2: {  	[bflag:$0x0] =	sbarrier.arrive $0xFFFF;
	(pc) =	sbr.rel @p0 .LBB2_1-.Ltmp1, $4  }
0xa3: {  	[hbm:s24], [sflag:s17] =	dma.local [spmem:s18], $0x1400  }
0xa4: {  	_ =	swait.ge [sflag:s9], $0x1400  }
0xa5: {  	[sflag:s9] =	ssyncset.done $0x0  }
0xa6: {  	[sflag:s9] =	ssyncadd.s32 $0xFFFFEC00  }
0xa7: {  	_ =	sfence.sel $0x180000  }
0xa8: {  	[bflag:$0x0] =	sbarrier.arrive $0xFFFF  }
0xa9: {  	_ =	strace $0x9000004D  }
0xaa: {  	s0 =	stileid.u32;
	[bflag:$0x2] =	sbarrier.arrive $0xFFFF  }
0xab: {  	p0 =	sne.s32 s0, $0x0;
	s0 =	rddreg [dreg:$0x3]  }
0xac: {  	s0 =	sadd.s32 @!p0 $0x100000, s0  }
0xad: {  	[sflag:s0] =	ssyncadd.tile.s32 @!p0 $0x1;
	_ =	shalt  }
.Lfunc_end2:
_tile_overlayer_lowered:
.L_overlay_start_2:
0xae: {  	(tag) =	ssettag $0x2  }
0xaf: {  	s0 =	rddreg [dreg:$0x0];
	s2 =	stileid.u32  }
0xb0: {  	s1 =	rddreg [dreg:$0x1];
	p0 =	sne.s32 s2, $0x0  }
0xb1: {  	s3 =	rddreg [dreg:$0x2];
	[bflag:$0x3] =	sbarrier.arrive $0xFFFF;
	s2 =	simm.s32 @!p0 $0x1C05  }
0xb2: {  	[timem:s3], [sflag:s2] =	dma.local @!p0 [hbm:s0], s1  }
0xb3: {  	s0 =	simm.s32 @!p0 $0x5  }
0xb4: {  	_ =	swait.ge @!p0 [sflag:s0], s1  }
0xb5: {  	s1 =	ssub.s32 @!p0 $0x0, s1;
	[sflag:s0] =	ssyncset.done @!p0 $0x0  }
0xb6: {  	[sflag:s0] =	ssyncadd.s32 @!p0 s1  }
0xb7: {  	[bflag:$0x3] =	sbarrier.arrive $0xFFFF  }
0xb8: {  	_ =	shalt  }

// kernel: kernel.25.cloned.1.call-start
scs
__scs_entry_jumppad:
0x0: {  	(pc) =	sbr.rel $0x88, $3  }
0x1: {  	(tag) =	ssettag $0x0;
	lr =	simm.s32 $0x1  }
0x2: {  	[smem:$0x3F95] =	sst lr;
	_ =	strace $0xD0000000  }
0x3: {  	_ = 	snop  }
0x4: {  	_ = 	snop  }
0x5: {  	_ = 	snop  }
0x6: {  	_ = 	snop  }
0x7: {  	_ = 	snop  }
__scs_overlays_trampoline_lowered:
0x8: {  	[smem:$0x3FA4] =	sst s0  }
0x9: {  	[smem:$0x3FA5] =	sst s1  }
0xa: {  	[smem:$0x3FA6] =	sst s2  }
0xb: {  	[smem:$0x3FA7] =	sst s3  }
0xc: {  	[smem:$0x3FA8] =	sst s4  }
0xd: {  	[smem:$0x3FA9] =	sst s5  }
0xe: {  	[smem:$0x3FAA] =	sst s6  }
0xf: {  	[smem:$0x3FAB] =	sst s7  }
0x10: {  	[smem:$0x3FAC] =	sst s8  }
0x11: {  	[smem:$0x3FAD] =	sst s9;
	s0 =	simm.s32 @!p0 $0x0  }
0x12: {  	s1 =	sld [smem:$0x3F93];
	s0 =	simm.s32 @p0 $0x1  }
0x13: {  	[smem:$0x3FAE] =	sst s0;
	s0 =	simm.s32 @!p1 $0x0  }
0x14: {  	s2 =	sld [smem:$0x3F92];
	s0 =	simm.s32 @p1 $0x1  }
0x15: {  	[smem:$0x3FAF] =	sst s0;
	s0 =	simm.s32 @!p2 $0x0  }
0x16: {  	s3 =	sld [smem:$0x3FDB];
	s0 =	simm.s32 @p2 $0x1  }
0x17: {  	s4 =	simm.s32 $0x1BF5;
	[smem:$0x3FB1] =	sst s0  }
0x18: {  	s0 =	sld [smem:$0x3F94];
	_ =	swait.ge [sflag:s4], $0x0  }
0x19: {  	s7 =	sld [smem:$0x3F95]  }
0x1a: {  	s8 =	sadd.s32 $0xFFFFE003, lr  }
0x1b: {  	s9 =	sadd.s32 $0xFFFFFEF7, lr;
	s5 =	simm.s32 $0xFFFFFFFF;
	p2 =	slt.u32 s8, $0xFFFFF086  }
0x1c: {  	p1 =	slt.u32 s9, $0xF7A;
	s5 =	simm.s32 @!p2 $0x0  }
0x1d: {  	s5 =	simm.s32 @p1 $0x1;
	p0 =	seq.s32 s7, s2  }
0x1e: {  	s7 =	smul.u32 @!p0 $0xF7A, s2;
	p2 =	seq.s32 @!p0 s5, $0x0  }
0x1f: {  	s9 =	smul.u32 $0xF7A, s1;
	s8 =	simm.s32 @!p0 $0x1BF5;
	p2 =	por !p2, p0  }
0x20: {  	[sflag:s8] =	ssyncset.s32 @!p0 $0xFFFFF086;
	s6 =	sadd.s32 @!p0 s3, s7;
	s7 =	simm.s32 @!p0 $0x108  }
0x21: {  	s3 =	sadd.s32 s3, s9;
	s6 =	sadd.s32 @!p0 $0x88, s6;
	s7 =	simm.s32 @p2 $0x1082  }
0x22: {  	[simem:s7], [sflag:s8] =	dma.local @!p0 [hbm:s6], $0xF7A  }
0x23: {  	s9 =	sor.u32 $0xD0000000, s2;
	s6 =	simm.s32 $0x108;
	_ =	swait.ge @!p0 [sflag:s8], $0x0  }
0x24: {  	s3 =	sadd.s32 $0x88, s3;
	s6 =	simm.s32 @!p1 $0x1082;
	[sflag:s4] =	ssyncset.s32 $0xFFFFF086  }
0x25: {  	[simem:s6], [sflag:s4] =	dma.local [hbm:s3], $0xF7A  }
0x26: {  	[smem:$0x3F95] =	sst s1;
	(tag) =	ssettag s2;
	_ =	strace s9  }
0x27: {  	s1 =	sld [smem:$0x3FA5]  }
0x28: {  	s2 =	sld [smem:$0x3FA6]  }
0x29: {  	s4 =	sld [smem:$0x3FA8]  }
0x2a: {  	p0 =	seq.s32 s5, $0x0;
	s5 =	sld [smem:$0x3FA9]  }
0x2b: {  	s6 =	sld [smem:$0x3FAA]  }
0x2c: {  	s7 =	sld [smem:$0x3FAB]  }
0x2d: {  	s3 =	simm.s32 $0x108;
	s8 =	sld [smem:$0x3FAC]  }
0x2e: {  	s3 =	simm.s32 @!p0 $0x1082;
	s9 =	sld [smem:$0x3FAD]  }
0x2f: {  	lr =	sadd.s32 s0, s3;
	s0 =	sld [smem:$0x3FA4]  }
0x30: {  	s3 =	sld [smem:$0x3FA7]  }
0x31: {  	[smem:$0x3FB0] =	sst s10  }
0x32: {  	s10 =	sld [smem:$0x3FAE];
	_ =	sdelay $0x3  }
0x33: {  	p0 =	seq.s32 s10, $0x1;
	s10 =	sld [smem:$0x3FB0];
	_ =	sdelay $0x3  }
0x34: {  	[smem:$0x3FB0] =	sst s10  }
0x35: {  	s10 =	sld [smem:$0x3FAF];
	_ =	sdelay $0x3  }
0x36: {  	p1 =	seq.s32 s10, $0x1;
	s10 =	sld [smem:$0x3FB0];
	_ =	sdelay $0x3  }
0x37: {  	[smem:$0x3FB0] =	sst s10  }
0x38: {  	s10 =	sld [smem:$0x3FB1]  }
0x39: {  	_ = 	snop;
	(pc) =	sbr.ind lr, $3  }
0x3a: {  	_ = 	snop  }
0x3b: {  	_ = 	snop  }
0x3c: {  	p2 =	seq.s32 s10, $0x1;
	s10 =	sld [smem:$0x3FB0]  }
0x3d: {  	_ =	shalt  }
0x3e: {  	_ =	shalt  }
0x3f: {  	_ =	shalt  }
0x40: {  	_ =	shalt  }
0x41: {  	_ =	shalt  }
0x42: {  	_ =	shalt  }
0x43: {  	_ =	shalt  }
0x44: {  	_ =	shalt  }
0x45: {  	_ =	shalt  }
0x46: {  	_ =	shalt  }
0x47: {  	_ =	shalt  }
0x48: {  	_ =	shalt  }
0x49: {  	_ =	shalt  }
0x4a: {  	_ =	shalt  }
0x4b: {  	_ =	shalt  }
0x4c: {  	_ =	shalt  }
0x4d: {  	_ =	shalt  }
0x4e: {  	_ =	shalt  }
0x4f: {  	_ =	shalt  }
0x50: {  	_ =	shalt  }
0x51: {  	_ =	shalt  }
0x52: {  	_ =	shalt  }
0x53: {  	_ =	shalt  }
0x54: {  	_ =	shalt  }
0x55: {  	_ =	shalt  }
0x56: {  	_ =	shalt  }
0x57: {  	_ =	shalt  }
0x58: {  	_ =	shalt  }
0x59: {  	_ =	shalt  }
0x5a: {  	_ =	shalt  }
0x5b: {  	_ =	shalt  }
0x5c: {  	_ =	shalt  }
0x5d: {  	_ =	shalt  }
0x5e: {  	_ =	shalt  }
0x5f: {  	_ =	shalt  }
0x60: {  	_ =	shalt  }
0x61: {  	_ =	shalt  }
0x62: {  	_ =	shalt  }
0x63: {  	_ =	shalt  }
0x64: {  	_ =	shalt  }
0x65: {  	_ =	shalt  }
0x66: {  	_ =	shalt  }
0x67: {  	_ =	shalt  }
0x68: {  	_ =	shalt  }
0x69: {  	_ =	shalt  }
0x6a: {  	_ =	shalt  }
0x6b: {  	_ =	shalt  }
0x6c: {  	_ =	shalt  }
0x6d: {  	_ =	shalt  }
0x6e: {  	_ =	shalt  }
0x6f: {  	_ =	shalt  }
0x70: {  	_ =	shalt  }
0x71: {  	_ =	shalt  }
0x72: {  	_ =	shalt  }
0x73: {  	_ =	shalt  }
0x74: {  	_ =	shalt  }
0x75: {  	_ =	shalt  }
0x76: {  	_ =	shalt  }
0x77: {  	_ =	shalt  }
0x78: {  	_ =	shalt  }
0x79: {  	_ =	shalt  }
0x7a: {  	_ =	shalt  }
0x7b: {  	_ =	shalt  }
0x7c: {  	_ =	shalt  }
0x7d: {  	_ =	shalt  }
0x7e: {  	_ =	shalt  }
0x7f: {  	_ =	shalt  }
0x80: {  	_ =	shalt  }
0x81: {  	_ =	shalt  }
0x82: {  	_ =	shalt  }
0x83: {  	_ =	shalt  }
0x84: {  	_ =	shalt  }
0x85: {  	_ =	shalt  }
0x86: {  	_ =	shalt  }
0x87: {  	_ =	shalt  }
.Lfunc_end0:
.L_simem_size_0:
called_computation.3_lowered:
.L_overlay_start_0:
0x88: {  	s2 =	sld [smem:$0x3FD9]  }
0x89: {  	s3 =	sld [smem:$0x3FFE];
	_ =	sdelay $0x1  }
0x8a: {  	s1 =	srdreg.scid  }
0x8b: {  	s0 =	sand.u32 $0x1, s1  }
0x8c: {  	s16 =	sshll.u32 s0, $0xA;
	s2 =	sadd.s32 s3, s2  }
0x8d: {  	s2 =	sadd.s32 s2, s16  }
0x8e: {  	[smem:$0x3FBC] =	sst s2  }
0x8f: {  	_ = 	snop  }
0x90: {  	(tm) =	ssettm $0x1  }
0x91: {  	s17 =	sld [smem:$0x3FFB];
	_ =	sdelay $0x3  }
0x92: {  	_ =	strace s17  }
0x93: {  	s2 =	sld [smem:$0x3FFC];
	_ =	sdelay $0x3  }
0x94: {  	_ =	strace s2  }
0x95: {  	s2 =	sld [smem:$0x3FFD];
	_ =	sdelay $0x3  }
0x96: {  	_ =	strace s2  }
0x97: {  	_ =	strace $0x8FFFFFFF  }
0x98: {  	s18 =	sld [smem:$0x3FDB];
	_ =	sdelay $0x1  }
0x99: {  	s19 =	simm.s32 $_scs_section_size  }
0x9a: {  	s4 =	simm.s32 $_size__tile_overlayer_lowered;
	s5 =	simm.s32 $_tile_overlayer_lowered  }
0x9b: {  	s22 =	simm.s32 $0x1BFF;
	s21 =	sshll.u32 s5, $0x1;
	s2 =	sadd.s32 s19, s18  }
0x9c: {  	s6 =	simm.s32 $0x0;
	s20 =	sshll.u32 s4, $0x1;
	s4 =	sadd.s32 s21, s2  }
0x9d: {  	[timem:s6], [sflag:s22] =	dma.local [hbm:s4], s20  }
0x9e: {  	_ =	swait.ge [sflag:s22], s20  }
0x9f: {  	s3 =	ssub.s32 $0x0, s20;
	[sflag:s22] =	ssyncset.done $0x0  }
0xa0: {  	[sflag:s22] =	ssyncadd.s32 s3;
	_ =	sdelay $0x1  }
0xa1: {  	s23 =	simm.s32 $0x1B8B  }
0xa2: {  	_ =	swait.ge [sflag:s23], $0x1  }
0xa3: {  	[sflag:s23] =	ssyncset.done $0x0  }
0xa4: {  	s25 =	simm.s32 $0x1B8E;
	s24 =	sld [smem:$0x3FFE];
	[sflag:s23] =	ssyncadd.s32 $0xFFFFFFFF  }
0xa5: {  	s26 =	simm.s32 $execute0_lowered;
	[smem:$0x3FD2] =	sst s25  }
0xa6: {  	s4 =	sshll.u32 s26, $0x1;
	_ =	strace $0x8000004F;
	[dreg:$0x1] =	wrdreg $0xFFFFFFFF  }
0xa7: {  	s28 =	simm.s32 $_size_execute0_lowered;
	s2 =	sadd.s32 s2, s4;
	[dreg:$0x0] =	wrdreg $0x0  }
0xa8: {  	s4 =	sshll.u32 s28, $0x1;
	[dreg:$0x2] =	wrdreg s2  }
0xa9: {  	[dreg:$0x3] =	wrdreg s4  }
0xaa: {  	[dreg:$0x4] =	wrdreg $0xC0  }
0xab: {  	_ =	task [dreg:s6], $0x5FFFF  }
0xac: {  	[dreg:$0x1] =	wrdreg $0xFFFFFFFF  }
0xad: {  	[dreg:$0x0] =	wrdreg $0x60  }
0xae: {  	[dreg:$0x2] =	wrdreg s24  }
0xaf: {  	[dreg:$0x3] =	wrdreg $0xCD000  }
0xb0: {  	[dreg:$0x4] =	wrdreg $0xA  }
0xb1: {  	_ =	task.clear_ibuf [dreg:s6], $0x5FFFF;
	_ =	strace $0x9000004F  }
0xb2: {  	s29 =	simm.s32 $0xA;
	_ =	strace $0x80000051  }
0xb3: {  	_ =	swait.ge [sflag:s29], $0x1  }
0xb4: {  	[sflag:s29] =	ssyncadd.s32 $0xFFFFFFFF  }
0xb5: {  	_ =	strace $0x90000051  }
0xb6: {  	_ =	sfence  }
0xb7: {  	s30 =	sld [smem:$0x0];
	_ =	sdelay $0x2  }
0xb8: {  	s31 =	sshll.u32 s1, $0xD;
	s1 =	sshrl.u32 s1, $0x2  }
0xb9: {  	s3 =	sand.u32 $0x4000, s31;
	s1 =	sadd.s32 s1, s30  }
0xba: {  	s0 =	sor.u32 s3, s0;
	s1 =	sshll.u32 s1, $0x11  }
0xbb: {  	s0 =	sor.u32 s1, s0  }
0xbc: {  	s0 =	sadd.s32 $0x8F2B, s0  }
0xbd: {  	[sflag:s0] =	ssyncadd.remote.s32 $0x1  }
0xbe: {  	_ =	sfence.sel $0xFFFF  }
0xbf: {  	[dreg:$0x0] =	wrdreg $0xFFFFFFFF;
	(pc) =	sbr.abs _section_cstart, $3  }
0xc0: {  	[dreg:$0x1] =	wrdreg $0xFFFFFFFF  }
0xc1: {  	_ =	task.clear_ibuf [dreg:s6], $0x2FFFF;
	_ =	strace $0x9FFFFFFF  }
0xc2: {  	(tm) =	ssettm $0x7FFFFFFF  }
0xc3: {  	_ =	shalt  }
tec
execute0_lowered:
.L_overlay_start_1:
0x0: {  	(tag) =	ssettag $0x1  }
0x1: {  	s0 =	srdreg.scid;
	s1 =	rddreg [dreg:$0x0]  }
0x2: {  	s15 =	stileid.u32;
	s2 =	rddreg [dreg:$0x1];
	s9 =	simm.s32 $0x5  }
0x3: {  	s11 =	simm.s32 $0x7D;
	s12 =	simm.s32 $0x5000;
	s14 =	simm.s32 $0x6F40  }
0x4: {  	s16 =	simm.s32 $0x8E80;
	s19 =	simm.s32 $0xADC0;
	s20 =	simm.s32 $0x1  }
0x5: {  	s21 =	simm.s32 $0x2;
	s22 =	simm.s32 $0x3;
	s23 =	simm.s32 $0x4  }
0x6: {  	s28 =	simm.s32 $0x4E80;
	s29 =	simm.s32 $0x4F00;
	s30 =	simm.s32 $0x4F80  }
0x7: {  	s31 =	simm.s32 $0x0;
	s0 =	sand.u32 $0x1, s0;
	s7 =	smul.u32 $0xA000, s15  }
0x8: {  	s26 =	sshll.u32 s15, $0x6;
	s3 =	sshll.u32 s0, $0x4;
	s5 =	smul.u32 $0x14000, s0  }
0x9: {  	s0 =	ssub.s32 $0x2, s0;
	s17 =	sor.u32 $0x1C05, s26;
	s26 =	simm.s32 $0x4E00  }
0xa: {  	s4 =	sor.u32 s15, s3;
	s3 =	simm.s32 $0x0;
	s10 =	sshrl.u32 s7, $0x3  }
0xb: {  	s25 =	sshrl.u32 s0, $0x1;
	s13 =	sadd.s32 s7, s2;
	s4 =	smul.u32 $0x500, s4  }
0xc: {  	[smem:$0x7FF] =	sst s3;
	s8 =	sadd.s32 s10, s1;
	s0 =	ssub.s32 s0, s25  }
0xd: {  	s18 =	sshrl.u32 s13, $0x3;
	s25 =	simm.s32 $0x2780;
	_ =	strace $0x80000050  }
0xe: {  	s6 =	sadd.s32 s4, s1;
	s4 =	sadd.s32 $0x67600, s1;
	s1 =	sadd.s32 s5, s1  }
0xf: {  	s7 =	sadd.s32 $0x7B000, s8;
	s8 =	smax.u32 s0, $0x1;
	s1 =	sadd.s32 $0x8F000, s1  }
0x10: {  	s5 =	sadd.s32 $0xD600, s6;
	s6 =	sadd.s32 $0x3400, s6;
	s24 =	sadd.s32 s10, s1  }
.LBB2_1:
0x11: {  	[tilespmem:s3], [sflag:$0x5] =	stream.linear.gather [hbm4b:s5+s3], $0x2800, $0x38;
	[tilespmem:$0x16D00] =	vst v63  }
0x12: {  	_ =	swait.ge [sflag:s9], $0x2800  }
0x13: {  	[sflag:s9] =	ssyncset.done $0x0  }
0x14: {  	s0 =	simm.s32 $0x2800;
	[sflag:s9] =	ssyncadd.s32 $0xFFFFD800  }
0x15: {  	[tilespmem:s0], [sflag:$0x5] =	stream.linear.gather [hbm4b:s6+s3], $0x2800, $0x38;
	[tilespmem:$0x16D00] =	vst v63  }
0x16: {  	_ =	swait.ge [sflag:s9], $0x2800  }
0x17: {  	[sflag:s9] =	ssyncset.done $0x0  }
0x18: {  	[sflag:s9] =	ssyncadd.s32 $0xFFFFD800  }
0x19: {  	[tilespmem:s12], [sflag:$0x1] =	stream.indirect.gather [hbm4b:s4+s11], $0x40, s3, s11, $0xb8;
	[tilespmem:$0x16D00] =	vst v63  }
0x1a: {  	s13 =	simm.s32 $0x80  }
0x1b: {  	[tilespmem:s14], [sflag:$0x2] =	stream.indirect.gather [hbm4b:s4+s11], $0x40, s13, s11, $0xb8;
	[tilespmem:$0x16D00] =	vst v63  }
0x1c: {  	s15 =	simm.s32 $0x100  }
0x1d: {  	[tilespmem:s16], [sflag:$0x3] =	stream.indirect.gather [hbm4b:s4+s11], $0x40, s15, s11, $0xb8;
	[tilespmem:$0x16D00] =	vst v63  }
0x1e: {  	[spmem:s18], [sflag:s17] =	dma.local [hbm:s7], $0x1400  }
0x1f: {  	_ =	swait.ge [sflag:s9], $0x1400  }
0x20: {  	[sflag:s9] =	ssyncset.done $0x0  }
0x21: {  	[sflag:s9] =	ssyncadd.s32 $0xFFFFEC00  }
0x22: {  	s1 =	simm.s32 $0x180;
	[bflag:$0x0] =	sbarrier.arrive $0xFFFF  }
0x23: {  	[tilespmem:s19], [sflag:$0x4] =	stream.indirect.gather [hbm4b:s4+s11], $0x40, s1, s11, $0xb8;
	[tilespmem:$0x16D00] =	vst v63  }
0x24: {  	_ =	swait.ge [sflag:s20], $0x1F40  }
0x25: {  	[sflag:s20] =	ssyncset.done $0x0  }
0x26: {  	s10 =	simm.s32 $0x2800;
	[sflag:s20] =	ssyncadd.s32 $0xFFFFE0C0  }
0x27: {  	[spmem:s2] =	stream.indirect.scatter.add.f32 [tilespmem:s12], [sflag:$0x5], $0x40, s10, s11, $0xb8;
	[tilespmem:$0x16D00] =	vst v63  }
0x28: {  	_ =	swait.ge [sflag:s9], $0x1F40  }
0x29: {  	[sflag:s9] =	ssyncset.done $0x0  }
0x2a: {  	s13 =	simm.s32 $0x200;
	[sflag:s9] =	ssyncadd.s32 $0xFFFFE0C0  }
0x2b: {  	[tilespmem:s12], [sflag:$0x1] =	stream.indirect.gather [hbm4b:s4+s11], $0x40, s13, s11, $0xb8;
	[tilespmem:$0x16D00] =	vst v63  }
0x2c: {  	_ =	swait.ge [sflag:s21], $0x1F40  }
0x2d: {  	[sflag:s21] =	ssyncset.done $0x0  }
0x2e: {  	s15 =	simm.s32 $0x2880;
	[sflag:s21] =	ssyncadd.s32 $0xFFFFE0C0  }
0x2f: {  	[spmem:s2] =	stream.indirect.scatter.add.f32 [tilespmem:s14], [sflag:$0x5], $0x40, s15, s11, $0xb8;
	[tilespmem:$0x16D00] =	vst v63  }
0x30: {  	_ =	swait.ge [sflag:s9], $0x1F40  }
0x31: {  	[sflag:s9] =	ssyncset.done $0x0  }
0x32: {  	s1 =	simm.s32 $0x280;
	[sflag:s9] =	ssyncadd.s32 $0xFFFFE0C0  }
0x33: {  	[tilespmem:s14], [sflag:$0x2] =	stream.indirect.gather [hbm4b:s4+s11], $0x40, s1, s11, $0xb8;
	[tilespmem:$0x16D00] =	vst v63  }
0x34: {  	_ =	swait.ge [sflag:s22], $0x1F40  }
0x35: {  	[sflag:s22] =	ssyncset.done $0x0  }
0x36: {  	s10 =	simm.s32 $0x2900;
	[sflag:s22] =	ssyncadd.s32 $0xFFFFE0C0  }
0x37: {  	[spmem:s2] =	stream.indirect.scatter.add.f32 [tilespmem:s16], [sflag:$0x5], $0x40, s10, s11, $0xb8;
	[tilespmem:$0x16D00] =	vst v63  }
0x38: {  	_ =	swait.ge [sflag:s9], $0x1F40  }
0x39: {  	[sflag:s9] =	ssyncset.done $0x0  }
0x3a: {  	s13 =	simm.s32 $0x300;
	[sflag:s9] =	ssyncadd.s32 $0xFFFFE0C0  }
0x3b: {  	[tilespmem:s16], [sflag:$0x3] =	stream.indirect.gather [hbm4b:s4+s11], $0x40, s13, s11, $0xb8;
	[tilespmem:$0x16D00] =	vst v63  }
0x3c: {  	_ =	swait.ge [sflag:s23], $0x1F40  }
0x3d: {  	[sflag:s23] =	ssyncset.done $0x0  }
0x3e: {  	s15 =	simm.s32 $0x2980;
	[sflag:s23] =	ssyncadd.s32 $0xFFFFE0C0  }
0x3f: {  	[spmem:s2] =	stream.indirect.scatter.add.f32 [tilespmem:s19], [sflag:$0x5], $0x40, s15, s11, $0xb8;
	[tilespmem:$0x16D00] =	vst v63  }
0x40: {  	_ =	swait.ge [sflag:s9], $0x1F40  }
0x41: {  	s0 =	simm.s32 $0x1000;
	s1 =	simm.s32 $0x200;
	[sflag:s9] =	ssyncset.done $0x0  }
.LBB2_2:
0x42: {  	s15 =	sadd.s32 $0x180, s1  }
0x43: {  	[sflag:s9] =	ssyncadd.s32 $0xFFFFE0C0;
	s10 =	smov.u32 s0;
	s13 =	sadd.s32 $0x800, s0  }
0x44: {  	[tilespmem:s19], [sflag:$0x4] =	stream.indirect.gather [hbm4b:s4+s11], $0x40, s15, s11, $0xb8;
	[tilespmem:$0x16D00] =	vst v63  }
0x45: {  	p0 =	sne.s32 s0, $0x9000;
	_ =	swait.ge [sflag:s20], $0x1F40  }
0x46: {  	[sflag:s20] =	ssyncset.done $0x0  }
0x47: {  	s0 =	sadd.s32 $0x2800, s1;
	[sflag:s20] =	ssyncadd.s32 $0xFFFFE0C0  }
0x48: {  	[spmem:s2] =	stream.indirect.scatter.add.f32 [tilespmem:s12], [sflag:$0x5], $0x40, s0, s11, $0xb8;
	[tilespmem:$0x16D00] =	vst v63  }
0x49: {  	_ =	swait.ge [sflag:s9], $0x1F40  }
0x4a: {  	[sflag:s9] =	ssyncset.done $0x0  }
0x4b: {  	s0 =	sadd.s32 $0x200, s1;
	[sflag:s9] =	ssyncadd.s32 $0xFFFFE0C0  }
0x4c: {  	[tilespmem:s12], [sflag:$0x1] =	stream.indirect.gather [hbm4b:s4+s11], $0x40, s0, s11, $0xb8;
	[tilespmem:$0x16D00] =	vst v63  }
0x4d: {  	_ =	swait.ge [sflag:s21], $0x1F40  }
0x4e: {  	[sflag:s21] =	ssyncset.done $0x0  }
0x4f: {  	s0 =	sadd.s32 $0x2880, s1;
	[sflag:s21] =	ssyncadd.s32 $0xFFFFE0C0  }
0x50: {  	[spmem:s2] =	stream.indirect.scatter.add.f32 [tilespmem:s14], [sflag:$0x5], $0x40, s0, s11, $0xb8;
	[tilespmem:$0x16D00] =	vst v63  }
0x51: {  	_ =	swait.ge [sflag:s9], $0x1F40  }
0x52: {  	[sflag:s9] =	ssyncset.done $0x0  }
0x53: {  	s0 =	sadd.s32 $0x280, s1;
	[sflag:s9] =	ssyncadd.s32 $0xFFFFE0C0  }
0x54: {  	[tilespmem:s14], [sflag:$0x2] =	stream.indirect.gather [hbm4b:s4+s11], $0x40, s0, s11, $0xb8;
	[tilespmem:$0x16D00] =	vst v63  }
0x55: {  	_ =	swait.ge [sflag:s22], $0x1F40  }
0x56: {  	[sflag:s22] =	ssyncset.done $0x0  }
0x57: {  	s0 =	sadd.s32 $0x2900, s1;
	[sflag:s22] =	ssyncadd.s32 $0xFFFFE0C0  }
0x58: {  	[spmem:s2] =	stream.indirect.scatter.add.f32 [tilespmem:s16], [sflag:$0x5], $0x40, s0, s11, $0xb8;
	[tilespmem:$0x16D00] =	vst v63  }
0x59: {  	_ =	swait.ge [sflag:s9], $0x1F40  }
0x5a: {  	[sflag:s9] =	ssyncset.done $0x0  }
0x5b: {  	s0 =	sadd.s32 $0x300, s1;
	[sflag:s9] =	ssyncadd.s32 $0xFFFFE0C0  }
0x5c: {  	[tilespmem:s16], [sflag:$0x3] =	stream.indirect.gather [hbm4b:s4+s11], $0x40, s0, s11, $0xb8;
	[tilespmem:$0x16D00] =	vst v63  }
0x5d: {  	_ =	swait.ge [sflag:s23], $0x1F40  }
.Ltmp0:
0x5e: {  	[sflag:s23] =	ssyncset.done $0x0;
	(pc) =	sbr.rel @p0 .LBB2_2-.Ltmp0, $4  }
0x5f: {  	s0 =	sadd.s32 $0x2980, s1;
	[sflag:s23] =	ssyncadd.s32 $0xFFFFE0C0  }
0x60: {  	[spmem:s2] =	stream.indirect.scatter.add.f32 [tilespmem:s19], [sflag:$0x5], $0x40, s0, s11, $0xb8;
	[tilespmem:$0x16D00] =	vst v63  }
0x61: {  	_ =	swait.ge [sflag:s9], $0x1F40  }
0x62: {  	s1 =	sshra.s32 s10, $0x2;
	s0 =	smov.u32 s13;
	[sflag:s9] =	ssyncset.done $0x0  }
0x63: {  	s0 =	sadd.s32 $0x180, s1;
	[sflag:s9] =	ssyncadd.s32 $0xFFFFE0C0  }
0x64: {  	[tilespmem:s19], [sflag:$0x4] =	stream.indirect.gather [hbm4b:s4+s11], $0x40, s0, s11, $0xb8;
	[tilespmem:$0x16D00] =	vst v63  }
0x65: {  	_ =	swait.ge [sflag:s20], $0x1F40  }
0x66: {  	[sflag:s20] =	ssyncset.done $0x0  }
0x67: {  	s15 =	sadd.s32 $0x2800, s1;
	[sflag:s20] =	ssyncadd.s32 $0xFFFFE0C0  }
0x68: {  	[spmem:s2] =	stream.indirect.scatter.add.f32 [tilespmem:s12], [sflag:$0x5], $0x40, s15, s11, $0xb8;
	[tilespmem:$0x16D00] =	vst v63  }
0x69: {  	_ =	swait.ge [sflag:s9], $0x1F40  }
0x6a: {  	[sflag:s9] =	ssyncset.done $0x0  }
0x6b: {  	s10 =	sadd.s32 $0x200, s1;
	[sflag:s9] =	ssyncadd.s32 $0xFFFFE0C0  }
0x6c: {  	[tilespmem:s12], [sflag:$0x1] =	stream.indirect.gather [hbm4b:s4+s11], $0x40, s10, s11, $0xb8;
	[tilespmem:$0x16D00] =	vst v63  }
0x6d: {  	_ =	swait.ge [sflag:s21], $0x1F40  }
0x6e: {  	[sflag:s21] =	ssyncset.done $0x0  }
0x6f: {  	s13 =	sadd.s32 $0x2880, s1;
	[sflag:s21] =	ssyncadd.s32 $0xFFFFE0C0  }
0x70: {  	[spmem:s2] =	stream.indirect.scatter.add.f32 [tilespmem:s14], [sflag:$0x5], $0x40, s13, s11, $0xb8;
	[tilespmem:$0x16D00] =	vst v63  }
0x71: {  	_ =	swait.ge [sflag:s9], $0x1F40  }
0x72: {  	[sflag:s9] =	ssyncset.done $0x0  }
0x73: {  	s15 =	sadd.s32 $0x280, s1;
	[sflag:s9] =	ssyncadd.s32 $0xFFFFE0C0  }
0x74: {  	[tilespmem:s14], [sflag:$0x2] =	stream.indirect.gather [hbm4b:s4+s11], $0x40, s15, s11, $0xb8;
	[tilespmem:$0x16D00] =	vst v63  }
0x75: {  	_ =	swait.ge [sflag:s22], $0x1F40  }
0x76: {  	[sflag:s22] =	ssyncset.done $0x0  }
0x77: {  	s10 =	sadd.s32 $0x2900, s1;
	[sflag:s22] =	ssyncadd.s32 $0xFFFFE0C0  }
0x78: {  	[spmem:s2] =	stream.indirect.scatter.add.f32 [tilespmem:s16], [sflag:$0x5], $0x40, s10, s11, $0xb8;
	[tilespmem:$0x16D00] =	vst v63  }
0x79: {  	_ =	swait.ge [sflag:s9], $0x1F40  }
0x7a: {  	[sflag:s9] =	ssyncset.done $0x0  }
0x7b: {  	s13 =	sadd.s32 $0x300, s1;
	[sflag:s9] =	ssyncadd.s32 $0xFFFFE0C0  }
0x7c: {  	[tilespmem:s16], [sflag:$0x3] =	stream.indirect.gather [hbm4b:s4+s11], $0x40, s13, s11, $0xb8;
	[tilespmem:$0x16D00] =	vst v63  }
0x7d: {  	_ =	swait.ge [sflag:s23], $0x1F40  }
0x7e: {  	[sflag:s23] =	ssyncset.done $0x0  }
0x7f: {  	s15 =	sadd.s32 $0x2980, s1;
	[sflag:s23] =	ssyncadd.s32 $0xFFFFE0C0  }
0x80: {  	[spmem:s2] =	stream.indirect.scatter.add.f32 [tilespmem:s19], [sflag:$0x5], $0x40, s15, s11, $0xb8;
	[tilespmem:$0x16D00] =	vst v63  }
0x81: {  	_ =	swait.ge [sflag:s9], $0x1F40  }
0x82: {  	[sflag:s9] =	ssyncset.done $0x0  }
0x83: {  	[sflag:s9] =	ssyncadd.s32 $0xFFFFE0C0  }
0x84: {  	[tilespmem:s19], [sflag:$0x4] =	stream.indirect.gather [hbm4b:s4+s11], $0x40, s25, s11, $0xb8;
	[tilespmem:$0x16D00] =	vst v63  }
0x85: {  	_ =	swait.ge [sflag:s20], $0x1F40  }
0x86: {  	[sflag:s20] =	ssyncset.done $0x0  }
0x87: {  	[sflag:s20] =	ssyncadd.s32 $0xFFFFE0C0  }
0x88: {  	[spmem:s2] =	stream.indirect.scatter.add.f32 [tilespmem:s12], [sflag:$0x5], $0x40, s26, s11, $0xb8;
	[tilespmem:$0x16D00] =	vst v63  }
0x89: {  	_ =	swait.ge [sflag:s9], $0x1F40  }
0x8a: {  	[sflag:s9] =	ssyncset.done $0x0  }
0x8b: {  	[sflag:s9] =	ssyncadd.s32 $0xFFFFE0C0  }
0x8c: {  	_ =	swait.ge [sflag:s21], $0x1F40  }
0x8d: {  	[sflag:s21] =	ssyncset.done $0x0  }
0x8e: {  	[sflag:s21] =	ssyncadd.s32 $0xFFFFE0C0  }
0x8f: {  	[spmem:s2] =	stream.indirect.scatter.add.f32 [tilespmem:s14], [sflag:$0x5], $0x40, s28, s11, $0xb8;
	[tilespmem:$0x16D00] =	vst v63  }
0x90: {  	_ =	swait.ge [sflag:s9], $0x1F40  }
0x91: {  	[sflag:s9] =	ssyncset.done $0x0  }
0x92: {  	[sflag:s9] =	ssyncadd.s32 $0xFFFFE0C0  }
0x93: {  	_ =	swait.ge [sflag:s22], $0x1F40  }
0x94: {  	[sflag:s22] =	ssyncset.done $0x0  }
0x95: {  	[sflag:s22] =	ssyncadd.s32 $0xFFFFE0C0  }
0x96: {  	[spmem:s2] =	stream.indirect.scatter.add.f32 [tilespmem:s16], [sflag:$0x5], $0x40, s29, s11, $0xb8;
	[tilespmem:$0x16D00] =	vst v63  }
0x97: {  	_ =	swait.ge [sflag:s9], $0x1F40  }
0x98: {  	[sflag:s9] =	ssyncset.done $0x0  }
0x99: {  	[sflag:s9] =	ssyncadd.s32 $0xFFFFE0C0  }
0x9a: {  	_ =	swait.ge [sflag:s23], $0x1F40  }
0x9b: {  	[sflag:s23] =	ssyncset.done $0x0  }
0x9c: {  	[sflag:s23] =	ssyncadd.s32 $0xFFFFE0C0  }
0x9d: {  	[spmem:s2] =	stream.indirect.scatter.add.f32 [tilespmem:s19], [sflag:$0x5], $0x40, s30, s11, $0xb8;
	[tilespmem:$0x16D00] =	vst v63  }
0x9e: {  	_ =	swait.ge [sflag:s9], $0x1F40  }
0x9f: {  	s31 =	sadd.s32 $0x1, s31;
	[sflag:s9] =	ssyncset.done $0x0  }
0xa0: {  	p0 =	sne.s32 s31, s8;
	[sflag:s9] =	ssyncadd.s32 $0xFFFFE0C0  }
.Ltmp1:
0xa1: {  	[bflag:$0x0] =	sbarrier.arrive $0xFFFF;
	(pc) =	sbr.rel @p0 .LBB2_1-.Ltmp1, $4  }
0xa2: {  	[hbm:s24], [sflag:s17] =	dma.local [spmem:s18], $0x1400  }
0xa3: {  	_ =	swait.ge [sflag:s9], $0x1400  }
0xa4: {  	[sflag:s9] =	ssyncset.done $0x0  }
0xa5: {  	[sflag:s9] =	ssyncadd.s32 $0xFFFFEC00  }
0xa6: {  	_ =	sfence.sel $0x180000  }
0xa7: {  	[bflag:$0x0] =	sbarrier.arrive $0xFFFF  }
0xa8: {  	_ =	strace $0x90000050  }
0xa9: {  	s0 =	stileid.u32;
	[bflag:$0x2] =	sbarrier.arrive $0xFFFF  }
0xaa: {  	p0 =	sne.s32 s0, $0x0;
	s0 =	rddreg [dreg:$0x2]  }
0xab: {  	s0 =	sadd.s32 @!p0 $0x100000, s0  }
0xac: {  	[sflag:s0] =	ssyncadd.tile.s32 @!p0 $0x1;
	_ =	shalt  }
.Lfunc_end2:
_tile_overlayer_lowered:
.L_overlay_start_2:
0xad: {  	(tag) =	ssettag $0x2  }
0xae: {  	s0 =	rddreg [dreg:$0x0];
	s2 =	stileid.u32  }
0xaf: {  	s1 =	rddreg [dreg:$0x1];
	p0 =	sne.s32 s2, $0x0  }
0xb0: {  	s3 =	rddreg [dreg:$0x2];
	[bflag:$0x3] =	sbarrier.arrive $0xFFFF;
	s2 =	simm.s32 @!p0 $0x1C05  }
0xb1: {  	[timem:s3], [sflag:s2] =	dma.local @!p0 [hbm:s0], s1  }
0xb2: {  	s0 =	simm.s32 @!p0 $0x5  }
0xb3: {  	_ =	swait.ge @!p0 [sflag:s0], s1  }
0xb4: {  	s1 =	ssub.s32 @!p0 $0x0, s1;
	[sflag:s0] =	ssyncset.done @!p0 $0x0  }
0xb5: {  	[sflag:s0] =	ssyncadd.s32 @!p0 s1  }
0xb6: {  	[bflag:$0x3] =	sbarrier.arrive $0xFFFF  }
0xb7: {  	_ =	shalt  }

// kernel: kernel.28.cloned.1.call-start
scs
__scs_entry_jumppad:
0x0: {  	(pc) =	sbr.rel $0x88, $3  }
0x1: {  	(tag) =	ssettag $0x0;
	lr =	simm.s32 $0x1  }
0x2: {  	[smem:$0x3F95] =	sst lr;
	_ =	strace $0xD0000000  }
0x3: {  	_ = 	snop  }
0x4: {  	_ = 	snop  }
0x5: {  	_ = 	snop  }
0x6: {  	_ = 	snop  }
0x7: {  	_ = 	snop  }
__scs_overlays_trampoline_lowered:
0x8: {  	[smem:$0x3FA4] =	sst s0  }
0x9: {  	[smem:$0x3FA5] =	sst s1  }
0xa: {  	[smem:$0x3FA6] =	sst s2  }
0xb: {  	[smem:$0x3FA7] =	sst s3  }
0xc: {  	[smem:$0x3FA8] =	sst s4  }
0xd: {  	[smem:$0x3FA9] =	sst s5  }
0xe: {  	[smem:$0x3FAA] =	sst s6  }
0xf: {  	[smem:$0x3FAB] =	sst s7  }
0x10: {  	[smem:$0x3FAC] =	sst s8  }
0x11: {  	[smem:$0x3FAD] =	sst s9;
	s0 =	simm.s32 @!p0 $0x0  }
0x12: {  	s1 =	sld [smem:$0x3F93];
	s0 =	simm.s32 @p0 $0x1  }
0x13: {  	[smem:$0x3FAE] =	sst s0;
	s0 =	simm.s32 @!p1 $0x0  }
0x14: {  	s2 =	sld [smem:$0x3F92];
	s0 =	simm.s32 @p1 $0x1  }
0x15: {  	[smem:$0x3FAF] =	sst s0;
	s0 =	simm.s32 @!p2 $0x0  }
0x16: {  	s3 =	sld [smem:$0x3FDB];
	s0 =	simm.s32 @p2 $0x1  }
0x17: {  	s4 =	simm.s32 $0x1BF5;
	[smem:$0x3FB1] =	sst s0  }
0x18: {  	s0 =	sld [smem:$0x3F94];
	_ =	swait.ge [sflag:s4], $0x0  }
0x19: {  	s7 =	sld [smem:$0x3F95]  }
0x1a: {  	s8 =	sadd.s32 $0xFFFFE003, lr  }
0x1b: {  	s9 =	sadd.s32 $0xFFFFFEF7, lr;
	s5 =	simm.s32 $0xFFFFFFFF;
	p2 =	slt.u32 s8, $0xFFFFF086  }
0x1c: {  	p1 =	slt.u32 s9, $0xF7A;
	s5 =	simm.s32 @!p2 $0x0  }
0x1d: {  	s5 =	simm.s32 @p1 $0x1;
	p0 =	seq.s32 s7, s2  }
0x1e: {  	s7 =	smul.u32 @!p0 $0xF7A, s2;
	p2 =	seq.s32 @!p0 s5, $0x0  }
0x1f: {  	s9 =	smul.u32 $0xF7A, s1;
	s8 =	simm.s32 @!p0 $0x1BF5;
	p2 =	por !p2, p0  }
0x20: {  	[sflag:s8] =	ssyncset.s32 @!p0 $0xFFFFF086;
	s6 =	sadd.s32 @!p0 s3, s7;
	s7 =	simm.s32 @!p0 $0x108  }
0x21: {  	s3 =	sadd.s32 s3, s9;
	s6 =	sadd.s32 @!p0 $0x88, s6;
	s7 =	simm.s32 @p2 $0x1082  }
0x22: {  	[simem:s7], [sflag:s8] =	dma.local @!p0 [hbm:s6], $0xF7A  }
0x23: {  	s9 =	sor.u32 $0xD0000000, s2;
	s6 =	simm.s32 $0x108;
	_ =	swait.ge @!p0 [sflag:s8], $0x0  }
0x24: {  	s3 =	sadd.s32 $0x88, s3;
	s6 =	simm.s32 @!p1 $0x1082;
	[sflag:s4] =	ssyncset.s32 $0xFFFFF086  }
0x25: {  	[simem:s6], [sflag:s4] =	dma.local [hbm:s3], $0xF7A  }
0x26: {  	[smem:$0x3F95] =	sst s1;
	(tag) =	ssettag s2;
	_ =	strace s9  }
0x27: {  	s1 =	sld [smem:$0x3FA5]  }
0x28: {  	s2 =	sld [smem:$0x3FA6]  }
0x29: {  	s4 =	sld [smem:$0x3FA8]  }
0x2a: {  	p0 =	seq.s32 s5, $0x0;
	s5 =	sld [smem:$0x3FA9]  }
0x2b: {  	s6 =	sld [smem:$0x3FAA]  }
0x2c: {  	s7 =	sld [smem:$0x3FAB]  }
0x2d: {  	s3 =	simm.s32 $0x108;
	s8 =	sld [smem:$0x3FAC]  }
0x2e: {  	s3 =	simm.s32 @!p0 $0x1082;
	s9 =	sld [smem:$0x3FAD]  }
0x2f: {  	lr =	sadd.s32 s0, s3;
	s0 =	sld [smem:$0x3FA4]  }
0x30: {  	s3 =	sld [smem:$0x3FA7]  }
0x31: {  	[smem:$0x3FB0] =	sst s10  }
0x32: {  	s10 =	sld [smem:$0x3FAE];
	_ =	sdelay $0x3  }
0x33: {  	p0 =	seq.s32 s10, $0x1;
	s10 =	sld [smem:$0x3FB0];
	_ =	sdelay $0x3  }
0x34: {  	[smem:$0x3FB0] =	sst s10  }
0x35: {  	s10 =	sld [smem:$0x3FAF];
	_ =	sdelay $0x3  }
0x36: {  	p1 =	seq.s32 s10, $0x1;
	s10 =	sld [smem:$0x3FB0];
	_ =	sdelay $0x3  }
0x37: {  	[smem:$0x3FB0] =	sst s10  }
0x38: {  	s10 =	sld [smem:$0x3FB1]  }
0x39: {  	_ = 	snop;
	(pc) =	sbr.ind lr, $3  }
0x3a: {  	_ = 	snop  }
0x3b: {  	_ = 	snop  }
0x3c: {  	p2 =	seq.s32 s10, $0x1;
	s10 =	sld [smem:$0x3FB0]  }
0x3d: {  	_ =	shalt  }
0x3e: {  	_ =	shalt  }
0x3f: {  	_ =	shalt  }
0x40: {  	_ =	shalt  }
0x41: {  	_ =	shalt  }
0x42: {  	_ =	shalt  }
0x43: {  	_ =	shalt  }
0x44: {  	_ =	shalt  }
0x45: {  	_ =	shalt  }
0x46: {  	_ =	shalt  }
0x47: {  	_ =	shalt  }
0x48: {  	_ =	shalt  }
0x49: {  	_ =	shalt  }
0x4a: {  	_ =	shalt  }
0x4b: {  	_ =	shalt  }
0x4c: {  	_ =	shalt  }
0x4d: {  	_ =	shalt  }
0x4e: {  	_ =	shalt  }
0x4f: {  	_ =	shalt  }
0x50: {  	_ =	shalt  }
0x51: {  	_ =	shalt  }
0x52: {  	_ =	shalt  }
0x53: {  	_ =	shalt  }
0x54: {  	_ =	shalt  }
0x55: {  	_ =	shalt  }
0x56: {  	_ =	shalt  }
0x57: {  	_ =	shalt  }
0x58: {  	_ =	shalt  }
0x59: {  	_ =	shalt  }
0x5a: {  	_ =	shalt  }
0x5b: {  	_ =	shalt  }
0x5c: {  	_ =	shalt  }
0x5d: {  	_ =	shalt  }
0x5e: {  	_ =	shalt  }
0x5f: {  	_ =	shalt  }
0x60: {  	_ =	shalt  }
0x61: {  	_ =	shalt  }
0x62: {  	_ =	shalt  }
0x63: {  	_ =	shalt  }
0x64: {  	_ =	shalt  }
0x65: {  	_ =	shalt  }
0x66: {  	_ =	shalt  }
0x67: {  	_ =	shalt  }
0x68: {  	_ =	shalt  }
0x69: {  	_ =	shalt  }
0x6a: {  	_ =	shalt  }
0x6b: {  	_ =	shalt  }
0x6c: {  	_ =	shalt  }
0x6d: {  	_ =	shalt  }
0x6e: {  	_ =	shalt  }
0x6f: {  	_ =	shalt  }
0x70: {  	_ =	shalt  }
0x71: {  	_ =	shalt  }
0x72: {  	_ =	shalt  }
0x73: {  	_ =	shalt  }
0x74: {  	_ =	shalt  }
0x75: {  	_ =	shalt  }
0x76: {  	_ =	shalt  }
0x77: {  	_ =	shalt  }
0x78: {  	_ =	shalt  }
0x79: {  	_ =	shalt  }
0x7a: {  	_ =	shalt  }
0x7b: {  	_ =	shalt  }
0x7c: {  	_ =	shalt  }
0x7d: {  	_ =	shalt  }
0x7e: {  	_ =	shalt  }
0x7f: {  	_ =	shalt  }
0x80: {  	_ =	shalt  }
0x81: {  	_ =	shalt  }
0x82: {  	_ =	shalt  }
0x83: {  	_ =	shalt  }
0x84: {  	_ =	shalt  }
0x85: {  	_ =	shalt  }
0x86: {  	_ =	shalt  }
0x87: {  	_ =	shalt  }
.Lfunc_end0:
.L_simem_size_0:
called_computation.4_lowered:
.L_overlay_start_0:
0x88: {  	s2 =	sld [smem:$0x3FD9]  }
0x89: {  	s3 =	sld [smem:$0x3FFE];
	_ =	sdelay $0x1  }
0x8a: {  	s1 =	srdreg.scid  }
0x8b: {  	s0 =	sand.u32 $0x1, s1  }
0x8c: {  	s15 =	sshll.u32 s0, $0xA;
	s2 =	sadd.s32 s3, s2  }
0x8d: {  	s2 =	sadd.s32 s2, s15  }
0x8e: {  	[smem:$0x3FBC] =	sst s2  }
0x8f: {  	_ = 	snop  }
0x90: {  	s2 =	sld [smem:$0x3FD0];
	_ =	sdelay $0x2  }
0x91: {  	s4 =	simm.s32 $0xB;
	s16 =	simm.s32 $0x10  }
0x92: {  	[smem:s16], [sflag:s4] =	dma.local [hbm:s2], $0x1  }
0x93: {  	_ =	swait.eq [sflag:s4], $0x1  }
0x94: {  	[sflag:s4] =	ssyncset.done $0x0  }
0x95: {  	s17 =	sld [smem:$0x10];
	[sflag:s4] =	ssyncadd.s32 $0xFFFFFFFF  }
0x96: {  	s18 =	sld [smem:$0x11];
	(tm) =	ssettm $0x1  }
0x97: {  	s19 =	sld [smem:$0x3FFB];
	_ =	sdelay $0x3  }
0x98: {  	_ =	strace s19  }
0x99: {  	s2 =	sld [smem:$0x3FFC];
	_ =	sdelay $0x3  }
0x9a: {  	_ =	strace s2  }
0x9b: {  	s2 =	sld [smem:$0x3FFD];
	_ =	sdelay $0x3  }
0x9c: {  	_ =	strace s2  }
0x9d: {  	_ =	strace $0x8FFFFFFF  }
0x9e: {  	s20 =	sld [smem:$0x3FDB];
	_ =	sdelay $0x1  }
0x9f: {  	s5 =	simm.s32 $_scs_section_size  }
0xa0: {  	s6 =	simm.s32 $_size__tile_overlayer_lowered;
	s7 =	simm.s32 $_tile_overlayer_lowered  }
0xa1: {  	s8 =	simm.s32 $0x1BFF;
	s21 =	sshll.u32 s7, $0x1;
	s5 =	sadd.s32 s5, s20  }
0xa2: {  	s22 =	simm.s32 $0x0;
	s6 =	sshll.u32 s6, $0x1;
	s7 =	sadd.s32 s21, s5  }
0xa3: {  	[timem:s22], [sflag:s8] =	dma.local [hbm:s7], s6  }
0xa4: {  	_ =	swait.ge [sflag:s8], s6  }
0xa5: {  	s6 =	ssub.s32 $0x0, s6;
	[sflag:s8] =	ssyncset.done $0x0  }
0xa6: {  	[sflag:s8] =	ssyncadd.s32 s6;
	_ =	sdelay $0x1  }
0xa7: {  	s23 =	simm.s32 $0x1B8B  }
0xa8: {  	_ =	swait.ge [sflag:s23], $0x1  }
0xa9: {  	[sflag:s23] =	ssyncset.done $0x0  }
0xaa: {  	[sflag:s23] =	ssyncadd.s32 $0xFFFFFFFF  }
0xab: {  	s6 =	sld [smem:$0x0]  }
0xac: {  	s7 =	sand.u32 $0xFFFFFFFE, s1  }
0xad: {  	p0 =	sne.s32 s1, s7  }
0xae: {  	s7 =	sshll.u32 @p0 s7, $0xE  }
0xaf: {  	s7 =	sadd.s32 @p0 $0x11B8D, s7;
	s8 =	sshll.u32 @p0 s6, $0x11  }
0xb0: {  	s7 =	sor.u32 @p0 s8, s7  }
0xb1: {  	[sflag:s7] =	ssyncadd.remote.s32 @p0 $0x1;
	_ =	sdelay $0x1  }
0xb2: {  	s7 =	simm.s32 @p0 $0x1B8D  }
0xb3: {  	_ =	swait.eq @p0 [sflag:s7], $0x1  }
0xb4: {  	[sflag:s7] =	ssyncadd.s32 @p0 $0xFFFFFFFF  }
0xb5: {  	s8 =	sshll.u32 @!p0 s1, $0xE  }
0xb6: {  	s8 =	sor.u32 @!p0 $0x4000, s8;
	s7 =	simm.s32 @!p0 $0x1B8D  }
0xb7: {  	s6 =	sshll.u32 @!p0 s6, $0x11;
	s8 =	sadd.s32 @!p0 $0x11B8D, s8;
	_ =	swait.eq @!p0 [sflag:s7], $0x1  }
0xb8: {  	s6 =	sor.u32 @!p0 s6, s8;
	[sflag:s7] =	ssyncadd.s32 @!p0 $0xFFFFFFFF  }
0xb9: {  	s25 =	simm.s32 $0x1B8E;
	s24 =	sld [smem:$0x3FFE];
	[sflag:s6] =	ssyncadd.remote.s32 @!p0 $0x1  }
0xba: {  	s26 =	simm.s32 $execute0_lowered;
	[smem:$0x3FD2] =	sst s25  }
0xbb: {  	s7 =	sshll.u32 s26, $0x1;
	_ =	strace $0x80000052;
	[dreg:$0x1] =	wrdreg $0xFFFFFFFF  }
0xbc: {  	s28 =	simm.s32 $_size_execute0_lowered;
	s5 =	sadd.s32 s5, s7;
	[dreg:$0x0] =	wrdreg $0x0  }
0xbd: {  	s7 =	sshll.u32 s28, $0x1;
	[dreg:$0x2] =	wrdreg s5  }
0xbe: {  	[dreg:$0x3] =	wrdreg s7  }
0xbf: {  	[dreg:$0x4] =	wrdreg $0xC0  }
0xc0: {  	_ =	task [dreg:s22], $0x5FFFF  }
0xc1: {  	[dreg:$0x1] =	wrdreg $0xFFFFFFFF  }
0xc2: {  	[dreg:$0x0] =	wrdreg $0x60  }
0xc3: {  	[dreg:$0x2] =	wrdreg s24  }
0xc4: {  	[dreg:$0x3] =	wrdreg s18  }
0xc5: {  	[dreg:$0x4] =	wrdreg s17  }
0xc6: {  	[dreg:$0x5] =	wrdreg $0xCD000  }
0xc7: {  	[dreg:$0x6] =	wrdreg $0x9  }
0xc8: {  	_ =	task.clear_ibuf [dreg:s22], $0x7FFFF;
	_ =	strace $0x90000052  }
0xc9: {  	s29 =	simm.s32 $0x9;
	_ =	strace $0x80000054  }
0xca: {  	_ =	swait.ge [sflag:s29], $0x1  }
0xcb: {  	[sflag:s29] =	ssyncadd.s32 $0xFFFFFFFF  }
0xcc: {  	_ =	strace $0x90000054  }
0xcd: {  	_ =	sfence  }
0xce: {  	s30 =	sld [smem:$0x0];
	_ =	sdelay $0x2  }
0xcf: {  	s31 =	sshll.u32 s1, $0xD;
	s1 =	sshrl.u32 s1, $0x2  }
0xd0: {  	s4 =	sand.u32 $0x4000, s31;
	s1 =	sadd.s32 s1, s30  }
0xd1: {  	s0 =	sor.u32 s4, s0;
	s1 =	sshll.u32 s1, $0x11  }
0xd2: {  	s0 =	sor.u32 s1, s0  }
0xd3: {  	s0 =	sadd.s32 $0x8F2B, s0  }
0xd4: {  	[sflag:s0] =	ssyncadd.remote.s32 $0x1  }
0xd5: {  	_ =	sfence.sel $0xFFFF  }
0xd6: {  	[dreg:$0x0] =	wrdreg $0xFFFFFFFF;
	(pc) =	sbr.abs _section_cstart, $3  }
0xd7: {  	[dreg:$0x1] =	wrdreg $0xFFFFFFFF  }
0xd8: {  	_ =	task.clear_ibuf [dreg:s22], $0x2FFFF;
	_ =	strace $0x9FFFFFFF  }
0xd9: {  	(tm) =	ssettm $0x7FFFFFFF  }
tec
execute0_lowered:
.L_overlay_start_1:
0x0: {  	(tag) =	ssettag $0x1  }
0x1: {  	s0 =	rddreg [dreg:$0x0]  }
0x2: {  	s2 =	srdreg.scid;
	s1 =	rddreg [dreg:$0x1]  }
0x3: {  	s8 =	rddreg [dreg:$0x2];
	s15 =	stileid.u32  }
0x4: {  	s3 =	rddreg [dreg:$0x3];
	s11 =	simm.s32 $0x7D;
	s12 =	simm.s32 $0x5000  }
0x5: {  	s14 =	simm.s32 $0x6F40;
	s16 =	simm.s32 $0x8E80;
	s19 =	simm.s32 $0xADC0  }
0x6: {  	s20 =	simm.s32 $0x1;
	s21 =	simm.s32 $0x2;
	s22 =	simm.s32 $0x3  }
0x7: {  	s23 =	simm.s32 $0x4;
	s28 =	simm.s32 $0x4E80;
	s29 =	simm.s32 $0x4F00  }
0x8: {  	s30 =	simm.s32 $0x4F80;
	s31 =	simm.s32 $0x0;
	s2 =	sand.u32 $0x1, s2  }
0x9: {  	s7 =	smul.u32 $0xA000, s15;
	s26 =	sshll.u32 s15, $0x6;
	s4 =	sshll.u32 s2, $0x4  }
0xa: {  	s24 =	ssub.s32 $0x2, s2;
	s2 =	smul.u32 $0x14000, s2;
	s17 =	sor.u32 $0x1C05, s26  }
0xb: {  	s26 =	simm.s32 $0x4E00;
	s5 =	sor.u32 s15, s4;
	s4 =	simm.s32 $0x0  }
0xc: {  	s10 =	sshrl.u32 s7, $0x3;
	s9 =	sshrl.u32 s24, $0x1;
	s13 =	sadd.s32 s7, s3  }
0xd: {  	s5 =	smul.u32 $0x500, s5;
	[smem:$0x7FF] =	sst s4;
	s9 =	ssub.s32 s24, s9  }
0xe: {  	s25 =	sadd.s32 s8, s2;
	s18 =	sshrl.u32 s13, $0x3;
	_ =	strace $0x80000053  }
0xf: {  	s8 =	smax.u32 s9, $0x1;
	s9 =	simm.s32 $0x5;
	s24 =	sadd.s32 s10, s25  }
0x10: {  	s25 =	simm.s32 $0x2780;
	s6 =	sadd.s32 s5, s0;
	s0 =	sadd.s32 s10, s0  }
0x11: {  	s5 =	sadd.s32 $0xD600, s6;
	s6 =	sadd.s32 $0x3400, s6;
	s7 =	sadd.s32 $0x7B000, s0  }
.LBB2_1:
0x12: {  	[tilespmem:s4], [sflag:$0x5] =	stream.linear.gather [hbm4b:s5+s4], $0x2800, $0x38;
	[tilespmem:$0x16D00] =	vst v63  }
0x13: {  	_ =	swait.ge [sflag:s9], $0x2800  }
0x14: {  	[sflag:s9] =	ssyncset.done $0x0  }
0x15: {  	s0 =	simm.s32 $0x2800;
	[sflag:s9] =	ssyncadd.s32 $0xFFFFD800  }
0x16: {  	[tilespmem:s0], [sflag:$0x5] =	stream.linear.gather [hbm4b:s6+s4], $0x2800, $0x38;
	[tilespmem:$0x16D00] =	vst v63  }
0x17: {  	_ =	swait.ge [sflag:s9], $0x2800  }
0x18: {  	[sflag:s9] =	ssyncset.done $0x0  }
0x19: {  	[sflag:s9] =	ssyncadd.s32 $0xFFFFD800  }
0x1a: {  	[tilespmem:s12], [sflag:$0x1] =	stream.indirect.gather [hbm4b:s1+s11], $0x40, s4, s11, $0xb8;
	[tilespmem:$0x16D00] =	vst v63  }
0x1b: {  	s13 =	simm.s32 $0x80  }
0x1c: {  	[tilespmem:s14], [sflag:$0x2] =	stream.indirect.gather [hbm4b:s1+s11], $0x40, s13, s11, $0xb8;
	[tilespmem:$0x16D00] =	vst v63  }
0x1d: {  	s15 =	simm.s32 $0x100  }
0x1e: {  	[tilespmem:s16], [sflag:$0x3] =	stream.indirect.gather [hbm4b:s1+s11], $0x40, s15, s11, $0xb8;
	[tilespmem:$0x16D00] =	vst v63  }
0x1f: {  	[spmem:s18], [sflag:s17] =	dma.local [hbm:s7], $0x1400  }
0x20: {  	_ =	swait.ge [sflag:s9], $0x1400  }
0x21: {  	[sflag:s9] =	ssyncset.done $0x0  }
0x22: {  	[sflag:s9] =	ssyncadd.s32 $0xFFFFEC00  }
0x23: {  	s2 =	simm.s32 $0x180;
	[bflag:$0x0] =	sbarrier.arrive $0xFFFF  }
0x24: {  	[tilespmem:s19], [sflag:$0x4] =	stream.indirect.gather [hbm4b:s1+s11], $0x40, s2, s11, $0xb8;
	[tilespmem:$0x16D00] =	vst v63  }
0x25: {  	_ =	swait.ge [sflag:s20], $0x1F40  }
0x26: {  	[sflag:s20] =	ssyncset.done $0x0  }
0x27: {  	s10 =	simm.s32 $0x2800;
	[sflag:s20] =	ssyncadd.s32 $0xFFFFE0C0  }
0x28: {  	[spmem:s3] =	stream.indirect.scatter.add.f32 [tilespmem:s12], [sflag:$0x5], $0x40, s10, s11, $0xb8;
	[tilespmem:$0x16D00] =	vst v63  }
0x29: {  	_ =	swait.ge [sflag:s9], $0x1F40  }
0x2a: {  	[sflag:s9] =	ssyncset.done $0x0  }
0x2b: {  	s13 =	simm.s32 $0x200;
	[sflag:s9] =	ssyncadd.s32 $0xFFFFE0C0  }
0x2c: {  	[tilespmem:s12], [sflag:$0x1] =	stream.indirect.gather [hbm4b:s1+s11], $0x40, s13, s11, $0xb8;
	[tilespmem:$0x16D00] =	vst v63  }
0x2d: {  	_ =	swait.ge [sflag:s21], $0x1F40  }
0x2e: {  	[sflag:s21] =	ssyncset.done $0x0  }
0x2f: {  	s15 =	simm.s32 $0x2880;
	[sflag:s21] =	ssyncadd.s32 $0xFFFFE0C0  }
0x30: {  	[spmem:s3] =	stream.indirect.scatter.add.f32 [tilespmem:s14], [sflag:$0x5], $0x40, s15, s11, $0xb8;
	[tilespmem:$0x16D00] =	vst v63  }
0x31: {  	_ =	swait.ge [sflag:s9], $0x1F40  }
0x32: {  	[sflag:s9] =	ssyncset.done $0x0  }
0x33: {  	s2 =	simm.s32 $0x280;
	[sflag:s9] =	ssyncadd.s32 $0xFFFFE0C0  }
0x34: {  	[tilespmem:s14], [sflag:$0x2] =	stream.indirect.gather [hbm4b:s1+s11], $0x40, s2, s11, $0xb8;
	[tilespmem:$0x16D00] =	vst v63  }
0x35: {  	_ =	swait.ge [sflag:s22], $0x1F40  }
0x36: {  	[sflag:s22] =	ssyncset.done $0x0  }
0x37: {  	s10 =	simm.s32 $0x2900;
	[sflag:s22] =	ssyncadd.s32 $0xFFFFE0C0  }
0x38: {  	[spmem:s3] =	stream.indirect.scatter.add.f32 [tilespmem:s16], [sflag:$0x5], $0x40, s10, s11, $0xb8;
	[tilespmem:$0x16D00] =	vst v63  }
0x39: {  	_ =	swait.ge [sflag:s9], $0x1F40  }
0x3a: {  	[sflag:s9] =	ssyncset.done $0x0  }
0x3b: {  	s13 =	simm.s32 $0x300;
	[sflag:s9] =	ssyncadd.s32 $0xFFFFE0C0  }
0x3c: {  	[tilespmem:s16], [sflag:$0x3] =	stream.indirect.gather [hbm4b:s1+s11], $0x40, s13, s11, $0xb8;
	[tilespmem:$0x16D00] =	vst v63  }
0x3d: {  	_ =	swait.ge [sflag:s23], $0x1F40  }
0x3e: {  	[sflag:s23] =	ssyncset.done $0x0  }
0x3f: {  	s15 =	simm.s32 $0x2980;
	[sflag:s23] =	ssyncadd.s32 $0xFFFFE0C0  }
0x40: {  	[spmem:s3] =	stream.indirect.scatter.add.f32 [tilespmem:s19], [sflag:$0x5], $0x40, s15, s11, $0xb8;
	[tilespmem:$0x16D00] =	vst v63  }
0x41: {  	_ =	swait.ge [sflag:s9], $0x1F40  }
0x42: {  	s0 =	simm.s32 $0x1000;
	s2 =	simm.s32 $0x200;
	[sflag:s9] =	ssyncset.done $0x0  }
.LBB2_2:
0x43: {  	s15 =	sadd.s32 $0x180, s2  }
0x44: {  	[sflag:s9] =	ssyncadd.s32 $0xFFFFE0C0;
	s10 =	smov.u32 s0;
	s13 =	sadd.s32 $0x800, s0  }
0x45: {  	[tilespmem:s19], [sflag:$0x4] =	stream.indirect.gather [hbm4b:s1+s11], $0x40, s15, s11, $0xb8;
	[tilespmem:$0x16D00] =	vst v63  }
0x46: {  	p0 =	sne.s32 s0, $0x9000;
	_ =	swait.ge [sflag:s20], $0x1F40  }
0x47: {  	[sflag:s20] =	ssyncset.done $0x0  }
0x48: {  	s0 =	sadd.s32 $0x2800, s2;
	[sflag:s20] =	ssyncadd.s32 $0xFFFFE0C0  }
0x49: {  	[spmem:s3] =	stream.indirect.scatter.add.f32 [tilespmem:s12], [sflag:$0x5], $0x40, s0, s11, $0xb8;
	[tilespmem:$0x16D00] =	vst v63  }
0x4a: {  	_ =	swait.ge [sflag:s9], $0x1F40  }
0x4b: {  	[sflag:s9] =	ssyncset.done $0x0  }
0x4c: {  	s0 =	sadd.s32 $0x200, s2;
	[sflag:s9] =	ssyncadd.s32 $0xFFFFE0C0  }
0x4d: {  	[tilespmem:s12], [sflag:$0x1] =	stream.indirect.gather [hbm4b:s1+s11], $0x40, s0, s11, $0xb8;
	[tilespmem:$0x16D00] =	vst v63  }
0x4e: {  	_ =	swait.ge [sflag:s21], $0x1F40  }
0x4f: {  	[sflag:s21] =	ssyncset.done $0x0  }
0x50: {  	s0 =	sadd.s32 $0x2880, s2;
	[sflag:s21] =	ssyncadd.s32 $0xFFFFE0C0  }
0x51: {  	[spmem:s3] =	stream.indirect.scatter.add.f32 [tilespmem:s14], [sflag:$0x5], $0x40, s0, s11, $0xb8;
	[tilespmem:$0x16D00] =	vst v63  }
0x52: {  	_ =	swait.ge [sflag:s9], $0x1F40  }
0x53: {  	[sflag:s9] =	ssyncset.done $0x0  }
0x54: {  	s0 =	sadd.s32 $0x280, s2;
	[sflag:s9] =	ssyncadd.s32 $0xFFFFE0C0  }
0x55: {  	[tilespmem:s14], [sflag:$0x2] =	stream.indirect.gather [hbm4b:s1+s11], $0x40, s0, s11, $0xb8;
	[tilespmem:$0x16D00] =	vst v63  }
0x56: {  	_ =	swait.ge [sflag:s22], $0x1F40  }
0x57: {  	[sflag:s22] =	ssyncset.done $0x0  }
0x58: {  	s0 =	sadd.s32 $0x2900, s2;
	[sflag:s22] =	ssyncadd.s32 $0xFFFFE0C0  }
0x59: {  	[spmem:s3] =	stream.indirect.scatter.add.f32 [tilespmem:s16], [sflag:$0x5], $0x40, s0, s11, $0xb8;
	[tilespmem:$0x16D00] =	vst v63  }
0x5a: {  	_ =	swait.ge [sflag:s9], $0x1F40  }
0x5b: {  	[sflag:s9] =	ssyncset.done $0x0  }
0x5c: {  	s0 =	sadd.s32 $0x300, s2;
	[sflag:s9] =	ssyncadd.s32 $0xFFFFE0C0  }
0x5d: {  	[tilespmem:s16], [sflag:$0x3] =	stream.indirect.gather [hbm4b:s1+s11], $0x40, s0, s11, $0xb8;
	[tilespmem:$0x16D00] =	vst v63  }
0x5e: {  	_ =	swait.ge [sflag:s23], $0x1F40  }
.Ltmp0:
0x5f: {  	[sflag:s23] =	ssyncset.done $0x0;
	(pc) =	sbr.rel @p0 .LBB2_2-.Ltmp0, $4  }
0x60: {  	s0 =	sadd.s32 $0x2980, s2;
	[sflag:s23] =	ssyncadd.s32 $0xFFFFE0C0  }
0x61: {  	[spmem:s3] =	stream.indirect.scatter.add.f32 [tilespmem:s19], [sflag:$0x5], $0x40, s0, s11, $0xb8;
	[tilespmem:$0x16D00] =	vst v63  }
0x62: {  	_ =	swait.ge [sflag:s9], $0x1F40  }
0x63: {  	s2 =	sshra.s32 s10, $0x2;
	s0 =	smov.u32 s13;
	[sflag:s9] =	ssyncset.done $0x0  }
0x64: {  	s0 =	sadd.s32 $0x180, s2;
	[sflag:s9] =	ssyncadd.s32 $0xFFFFE0C0  }
0x65: {  	[tilespmem:s19], [sflag:$0x4] =	stream.indirect.gather [hbm4b:s1+s11], $0x40, s0, s11, $0xb8;
	[tilespmem:$0x16D00] =	vst v63  }
0x66: {  	_ =	swait.ge [sflag:s20], $0x1F40  }
0x67: {  	[sflag:s20] =	ssyncset.done $0x0  }
0x68: {  	s15 =	sadd.s32 $0x2800, s2;
	[sflag:s20] =	ssyncadd.s32 $0xFFFFE0C0  }
0x69: {  	[spmem:s3] =	stream.indirect.scatter.add.f32 [tilespmem:s12], [sflag:$0x5], $0x40, s15, s11, $0xb8;
	[tilespmem:$0x16D00] =	vst v63  }
0x6a: {  	_ =	swait.ge [sflag:s9], $0x1F40  }
0x6b: {  	[sflag:s9] =	ssyncset.done $0x0  }
0x6c: {  	s10 =	sadd.s32 $0x200, s2;
	[sflag:s9] =	ssyncadd.s32 $0xFFFFE0C0  }
0x6d: {  	[tilespmem:s12], [sflag:$0x1] =	stream.indirect.gather [hbm4b:s1+s11], $0x40, s10, s11, $0xb8;
	[tilespmem:$0x16D00] =	vst v63  }
0x6e: {  	_ =	swait.ge [sflag:s21], $0x1F40  }
0x6f: {  	[sflag:s21] =	ssyncset.done $0x0  }
0x70: {  	s13 =	sadd.s32 $0x2880, s2;
	[sflag:s21] =	ssyncadd.s32 $0xFFFFE0C0  }
0x71: {  	[spmem:s3] =	stream.indirect.scatter.add.f32 [tilespmem:s14], [sflag:$0x5], $0x40, s13, s11, $0xb8;
	[tilespmem:$0x16D00] =	vst v63  }
0x72: {  	_ =	swait.ge [sflag:s9], $0x1F40  }
0x73: {  	[sflag:s9] =	ssyncset.done $0x0  }
0x74: {  	s15 =	sadd.s32 $0x280, s2;
	[sflag:s9] =	ssyncadd.s32 $0xFFFFE0C0  }
0x75: {  	[tilespmem:s14], [sflag:$0x2] =	stream.indirect.gather [hbm4b:s1+s11], $0x40, s15, s11, $0xb8;
	[tilespmem:$0x16D00] =	vst v63  }
0x76: {  	_ =	swait.ge [sflag:s22], $0x1F40  }
0x77: {  	[sflag:s22] =	ssyncset.done $0x0  }
0x78: {  	s10 =	sadd.s32 $0x2900, s2;
	[sflag:s22] =	ssyncadd.s32 $0xFFFFE0C0  }
0x79: {  	[spmem:s3] =	stream.indirect.scatter.add.f32 [tilespmem:s16], [sflag:$0x5], $0x40, s10, s11, $0xb8;
	[tilespmem:$0x16D00] =	vst v63  }
0x7a: {  	_ =	swait.ge [sflag:s9], $0x1F40  }
0x7b: {  	[sflag:s9] =	ssyncset.done $0x0  }
0x7c: {  	s13 =	sadd.s32 $0x300, s2;
	[sflag:s9] =	ssyncadd.s32 $0xFFFFE0C0  }
0x7d: {  	[tilespmem:s16], [sflag:$0x3] =	stream.indirect.gather [hbm4b:s1+s11], $0x40, s13, s11, $0xb8;
	[tilespmem:$0x16D00] =	vst v63  }
0x7e: {  	_ =	swait.ge [sflag:s23], $0x1F40  }
0x7f: {  	[sflag:s23] =	ssyncset.done $0x0  }
0x80: {  	s15 =	sadd.s32 $0x2980, s2;
	[sflag:s23] =	ssyncadd.s32 $0xFFFFE0C0  }
0x81: {  	[spmem:s3] =	stream.indirect.scatter.add.f32 [tilespmem:s19], [sflag:$0x5], $0x40, s15, s11, $0xb8;
	[tilespmem:$0x16D00] =	vst v63  }
0x82: {  	_ =	swait.ge [sflag:s9], $0x1F40  }
0x83: {  	[sflag:s9] =	ssyncset.done $0x0  }
0x84: {  	[sflag:s9] =	ssyncadd.s32 $0xFFFFE0C0  }
0x85: {  	[tilespmem:s19], [sflag:$0x4] =	stream.indirect.gather [hbm4b:s1+s11], $0x40, s25, s11, $0xb8;
	[tilespmem:$0x16D00] =	vst v63  }
0x86: {  	_ =	swait.ge [sflag:s20], $0x1F40  }
0x87: {  	[sflag:s20] =	ssyncset.done $0x0  }
0x88: {  	[sflag:s20] =	ssyncadd.s32 $0xFFFFE0C0  }
0x89: {  	[spmem:s3] =	stream.indirect.scatter.add.f32 [tilespmem:s12], [sflag:$0x5], $0x40, s26, s11, $0xb8;
	[tilespmem:$0x16D00] =	vst v63  }
0x8a: {  	_ =	swait.ge [sflag:s9], $0x1F40  }
0x8b: {  	[sflag:s9] =	ssyncset.done $0x0  }
0x8c: {  	[sflag:s9] =	ssyncadd.s32 $0xFFFFE0C0  }
0x8d: {  	_ =	swait.ge [sflag:s21], $0x1F40  }
0x8e: {  	[sflag:s21] =	ssyncset.done $0x0  }
0x8f: {  	[sflag:s21] =	ssyncadd.s32 $0xFFFFE0C0  }
0x90: {  	[spmem:s3] =	stream.indirect.scatter.add.f32 [tilespmem:s14], [sflag:$0x5], $0x40, s28, s11, $0xb8;
	[tilespmem:$0x16D00] =	vst v63  }
0x91: {  	_ =	swait.ge [sflag:s9], $0x1F40  }
0x92: {  	[sflag:s9] =	ssyncset.done $0x0  }
0x93: {  	[sflag:s9] =	ssyncadd.s32 $0xFFFFE0C0  }
0x94: {  	_ =	swait.ge [sflag:s22], $0x1F40  }
0x95: {  	[sflag:s22] =	ssyncset.done $0x0  }
0x96: {  	[sflag:s22] =	ssyncadd.s32 $0xFFFFE0C0  }
0x97: {  	[spmem:s3] =	stream.indirect.scatter.add.f32 [tilespmem:s16], [sflag:$0x5], $0x40, s29, s11, $0xb8;
	[tilespmem:$0x16D00] =	vst v63  }
0x98: {  	_ =	swait.ge [sflag:s9], $0x1F40  }
0x99: {  	[sflag:s9] =	ssyncset.done $0x0  }
0x9a: {  	[sflag:s9] =	ssyncadd.s32 $0xFFFFE0C0  }
0x9b: {  	_ =	swait.ge [sflag:s23], $0x1F40  }
0x9c: {  	[sflag:s23] =	ssyncset.done $0x0  }
0x9d: {  	[sflag:s23] =	ssyncadd.s32 $0xFFFFE0C0  }
0x9e: {  	[spmem:s3] =	stream.indirect.scatter.add.f32 [tilespmem:s19], [sflag:$0x5], $0x40, s30, s11, $0xb8;
	[tilespmem:$0x16D00] =	vst v63  }
0x9f: {  	_ =	swait.ge [sflag:s9], $0x1F40  }
0xa0: {  	s31 =	sadd.s32 $0x1, s31;
	[sflag:s9] =	ssyncset.done $0x0  }
0xa1: {  	p0 =	sne.s32 s31, s8;
	[sflag:s9] =	ssyncadd.s32 $0xFFFFE0C0  }
.Ltmp1:
0xa2: {  	[bflag:$0x0] =	sbarrier.arrive $0xFFFF;
	(pc) =	sbr.rel @p0 .LBB2_1-.Ltmp1, $4  }
0xa3: {  	[hbm:s24], [sflag:s17] =	dma.local [spmem:s18], $0x1400  }
0xa4: {  	_ =	swait.ge [sflag:s9], $0x1400  }
0xa5: {  	[sflag:s9] =	ssyncset.done $0x0  }
0xa6: {  	[sflag:s9] =	ssyncadd.s32 $0xFFFFEC00  }
0xa7: {  	_ =	sfence.sel $0x180000  }
0xa8: {  	[bflag:$0x0] =	sbarrier.arrive $0xFFFF  }
0xa9: {  	_ =	strace $0x90000053  }
0xaa: {  	s0 =	stileid.u32;
	[bflag:$0x2] =	sbarrier.arrive $0xFFFF  }
0xab: {  	p0 =	sne.s32 s0, $0x0;
	s0 =	rddreg [dreg:$0x4]  }
0xac: {  	s0 =	sadd.s32 @!p0 $0x100000, s0  }
0xad: {  	[sflag:s0] =	ssyncadd.tile.s32 @!p0 $0x1;
	_ =	shalt  }
.Lfunc_end2:
_tile_overlayer_lowered:
.L_overlay_start_2:
0xae: {  	(tag) =	ssettag $0x2  }
0xaf: {  	s0 =	rddreg [dreg:$0x0];
	s2 =	stileid.u32  }
0xb0: {  	s1 =	rddreg [dreg:$0x1];
	p0 =	sne.s32 s2, $0x0  }
0xb1: {  	s3 =	rddreg [dreg:$0x2];
	[bflag:$0x3] =	sbarrier.arrive $0xFFFF;
	s2 =	simm.s32 @!p0 $0x1C05  }
0xb2: {  	[timem:s3], [sflag:s2] =	dma.local @!p0 [hbm:s0], s1  }
0xb3: {  	s0 =	simm.s32 @!p0 $0x5  }
0xb4: {  	_ =	swait.ge @!p0 [sflag:s0], s1  }
0xb5: {  	s1 =	ssub.s32 @!p0 $0x0, s1;
	[sflag:s0] =	ssyncset.done @!p0 $0x0  }
0xb6: {  	[sflag:s0] =	ssyncadd.s32 @!p0 s1  }
0xb7: {  	[bflag:$0x3] =	sbarrier.arrive $0xFFFF  }
0xb8: {  	_ =	shalt  }

// kernel: kernel.31.cloned.1.call-start
scs
__scs_entry_jumppad:
0x0: {  	(pc) =	sbr.rel $0x88, $3  }
0x1: {  	(tag) =	ssettag $0x0;
	lr =	simm.s32 $0x1  }
0x2: {  	[smem:$0x3F95] =	sst lr;
	_ =	strace $0xD0000000  }
0x3: {  	_ = 	snop  }
0x4: {  	_ = 	snop  }
0x5: {  	_ = 	snop  }
0x6: {  	_ = 	snop  }
0x7: {  	_ = 	snop  }
__scs_overlays_trampoline_lowered:
0x8: {  	[smem:$0x3FA4] =	sst s0  }
0x9: {  	[smem:$0x3FA5] =	sst s1  }
0xa: {  	[smem:$0x3FA6] =	sst s2  }
0xb: {  	[smem:$0x3FA7] =	sst s3  }
0xc: {  	[smem:$0x3FA8] =	sst s4  }
0xd: {  	[smem:$0x3FA9] =	sst s5  }
0xe: {  	[smem:$0x3FAA] =	sst s6  }
0xf: {  	[smem:$0x3FAB] =	sst s7  }
0x10: {  	[smem:$0x3FAC] =	sst s8  }
0x11: {  	[smem:$0x3FAD] =	sst s9;
	s0 =	simm.s32 @!p0 $0x0  }
0x12: {  	s1 =	sld [smem:$0x3F93];
	s0 =	simm.s32 @p0 $0x1  }
0x13: {  	[smem:$0x3FAE] =	sst s0;
	s0 =	simm.s32 @!p1 $0x0  }
0x14: {  	s2 =	sld [smem:$0x3F92];
	s0 =	simm.s32 @p1 $0x1  }
0x15: {  	[smem:$0x3FAF] =	sst s0;
	s0 =	simm.s32 @!p2 $0x0  }
0x16: {  	s3 =	sld [smem:$0x3FDB];
	s0 =	simm.s32 @p2 $0x1  }
0x17: {  	s4 =	simm.s32 $0x1BF5;
	[smem:$0x3FB1] =	sst s0  }
0x18: {  	s0 =	sld [smem:$0x3F94];
	_ =	swait.ge [sflag:s4], $0x0  }
0x19: {  	s7 =	sld [smem:$0x3F95]  }
0x1a: {  	s8 =	sadd.s32 $0xFFFFE003, lr  }
0x1b: {  	s9 =	sadd.s32 $0xFFFFFEF7, lr;
	s5 =	simm.s32 $0xFFFFFFFF;
	p2 =	slt.u32 s8, $0xFFFFF086  }
0x1c: {  	p1 =	slt.u32 s9, $0xF7A;
	s5 =	simm.s32 @!p2 $0x0  }
0x1d: {  	s5 =	simm.s32 @p1 $0x1;
	p0 =	seq.s32 s7, s2  }
0x1e: {  	s7 =	smul.u32 @!p0 $0xF7A, s2;
	p2 =	seq.s32 @!p0 s5, $0x0  }
0x1f: {  	s9 =	smul.u32 $0xF7A, s1;
	s8 =	simm.s32 @!p0 $0x1BF5;
	p2 =	por !p2, p0  }
0x20: {  	[sflag:s8] =	ssyncset.s32 @!p0 $0xFFFFF086;
	s6 =	sadd.s32 @!p0 s3, s7;
	s7 =	simm.s32 @!p0 $0x108  }
0x21: {  	s3 =	sadd.s32 s3, s9;
	s6 =	sadd.s32 @!p0 $0x88, s6;
	s7 =	simm.s32 @p2 $0x1082  }
0x22: {  	[simem:s7], [sflag:s8] =	dma.local @!p0 [hbm:s6], $0xF7A  }
0x23: {  	s9 =	sor.u32 $0xD0000000, s2;
	s6 =	simm.s32 $0x108;
	_ =	swait.ge @!p0 [sflag:s8], $0x0  }
0x24: {  	s3 =	sadd.s32 $0x88, s3;
	s6 =	simm.s32 @!p1 $0x1082;
	[sflag:s4] =	ssyncset.s32 $0xFFFFF086  }
0x25: {  	[simem:s6], [sflag:s4] =	dma.local [hbm:s3], $0xF7A  }
0x26: {  	[smem:$0x3F95] =	sst s1;
	(tag) =	ssettag s2;
	_ =	strace s9  }
0x27: {  	s1 =	sld [smem:$0x3FA5]  }
0x28: {  	s2 =	sld [smem:$0x3FA6]  }
0x29: {  	s4 =	sld [smem:$0x3FA8]  }
0x2a: {  	p0 =	seq.s32 s5, $0x0;
	s5 =	sld [smem:$0x3FA9]  }
0x2b: {  	s6 =	sld [smem:$0x3FAA]  }
0x2c: {  	s7 =	sld [smem:$0x3FAB]  }
0x2d: {  	s3 =	simm.s32 $0x108;
	s8 =	sld [smem:$0x3FAC]  }
0x2e: {  	s3 =	simm.s32 @!p0 $0x1082;
	s9 =	sld [smem:$0x3FAD]  }
0x2f: {  	lr =	sadd.s32 s0, s3;
	s0 =	sld [smem:$0x3FA4]  }
0x30: {  	s3 =	sld [smem:$0x3FA7]  }
0x31: {  	[smem:$0x3FB0] =	sst s10  }
0x32: {  	s10 =	sld [smem:$0x3FAE];
	_ =	sdelay $0x3  }
0x33: {  	p0 =	seq.s32 s10, $0x1;
	s10 =	sld [smem:$0x3FB0];
	_ =	sdelay $0x3  }
0x34: {  	[smem:$0x3FB0] =	sst s10  }
0x35: {  	s10 =	sld [smem:$0x3FAF];
	_ =	sdelay $0x3  }
0x36: {  	p1 =	seq.s32 s10, $0x1;
	s10 =	sld [smem:$0x3FB0];
	_ =	sdelay $0x3  }
0x37: {  	[smem:$0x3FB0] =	sst s10  }
0x38: {  	s10 =	sld [smem:$0x3FB1]  }
0x39: {  	_ = 	snop;
	(pc) =	sbr.ind lr, $3  }
0x3a: {  	_ = 	snop  }
0x3b: {  	_ = 	snop  }
0x3c: {  	p2 =	seq.s32 s10, $0x1;
	s10 =	sld [smem:$0x3FB0]  }
0x3d: {  	_ =	shalt  }
0x3e: {  	_ =	shalt  }
0x3f: {  	_ =	shalt  }
0x40: {  	_ =	shalt  }
0x41: {  	_ =	shalt  }
0x42: {  	_ =	shalt  }
0x43: {  	_ =	shalt  }
0x44: {  	_ =	shalt  }
0x45: {  	_ =	shalt  }
0x46: {  	_ =	shalt  }
0x47: {  	_ =	shalt  }
0x48: {  	_ =	shalt  }
0x49: {  	_ =	shalt  }
0x4a: {  	_ =	shalt  }
0x4b: {  	_ =	shalt  }
0x4c: {  	_ =	shalt  }
0x4d: {  	_ =	shalt  }
0x4e: {  	_ =	shalt  }
0x4f: {  	_ =	shalt  }
0x50: {  	_ =	shalt  }
0x51: {  	_ =	shalt  }
0x52: {  	_ =	shalt  }
0x53: {  	_ =	shalt  }
0x54: {  	_ =	shalt  }
0x55: {  	_ =	shalt  }
0x56: {  	_ =	shalt  }
0x57: {  	_ =	shalt  }
0x58: {  	_ =	shalt  }
0x59: {  	_ =	shalt  }
0x5a: {  	_ =	shalt  }
0x5b: {  	_ =	shalt  }
0x5c: {  	_ =	shalt  }
0x5d: {  	_ =	shalt  }
0x5e: {  	_ =	shalt  }
0x5f: {  	_ =	shalt  }
0x60: {  	_ =	shalt  }
0x61: {  	_ =	shalt  }
0x62: {  	_ =	shalt  }
0x63: {  	_ =	shalt  }
0x64: {  	_ =	shalt  }
0x65: {  	_ =	shalt  }
0x66: {  	_ =	shalt  }
0x67: {  	_ =	shalt  }
0x68: {  	_ =	shalt  }
0x69: {  	_ =	shalt  }
0x6a: {  	_ =	shalt  }
0x6b: {  	_ =	shalt  }
0x6c: {  	_ =	shalt  }
0x6d: {  	_ =	shalt  }
0x6e: {  	_ =	shalt  }
0x6f: {  	_ =	shalt  }
0x70: {  	_ =	shalt  }
0x71: {  	_ =	shalt  }
0x72: {  	_ =	shalt  }
0x73: {  	_ =	shalt  }
0x74: {  	_ =	shalt  }
0x75: {  	_ =	shalt  }
0x76: {  	_ =	shalt  }
0x77: {  	_ =	shalt  }
0x78: {  	_ =	shalt  }
0x79: {  	_ =	shalt  }
0x7a: {  	_ =	shalt  }
0x7b: {  	_ =	shalt  }
0x7c: {  	_ =	shalt  }
0x7d: {  	_ =	shalt  }
0x7e: {  	_ =	shalt  }
0x7f: {  	_ =	shalt  }
0x80: {  	_ =	shalt  }
0x81: {  	_ =	shalt  }
0x82: {  	_ =	shalt  }
0x83: {  	_ =	shalt  }
0x84: {  	_ =	shalt  }
0x85: {  	_ =	shalt  }
0x86: {  	_ =	shalt  }
0x87: {  	_ =	shalt  }
.Lfunc_end0:
.L_simem_size_0:
called_computation.5_lowered:
.L_overlay_start_0:
0x88: {  	s2 =	sld [smem:$0x3FD9]  }
0x89: {  	s3 =	sld [smem:$0x3FFE];
	_ =	sdelay $0x1  }
0x8a: {  	s1 =	srdreg.scid  }
0x8b: {  	s0 =	sand.u32 $0x1, s1  }
0x8c: {  	s17 =	sshll.u32 s0, $0xA;
	s2 =	sadd.s32 s3, s2  }
0x8d: {  	s2 =	sadd.s32 s2, s17  }
0x8e: {  	[smem:$0x3FBC] =	sst s2  }
0x8f: {  	_ = 	snop  }
0x90: {  	(tm) =	ssettm $0x1  }
0x91: {  	s18 =	sld [smem:$0x3FFB];
	_ =	sdelay $0x3  }
0x92: {  	_ =	strace s18  }
0x93: {  	s2 =	sld [smem:$0x3FFC];
	_ =	sdelay $0x3  }
0x94: {  	_ =	strace s2  }
0x95: {  	s2 =	sld [smem:$0x3FFD];
	_ =	sdelay $0x3  }
0x96: {  	_ =	strace s2  }
0x97: {  	_ =	strace $0x8FFFFFFF  }
0x98: {  	s19 =	sld [smem:$0x3FDB];
	_ =	sdelay $0x1  }
0x99: {  	s20 =	simm.s32 $_scs_section_size  }
0x9a: {  	s4 =	simm.s32 $_size__tile_overlayer_lowered;
	s5 =	simm.s32 $_tile_overlayer_lowered  }
0x9b: {  	s6 =	simm.s32 $0x1BFF;
	s21 =	sshll.u32 s5, $0x1;
	s3 =	sadd.s32 s20, s19  }
0x9c: {  	s22 =	simm.s32 $0x0;
	s4 =	sshll.u32 s4, $0x1;
	s5 =	sadd.s32 s21, s3  }
0x9d: {  	[timem:s22], [sflag:s6] =	dma.local [hbm:s5], s4  }
0x9e: {  	_ =	swait.ge [sflag:s6], s4  }
0x9f: {  	s4 =	ssub.s32 $0x0, s4;
	[sflag:s6] =	ssyncset.done $0x0  }
0xa0: {  	[sflag:s6] =	ssyncadd.s32 s4;
	_ =	sdelay $0x1  }
0xa1: {  	s23 =	simm.s32 $0x1B8B  }
0xa2: {  	_ =	swait.ge [sflag:s23], $0x1  }
0xa3: {  	[sflag:s23] =	ssyncset.done $0x0  }
0xa4: {  	[sflag:s23] =	ssyncadd.s32 $0xFFFFFFFF  }
0xa5: {  	s4 =	sld [smem:$0x0]  }
0xa6: {  	s5 =	sand.u32 $0xFFFFFFFE, s1  }
0xa7: {  	p0 =	sne.s32 s1, s5  }
0xa8: {  	s5 =	sshll.u32 @p0 s5, $0xE  }
0xa9: {  	s5 =	sadd.s32 @p0 $0x11B8D, s5;
	s6 =	sshll.u32 @p0 s4, $0x11  }
0xaa: {  	s5 =	sor.u32 @p0 s6, s5  }
0xab: {  	[sflag:s5] =	ssyncadd.remote.s32 @p0 $0x1;
	_ =	sdelay $0x1  }
0xac: {  	s5 =	simm.s32 @p0 $0x1B8D  }
0xad: {  	_ =	swait.eq @p0 [sflag:s5], $0x1  }
0xae: {  	[sflag:s5] =	ssyncadd.s32 @p0 $0xFFFFFFFF  }
0xaf: {  	s6 =	sshll.u32 @!p0 s1, $0xE  }
0xb0: {  	s6 =	sor.u32 @!p0 $0x4000, s6;
	s5 =	simm.s32 @!p0 $0x1B8D  }
0xb1: {  	s4 =	sshll.u32 @!p0 s4, $0x11;
	s6 =	sadd.s32 @!p0 $0x11B8D, s6;
	_ =	swait.eq @!p0 [sflag:s5], $0x1  }
0xb2: {  	s4 =	sor.u32 @!p0 s4, s6;
	[sflag:s5] =	ssyncadd.s32 @!p0 $0xFFFFFFFF  }
0xb3: {  	s25 =	simm.s32 $0x1B8E;
	s24 =	sld [smem:$0x3FFE];
	[sflag:s4] =	ssyncadd.remote.s32 @!p0 $0x1  }
0xb4: {  	s26 =	simm.s32 $execute0_lowered;
	[smem:$0x3FD2] =	sst s25  }
0xb5: {  	s5 =	sshll.u32 s26, $0x1;
	_ =	strace $0x80000055;
	[dreg:$0x1] =	wrdreg $0xFFFFFFFF  }
0xb6: {  	s28 =	simm.s32 $_size_execute0_lowered;
	s3 =	sadd.s32 s3, s5;
	[dreg:$0x0] =	wrdreg $0x0  }
0xb7: {  	s5 =	sshll.u32 s28, $0x1;
	[dreg:$0x2] =	wrdreg s3  }
0xb8: {  	[dreg:$0x3] =	wrdreg s5  }
0xb9: {  	[dreg:$0x4] =	wrdreg $0xC0  }
0xba: {  	_ =	task [dreg:s22], $0x5FFFF  }
0xbb: {  	[dreg:$0x1] =	wrdreg $0xFFFFFFFF  }
0xbc: {  	[dreg:$0x0] =	wrdreg $0x60  }
0xbd: {  	[dreg:$0x2] =	wrdreg s24  }
0xbe: {  	[dreg:$0x3] =	wrdreg $0xCD000  }
0xbf: {  	[dreg:$0x4] =	wrdreg $0xA  }
0xc0: {  	_ =	task.clear_ibuf [dreg:s22], $0x5FFFF;
	_ =	strace $0x90000055  }
0xc1: {  	s29 =	simm.s32 $0xA;
	_ =	strace $0x80000057  }
0xc2: {  	_ =	swait.ge [sflag:s29], $0x1  }
0xc3: {  	[sflag:s29] =	ssyncadd.s32 $0xFFFFFFFF  }
0xc4: {  	_ =	strace $0x90000057  }
0xc5: {  	_ =	sfence  }
0xc6: {  	s30 =	sld [smem:$0x0];
	_ =	sdelay $0x2  }
0xc7: {  	s31 =	sshll.u32 s1, $0xD;
	s1 =	sshrl.u32 s1, $0x2  }
0xc8: {  	s4 =	sand.u32 $0x4000, s31;
	s1 =	sadd.s32 s1, s30  }
0xc9: {  	s0 =	sor.u32 s4, s0;
	s1 =	sshll.u32 s1, $0x11  }
0xca: {  	s0 =	sor.u32 s1, s0  }
0xcb: {  	s0 =	sadd.s32 $0x8F2B, s0  }
0xcc: {  	[sflag:s0] =	ssyncadd.remote.s32 $0x1  }
0xcd: {  	_ =	sfence.sel $0xFFFF  }
0xce: {  	[dreg:$0x0] =	wrdreg $0xFFFFFFFF;
	(pc) =	sbr.abs _section_cstart, $3  }
0xcf: {  	[dreg:$0x1] =	wrdreg $0xFFFFFFFF  }
0xd0: {  	_ =	task.clear_ibuf [dreg:s22], $0x2FFFF;
	_ =	strace $0x9FFFFFFF  }
0xd1: {  	(tm) =	ssettm $0x7FFFFFFF  }
tec
execute0_lowered:
.L_overlay_start_1:
0x0: {  	(tag) =	ssettag $0x1  }
0x1: {  	s0 =	srdreg.scid;
	s1 =	rddreg [dreg:$0x0]  }
0x2: {  	s15 =	stileid.u32;
	s2 =	rddreg [dreg:$0x1];
	s9 =	simm.s32 $0x5  }
0x3: {  	s11 =	simm.s32 $0x7D;
	s12 =	simm.s32 $0x5000;
	s14 =	simm.s32 $0x6F40  }
0x4: {  	s16 =	simm.s32 $0x8E80;
	s19 =	simm.s32 $0xADC0;
	s20 =	simm.s32 $0x1  }
0x5: {  	s21 =	simm.s32 $0x2;
	s22 =	simm.s32 $0x3;
	s23 =	simm.s32 $0x4  }
0x6: {  	s28 =	simm.s32 $0x4E80;
	s29 =	simm.s32 $0x4F00;
	s30 =	simm.s32 $0x4F80  }
0x7: {  	s31 =	simm.s32 $0x0;
	s0 =	sand.u32 $0x1, s0;
	s7 =	smul.u32 $0xA000, s15  }
0x8: {  	s26 =	sshll.u32 s15, $0x6;
	s3 =	sshll.u32 s0, $0x4;
	s5 =	smul.u32 $0x14000, s0  }
0x9: {  	s0 =	ssub.s32 $0x2, s0;
	s17 =	sor.u32 $0x1C05, s26;
	s26 =	simm.s32 $0x4E00  }
0xa: {  	s4 =	sor.u32 s15, s3;
	s3 =	simm.s32 $0x0;
	s10 =	sshrl.u32 s7, $0x3  }
0xb: {  	s25 =	sshrl.u32 s0, $0x1;
	s13 =	sadd.s32 s7, s2;
	s4 =	smul.u32 $0x500, s4  }
0xc: {  	[smem:$0x7FF] =	sst s3;
	s8 =	sadd.s32 s10, s1;
	s0 =	ssub.s32 s0, s25  }
0xd: {  	s18 =	sshrl.u32 s13, $0x3;
	s25 =	simm.s32 $0x2780;
	_ =	strace $0x80000056  }
0xe: {  	s6 =	sadd.s32 s4, s1;
	s4 =	sadd.s32 $0x67600, s1;
	s1 =	sadd.s32 s5, s1  }
0xf: {  	s7 =	sadd.s32 $0x7B000, s8;
	s8 =	smax.u32 s0, $0x1;
	s1 =	sadd.s32 $0x8F000, s1  }
0x10: {  	s5 =	sadd.s32 $0xD600, s6;
	s6 =	sadd.s32 $0x3400, s6;
	s24 =	sadd.s32 s10, s1  }
.LBB2_1:
0x11: {  	[tilespmem:s3], [sflag:$0x5] =	stream.linear.gather [hbm4b:s5+s3], $0x2800, $0x38;
	[tilespmem:$0x16D00] =	vst v63  }
0x12: {  	_ =	swait.ge [sflag:s9], $0x2800  }
0x13: {  	[sflag:s9] =	ssyncset.done $0x0  }
0x14: {  	s0 =	simm.s32 $0x2800;
	[sflag:s9] =	ssyncadd.s32 $0xFFFFD800  }
0x15: {  	[tilespmem:s0], [sflag:$0x5] =	stream.linear.gather [hbm4b:s6+s3], $0x2800, $0x38;
	[tilespmem:$0x16D00] =	vst v63  }
0x16: {  	_ =	swait.ge [sflag:s9], $0x2800  }
0x17: {  	[sflag:s9] =	ssyncset.done $0x0  }
0x18: {  	[sflag:s9] =	ssyncadd.s32 $0xFFFFD800  }
0x19: {  	[tilespmem:s12], [sflag:$0x1] =	stream.indirect.gather [hbm4b:s4+s11], $0x40, s3, s11, $0xb8;
	[tilespmem:$0x16D00] =	vst v63  }
0x1a: {  	s13 =	simm.s32 $0x80  }
0x1b: {  	[tilespmem:s14], [sflag:$0x2] =	stream.indirect.gather [hbm4b:s4+s11], $0x40, s13, s11, $0xb8;
	[tilespmem:$0x16D00] =	vst v63  }
0x1c: {  	s15 =	simm.s32 $0x100  }
0x1d: {  	[tilespmem:s16], [sflag:$0x3] =	stream.indirect.gather [hbm4b:s4+s11], $0x40, s15, s11, $0xb8;
	[tilespmem:$0x16D00] =	vst v63  }
0x1e: {  	[spmem:s18], [sflag:s17] =	dma.local [hbm:s7], $0x1400  }
0x1f: {  	_ =	swait.ge [sflag:s9], $0x1400  }
0x20: {  	[sflag:s9] =	ssyncset.done $0x0  }
0x21: {  	[sflag:s9] =	ssyncadd.s32 $0xFFFFEC00  }
0x22: {  	s1 =	simm.s32 $0x180;
	[bflag:$0x0] =	sbarrier.arrive $0xFFFF  }
0x23: {  	[tilespmem:s19], [sflag:$0x4] =	stream.indirect.gather [hbm4b:s4+s11], $0x40, s1, s11, $0xb8;
	[tilespmem:$0x16D00] =	vst v63  }
0x24: {  	_ =	swait.ge [sflag:s20], $0x1F40  }
0x25: {  	[sflag:s20] =	ssyncset.done $0x0  }
0x26: {  	s10 =	simm.s32 $0x2800;
	[sflag:s20] =	ssyncadd.s32 $0xFFFFE0C0  }
0x27: {  	[spmem:s2] =	stream.indirect.scatter.add.f32 [tilespmem:s12], [sflag:$0x5], $0x40, s10, s11, $0xb8;
	[tilespmem:$0x16D00] =	vst v63  }
0x28: {  	_ =	swait.ge [sflag:s9], $0x1F40  }
0x29: {  	[sflag:s9] =	ssyncset.done $0x0  }
0x2a: {  	s13 =	simm.s32 $0x200;
	[sflag:s9] =	ssyncadd.s32 $0xFFFFE0C0  }
0x2b: {  	[tilespmem:s12], [sflag:$0x1] =	stream.indirect.gather [hbm4b:s4+s11], $0x40, s13, s11, $0xb8;
	[tilespmem:$0x16D00] =	vst v63  }
0x2c: {  	_ =	swait.ge [sflag:s21], $0x1F40  }
0x2d: {  	[sflag:s21] =	ssyncset.done $0x0  }
0x2e: {  	s15 =	simm.s32 $0x2880;
	[sflag:s21] =	ssyncadd.s32 $0xFFFFE0C0  }
0x2f: {  	[spmem:s2] =	stream.indirect.scatter.add.f32 [tilespmem:s14], [sflag:$0x5], $0x40, s15, s11, $0xb8;
	[tilespmem:$0x16D00] =	vst v63  }
0x30: {  	_ =	swait.ge [sflag:s9], $0x1F40  }
0x31: {  	[sflag:s9] =	ssyncset.done $0x0  }
0x32: {  	s1 =	simm.s32 $0x280;
	[sflag:s9] =	ssyncadd.s32 $0xFFFFE0C0  }
0x33: {  	[tilespmem:s14], [sflag:$0x2] =	stream.indirect.gather [hbm4b:s4+s11], $0x40, s1, s11, $0xb8;
	[tilespmem:$0x16D00] =	vst v63  }
0x34: {  	_ =	swait.ge [sflag:s22], $0x1F40  }
0x35: {  	[sflag:s22] =	ssyncset.done $0x0  }
0x36: {  	s10 =	simm.s32 $0x2900;
	[sflag:s22] =	ssyncadd.s32 $0xFFFFE0C0  }
0x37: {  	[spmem:s2] =	stream.indirect.scatter.add.f32 [tilespmem:s16], [sflag:$0x5], $0x40, s10, s11, $0xb8;
	[tilespmem:$0x16D00] =	vst v63  }
0x38: {  	_ =	swait.ge [sflag:s9], $0x1F40  }
0x39: {  	[sflag:s9] =	ssyncset.done $0x0  }
0x3a: {  	s13 =	simm.s32 $0x300;
	[sflag:s9] =	ssyncadd.s32 $0xFFFFE0C0  }
0x3b: {  	[tilespmem:s16], [sflag:$0x3] =	stream.indirect.gather [hbm4b:s4+s11], $0x40, s13, s11, $0xb8;
	[tilespmem:$0x16D00] =	vst v63  }
0x3c: {  	_ =	swait.ge [sflag:s23], $0x1F40  }
0x3d: {  	[sflag:s23] =	ssyncset.done $0x0  }
0x3e: {  	s15 =	simm.s32 $0x2980;
	[sflag:s23] =	ssyncadd.s32 $0xFFFFE0C0  }
0x3f: {  	[spmem:s2] =	stream.indirect.scatter.add.f32 [tilespmem:s19], [sflag:$0x5], $0x40, s15, s11, $0xb8;
	[tilespmem:$0x16D00] =	vst v63  }
0x40: {  	_ =	swait.ge [sflag:s9], $0x1F40  }
0x41: {  	s0 =	simm.s32 $0x1000;
	s1 =	simm.s32 $0x200;
	[sflag:s9] =	ssyncset.done $0x0  }
.LBB2_2:
0x42: {  	s15 =	sadd.s32 $0x180, s1  }
0x43: {  	[sflag:s9] =	ssyncadd.s32 $0xFFFFE0C0;
	s10 =	smov.u32 s0;
	s13 =	sadd.s32 $0x800, s0  }
0x44: {  	[tilespmem:s19], [sflag:$0x4] =	stream.indirect.gather [hbm4b:s4+s11], $0x40, s15, s11, $0xb8;
	[tilespmem:$0x16D00] =	vst v63  }
0x45: {  	p0 =	sne.s32 s0, $0x9000;
	_ =	swait.ge [sflag:s20], $0x1F40  }
0x46: {  	[sflag:s20] =	ssyncset.done $0x0  }
0x47: {  	s0 =	sadd.s32 $0x2800, s1;
	[sflag:s20] =	ssyncadd.s32 $0xFFFFE0C0  }
0x48: {  	[spmem:s2] =	stream.indirect.scatter.add.f32 [tilespmem:s12], [sflag:$0x5], $0x40, s0, s11, $0xb8;
	[tilespmem:$0x16D00] =	vst v63  }
0x49: {  	_ =	swait.ge [sflag:s9], $0x1F40  }
0x4a: {  	[sflag:s9] =	ssyncset.done $0x0  }
0x4b: {  	s0 =	sadd.s32 $0x200, s1;
	[sflag:s9] =	ssyncadd.s32 $0xFFFFE0C0  }
0x4c: {  	[tilespmem:s12], [sflag:$0x1] =	stream.indirect.gather [hbm4b:s4+s11], $0x40, s0, s11, $0xb8;
	[tilespmem:$0x16D00] =	vst v63  }
0x4d: {  	_ =	swait.ge [sflag:s21], $0x1F40  }
0x4e: {  	[sflag:s21] =	ssyncset.done $0x0  }
0x4f: {  	s0 =	sadd.s32 $0x2880, s1;
	[sflag:s21] =	ssyncadd.s32 $0xFFFFE0C0  }
0x50: {  	[spmem:s2] =	stream.indirect.scatter.add.f32 [tilespmem:s14], [sflag:$0x5], $0x40, s0, s11, $0xb8;
	[tilespmem:$0x16D00] =	vst v63  }
0x51: {  	_ =	swait.ge [sflag:s9], $0x1F40  }
0x52: {  	[sflag:s9] =	ssyncset.done $0x0  }
0x53: {  	s0 =	sadd.s32 $0x280, s1;
	[sflag:s9] =	ssyncadd.s32 $0xFFFFE0C0  }
0x54: {  	[tilespmem:s14], [sflag:$0x2] =	stream.indirect.gather [hbm4b:s4+s11], $0x40, s0, s11, $0xb8;
	[tilespmem:$0x16D00] =	vst v63  }
0x55: {  	_ =	swait.ge [sflag:s22], $0x1F40  }
0x56: {  	[sflag:s22] =	ssyncset.done $0x0  }
0x57: {  	s0 =	sadd.s32 $0x2900, s1;
	[sflag:s22] =	ssyncadd.s32 $0xFFFFE0C0  }
0x58: {  	[spmem:s2] =	stream.indirect.scatter.add.f32 [tilespmem:s16], [sflag:$0x5], $0x40, s0, s11, $0xb8;
	[tilespmem:$0x16D00] =	vst v63  }
0x59: {  	_ =	swait.ge [sflag:s9], $0x1F40  }
0x5a: {  	[sflag:s9] =	ssyncset.done $0x0  }
0x5b: {  	s0 =	sadd.s32 $0x300, s1;
	[sflag:s9] =	ssyncadd.s32 $0xFFFFE0C0  }
0x5c: {  	[tilespmem:s16], [sflag:$0x3] =	stream.indirect.gather [hbm4b:s4+s11], $0x40, s0, s11, $0xb8;
	[tilespmem:$0x16D00] =	vst v63  }
0x5d: {  	_ =	swait.ge [sflag:s23], $0x1F40  }
.Ltmp0:
0x5e: {  	[sflag:s23] =	ssyncset.done $0x0;
	(pc) =	sbr.rel @p0 .LBB2_2-.Ltmp0, $4  }
0x5f: {  	s0 =	sadd.s32 $0x2980, s1;
	[sflag:s23] =	ssyncadd.s32 $0xFFFFE0C0  }
0x60: {  	[spmem:s2] =	stream.indirect.scatter.add.f32 [tilespmem:s19], [sflag:$0x5], $0x40, s0, s11, $0xb8;
	[tilespmem:$0x16D00] =	vst v63  }
0x61: {  	_ =	swait.ge [sflag:s9], $0x1F40  }
0x62: {  	s1 =	sshra.s32 s10, $0x2;
	s0 =	smov.u32 s13;
	[sflag:s9] =	ssyncset.done $0x0  }
0x63: {  	s0 =	sadd.s32 $0x180, s1;
	[sflag:s9] =	ssyncadd.s32 $0xFFFFE0C0  }
0x64: {  	[tilespmem:s19], [sflag:$0x4] =	stream.indirect.gather [hbm4b:s4+s11], $0x40, s0, s11, $0xb8;
	[tilespmem:$0x16D00] =	vst v63  }
0x65: {  	_ =	swait.ge [sflag:s20], $0x1F40  }
0x66: {  	[sflag:s20] =	ssyncset.done $0x0  }
0x67: {  	s15 =	sadd.s32 $0x2800, s1;
	[sflag:s20] =	ssyncadd.s32 $0xFFFFE0C0  }
0x68: {  	[spmem:s2] =	stream.indirect.scatter.add.f32 [tilespmem:s12], [sflag:$0x5], $0x40, s15, s11, $0xb8;
	[tilespmem:$0x16D00] =	vst v63  }
0x69: {  	_ =	swait.ge [sflag:s9], $0x1F40  }
0x6a: {  	[sflag:s9] =	ssyncset.done $0x0  }
0x6b: {  	s10 =	sadd.s32 $0x200, s1;
	[sflag:s9] =	ssyncadd.s32 $0xFFFFE0C0  }
0x6c: {  	[tilespmem:s12], [sflag:$0x1] =	stream.indirect.gather [hbm4b:s4+s11], $0x40, s10, s11, $0xb8;
	[tilespmem:$0x16D00] =	vst v63  }
0x6d: {  	_ =	swait.ge [sflag:s21], $0x1F40  }
0x6e: {  	[sflag:s21] =	ssyncset.done $0x0  }
0x6f: {  	s13 =	sadd.s32 $0x2880, s1;
	[sflag:s21] =	ssyncadd.s32 $0xFFFFE0C0  }
0x70: {  	[spmem:s2] =	stream.indirect.scatter.add.f32 [tilespmem:s14], [sflag:$0x5], $0x40, s13, s11, $0xb8;
	[tilespmem:$0x16D00] =	vst v63  }
0x71: {  	_ =	swait.ge [sflag:s9], $0x1F40  }
0x72: {  	[sflag:s9] =	ssyncset.done $0x0  }
0x73: {  	s15 =	sadd.s32 $0x280, s1;
	[sflag:s9] =	ssyncadd.s32 $0xFFFFE0C0  }
0x74: {  	[tilespmem:s14], [sflag:$0x2] =	stream.indirect.gather [hbm4b:s4+s11], $0x40, s15, s11, $0xb8;
	[tilespmem:$0x16D00] =	vst v63  }
0x75: {  	_ =	swait.ge [sflag:s22], $0x1F40  }
0x76: {  	[sflag:s22] =	ssyncset.done $0x0  }
0x77: {  	s10 =	sadd.s32 $0x2900, s1;
	[sflag:s22] =	ssyncadd.s32 $0xFFFFE0C0  }
0x78: {  	[spmem:s2] =	stream.indirect.scatter.add.f32 [tilespmem:s16], [sflag:$0x5], $0x40, s10, s11, $0xb8;
	[tilespmem:$0x16D00] =	vst v63  }
0x79: {  	_ =	swait.ge [sflag:s9], $0x1F40  }
0x7a: {  	[sflag:s9] =	ssyncset.done $0x0  }
0x7b: {  	s13 =	sadd.s32 $0x300, s1;
	[sflag:s9] =	ssyncadd.s32 $0xFFFFE0C0  }
0x7c: {  	[tilespmem:s16], [sflag:$0x3] =	stream.indirect.gather [hbm4b:s4+s11], $0x40, s13, s11, $0xb8;
	[tilespmem:$0x16D00] =	vst v63  }
0x7d: {  	_ =	swait.ge [sflag:s23], $0x1F40  }
0x7e: {  	[sflag:s23] =	ssyncset.done $0x0  }
0x7f: {  	s15 =	sadd.s32 $0x2980, s1;
	[sflag:s23] =	ssyncadd.s32 $0xFFFFE0C0  }
0x80: {  	[spmem:s2] =	stream.indirect.scatter.add.f32 [tilespmem:s19], [sflag:$0x5], $0x40, s15, s11, $0xb8;
	[tilespmem:$0x16D00] =	vst v63  }
0x81: {  	_ =	swait.ge [sflag:s9], $0x1F40  }
0x82: {  	[sflag:s9] =	ssyncset.done $0x0  }
0x83: {  	[sflag:s9] =	ssyncadd.s32 $0xFFFFE0C0  }
0x84: {  	[tilespmem:s19], [sflag:$0x4] =	stream.indirect.gather [hbm4b:s4+s11], $0x40, s25, s11, $0xb8;
	[tilespmem:$0x16D00] =	vst v63  }
0x85: {  	_ =	swait.ge [sflag:s20], $0x1F40  }
0x86: {  	[sflag:s20] =	ssyncset.done $0x0  }
0x87: {  	[sflag:s20] =	ssyncadd.s32 $0xFFFFE0C0  }
0x88: {  	[spmem:s2] =	stream.indirect.scatter.add.f32 [tilespmem:s12], [sflag:$0x5], $0x40, s26, s11, $0xb8;
	[tilespmem:$0x16D00] =	vst v63  }
0x89: {  	_ =	swait.ge [sflag:s9], $0x1F40  }
0x8a: {  	[sflag:s9] =	ssyncset.done $0x0  }
0x8b: {  	[sflag:s9] =	ssyncadd.s32 $0xFFFFE0C0  }
0x8c: {  	_ =	swait.ge [sflag:s21], $0x1F40  }
0x8d: {  	[sflag:s21] =	ssyncset.done $0x0  }
0x8e: {  	[sflag:s21] =	ssyncadd.s32 $0xFFFFE0C0  }
0x8f: {  	[spmem:s2] =	stream.indirect.scatter.add.f32 [tilespmem:s14], [sflag:$0x5], $0x40, s28, s11, $0xb8;
	[tilespmem:$0x16D00] =	vst v63  }
0x90: {  	_ =	swait.ge [sflag:s9], $0x1F40  }
0x91: {  	[sflag:s9] =	ssyncset.done $0x0  }
0x92: {  	[sflag:s9] =	ssyncadd.s32 $0xFFFFE0C0  }
0x93: {  	_ =	swait.ge [sflag:s22], $0x1F40  }
0x94: {  	[sflag:s22] =	ssyncset.done $0x0  }
0x95: {  	[sflag:s22] =	ssyncadd.s32 $0xFFFFE0C0  }
0x96: {  	[spmem:s2] =	stream.indirect.scatter.add.f32 [tilespmem:s16], [sflag:$0x5], $0x40, s29, s11, $0xb8;
	[tilespmem:$0x16D00] =	vst v63  }
0x97: {  	_ =	swait.ge [sflag:s9], $0x1F40  }
0x98: {  	[sflag:s9] =	ssyncset.done $0x0  }
0x99: {  	[sflag:s9] =	ssyncadd.s32 $0xFFFFE0C0  }
0x9a: {  	_ =	swait.ge [sflag:s23], $0x1F40  }
0x9b: {  	[sflag:s23] =	ssyncset.done $0x0  }
0x9c: {  	[sflag:s23] =	ssyncadd.s32 $0xFFFFE0C0  }
0x9d: {  	[spmem:s2] =	stream.indirect.scatter.add.f32 [tilespmem:s19], [sflag:$0x5], $0x40, s30, s11, $0xb8;
	[tilespmem:$0x16D00] =	vst v63  }
0x9e: {  	_ =	swait.ge [sflag:s9], $0x1F40  }
0x9f: {  	s31 =	sadd.s32 $0x1, s31;
	[sflag:s9] =	ssyncset.done $0x0  }
0xa0: {  	p0 =	sne.s32 s31, s8;
	[sflag:s9] =	ssyncadd.s32 $0xFFFFE0C0  }
.Ltmp1:
0xa1: {  	[bflag:$0x0] =	sbarrier.arrive $0xFFFF;
	(pc) =	sbr.rel @p0 .LBB2_1-.Ltmp1, $4  }
0xa2: {  	[hbm:s24], [sflag:s17] =	dma.local [spmem:s18], $0x1400  }
0xa3: {  	_ =	swait.ge [sflag:s9], $0x1400  }
0xa4: {  	[sflag:s9] =	ssyncset.done $0x0  }
0xa5: {  	[sflag:s9] =	ssyncadd.s32 $0xFFFFEC00  }
0xa6: {  	_ =	sfence.sel $0x180000  }
0xa7: {  	[bflag:$0x0] =	sbarrier.arrive $0xFFFF  }
0xa8: {  	_ =	strace $0x90000056  }
0xa9: {  	s0 =	stileid.u32;
	[bflag:$0x2] =	sbarrier.arrive $0xFFFF  }
0xaa: {  	p0 =	sne.s32 s0, $0x0;
	s0 =	rddreg [dreg:$0x2]  }
0xab: {  	s0 =	sadd.s32 @!p0 $0x100000, s0  }
0xac: {  	[sflag:s0] =	ssyncadd.tile.s32 @!p0 $0x1;
	_ =	shalt  }
.Lfunc_end2:
_tile_overlayer_lowered:
.L_overlay_start_2:
0xad: {  	(tag) =	ssettag $0x2  }
0xae: {  	s0 =	rddreg [dreg:$0x0];
	s2 =	stileid.u32  }
0xaf: {  	s1 =	rddreg [dreg:$0x1];
	p0 =	sne.s32 s2, $0x0  }
0xb0: {  	s3 =	rddreg [dreg:$0x2];
	[bflag:$0x3] =	sbarrier.arrive $0xFFFF;
	s2 =	simm.s32 @!p0 $0x1C05  }
0xb1: {  	[timem:s3], [sflag:s2] =	dma.local @!p0 [hbm:s0], s1  }
0xb2: {  	s0 =	simm.s32 @!p0 $0x5  }
0xb3: {  	_ =	swait.ge @!p0 [sflag:s0], s1  }
0xb4: {  	s1 =	ssub.s32 @!p0 $0x0, s1;
	[sflag:s0] =	ssyncset.done @!p0 $0x0  }
0xb5: {  	[sflag:s0] =	ssyncadd.s32 @!p0 s1  }
0xb6: {  	[bflag:$0x3] =	sbarrier.arrive $0xFFFF  }
0xb7: {  	_ =	shalt  }

</sc_bundles>
